<compile_context>
chip_gen: v7x
topology: tpu7x:2x2x1
jax: 0.10.2.dev20260603
libtpu: 0.0.44.dev20260713+nightly
codegen_flags: <defaults>
</compile_context>

<pallas_src>
import functools

import jax
import jax.numpy as jnp
from jax import lax
from jax.experimental import pallas as pl
from jax.experimental.pallas import tpu as pltpu
from jax.experimental.pallas import tpu_sc as plsc

DIM = 64
NUM_CORES = 2
NUM_SUBCORES = 16
NW = NUM_CORES * NUM_SUBCORES

BATCH = 16384
HIST = 50
COLS = BATCH // NW
NBUF = 2


def _make_lookup():
    t_steady = HIST // NBUF - 1
    mesh = plsc.VectorSubcoreMesh(core_axis_name="c", subcore_axis_name="s")

    @functools.partial(
        pl.kernel,
        mesh=mesh,
        out_type=jax.ShapeDtypeStruct((HIST, BATCH // 2, 2 * DIM), jnp.float32),
        scratch_types=[
            pltpu.VMEM((HIST, COLS), jnp.int32),
            [pltpu.VMEM((COLS, DIM), jnp.float32) for _ in range(NBUF)],
            [pltpu.SemaphoreType.DMA for _ in range(NBUF)],
            [pltpu.SemaphoreType.DMA for _ in range(NBUF)],
        ],
        compiler_params=pltpu.CompilerParams(use_tc_tiling_on_sc=False),
    )
    def lookup(idx_hbm, table_hbm, out_hbm, idx_v, rows, gsem, wsem):
        wid = lax.axis_index("s") * NUM_CORES + lax.axis_index("c")
        col0 = wid * COLS
        rowoff = lax.rem(col0, BATCH // 2)
        coloff = lax.div(col0, BATCH // 2) * DIM
        pltpu.sync_copy(idx_hbm.at[:, pl.ds(col0, COLS)], idx_v)

        def start_gather(h, b):
            pltpu.async_copy(
                table_hbm.at[idx_v.at[h]], rows[b], gsem[b]
            )

        def wait_gather(b):
            pltpu.make_async_copy(
                table_hbm.at[idx_v.at[0]], rows[b], gsem[b]
            ).wait()

        def start_write(h, b):
            dst = out_hbm.at[h, pl.ds(rowoff, COLS), pl.ds(coloff, DIM)]
            pltpu.async_copy(rows[b], dst, wsem[b])

        def wait_write(b):
            dst = out_hbm.at[0, pl.ds(rowoff, COLS), pl.ds(coloff, DIM)]
            pltpu.make_async_copy(rows[b], dst, wsem[b]).wait()

        for b in range(NBUF):
            start_gather(b, b)

        def body(t, _):
            h0 = t * NBUF
            for b in range(NBUF):
                wait_gather(b)
                start_write(h0 + b, b)
            for b in range(NBUF):
                wait_write(b)
                start_gather(h0 + NBUF + b, b)
            return ()

        lax.fori_loop(0, t_steady, body, (), unroll=False)

        h0 = t_steady * NBUF
        for b in range(NBUF):
            wait_gather(b)
            start_write(h0 + b, b)
        for b in range(NBUF):
            wait_write(b)

    return lookup


def _tc_transpose_kernel(rows_hbm, out_hbm, ibuf, obuf, isem, osem):
    H2 = BATCH // 2

    def start_in(h):
        pltpu.make_async_copy(rows_hbm.at[h], ibuf[h % 2], isem[h % 2]).start()

    def wait_in(h):
        pltpu.make_async_copy(rows_hbm.at[h], ibuf[h % 2], isem[h % 2]).wait()

    def _out_copies(h):
        b = h % 2
        return (
            pltpu.make_async_copy(
                obuf[b].at[pl.ds(0, DIM)], out_hbm.at[h, :, pl.ds(0, H2)], osem[2 * b]
            ),
            pltpu.make_async_copy(
                obuf[b].at[pl.ds(DIM, DIM)],
                out_hbm.at[h, :, pl.ds(H2, H2)],
                osem[2 * b + 1],
            ),
        )

    def start_out(h):
        for c in _out_copies(h):
            c.start()

    def wait_out(h):
        for c in _out_copies(h):
            c.wait()

    start_in(0)
    for h in range(HIST):
        if h + 1 < HIST:
            start_in(h + 1)
        wait_in(h)
        if h >= 2:
            wait_out(h - 2)
        obuf[h % 2][...] = ibuf[h % 2][...].T
        start_out(h)
    wait_out(HIST - 2)
    wait_out(HIST - 1)


def _tc_transpose(rows):
    return pl.pallas_call(
        _tc_transpose_kernel,
        out_shape=jax.ShapeDtypeStruct((HIST, DIM, BATCH), jnp.float32),
        in_specs=[pl.BlockSpec(memory_space=pl.ANY)],
        out_specs=pl.BlockSpec(memory_space=pl.ANY),
        scratch_shapes=[
            [pltpu.VMEM((BATCH // 2, 2 * DIM), jnp.float32) for _ in range(2)],
            [pltpu.VMEM((2 * DIM, BATCH // 2), jnp.float32) for _ in range(2)],
            [pltpu.SemaphoreType.DMA for _ in range(2)],
            [pltpu.SemaphoreType.DMA for _ in range(4)],
        ],
    )(rows)


def kernel(x, table):
    idx = x.T.astype(jnp.int32)
    rows = _make_lookup()(idx, table)
    out_t = _tc_transpose(rows)
    return out_t.transpose(2, 0, 1)

# --- scband reference (transcript-rebuilt; emitter-appended) ---
"""Pipeline reference for scband-embedding-24206435680431 (READ-ONLY COPY).

The authoritative reference and input builder live on the scoring server;
editing this copy changes nothing except your own understanding.
"""

import jax, jax.numpy as jnp
import numpy as np

VOCAB = 1000000
DIM = 64
BATCH = 16384
HIST = 50

def setup_inputs(seed: int = 0) -> dict:
    key = jax.random.key(seed)
    k_idx, k_tab = jax.random.split(key)
    x = jax.random.randint(k_idx, (BATCH, HIST), 0, VOCAB, dtype=jnp.int64 if jax.config.jax_enable_x64 else jnp.int32)
    table = jax.random.normal(k_tab, (VOCAB, DIM), dtype=jnp.float32)
    return {"x": x, "table": table}

def reference(x, table):
    # nn.Embedding forward: row gather from the embedding table
    return jnp.take(table, x, axis=0)

if __name__ == "__main__":
    import jax
    _d = setup_inputs()
    print(jax.jit(kernel)(*tuple(_d.values())))

</pallas_src>

<mosaic_0001>
#map = affine_map<(d0, d1) -> (0, 0)>
#map1 = affine_map<(d0, d1) -> (0, 0, 0)>
module attributes {stable_mosaic.version = 14 : i64} {
  func.func @lookup(%arg0: i32, %arg1: i32, %arg2: memref<50x16384xi32, #tpu.memory_space<hbm>>, %arg3: memref<1000000x64xf32, #tpu.memory_space<hbm>>, %arg4: memref<50x8192x128xf32, #tpu.memory_space<hbm>>, %arg5: memref<50x512xi32, #tpu.memory_space<vmem>>, %arg6: memref<512x64xf32, #tpu.memory_space<vmem>>, %arg7: memref<512x64xf32, #tpu.memory_space<vmem>>, %arg8: memref<!tpu.dma_semaphore, #tpu.memory_space<semaphore_mem>>, %arg9: memref<!tpu.dma_semaphore, #tpu.memory_space<semaphore_mem>>, %arg10: memref<!tpu.dma_semaphore, #tpu.memory_space<semaphore_mem>>, %arg11: memref<!tpu.dma_semaphore, #tpu.memory_space<semaphore_mem>>) attributes {dimension_semantics = [#tpu.dimension_semantics<core_parallel>, #tpu.dimension_semantics<subcore_parallel>], iteration_bounds = array<i64: 2, 16>, scalar_prefetch = 0 : i64, scratch_operands = 7 : i64, tpu.core_type = #tpu.core_type<sc_vector_subcore>, window_params = [{transform_indices = #map}, {transform_indices = #map}, {transform_indices = #map1}]} {
    %mul3A = arith.constant 2 : i32
    %mul3A_0 = arith.muli %arg1, %mul3A : i32
    %add3A = arith.addi %mul3A_0, %arg0 : i32
    %mul3A_1 = arith.constant 512 : i32
    %mul3A_2 = arith.muli %add3A, %mul3A_1 : i32
    %rem3A = arith.constant 8192 : i32
    %rem3A_3 = arith.remsi %mul3A_2, %rem3A : i32
    %div3A = arith.constant 8192 : i32
    %div3A_4 = arith.divsi %mul3A_2, %div3A : i32
    %mul3A_5 = arith.constant 64 : i32
    %mul3A_6 = arith.muli %div3A_4, %mul3A_5 : i32
    "tpu.region"() ({
      %run_scoped3A = tpu.sem_alloc : memref<!tpu.dma_semaphore, #tpu.memory_space<semaphore_mem>>
      %dma_start3A_57 = arith.constant 0 : i32
      %dma_start3A_58 = tpu.memref_slice %arg2[%dma_start3A_57, %mul3A_2] : memref<50x16384xi32, #tpu.memory_space<hbm>> -> memref<50x512xi32, #tpu.memory_space<hbm>>
      %dma_start3A_59 = arith.constant 0 : i32
      %dma_start3A_60 = tpu.memref_slice %arg2[%dma_start3A_59, %mul3A_2] : memref<50x16384xi32, #tpu.memory_space<hbm>> -> memref<50x512xi32, #tpu.memory_space<hbm>>
      tpu.enqueue_dma source(%dma_start3A_60 : memref<50x512xi32, #tpu.memory_space<hbm>>) target(%arg5 : memref<50x512xi32, #tpu.memory_space<vmem>>) target_semaphore(%run_scoped3A : memref<!tpu.dma_semaphore, #tpu.memory_space<semaphore_mem>>)
      %dma_wait3A_61 = arith.constant 0 : i32
      %dma_wait3A_62 = tpu.memref_slice %arg2[%dma_wait3A_61, %mul3A_2] : memref<50x16384xi32, #tpu.memory_space<hbm>> -> memref<50x512xi32, #tpu.memory_space<hbm>>
      %dma_wait3A_63 = arith.constant 0 : i32
      %dma_wait3A_64 = tpu.memref_slice %arg2[%dma_wait3A_63, %mul3A_2] : memref<50x16384xi32, #tpu.memory_space<hbm>> -> memref<50x512xi32, #tpu.memory_space<hbm>>
      tpu.wait_dma2 semaphore(%run_scoped3A : memref<!tpu.dma_semaphore, #tpu.memory_space<semaphore_mem>>) src(%dma_wait3A_64 : memref<50x512xi32, #tpu.memory_space<hbm>>) dst(%arg5 : memref<50x512xi32, #tpu.memory_space<vmem>>)
      tpu.yield
    }) : () -> ()
    %dma_start3A = arith.constant 0 : i32
    %dma_start3A_7 = arith.constant 0 : i32
    %dma_start3A_8 = tpu.memref_slice %arg5[%dma_start3A, %dma_start3A_7] : memref<50x512xi32, #tpu.memory_space<vmem>> -> memref<1x512xi32, #tpu.memory_space<vmem>>
    %dma_start3A_9 = tpu.memref_squeeze %dma_start3A_8 : memref<1x512xi32, #tpu.memory_space<vmem>> -> memref<512xi32, #tpu.memory_space<vmem>>
    %dma_start3A_10 = arith.constant 0 : i32
    %dma_start3A_11 = arith.constant 0 : i32
    %dma_start3A_12 = tpu.memref_slice %arg3[%dma_start3A_10, %dma_start3A_11] : memref<1000000x64xf32, #tpu.memory_space<hbm>> -> memref<1000000x64xf32, #tpu.memory_space<hbm>>
    tpu.enqueue_indirect_dma source(%dma_start3A_12 : memref<1000000x64xf32, #tpu.memory_space<hbm>>) target(%arg6 : memref<512x64xf32, #tpu.memory_space<vmem>>) offsets(%dma_start3A_9 : memref<512xi32, #tpu.memory_space<vmem>>) semaphore(%arg8 : memref<!tpu.dma_semaphore, #tpu.memory_space<semaphore_mem>>)
    %dma_start3A_13 = arith.constant 1 : i32
    %dma_start3A_14 = arith.constant 0 : i32
    %dma_start3A_15 = tpu.memref_slice %arg5[%dma_start3A_13, %dma_start3A_14] : memref<50x512xi32, #tpu.memory_space<vmem>> -> memref<1x512xi32, #tpu.memory_space<vmem>>
    %dma_start3A_16 = tpu.memref_squeeze %dma_start3A_15 : memref<1x512xi32, #tpu.memory_space<vmem>> -> memref<512xi32, #tpu.memory_space<vmem>>
    %dma_start3A_17 = arith.constant 0 : i32
    %dma_start3A_18 = arith.constant 0 : i32
    %dma_start3A_19 = tpu.memref_slice %arg3[%dma_start3A_17, %dma_start3A_18] : memref<1000000x64xf32, #tpu.memory_space<hbm>> -> memref<1000000x64xf32, #tpu.memory_space<hbm>>
    tpu.enqueue_indirect_dma source(%dma_start3A_19 : memref<1000000x64xf32, #tpu.memory_space<hbm>>) target(%arg7 : memref<512x64xf32, #tpu.memory_space<vmem>>) offsets(%dma_start3A_16 : memref<512xi32, #tpu.memory_space<vmem>>) semaphore(%arg9 : memref<!tpu.dma_semaphore, #tpu.memory_space<semaphore_mem>>)
    %scan3A = arith.constant 0 : i32
    %scan3A_20 = arith.constant 24 : i32
    %scan3A_21 = arith.addi %scan3A, %scan3A_20 : i32
    %scan3A_22 = arith.constant 1 : i32
    scf.for %scan3A_57 = %scan3A to %scan3A_21 step %scan3A_22  : i32 {
      %mul3A_58 = arith.constant 2 : i32
      %mul3A_59 = arith.muli %scan3A_57, %mul3A_58 : i32
      %dma_wait3A_60 = arith.constant 0 : i32
      %dma_wait3A_61 = arith.constant 0 : i32
      %dma_wait3A_62 = tpu.memref_slice %arg5[%dma_wait3A_60, %dma_wait3A_61] : memref<50x512xi32, #tpu.memory_space<vmem>> -> memref<1x512xi32, #tpu.memory_space<vmem>>
      %dma_wait3A_63 = tpu.memref_squeeze %dma_wait3A_62 : memref<1x512xi32, #tpu.memory_space<vmem>> -> memref<512xi32, #tpu.memory_space<vmem>>
      %dma_wait3A_64 = arith.constant 0 : i32
      %dma_wait3A_65 = arith.constant 0 : i32
      %dma_wait3A_66 = tpu.memref_slice %arg3[%dma_wait3A_64, %dma_wait3A_65] : memref<1000000x64xf32, #tpu.memory_space<hbm>> -> memref<1000000x64xf32, #tpu.memory_space<hbm>>
      tpu.wait_indirect_dma semaphore(%arg8 : memref<!tpu.dma_semaphore, #tpu.memory_space<semaphore_mem>>) src(%dma_wait3A_66 : memref<1000000x64xf32, #tpu.memory_space<hbm>>) dst(%arg6 : memref<512x64xf32, #tpu.memory_space<vmem>>)
      %add3A_67 = arith.constant 0 : i32
      %add3A_68 = arith.addi %mul3A_59, %add3A_67 : i32
      %dma_start3A_69 = tpu.memref_slice %arg4[%add3A_68, %rem3A_3, %mul3A_6] : memref<50x8192x128xf32, #tpu.memory_space<hbm>> -> memref<1x512x64xf32, #tpu.memory_space<hbm>>
      %dma_start3A_70 = tpu.memref_squeeze %dma_start3A_69 : memref<1x512x64xf32, #tpu.memory_space<hbm>> -> memref<512x64xf32, #tpu.memory_space<hbm>>
      %dma_start3A_71 = tpu.memref_slice %arg4[%add3A_68, %rem3A_3, %mul3A_6] : memref<50x8192x128xf32, #tpu.memory_space<hbm>> -> memref<1x512x64xf32, #tpu.memory_space<hbm>>
      %dma_start3A_72 = tpu.memref_squeeze %dma_start3A_71 : memref<1x512x64xf32, #tpu.memory_space<hbm>> -> memref<512x64xf32, #tpu.memory_space<hbm>>
      tpu.enqueue_dma source(%arg6 : memref<512x64xf32, #tpu.memory_space<vmem>>) target(%dma_start3A_72 : memref<512x64xf32, #tpu.memory_space<hbm>>) target_semaphore(%arg10 : memref<!tpu.dma_semaphore, #tpu.memory_space<semaphore_mem>>)
      %dma_wait3A_73 = arith.constant 0 : i32
      %dma_wait3A_74 = arith.constant 0 : i32
      %dma_wait3A_75 = tpu.memref_slice %arg5[%dma_wait3A_73, %dma_wait3A_74] : memref<50x512xi32, #tpu.memory_space<vmem>> -> memref<1x512xi32, #tpu.memory_space<vmem>>
      %dma_wait3A_76 = tpu.memref_squeeze %dma_wait3A_75 : memref<1x512xi32, #tpu.memory_space<vmem>> -> memref<512xi32, #tpu.memory_space<vmem>>
      %dma_wait3A_77 = arith.constant 0 : i32
      %dma_wait3A_78 = arith.constant 0 : i32
      %dma_wait3A_79 = tpu.memref_slice %arg3[%dma_wait3A_77, %dma_wait3A_78] : memref<1000000x64xf32, #tpu.memory_space<hbm>> -> memref<1000000x64xf32, #tpu.memory_space<hbm>>
      tpu.wait_indirect_dma semaphore(%arg9 : memref<!tpu.dma_semaphore, #tpu.memory_space<semaphore_mem>>) src(%dma_wait3A_79 : memref<1000000x64xf32, #tpu.memory_space<hbm>>) dst(%arg7 : memref<512x64xf32, #tpu.memory_space<vmem>>)
      %add3A_80 = arith.constant 1 : i32
      %add3A_81 = arith.addi %mul3A_59, %add3A_80 : i32
      %dma_start3A_82 = tpu.memref_slice %arg4[%add3A_81, %rem3A_3, %mul3A_6] : memref<50x8192x128xf32, #tpu.memory_space<hbm>> -> memref<1x512x64xf32, #tpu.memory_space<hbm>>
      %dma_start3A_83 = tpu.memref_squeeze %dma_start3A_82 : memref<1x512x64xf32, #tpu.memory_space<hbm>> -> memref<512x64xf32, #tpu.memory_space<hbm>>
      %dma_start3A_84 = tpu.memref_slice %arg4[%add3A_81, %rem3A_3, %mul3A_6] : memref<50x8192x128xf32, #tpu.memory_space<hbm>> -> memref<1x512x64xf32, #tpu.memory_space<hbm>>
      %dma_start3A_85 = tpu.memref_squeeze %dma_start3A_84 : memref<1x512x64xf32, #tpu.memory_space<hbm>> -> memref<512x64xf32, #tpu.memory_space<hbm>>
      tpu.enqueue_dma source(%arg7 : memref<512x64xf32, #tpu.memory_space<vmem>>) target(%dma_start3A_85 : memref<512x64xf32, #tpu.memory_space<hbm>>) target_semaphore(%arg11 : memref<!tpu.dma_semaphore, #tpu.memory_space<semaphore_mem>>)
      %dma_wait3A_86 = arith.constant 0 : i32
      %dma_wait3A_87 = tpu.memref_slice %arg4[%dma_wait3A_86, %rem3A_3, %mul3A_6] : memref<50x8192x128xf32, #tpu.memory_space<hbm>> -> memref<1x512x64xf32, #tpu.memory_space<hbm>>
      %dma_wait3A_88 = tpu.memref_squeeze %dma_wait3A_87 : memref<1x512x64xf32, #tpu.memory_space<hbm>> -> memref<512x64xf32, #tpu.memory_space<hbm>>
      %dma_wait3A_89 = tpu.memref_slice %arg4[%dma_wait3A_86, %rem3A_3, %mul3A_6] : memref<50x8192x128xf32, #tpu.memory_space<hbm>> -> memref<1x512x64xf32, #tpu.memory_space<hbm>>
      %dma_wait3A_90 = tpu.memref_squeeze %dma_wait3A_89 : memref<1x512x64xf32, #tpu.memory_space<hbm>> -> memref<512x64xf32, #tpu.memory_space<hbm>>
      tpu.wait_dma2 semaphore(%arg10 : memref<!tpu.dma_semaphore, #tpu.memory_space<semaphore_mem>>) src(%arg6 : memref<512x64xf32, #tpu.memory_space<vmem>>) dst(%dma_wait3A_90 : memref<512x64xf32, #tpu.memory_space<hbm>>)
      %add3A_91 = arith.constant 2 : i32
      %add3A_92 = arith.addi %mul3A_59, %add3A_91 : i32
      %add3A_93 = arith.constant 0 : i32
      %add3A_94 = arith.addi %add3A_92, %add3A_93 : i32
      %dma_start3A_95 = arith.constant 0 : i32
      %dma_start3A_96 = tpu.memref_slice %arg5[%add3A_94, %dma_start3A_95] : memref<50x512xi32, #tpu.memory_space<vmem>> -> memref<1x512xi32, #tpu.memory_space<vmem>>
      %dma_start3A_97 = tpu.memref_squeeze %dma_start3A_96 : memref<1x512xi32, #tpu.memory_space<vmem>> -> memref<512xi32, #tpu.memory_space<vmem>>
      %dma_start3A_98 = arith.constant 0 : i32
      %dma_start3A_99 = arith.constant 0 : i32
      %dma_start3A_100 = tpu.memref_slice %arg3[%dma_start3A_98, %dma_start3A_99] : memref<1000000x64xf32, #tpu.memory_space<hbm>> -> memref<1000000x64xf32, #tpu.memory_space<hbm>>
      tpu.enqueue_indirect_dma source(%dma_start3A_100 : memref<1000000x64xf32, #tpu.memory_space<hbm>>) target(%arg6 : memref<512x64xf32, #tpu.memory_space<vmem>>) offsets(%dma_start3A_97 : memref<512xi32, #tpu.memory_space<vmem>>) semaphore(%arg8 : memref<!tpu.dma_semaphore, #tpu.memory_space<semaphore_mem>>)
      %dma_wait3A_101 = arith.constant 0 : i32
      %dma_wait3A_102 = tpu.memref_slice %arg4[%dma_wait3A_101, %rem3A_3, %mul3A_6] : memref<50x8192x128xf32, #tpu.memory_space<hbm>> -> memref<1x512x64xf32, #tpu.memory_space<hbm>>
      %dma_wait3A_103 = tpu.memref_squeeze %dma_wait3A_102 : memref<1x512x64xf32, #tpu.memory_space<hbm>> -> memref<512x64xf32, #tpu.memory_space<hbm>>
      %dma_wait3A_104 = tpu.memref_slice %arg4[%dma_wait3A_101, %rem3A_3, %mul3A_6] : memref<50x8192x128xf32, #tpu.memory_space<hbm>> -> memref<1x512x64xf32, #tpu.memory_space<hbm>>
      %dma_wait3A_105 = tpu.memref_squeeze %dma_wait3A_104 : memref<1x512x64xf32, #tpu.memory_space<hbm>> -> memref<512x64xf32, #tpu.memory_space<hbm>>
      tpu.wait_dma2 semaphore(%arg11 : memref<!tpu.dma_semaphore, #tpu.memory_space<semaphore_mem>>) src(%arg7 : memref<512x64xf32, #tpu.memory_space<vmem>>) dst(%dma_wait3A_105 : memref<512x64xf32, #tpu.memory_space<hbm>>)
      %add3A_106 = arith.constant 2 : i32
      %add3A_107 = arith.addi %mul3A_59, %add3A_106 : i32
      %add3A_108 = arith.constant 1 : i32
      %add3A_109 = arith.addi %add3A_107, %add3A_108 : i32
      %dma_start3A_110 = arith.constant 0 : i32
      %dma_start3A_111 = tpu.memref_slice %arg5[%add3A_109, %dma_start3A_110] : memref<50x512xi32, #tpu.memory_space<vmem>> -> memref<1x512xi32, #tpu.memory_space<vmem>>
      %dma_start3A_112 = tpu.memref_squeeze %dma_start3A_111 : memref<1x512xi32, #tpu.memory_space<vmem>> -> memref<512xi32, #tpu.memory_space<vmem>>
      %dma_start3A_113 = arith.constant 0 : i32
      %dma_start3A_114 = arith.constant 0 : i32
      %dma_start3A_115 = tpu.memref_slice %arg3[%dma_start3A_113, %dma_start3A_114] : memref<1000000x64xf32, #tpu.memory_space<hbm>> -> memref<1000000x64xf32, #tpu.memory_space<hbm>>
      tpu.enqueue_indirect_dma source(%dma_start3A_115 : memref<1000000x64xf32, #tpu.memory_space<hbm>>) target(%arg7 : memref<512x64xf32, #tpu.memory_space<vmem>>) offsets(%dma_start3A_112 : memref<512xi32, #tpu.memory_space<vmem>>) semaphore(%arg9 : memref<!tpu.dma_semaphore, #tpu.memory_space<semaphore_mem>>)
    }
    %scan3A_23 = arith.constant 24 : i32
    %dma_wait3A = arith.constant 0 : i32
    %dma_wait3A_24 = arith.constant 0 : i32
    %dma_wait3A_25 = tpu.memref_slice %arg5[%dma_wait3A, %dma_wait3A_24] : memref<50x512xi32, #tpu.memory_space<vmem>> -> memref<1x512xi32, #tpu.memory_space<vmem>>
    %dma_wait3A_26 = tpu.memref_squeeze %dma_wait3A_25 : memref<1x512xi32, #tpu.memory_space<vmem>> -> memref<512xi32, #tpu.memory_space<vmem>>
    %dma_wait3A_27 = arith.constant 0 : i32
    %dma_wait3A_28 = arith.constant 0 : i32
    %dma_wait3A_29 = tpu.memref_slice %arg3[%dma_wait3A_27, %dma_wait3A_28] : memref<1000000x64xf32, #tpu.memory_space<hbm>> -> memref<1000000x64xf32, #tpu.memory_space<hbm>>
    tpu.wait_indirect_dma semaphore(%arg8 : memref<!tpu.dma_semaphore, #tpu.memory_space<semaphore_mem>>) src(%dma_wait3A_29 : memref<1000000x64xf32, #tpu.memory_space<hbm>>) dst(%arg6 : memref<512x64xf32, #tpu.memory_space<vmem>>)
    %dma_start3A_30 = arith.constant 48 : i32
    %dma_start3A_31 = tpu.memref_slice %arg4[%dma_start3A_30, %rem3A_3, %mul3A_6] : memref<50x8192x128xf32, #tpu.memory_space<hbm>> -> memref<1x512x64xf32, #tpu.memory_space<hbm>>
    %dma_start3A_32 = tpu.memref_squeeze %dma_start3A_31 : memref<1x512x64xf32, #tpu.memory_space<hbm>> -> memref<512x64xf32, #tpu.memory_space<hbm>>
    %dma_start3A_33 = tpu.memref_slice %arg4[%dma_start3A_30, %rem3A_3, %mul3A_6] : memref<50x8192x128xf32, #tpu.memory_space<hbm>> -> memref<1x512x64xf32, #tpu.memory_space<hbm>>
    %dma_start3A_34 = tpu.memref_squeeze %dma_start3A_33 : memref<1x512x64xf32, #tpu.memory_space<hbm>> -> memref<512x64xf32, #tpu.memory_space<hbm>>
    tpu.enqueue_dma source(%arg6 : memref<512x64xf32, #tpu.memory_space<vmem>>) target(%dma_start3A_34 : memref<512x64xf32, #tpu.memory_space<hbm>>) target_semaphore(%arg10 : memref<!tpu.dma_semaphore, #tpu.memory_space<semaphore_mem>>)
    %dma_wait3A_35 = arith.constant 0 : i32
    %dma_wait3A_36 = arith.constant 0 : i32
    %dma_wait3A_37 = tpu.memref_slice %arg5[%dma_wait3A_35, %dma_wait3A_36] : memref<50x512xi32, #tpu.memory_space<vmem>> -> memref<1x512xi32, #tpu.memory_space<vmem>>
    %dma_wait3A_38 = tpu.memref_squeeze %dma_wait3A_37 : memref<1x512xi32, #tpu.memory_space<vmem>> -> memref<512xi32, #tpu.memory_space<vmem>>
    %dma_wait3A_39 = arith.constant 0 : i32
    %dma_wait3A_40 = arith.constant 0 : i32
    %dma_wait3A_41 = tpu.memref_slice %arg3[%dma_wait3A_39, %dma_wait3A_40] : memref<1000000x64xf32, #tpu.memory_space<hbm>> -> memref<1000000x64xf32, #tpu.memory_space<hbm>>
    tpu.wait_indirect_dma semaphore(%arg9 : memref<!tpu.dma_semaphore, #tpu.memory_space<semaphore_mem>>) src(%dma_wait3A_41 : memref<1000000x64xf32, #tpu.memory_space<hbm>>) dst(%arg7 : memref<512x64xf32, #tpu.memory_space<vmem>>)
    %dma_start3A_42 = arith.constant 49 : i32
    %dma_start3A_43 = tpu.memref_slice %arg4[%dma_start3A_42, %rem3A_3, %mul3A_6] : memref<50x8192x128xf32, #tpu.memory_space<hbm>> -> memref<1x512x64xf32, #tpu.memory_space<hbm>>
    %dma_start3A_44 = tpu.memref_squeeze %dma_start3A_43 : memref<1x512x64xf32, #tpu.memory_space<hbm>> -> memref<512x64xf32, #tpu.memory_space<hbm>>
    %dma_start3A_45 = tpu.memref_slice %arg4[%dma_start3A_42, %rem3A_3, %mul3A_6] : memref<50x8192x128xf32, #tpu.memory_space<hbm>> -> memref<1x512x64xf32, #tpu.memory_space<hbm>>
    %dma_start3A_46 = tpu.memref_squeeze %dma_start3A_45 : memref<1x512x64xf32, #tpu.memory_space<hbm>> -> memref<512x64xf32, #tpu.memory_space<hbm>>
    tpu.enqueue_dma source(%arg7 : memref<512x64xf32, #tpu.memory_space<vmem>>) target(%dma_start3A_46 : memref<512x64xf32, #tpu.memory_space<hbm>>) target_semaphore(%arg11 : memref<!tpu.dma_semaphore, #tpu.memory_space<semaphore_mem>>)
    %dma_wait3A_47 = arith.constant 0 : i32
    %dma_wait3A_48 = tpu.memref_slice %arg4[%dma_wait3A_47, %rem3A_3, %mul3A_6] : memref<50x8192x128xf32, #tpu.memory_space<hbm>> -> memref<1x512x64xf32, #tpu.memory_space<hbm>>
    %dma_wait3A_49 = tpu.memref_squeeze %dma_wait3A_48 : memref<1x512x64xf32, #tpu.memory_space<hbm>> -> memref<512x64xf32, #tpu.memory_space<hbm>>
    %dma_wait3A_50 = tpu.memref_slice %arg4[%dma_wait3A_47, %rem3A_3, %mul3A_6] : memref<50x8192x128xf32, #tpu.memory_space<hbm>> -> memref<1x512x64xf32, #tpu.memory_space<hbm>>
    %dma_wait3A_51 = tpu.memref_squeeze %dma_wait3A_50 : memref<1x512x64xf32, #tpu.memory_space<hbm>> -> memref<512x64xf32, #tpu.memory_space<hbm>>
    tpu.wait_dma2 semaphore(%arg10 : memref<!tpu.dma_semaphore, #tpu.memory_space<semaphore_mem>>) src(%arg6 : memref<512x64xf32, #tpu.memory_space<vmem>>) dst(%dma_wait3A_51 : memref<512x64xf32, #tpu.memory_space<hbm>>)
    %dma_wait3A_52 = arith.constant 0 : i32
    %dma_wait3A_53 = tpu.memref_slice %arg4[%dma_wait3A_52, %rem3A_3, %mul3A_6] : memref<50x8192x128xf32, #tpu.memory_space<hbm>> -> memref<1x512x64xf32, #tpu.memory_space<hbm>>
    %dma_wait3A_54 = tpu.memref_squeeze %dma_wait3A_53 : memref<1x512x64xf32, #tpu.memory_space<hbm>> -> memref<512x64xf32, #tpu.memory_space<hbm>>
    %dma_wait3A_55 = tpu.memref_slice %arg4[%dma_wait3A_52, %rem3A_3, %mul3A_6] : memref<50x8192x128xf32, #tpu.memory_space<hbm>> -> memref<1x512x64xf32, #tpu.memory_space<hbm>>
    %dma_wait3A_56 = tpu.memref_squeeze %dma_wait3A_55 : memref<1x512x64xf32, #tpu.memory_space<hbm>> -> memref<512x64xf32, #tpu.memory_space<hbm>>
    tpu.wait_dma2 semaphore(%arg11 : memref<!tpu.dma_semaphore, #tpu.memory_space<semaphore_mem>>) src(%arg7 : memref<512x64xf32, #tpu.memory_space<vmem>>) dst(%dma_wait3A_56 : memref<512x64xf32, #tpu.memory_space<hbm>>)
    return
  }
}

module attributes {stable_mosaic.version = 14 : i64} {
  func.func @_tc_transpose_kernel(%arg0: memref<50x8192x128xf32, #tpu.memory_space<any>>, %arg1: memref<50x64x16384xf32, #tpu.memory_space<any>>, %arg2: memref<8192x128xf32, #tpu.memory_space<vmem>>, %arg3: memref<8192x128xf32, #tpu.memory_space<vmem>>, %arg4: memref<128x8192xf32, #tpu.memory_space<vmem>>, %arg5: memref<128x8192xf32, #tpu.memory_space<vmem>>, %arg6: memref<!tpu.dma_semaphore, #tpu.memory_space<semaphore_mem>>, %arg7: memref<!tpu.dma_semaphore, #tpu.memory_space<semaphore_mem>>, %arg8: memref<!tpu.dma_semaphore, #tpu.memory_space<semaphore_mem>>, %arg9: memref<!tpu.dma_semaphore, #tpu.memory_space<semaphore_mem>>, %arg10: memref<!tpu.dma_semaphore, #tpu.memory_space<semaphore_mem>>, %arg11: memref<!tpu.dma_semaphore, #tpu.memory_space<semaphore_mem>>) attributes {dimension_semantics = [], scalar_prefetch = 0 : i64, scratch_operands = 10 : i64, tpu.core_type = #tpu.core_type<tc>} {
    %dma_start3A = arith.constant 0 : i32
    %dma_start3A_0 = arith.constant 0 : i32
    %dma_start3A_1 = arith.constant 0 : i32
    %dma_start3A_2 = tpu.memref_slice %arg0[%dma_start3A, %dma_start3A_0, %dma_start3A_1] : memref<50x8192x128xf32, #tpu.memory_space<any>> -> memref<1x8192x128xf32, #tpu.memory_space<any>>
    %dma_start3A_3 = tpu.memref_squeeze %dma_start3A_2 : memref<1x8192x128xf32, #tpu.memory_space<any>> -> memref<8192x128xf32, #tpu.memory_space<any>>
    tpu.enqueue_dma source(%dma_start3A_3 : memref<8192x128xf32, #tpu.memory_space<any>>) target(%arg2 : memref<8192x128xf32, #tpu.memory_space<vmem>>) target_semaphore(%arg6 : memref<!tpu.dma_semaphore, #tpu.memory_space<semaphore_mem>>)
    %dma_start3A_4 = arith.constant 1 : i32
    %dma_start3A_5 = arith.constant 0 : i32
    %dma_start3A_6 = arith.constant 0 : i32
    %dma_start3A_7 = tpu.memref_slice %arg0[%dma_start3A_4, %dma_start3A_5, %dma_start3A_6] : memref<50x8192x128xf32, #tpu.memory_space<any>> -> memref<1x8192x128xf32, #tpu.memory_space<any>>
    %dma_start3A_8 = tpu.memref_squeeze %dma_start3A_7 : memref<1x8192x128xf32, #tpu.memory_space<any>> -> memref<8192x128xf32, #tpu.memory_space<any>>
    tpu.enqueue_dma source(%dma_start3A_8 : memref<8192x128xf32, #tpu.memory_space<any>>) target(%arg3 : memref<8192x128xf32, #tpu.memory_space<vmem>>) target_semaphore(%arg7 : memref<!tpu.dma_semaphore, #tpu.memory_space<semaphore_mem>>)
    %dma_wait3A = arith.constant 0 : i32
    %dma_wait3A_9 = arith.constant 0 : i32
    %dma_wait3A_10 = arith.constant 0 : i32
    %dma_wait3A_11 = tpu.memref_slice %arg0[%dma_wait3A, %dma_wait3A_9, %dma_wait3A_10] : memref<50x8192x128xf32, #tpu.memory_space<any>> -> memref<1x8192x128xf32, #tpu.memory_space<any>>
    %dma_wait3A_12 = tpu.memref_squeeze %dma_wait3A_11 : memref<1x8192x128xf32, #tpu.memory_space<any>> -> memref<8192x128xf32, #tpu.memory_space<any>>
    tpu.wait_dma2 semaphore(%arg6 : memref<!tpu.dma_semaphore, #tpu.memory_space<semaphore_mem>>) src(%dma_wait3A_12 : memref<8192x128xf32, #tpu.memory_space<any>>) dst(%arg2 : memref<8192x128xf32, #tpu.memory_space<vmem>>)
    %get3A = arith.constant 0 : index
    %get3A_13 = arith.constant 0 : index
    %get3A_14 = vector.load %arg2[%get3A, %get3A_13] : memref<8192x128xf32, #tpu.memory_space<vmem>>, vector<8192x128xf32>
    %transpose3A = tpu.transpose %get3A_14, [1, 0] : vector<8192x128xf32> -> vector<128x8192xf32>
    %swap3A = arith.constant 0 : index
    %swap3A_15 = arith.constant 0 : index
    %swap3A_16 = vector.load %arg4[%swap3A, %swap3A_15] : memref<128x8192xf32, #tpu.memory_space<vmem>>, vector<128x8192xf32>
    tpu.vector_store %arg4[%swap3A, %swap3A_15], %transpose3A {strides = array<i32>} : memref<128x8192xf32, #tpu.memory_space<vmem>>, vector<128x8192xf32>,
    %dma_start3A_17 = arith.constant 0 : i32
    %dma_start3A_18 = arith.constant 0 : i32
    %dma_start3A_19 = arith.constant 0 : i32
    %dma_start3A_20 = tpu.memref_slice %arg1[%dma_start3A_17, %dma_start3A_18, %dma_start3A_19] : memref<50x64x16384xf32, #tpu.memory_space<any>> -> memref<1x64x8192xf32, #tpu.memory_space<any>>
    %dma_start3A_21 = tpu.memref_squeeze %dma_start3A_20 : memref<1x64x8192xf32, #tpu.memory_space<any>> -> memref<64x8192xf32, #tpu.memory_space<any>>
    %dma_start3A_22 = arith.constant 0 : i32
    %dma_start3A_23 = arith.constant 0 : i32
    %dma_start3A_24 = tpu.memref_slice %arg4[%dma_start3A_22, %dma_start3A_23] : memref<128x8192xf32, #tpu.memory_space<vmem>> -> memref<64x8192xf32, #tpu.memory_space<vmem>>
    tpu.enqueue_dma source(%dma_start3A_24 : memref<64x8192xf32, #tpu.memory_space<vmem>>) target(%dma_start3A_21 : memref<64x8192xf32, #tpu.memory_space<any>>) target_semaphore(%arg8 : memref<!tpu.dma_semaphore, #tpu.memory_space<semaphore_mem>>)
    %dma_start3A_25 = arith.constant 0 : i32
    %dma_start3A_26 = arith.constant 0 : i32
    %dma_start3A_27 = arith.constant 8192 : i32
    %dma_start3A_28 = tpu.memref_slice %arg1[%dma_start3A_25, %dma_start3A_26, %dma_start3A_27] : memref<50x64x16384xf32, #tpu.memory_space<any>> -> memref<1x64x8192xf32, #tpu.memory_space<any>>
    %dma_start3A_29 = tpu.memref_squeeze %dma_start3A_28 : memref<1x64x8192xf32, #tpu.memory_space<any>> -> memref<64x8192xf32, #tpu.memory_space<any>>
    %dma_start3A_30 = arith.constant 64 : i32
    %dma_start3A_31 = arith.constant 0 : i32
    %dma_start3A_32 = tpu.memref_slice %arg4[%dma_start3A_30, %dma_start3A_31] : memref<128x8192xf32, #tpu.memory_space<vmem>> -> memref<64x8192xf32, #tpu.memory_space<vmem>>
    tpu.enqueue_dma source(%dma_start3A_32 : memref<64x8192xf32, #tpu.memory_space<vmem>>) target(%dma_start3A_29 : memref<64x8192xf32, #tpu.memory_space<any>>) target_semaphore(%arg9 : memref<!tpu.dma_semaphore, #tpu.memory_space<semaphore_mem>>)
    %dma_start3A_33 = arith.constant 2 : i32
    %dma_start3A_34 = arith.constant 0 : i32
    %dma_start3A_35 = arith.constant 0 : i32
    %dma_start3A_36 = tpu.memref_slice %arg0[%dma_start3A_33, %dma_start3A_34, %dma_start3A_35] : memref<50x8192x128xf32, #tpu.memory_space<any>> -> memref<1x8192x128xf32, #tpu.memory_space<any>>
    %dma_start3A_37 = tpu.memref_squeeze %dma_start3A_36 : memref<1x8192x128xf32, #tpu.memory_space<any>> -> memref<8192x128xf32, #tpu.memory_space<any>>
    tpu.enqueue_dma source(%dma_start3A_37 : memref<8192x128xf32, #tpu.memory_space<any>>) target(%arg2 : memref<8192x128xf32, #tpu.memory_space<vmem>>) target_semaphore(%arg6 : memref<!tpu.dma_semaphore, #tpu.memory_space<semaphore_mem>>)
    %dma_wait3A_38 = arith.constant 1 : i32
    %dma_wait3A_39 = arith.constant 0 : i32
    %dma_wait3A_40 = arith.constant 0 : i32
    %dma_wait3A_41 = tpu.memref_slice %arg0[%dma_wait3A_38, %dma_wait3A_39, %dma_wait3A_40] : memref<50x8192x128xf32, #tpu.memory_space<any>> -> memref<1x8192x128xf32, #tpu.memory_space<any>>
    %dma_wait3A_42 = tpu.memref_squeeze %dma_wait3A_41 : memref<1x8192x128xf32, #tpu.memory_space<any>> -> memref<8192x128xf32, #tpu.memory_space<any>>
    tpu.wait_dma2 semaphore(%arg7 : memref<!tpu.dma_semaphore, #tpu.memory_space<semaphore_mem>>) src(%dma_wait3A_42 : memref<8192x128xf32, #tpu.memory_space<any>>) dst(%arg3 : memref<8192x128xf32, #tpu.memory_space<vmem>>)
    %get3A_43 = arith.constant 0 : index
    %get3A_44 = arith.constant 0 : index
    %get3A_45 = vector.load %arg3[%get3A_43, %get3A_44] : memref<8192x128xf32, #tpu.memory_space<vmem>>, vector<8192x128xf32>
    %transpose3A_46 = tpu.transpose %get3A_45, [1, 0] : vector<8192x128xf32> -> vector<128x8192xf32>
    %swap3A_47 = arith.constant 0 : index
    %swap3A_48 = arith.constant 0 : index
    %swap3A_49 = vector.load %arg5[%swap3A_47, %swap3A_48] : memref<128x8192xf32, #tpu.memory_space<vmem>>, vector<128x8192xf32>
    tpu.vector_store %arg5[%swap3A_47, %swap3A_48], %transpose3A_46 {strides = array<i32>} : memref<128x8192xf32, #tpu.memory_space<vmem>>, vector<128x8192xf32>,
    %dma_start3A_50 = arith.constant 1 : i32
    %dma_start3A_51 = arith.constant 0 : i32
    %dma_start3A_52 = arith.constant 0 : i32
    %dma_start3A_53 = tpu.memref_slice %arg1[%dma_start3A_50, %dma_start3A_51, %dma_start3A_52] : memref<50x64x16384xf32, #tpu.memory_space<any>> -> memref<1x64x8192xf32, #tpu.memory_space<any>>
    %dma_start3A_54 = tpu.memref_squeeze %dma_start3A_53 : memref<1x64x8192xf32, #tpu.memory_space<any>> -> memref<64x8192xf32, #tpu.memory_space<any>>
    %dma_start3A_55 = arith.constant 0 : i32
    %dma_start3A_56 = arith.constant 0 : i32
    %dma_start3A_57 = tpu.memref_slice %arg5[%dma_start3A_55, %dma_start3A_56] : memref<128x8192xf32, #tpu.memory_space<vmem>> -> memref<64x8192xf32, #tpu.memory_space<vmem>>
    tpu.enqueue_dma source(%dma_start3A_57 : memref<64x8192xf32, #tpu.memory_space<vmem>>) target(%dma_start3A_54 : memref<64x8192xf32, #tpu.memory_space<any>>) target_semaphore(%arg10 : memref<!tpu.dma_semaphore, #tpu.memory_space<semaphore_mem>>)
    %dma_start3A_58 = arith.constant 1 : i32
    %dma_start3A_59 = arith.constant 0 : i32
    %dma_start3A_60 = arith.constant 8192 : i32
    %dma_start3A_61 = tpu.memref_slice %arg1[%dma_start3A_58, %dma_start3A_59, %dma_start3A_60] : memref<50x64x16384xf32, #tpu.memory_space<any>> -> memref<1x64x8192xf32, #tpu.memory_space<any>>
    %dma_start3A_62 = tpu.memref_squeeze %dma_start3A_61 : memref<1x64x8192xf32, #tpu.memory_space<any>> -> memref<64x8192xf32, #tpu.memory_space<any>>
    %dma_start3A_63 = arith.constant 64 : i32
    %dma_start3A_64 = arith.constant 0 : i32
    %dma_start3A_65 = tpu.memref_slice %arg5[%dma_start3A_63, %dma_start3A_64] : memref<128x8192xf32, #tpu.memory_space<vmem>> -> memref<64x8192xf32, #tpu.memory_space<vmem>>
    tpu.enqueue_dma source(%dma_start3A_65 : memref<64x8192xf32, #tpu.memory_space<vmem>>) target(%dma_start3A_62 : memref<64x8192xf32, #tpu.memory_space<any>>) target_semaphore(%arg11 : memref<!tpu.dma_semaphore, #tpu.memory_space<semaphore_mem>>)
    %dma_start3A_66 = arith.constant 3 : i32
    %dma_start3A_67 = arith.constant 0 : i32
    %dma_start3A_68 = arith.constant 0 : i32
    %dma_start3A_69 = tpu.memref_slice %arg0[%dma_start3A_66, %dma_start3A_67, %dma_start3A_68] : memref<50x8192x128xf32, #tpu.memory_space<any>> -> memref<1x8192x128xf32, #tpu.memory_space<any>>
    %dma_start3A_70 = tpu.memref_squeeze %dma_start3A_69 : memref<1x8192x128xf32, #tpu.memory_space<any>> -> memref<8192x128xf32, #tpu.memory_space<any>>
    tpu.enqueue_dma source(%dma_start3A_70 : memref<8192x128xf32, #tpu.memory_space<any>>) target(%arg3 : memref<8192x128xf32, #tpu.memory_space<vmem>>) target_semaphore(%arg7 : memref<!tpu.dma_semaphore, #tpu.memory_space<semaphore_mem>>)
    %dma_wait3A_71 = arith.constant 2 : i32
    %dma_wait3A_72 = arith.constant 0 : i32
    %dma_wait3A_73 = arith.constant 0 : i32
    %dma_wait3A_74 = tpu.memref_slice %arg0[%dma_wait3A_71, %dma_wait3A_72, %dma_wait3A_73] : memref<50x8192x128xf32, #tpu.memory_space<any>> -> memref<1x8192x128xf32, #tpu.memory_space<any>>
    %dma_wait3A_75 = tpu.memref_squeeze %dma_wait3A_74 : memref<1x8192x128xf32, #tpu.memory_space<any>> -> memref<8192x128xf32, #tpu.memory_space<any>>
    tpu.wait_dma2 semaphore(%arg6 : memref<!tpu.dma_semaphore, #tpu.memory_space<semaphore_mem>>) src(%dma_wait3A_75 : memref<8192x128xf32, #tpu.memory_space<any>>) dst(%arg2 : memref<8192x128xf32, #tpu.memory_space<vmem>>)
    %dma_wait3A_76 = arith.constant 0 : i32
    %dma_wait3A_77 = arith.constant 0 : i32
    %dma_wait3A_78 = arith.constant 0 : i32
    %dma_wait3A_79 = tpu.memref_slice %arg1[%dma_wait3A_76, %dma_wait3A_77, %dma_wait3A_78] : memref<50x64x16384xf32, #tpu.memory_space<any>> -> memref<1x64x8192xf32, #tpu.memory_space<any>>
    %dma_wait3A_80 = tpu.memref_squeeze %dma_wait3A_79 : memref<1x64x8192xf32, #tpu.memory_space<any>> -> memref<64x8192xf32, #tpu.memory_space<any>>
    %dma_wait3A_81 = arith.constant 0 : i32
    %dma_wait3A_82 = arith.constant 0 : i32
    %dma_wait3A_83 = tpu.memref_slice %arg4[%dma_wait3A_81, %dma_wait3A_82] : memref<128x8192xf32, #tpu.memory_space<vmem>> -> memref<64x8192xf32, #tpu.memory_space<vmem>>
    tpu.wait_dma2 semaphore(%arg8 : memref<!tpu.dma_semaphore, #tpu.memory_space<semaphore_mem>>) src(%dma_wait3A_83 : memref<64x8192xf32, #tpu.memory_space<vmem>>) dst(%dma_wait3A_80 : memref<64x8192xf32, #tpu.memory_space<any>>)
    %dma_wait3A_84 = arith.constant 0 : i32
    %dma_wait3A_85 = arith.constant 0 : i32
    %dma_wait3A_86 = arith.constant 8192 : i32
    %dma_wait3A_87 = tpu.memref_slice %arg1[%dma_wait3A_84, %dma_wait3A_85, %dma_wait3A_86] : memref<50x64x16384xf32, #tpu.memory_space<any>> -> memref<1x64x8192xf32, #tpu.memory_space<any>>
    %dma_wait3A_88 = tpu.memref_squeeze %dma_wait3A_87 : memref<1x64x8192xf32, #tpu.memory_space<any>> -> memref<64x8192xf32, #tpu.memory_space<any>>
    %dma_wait3A_89 = arith.constant 64 : i32
    %dma_wait3A_90 = arith.constant 0 : i32
    %dma_wait3A_91 = tpu.memref_slice %arg4[%dma_wait3A_89, %dma_wait3A_90] : memref<128x8192xf32, #tpu.memory_space<vmem>> -> memref<64x8192xf32, #tpu.memory_space<vmem>>
    tpu.wait_dma2 semaphore(%arg9 : memref<!tpu.dma_semaphore, #tpu.memory_space<semaphore_mem>>) src(%dma_wait3A_91 : memref<64x8192xf32, #tpu.memory_space<vmem>>) dst(%dma_wait3A_88 : memref<64x8192xf32, #tpu.memory_space<any>>)
    %get3A_92 = arith.constant 0 : index
    %get3A_93 = arith.constant 0 : index
    %get3A_94 = vector.load %arg2[%get3A_92, %get3A_93] : memref<8192x128xf32, #tpu.memory_space<vmem>>, vector<8192x128xf32>
    %transpose3A_95 = tpu.transpose %get3A_94, [1, 0] : vector<8192x128xf32> -> vector<128x8192xf32>
    %swap3A_96 = arith.constant 0 : index
    %swap3A_97 = arith.constant 0 : index
    %swap3A_98 = vector.load %arg4[%swap3A_96, %swap3A_97] : memref<128x8192xf32, #tpu.memory_space<vmem>>, vector<128x8192xf32>
    tpu.vector_store %arg4[%swap3A_96, %swap3A_97], %transpose3A_95 {strides = array<i32>} : memref<128x8192xf32, #tpu.memory_space<vmem>>, vector<128x8192xf32>,
    %dma_start3A_99 = arith.constant 2 : i32
    %dma_start3A_100 = arith.constant 0 : i32
    %dma_start3A_101 = arith.constant 0 : i32
    %dma_start3A_102 = tpu.memref_slice %arg1[%dma_start3A_99, %dma_start3A_100, %dma_start3A_101] : memref<50x64x16384xf32, #tpu.memory_space<any>> -> memref<1x64x8192xf32, #tpu.memory_space<any>>
    %dma_start3A_103 = tpu.memref_squeeze %dma_start3A_102 : memref<1x64x8192xf32, #tpu.memory_space<any>> -> memref<64x8192xf32, #tpu.memory_space<any>>
    %dma_start3A_104 = arith.constant 0 : i32
    %dma_start3A_105 = arith.constant 0 : i32
    %dma_start3A_106 = tpu.memref_slice %arg4[%dma_start3A_104, %dma_start3A_105] : memref<128x8192xf32, #tpu.memory_space<vmem>> -> memref<64x8192xf32, #tpu.memory_space<vmem>>
    tpu.enqueue_dma source(%dma_start3A_106 : memref<64x8192xf32, #tpu.memory_space<vmem>>) target(%dma_start3A_103 : memref<64x8192xf32, #tpu.memory_space<any>>) target_semaphore(%arg8 : memref<!tpu.dma_semaphore, #tpu.memory_space<semaphore_mem>>)
    %dma_start3A_107 = arith.constant 2 : i32
    %dma_start3A_108 = arith.constant 0 : i32
    %dma_start3A_109 = arith.constant 8192 : i32
    %dma_start3A_110 = tpu.memref_slice %arg1[%dma_start3A_107, %dma_start3A_108, %dma_start3A_109] : memref<50x64x16384xf32, #tpu.memory_space<any>> -> memref<1x64x8192xf32, #tpu.memory_space<any>>
    %dma_start3A_111 = tpu.memref_squeeze %dma_start3A_110 : memref<1x64x8192xf32, #tpu.memory_space<any>> -> memref<64x8192xf32, #tpu.memory_space<any>>
    %dma_start3A_112 = arith.constant 64 : i32
    %dma_start3A_113 = arith.constant 0 : i32
    %dma_start3A_114 = tpu.memref_slice %arg4[%dma_start3A_112, %dma_start3A_113] : memref<128x8192xf32, #tpu.memory_space<vmem>> -> memref<64x8192xf32, #tpu.memory_space<vmem>>
    tpu.enqueue_dma source(%dma_start3A_114 : memref<64x8192xf32, #tpu.memory_space<vmem>>) target(%dma_start3A_111 : memref<64x8192xf32, #tpu.memory_space<any>>) target_semaphore(%arg9 : memref<!tpu.dma_semaphore, #tpu.memory_space<semaphore_mem>>)
    %dma_start3A_115 = arith.constant 4 : i32
    %dma_start3A_116 = arith.constant 0 : i32
    %dma_start3A_117 = arith.constant 0 : i32
    %dma_start3A_118 = tpu.memref_slice %arg0[%dma_start3A_115, %dma_start3A_116, %dma_start3A_117] : memref<50x8192x128xf32, #tpu.memory_space<any>> -> memref<1x8192x128xf32, #tpu.memory_space<any>>
    %dma_start3A_119 = tpu.memref_squeeze %dma_start3A_118 : memref<1x8192x128xf32, #tpu.memory_space<any>> -> memref<8192x128xf32, #tpu.memory_space<any>>
    tpu.enqueue_dma source(%dma_start3A_119 : memref<8192x128xf32, #tpu.memory_space<any>>) target(%arg2 : memref<8192x128xf32, #tpu.memory_space<vmem>>) target_semaphore(%arg6 : memref<!tpu.dma_semaphore, #tpu.memory_space<semaphore_mem>>)
    %dma_wait3A_120 = arith.constant 3 : i32
    %dma_wait3A_121 = arith.constant 0 : i32
    %dma_wait3A_122 = arith.constant 0 : i32
    %dma_wait3A_123 = tpu.memref_slice %arg0[%dma_wait3A_120, %dma_wait3A_121, %dma_wait3A_122] : memref<50x8192x128xf32, #tpu.memory_space<any>> -> memref<1x8192x128xf32, #tpu.memory_space<any>>
    %dma_wait3A_124 = tpu.memref_squeeze %dma_wait3A_123 : memref<1x8192x128xf32, #tpu.memory_space<any>> -> memref<8192x128xf32, #tpu.memory_space<any>>
    tpu.wait_dma2 semaphore(%arg7 : memref<!tpu.dma_semaphore, #tpu.memory_space<semaphore_mem>>) src(%dma_wait3A_124 : memref<8192x128xf32, #tpu.memory_space<any>>) dst(%arg3 : memref<8192x128xf32, #tpu.memory_space<vmem>>)
    %dma_wait3A_125 = arith.constant 1 : i32
    %dma_wait3A_126 = arith.constant 0 : i32
    %dma_wait3A_127 = arith.constant 0 : i32
    %dma_wait3A_128 = tpu.memref_slice %arg1[%dma_wait3A_125, %dma_wait3A_126, %dma_wait3A_127] : memref<50x64x16384xf32, #tpu.memory_space<any>> -> memref<1x64x8192xf32, #tpu.memory_space<any>>
    %dma_wait3A_129 = tpu.memref_squeeze %dma_wait3A_128 : memref<1x64x8192xf32, #tpu.memory_space<any>> -> memref<64x8192xf32, #tpu.memory_space<any>>
    %dma_wait3A_130 = arith.constant 0 : i32
    %dma_wait3A_131 = arith.constant 0 : i32
    %dma_wait3A_132 = tpu.memref_slice %arg5[%dma_wait3A_130, %dma_wait3A_131] : memref<128x8192xf32, #tpu.memory_space<vmem>> -> memref<64x8192xf32, #tpu.memory_space<vmem>>
    tpu.wait_dma2 semaphore(%arg10 : memref<!tpu.dma_semaphore, #tpu.memory_space<semaphore_mem>>) src(%dma_wait3A_132 : memref<64x8192xf32, #tpu.memory_space<vmem>>) dst(%dma_wait3A_129 : memref<64x8192xf32, #tpu.memory_space<any>>)
    %dma_wait3A_133 = arith.constant 1 : i32
    %dma_wait3A_134 = arith.constant 0 : i32
    %dma_wait3A_135 = arith.constant 8192 : i32
    %dma_wait3A_136 = tpu.memref_slice %arg1[%dma_wait3A_133, %dma_wait3A_134, %dma_wait3A_135] : memref<50x64x16384xf32, #tpu.memory_space<any>> -> memref<1x64x8192xf32, #tpu.memory_space<any>>
    %dma_wait3A_137 = tpu.memref_squeeze %dma_wait3A_136 : memref<1x64x8192xf32, #tpu.memory_space<any>> -> memref<64x8192xf32, #tpu.memory_space<any>>
    %dma_wait3A_138 = arith.constant 64 : i32
    %dma_wait3A_139 = arith.constant 0 : i32
    %dma_wait3A_140 = tpu.memref_slice %arg5[%dma_wait3A_138, %dma_wait3A_139] : memref<128x8192xf32, #tpu.memory_space<vmem>> -> memref<64x8192xf32, #tpu.memory_space<vmem>>
    tpu.wait_dma2 semaphore(%arg11 : memref<!tpu.dma_semaphore, #tpu.memory_space<semaphore_mem>>) src(%dma_wait3A_140 : memref<64x8192xf32, #tpu.memory_space<vmem>>) dst(%dma_wait3A_137 : memref<64x8192xf32, #tpu.memory_space<any>>)
    %get3A_141 = arith.constant 0 : index
    %get3A_142 = arith.constant 0 : index
    %get3A_143 = vector.load %arg3[%get3A_141, %get3A_142] : memref<8192x128xf32, #tpu.memory_space<vmem>>, vector<8192x128xf32>
    %transpose3A_144 = tpu.transpose %get3A_143, [1, 0] : vector<8192x128xf32> -> vector<128x8192xf32>
    %swap3A_145 = arith.constant 0 : index
    %swap3A_146 = arith.constant 0 : index
    %swap3A_147 = vector.load %arg5[%swap3A_145, %swap3A_146] : memref<128x8192xf32, #tpu.memory_space<vmem>>, vector<128x8192xf32>
    tpu.vector_store %arg5[%swap3A_145, %swap3A_146], %transpose3A_144 {strides = array<i32>} : memref<128x8192xf32, #tpu.memory_space<vmem>>, vector<128x8192xf32>,
    %dma_start3A_148 = arith.constant 3 : i32
    %dma_start3A_149 = arith.constant 0 : i32
    %dma_start3A_150 = arith.constant 0 : i32
    %dma_start3A_151 = tpu.memref_slice %arg1[%dma_start3A_148, %dma_start3A_149, %dma_start3A_150] : memref<50x64x16384xf32, #tpu.memory_space<any>> -> memref<1x64x8192xf32, #tpu.memory_space<any>>
    %dma_start3A_152 = tpu.memref_squeeze %dma_start3A_151 : memref<1x64x8192xf32, #tpu.memory_space<any>> -> memref<64x8192xf32, #tpu.memory_space<any>>
    %dma_start3A_153 = arith.constant 0 : i32
    %dma_start3A_154 = arith.constant 0 : i32
    %dma_start3A_155 = tpu.memref_slice %arg5[%dma_start3A_153, %dma_start3A_154] : memref<128x8192xf32, #tpu.memory_space<vmem>> -> memref<64x8192xf32, #tpu.memory_space<vmem>>
    tpu.enqueue_dma source(%dma_start3A_155 : memref<64x8192xf32, #tpu.memory_space<vmem>>) target(%dma_start3A_152 : memref<64x8192xf32, #tpu.memory_space<any>>) target_semaphore(%arg10 : memref<!tpu.dma_semaphore, #tpu.memory_space<semaphore_mem>>)
    %dma_start3A_156 = arith.constant 3 : i32
    %dma_start3A_157 = arith.constant 0 : i32
    %dma_start3A_158 = arith.constant 8192 : i32
    %dma_start3A_159 = tpu.memref_slice %arg1[%dma_start3A_156, %dma_start3A_157, %dma_start3A_158] : memref<50x64x16384xf32, #tpu.memory_space<any>> -> memref<1x64x8192xf32, #tpu.memory_space<any>>
    %dma_start3A_160 = tpu.memref_squeeze %dma_start3A_159 : memref<1x64x8192xf32, #tpu.memory_space<any>> -> memref<64x8192xf32, #tpu.memory_space<any>>
    %dma_start3A_161 = arith.constant 64 : i32
    %dma_start3A_162 = arith.constant 0 : i32
    %dma_start3A_163 = tpu.memref_slice %arg5[%dma_start3A_161, %dma_start3A_162] : memref<128x8192xf32, #tpu.memory_space<vmem>> -> memref<64x8192xf32, #tpu.memory_space<vmem>>
    tpu.enqueue_dma source(%dma_start3A_163 : memref<64x8192xf32, #tpu.memory_space<vmem>>) target(%dma_start3A_160 : memref<64x8192xf32, #tpu.memory_space<any>>) target_semaphore(%arg11 : memref<!tpu.dma_semaphore, #tpu.memory_space<semaphore_mem>>)
    %dma_start3A_164 = arith.constant 5 : i32
    %dma_start3A_165 = arith.constant 0 : i32
    %dma_start3A_166 = arith.constant 0 : i32
    %dma_start3A_167 = tpu.memref_slice %arg0[%dma_start3A_164, %dma_start3A_165, %dma_start3A_166] : memref<50x8192x128xf32, #tpu.memory_space<any>> -> memref<1x8192x128xf32, #tpu.memory_space<any>>
    %dma_start3A_168 = tpu.memref_squeeze %dma_start3A_167 : memref<1x8192x128xf32, #tpu.memory_space<any>> -> memref<8192x128xf32, #tpu.memory_space<any>>
    tpu.enqueue_dma source(%dma_start3A_168 : memref<8192x128xf32, #tpu.memory_space<any>>) target(%arg3 : memref<8192x128xf32, #tpu.memory_space<vmem>>) target_semaphore(%arg7 : memref<!tpu.dma_semaphore, #tpu.memory_space<semaphore_mem>>)
    %dma_wait3A_169 = arith.constant 4 : i32
    %dma_wait3A_170 = arith.constant 0 : i32
    %dma_wait3A_171 = arith.constant 0 : i32
    %dma_wait3A_172 = tpu.memref_slice %arg0[%dma_wait3A_169, %dma_wait3A_170, %dma_wait3A_171] : memref<50x8192x128xf32, #tpu.memory_space<any>> -> memref<1x8192x128xf32, #tpu.memory_space<any>>
    %dma_wait3A_173 = tpu.memref_squeeze %dma_wait3A_172 : memref<1x8192x128xf32, #tpu.memory_space<any>> -> memref<8192x128xf32, #tpu.memory_space<any>>
    tpu.wait_dma2 semaphore(%arg6 : memref<!tpu.dma_semaphore, #tpu.memory_space<semaphore_mem>>) src(%dma_wait3A_173 : memref<8192x128xf32, #tpu.memory_space<any>>) dst(%arg2 : memref<8192x128xf32, #tpu.memory_space<vmem>>)
    %dma_wait3A_174 = arith.constant 2 : i32
    %dma_wait3A_175 = arith.constant 0 : i32
    %dma_wait3A_176 = arith.constant 0 : i32
    %dma_wait3A_177 = tpu.memref_slice %arg1[%dma_wait3A_174, %dma_wait3A_175, %dma_wait3A_176] : memref<50x64x16384xf32, #tpu.memory_space<any>> -> memref<1x64x8192xf32, #tpu.memory_space<any>>
    %dma_wait3A_178 = tpu.memref_squeeze %dma_wait3A_177 : memref<1x64x8192xf32, #tpu.memory_space<any>> -> memref<64x8192xf32, #tpu.memory_space<any>>
    %dma_wait3A_179 = arith.constant 0 : i32
    %dma_wait3A_180 = arith.constant 0 : i32
    %dma_wait3A_181 = tpu.memref_slice %arg4[%dma_wait3A_179, %dma_wait3A_180] : memref<128x8192xf32, #tpu.memory_space<vmem>> -> memref<64x8192xf32, #tpu.memory_space<vmem>>
    tpu.wait_dma2 semaphore(%arg8 : memref<!tpu.dma_semaphore, #tpu.memory_space<semaphore_mem>>) src(%dma_wait3A_181 : memref<64x8192xf32, #tpu.memory_space<vmem>>) dst(%dma_wait3A_178 : memref<64x8192xf32, #tpu.memory_space<any>>)
    %dma_wait3A_182 = arith.constant 2 : i32
    %dma_wait3A_183 = arith.constant 0 : i32
    %dma_wait3A_184 = arith.constant 8192 : i32
    %dma_wait3A_185 = tpu.memref_slice %arg1[%dma_wait3A_182, %dma_wait3A_183, %dma_wait3A_184] : memref<50x64x16384xf32, #tpu.memory_space<any>> -> memref<1x64x8192xf32, #tpu.memory_space<any>>
    %dma_wait3A_186 = tpu.memref_squeeze %dma_wait3A_185 : memref<1x64x8192xf32, #tpu.memory_space<any>> -> memref<64x8192xf32, #tpu.memory_space<any>>
    %dma_wait3A_187 = arith.constant 64 : i32
    %dma_wait3A_188 = arith.constant 0 : i32
    %dma_wait3A_189 = tpu.memref_slice %arg4[%dma_wait3A_187, %dma_wait3A_188] : memref<128x8192xf32, #tpu.memory_space<vmem>> -> memref<64x8192xf32, #tpu.memory_space<vmem>>
    tpu.wait_dma2 semaphore(%arg9 : memref<!tpu.dma_semaphore, #tpu.memory_space<semaphore_mem>>) src(%dma_wait3A_189 : memref<64x8192xf32, #tpu.memory_space<vmem>>) dst(%dma_wait3A_186 : memref<64x8192xf32, #tpu.memory_space<any>>)
    %get3A_190 = arith.constant 0 : index
    %get3A_191 = arith.constant 0 : index
    %get3A_192 = vector.load %arg2[%get3A_190, %get3A_191] : memref<8192x128xf32, #tpu.memory_space<vmem>>, vector<8192x128xf32>
    %transpose3A_193 = tpu.transpose %get3A_192, [1, 0] : vector<8192x128xf32> -> vector<128x8192xf32>
    %swap3A_194 = arith.constant 0 : index
    %swap3A_195 = arith.constant 0 : index
    %swap3A_196 = vector.load %arg4[%swap3A_194, %swap3A_195] : memref<128x8192xf32, #tpu.memory_space<vmem>>, vector<128x8192xf32>
    tpu.vector_store %arg4[%swap3A_194, %swap3A_195], %transpose3A_193 {strides = array<i32>} : memref<128x8192xf32, #tpu.memory_space<vmem>>, vector<128x8192xf32>,
    %dma_start3A_197 = arith.constant 4 : i32
    %dma_start3A_198 = arith.constant 0 : i32
    %dma_start3A_199 = arith.constant 0 : i32
    %dma_start3A_200 = tpu.memref_slice %arg1[%dma_start3A_197, %dma_start3A_198, %dma_start3A_199] : memref<50x64x16384xf32, #tpu.memory_space<any>> -> memref<1x64x8192xf32, #tpu.memory_space<any>>
    %dma_start3A_201 = tpu.memref_squeeze %dma_start3A_200 : memref<1x64x8192xf32, #tpu.memory_space<any>> -> memref<64x8192xf32, #tpu.memory_space<any>>
    %dma_start3A_202 = arith.constant 0 : i32
    %dma_start3A_203 = arith.constant 0 : i32
    %dma_start3A_204 = tpu.memref_slice %arg4[%dma_start3A_202, %dma_start3A_203] : memref<128x8192xf32, #tpu.memory_space<vmem>> -> memref<64x8192xf32, #tpu.memory_space<vmem>>
    tpu.enqueue_dma source(%dma_start3A_204 : memref<64x8192xf32, #tpu.memory_space<vmem>>) target(%dma_start3A_201 : memref<64x8192xf32, #tpu.memory_space<any>>) target_semaphore(%arg8 : memref<!tpu.dma_semaphore, #tpu.memory_space<semaphore_mem>>)
    %dma_start3A_205 = arith.constant 4 : i32
    %dma_start3A_206 = arith.constant 0 : i32
    %dma_start3A_207 = arith.constant 8192 : i32
    %dma_start3A_208 = tpu.memref_slice %arg1[%dma_start3A_205, %dma_start3A_206, %dma_start3A_207] : memref<50x64x16384xf32, #tpu.memory_space<any>> -> memref<1x64x8192xf32, #tpu.memory_space<any>>
    %dma_start3A_209 = tpu.memref_squeeze %dma_start3A_208 : memref<1x64x8192xf32, #tpu.memory_space<any>> -> memref<64x8192xf32, #tpu.memory_space<any>>
    %dma_start3A_210 = arith.constant 64 : i32
    %dma_start3A_211 = arith.constant 0 : i32
    %dma_start3A_212 = tpu.memref_slice %arg4[%dma_start3A_210, %dma_start3A_211] : memref<128x8192xf32, #tpu.memory_space<vmem>> -> memref<64x8192xf32, #tpu.memory_space<vmem>>
    tpu.enqueue_dma source(%dma_start3A_212 : memref<64x8192xf32, #tpu.memory_space<vmem>>) target(%dma_start3A_209 : memref<64x8192xf32, #tpu.memory_space<any>>) target_semaphore(%arg9 : memref<!tpu.dma_semaphore, #tpu.memory_space<semaphore_mem>>)
    %dma_start3A_213 = arith.constant 6 : i32
    %dma_start3A_214 = arith.constant 0 : i32
    %dma_start3A_215 = arith.constant 0 : i32
    %dma_start3A_216 = tpu.memref_slice %arg0[%dma_start3A_213, %dma_start3A_214, %dma_start3A_215] : memref<50x8192x128xf32, #tpu.memory_space<any>> -> memref<1x8192x128xf32, #tpu.memory_space<any>>
    %dma_start3A_217 = tpu.memref_squeeze %dma_start3A_216 : memref<1x8192x128xf32, #tpu.memory_space<any>> -> memref<8192x128xf32, #tpu.memory_space<any>>
    tpu.enqueue_dma source(%dma_start3A_217 : memref<8192x128xf32, #tpu.memory_space<any>>) target(%arg2 : memref<8192x128xf32, #tpu.memory_space<vmem>>) target_semaphore(%arg6 : memref<!tpu.dma_semaphore, #tpu.memory_space<semaphore_mem>>)
    %dma_wait3A_218 = arith.constant 5 : i32
    %dma_wait3A_219 = arith.constant 0 : i32
    %dma_wait3A_220 = arith.constant 0 : i32
    %dma_wait3A_221 = tpu.memref_slice %arg0[%dma_wait3A_218, %dma_wait3A_219, %dma_wait3A_220] : memref<50x8192x128xf32, #tpu.memory_space<any>> -> memref<1x8192x128xf32, #tpu.memory_space<any>>
    %dma_wait3A_222 = tpu.memref_squeeze %dma_wait3A_221 : memref<1x8192x128xf32, #tpu.memory_space<any>> -> memref<8192x128xf32, #tpu.memory_space<any>>
    tpu.wait_dma2 semaphore(%arg7 : memref<!tpu.dma_semaphore, #tpu.memory_space<semaphore_mem>>) src(%dma_wait3A_222 : memref<8192x128xf32, #tpu.memory_space<any>>) dst(%arg3 : memref<8192x128xf32, #tpu.memory_space<vmem>>)
    %dma_wait3A_223 = arith.constant 3 : i32
    %dma_wait3A_224 = arith.constant 0 : i32
    %dma_wait3A_225 = arith.constant 0 : i32
    %dma_wait3A_226 = tpu.memref_slice %arg1[%dma_wait3A_223, %dma_wait3A_224, %dma_wait3A_225] : memref<50x64x16384xf32, #tpu.memory_space<any>> -> memref<1x64x8192xf32, #tpu.memory_space<any>>
    %dma_wait3A_227 = tpu.memref_squeeze %dma_wait3A_226 : memref<1x64x8192xf32, #tpu.memory_space<any>> -> memref<64x8192xf32, #tpu.memory_space<any>>
    %dma_wait3A_228 = arith.constant 0 : i32
    %dma_wait3A_229 = arith.constant 0 : i32
    %dma_wait3A_230 = tpu.memref_slice %arg5[%dma_wait3A_228, %dma_wait3A_229] : memref<128x8192xf32, #tpu.memory_space<vmem>> -> memref<64x8192xf32, #tpu.memory_space<vmem>>
    tpu.wait_dma2 semaphore(%arg10 : memref<!tpu.dma_semaphore, #tpu.memory_space<semaphore_mem>>) src(%dma_wait3A_230 : memref<64x8192xf32, #tpu.memory_space<vmem>>) dst(%dma_wait3A_227 : memref<64x8192xf32, #tpu.memory_space<any>>)
    %dma_wait3A_231 = arith.constant 3 : i32
    %dma_wait3A_232 = arith.constant 0 : i32
    %dma_wait3A_233 = arith.constant 8192 : i32
    %dma_wait3A_234 = tpu.memref_slice %arg1[%dma_wait3A_231, %dma_wait3A_232, %dma_wait3A_233] : memref<50x64x16384xf32, #tpu.memory_space<any>> -> memref<1x64x8192xf32, #tpu.memory_space<any>>
    %dma_wait3A_235 = tpu.memref_squeeze %dma_wait3A_234 : memref<1x64x8192xf32, #tpu.memory_space<any>> -> memref<64x8192xf32, #tpu.memory_space<any>>
    %dma_wait3A_236 = arith.constant 64 : i32
    %dma_wait3A_237 = arith.constant 0 : i32
    %dma_wait3A_238 = tpu.memref_slice %arg5[%dma_wait3A_236, %dma_wait3A_237] : memref<128x8192xf32, #tpu.memory_space<vmem>> -> memref<64x8192xf32, #tpu.memory_space<vmem>>
    tpu.wait_dma2 semaphore(%arg11 : memref<!tpu.dma_semaphore, #tpu.memory_space<semaphore_mem>>) src(%dma_wait3A_238 : memref<64x8192xf32, #tpu.memory_space<vmem>>) dst(%dma_wait3A_235 : memref<64x8192xf32, #tpu.memory_space<any>>)
    %get3A_239 = arith.constant 0 : index
    %get3A_240 = arith.constant 0 : index
    %get3A_241 = vector.load %arg3[%get3A_239, %get3A_240] : memref<8192x128xf32, #tpu.memory_space<vmem>>, vector<8192x128xf32>
    %transpose3A_242 = tpu.transpose %get3A_241, [1, 0] : vector<8192x128xf32> -> vector<128x8192xf32>
    %swap3A_243 = arith.constant 0 : index
    %swap3A_244 = arith.constant 0 : index
    %swap3A_245 = vector.load %arg5[%swap3A_243, %swap3A_244] : memref<128x8192xf32, #tpu.memory_space<vmem>>, vector<128x8192xf32>
    tpu.vector_store %arg5[%swap3A_243, %swap3A_244], %transpose3A_242 {strides = array<i32>} : memref<128x8192xf32, #tpu.memory_space<vmem>>, vector<128x8192xf32>,
    %dma_start3A_246 = arith.constant 5 : i32
    %dma_start3A_247 = arith.constant 0 : i32
    %dma_start3A_248 = arith.constant 0 : i32
    %dma_start3A_249 = tpu.memref_slice %arg1[%dma_start3A_246, %dma_start3A_247, %dma_start3A_248] : memref<50x64x16384xf32, #tpu.memory_space<any>> -> memref<1x64x8192xf32, #tpu.memory_space<any>>
    %dma_start3A_250 = tpu.memref_squeeze %dma_start3A_249 : memref<1x64x8192xf32, #tpu.memory_space<any>> -> memref<64x8192xf32, #tpu.memory_space<any>>
    %dma_start3A_251 = arith.constant 0 : i32
    %dma_start3A_252 = arith.constant 0 : i32
    %dma_start3A_253 = tpu.memref_slice %arg5[%dma_start3A_251, %dma_start3A_252] : memref<128x8192xf32, #tpu.memory_space<vmem>> -> memref<64x8192xf32, #tpu.memory_space<vmem>>
    tpu.enqueue_dma source(%dma_start3A_253 : memref<64x8192xf32, #tpu.memory_space<vmem>>) target(%dma_start3A_250 : memref<64x8192xf32, #tpu.memory_space<any>>) target_semaphore(%arg10 : memref<!tpu.dma_semaphore, #tpu.memory_space<semaphore_mem>>)
    %dma_start3A_254 = arith.constant 5 : i32
    %dma_start3A_255 = arith.constant 0 : i32
    %dma_start3A_256 = arith.constant 8192 : i32
    %dma_start3A_257 = tpu.memref_slice %arg1[%dma_start3A_254, %dma_start3A_255, %dma_start3A_256] : memref<50x64x16384xf32, #tpu.memory_space<any>> -> memref<1x64x8192xf32, #tpu.memory_space<any>>
    %dma_start3A_258 = tpu.memref_squeeze %dma_start3A_257 : memref<1x64x8192xf32, #tpu.memory_space<any>> -> memref<64x8192xf32, #tpu.memory_space<any>>
    %dma_start3A_259 = arith.constant 64 : i32
    %dma_start3A_260 = arith.constant 0 : i32
    %dma_start3A_261 = tpu.memref_slice %arg5[%dma_start3A_259, %dma_start3A_260] : memref<128x8192xf32, #tpu.memory_space<vmem>> -> memref<64x8192xf32, #tpu.memory_space<vmem>>
    tpu.enqueue_dma source(%dma_start3A_261 : memref<64x8192xf32, #tpu.memory_space<vmem>>) target(%dma_start3A_258 : memref<64x8192xf32, #tpu.memory_space<any>>) target_semaphore(%arg11 : memref<!tpu.dma_semaphore, #tpu.memory_space<semaphore_mem>>)
    %dma_start3A_262 = arith.constant 7 : i32
    %dma_start3A_263 = arith.constant 0 : i32
    %dma_start3A_264 = arith.constant 0 : i32
    %dma_start3A_265 = tpu.memref_slice %arg0[%dma_start3A_262, %dma_start3A_263, %dma_start3A_264] : memref<50x8192x128xf32, #tpu.memory_space<any>> -> memref<1x8192x128xf32, #tpu.memory_space<any>>
    %dma_start3A_266 = tpu.memref_squeeze %dma_start3A_265 : memref<1x8192x128xf32, #tpu.memory_space<any>> -> memref<8192x128xf32, #tpu.memory_space<any>>
    tpu.enqueue_dma source(%dma_start3A_266 : memref<8192x128xf32, #tpu.memory_space<any>>) target(%arg3 : memref<8192x128xf32, #tpu.memory_space<vmem>>) target_semaphore(%arg7 : memref<!tpu.dma_semaphore, #tpu.memory_space<semaphore_mem>>)
    %dma_wait3A_267 = arith.constant 6 : i32
    %dma_wait3A_268 = arith.constant 0 : i32
    %dma_wait3A_269 = arith.constant 0 : i32
    %dma_wait3A_270 = tpu.memref_slice %arg0[%dma_wait3A_267, %dma_wait3A_268, %dma_wait3A_269] : memref<50x8192x128xf32, #tpu.memory_space<any>> -> memref<1x8192x128xf32, #tpu.memory_space<any>>
    %dma_wait3A_271 = tpu.memref_squeeze %dma_wait3A_270 : memref<1x8192x128xf32, #tpu.memory_space<any>> -> memref<8192x128xf32, #tpu.memory_space<any>>
    tpu.wait_dma2 semaphore(%arg6 : memref<!tpu.dma_semaphore, #tpu.memory_space<semaphore_mem>>) src(%dma_wait3A_271 : memref<8192x128xf32, #tpu.memory_space<any>>) dst(%arg2 : memref<8192x128xf32, #tpu.memory_space<vmem>>)
    %dma_wait3A_272 = arith.constant 4 : i32
    %dma_wait3A_273 = arith.constant 0 : i32
    %dma_wait3A_274 = arith.constant 0 : i32
    %dma_wait3A_275 = tpu.memref_slice %arg1[%dma_wait3A_272, %dma_wait3A_273, %dma_wait3A_274] : memref<50x64x16384xf32, #tpu.memory_space<any>> -> memref<1x64x8192xf32, #tpu.memory_space<any>>
    %dma_wait3A_276 = tpu.memref_squeeze %dma_wait3A_275 : memref<1x64x8192xf32, #tpu.memory_space<any>> -> memref<64x8192xf32, #tpu.memory_space<any>>
    %dma_wait3A_277 = arith.constant 0 : i32
    %dma_wait3A_278 = arith.constant 0 : i32
    %dma_wait3A_279 = tpu.memref_slice %arg4[%dma_wait3A_277, %dma_wait3A_278] : memref<128x8192xf32, #tpu.memory_space<vmem>> -> memref<64x8192xf32, #tpu.memory_space<vmem>>
    tpu.wait_dma2 semaphore(%arg8 : memref<!tpu.dma_semaphore, #tpu.memory_space<semaphore_mem>>) src(%dma_wait3A_279 : memref<64x8192xf32, #tpu.memory_space<vmem>>) dst(%dma_wait3A_276 : memref<64x8192xf32, #tpu.memory_space<any>>)
    %dma_wait3A_280 = arith.constant 4 : i32
    %dma_wait3A_281 = arith.constant 0 : i32
    %dma_wait3A_282 = arith.constant 8192 : i32
    %dma_wait3A_283 = tpu.memref_slice %arg1[%dma_wait3A_280, %dma_wait3A_281, %dma_wait3A_282] : memref<50x64x16384xf32, #tpu.memory_space<any>> -> memref<1x64x8192xf32, #tpu.memory_space<any>>
    %dma_wait3A_284 = tpu.memref_squeeze %dma_wait3A_283 : memref<1x64x8192xf32, #tpu.memory_space<any>> -> memref<64x8192xf32, #tpu.memory_space<any>>
    %dma_wait3A_285 = arith.constant 64 : i32
    %dma_wait3A_286 = arith.constant 0 : i32
    %dma_wait3A_287 = tpu.memref_slice %arg4[%dma_wait3A_285, %dma_wait3A_286] : memref<128x8192xf32, #tpu.memory_space<vmem>> -> memref<64x8192xf32, #tpu.memory_space<vmem>>
    tpu.wait_dma2 semaphore(%arg9 : memref<!tpu.dma_semaphore, #tpu.memory_space<semaphore_mem>>) src(%dma_wait3A_287 : memref<64x8192xf32, #tpu.memory_space<vmem>>) dst(%dma_wait3A_284 : memref<64x8192xf32, #tpu.memory_space<any>>)
    %get3A_288 = arith.constant 0 : index
    %get3A_289 = arith.constant 0 : index
    %get3A_290 = vector.load %arg2[%get3A_288, %get3A_289] : memref<8192x128xf32, #tpu.memory_space<vmem>>, vector<8192x128xf32>
    %transpose3A_291 = tpu.transpose %get3A_290, [1, 0] : vector<8192x128xf32> -> vector<128x8192xf32>
    %swap3A_292 = arith.constant 0 : index
    %swap3A_293 = arith.constant 0 : index
    %swap3A_294 = vector.load %arg4[%swap3A_292, %swap3A_293] : memref<128x8192xf32, #tpu.memory_space<vmem>>, vector<128x8192xf32>
    tpu.vector_store %arg4[%swap3A_292, %swap3A_293], %transpose3A_291 {strides = array<i32>} : memref<128x8192xf32, #tpu.memory_space<vmem>>, vector<128x8192xf32>,
    %dma_start3A_295 = arith.constant 6 : i32
    %dma_start3A_296 = arith.constant 0 : i32
    %dma_start3A_297 = arith.constant 0 : i32
    %dma_start3A_298 = tpu.memref_slice %arg1[%dma_start3A_295, %dma_start3A_296, %dma_start3A_297] : memref<50x64x16384xf32, #tpu.memory_space<any>> -> memref<1x64x8192xf32, #tpu.memory_space<any>>
    %dma_start3A_299 = tpu.memref_squeeze %dma_start3A_298 : memref<1x64x8192xf32, #tpu.memory_space<any>> -> memref<64x8192xf32, #tpu.memory_space<any>>
    %dma_start3A_300 = arith.constant 0 : i32
    %dma_start3A_301 = arith.constant 0 : i32
    %dma_start3A_302 = tpu.memref_slice %arg4[%dma_start3A_300, %dma_start3A_301] : memref<128x8192xf32, #tpu.memory_space<vmem>> -> memref<64x8192xf32, #tpu.memory_space<vmem>>
    tpu.enqueue_dma source(%dma_start3A_302 : memref<64x8192xf32, #tpu.memory_space<vmem>>) target(%dma_start3A_299 : memref<64x8192xf32, #tpu.memory_space<any>>) target_semaphore(%arg8 : memref<!tpu.dma_semaphore, #tpu.memory_space<semaphore_mem>>)
    %dma_start3A_303 = arith.constant 6 : i32
    %dma_start3A_304 = arith.constant 0 : i32
    %dma_start3A_305 = arith.constant 8192 : i32
    %dma_start3A_306 = tpu.memref_slice %arg1[%dma_start3A_303, %dma_start3A_304, %dma_start3A_305] : memref<50x64x16384xf32, #tpu.memory_space<any>> -> memref<1x64x8192xf32, #tpu.memory_space<any>>
    %dma_start3A_307 = tpu.memref_squeeze %dma_start3A_306 : memref<1x64x8192xf32, #tpu.memory_space<any>> -> memref<64x8192xf32, #tpu.memory_space<any>>
    %dma_start3A_308 = arith.constant 64 : i32
    %dma_start3A_309 = arith.constant 0 : i32
    %dma_start3A_310 = tpu.memref_slice %arg4[%dma_start3A_308, %dma_start3A_309] : memref<128x8192xf32, #tpu.memory_space<vmem>> -> memref<64x8192xf32, #tpu.memory_space<vmem>>
    tpu.enqueue_dma source(%dma_start3A_310 : memref<64x8192xf32, #tpu.memory_space<vmem>>) target(%dma_start3A_307 : memref<64x8192xf32, #tpu.memory_space<any>>) target_semaphore(%arg9 : memref<!tpu.dma_semaphore, #tpu.memory_space<semaphore_mem>>)
    %dma_start3A_311 = arith.constant 8 : i32
    %dma_start3A_312 = arith.constant 0 : i32
    %dma_start3A_313 = arith.constant 0 : i32
    %dma_start3A_314 = tpu.memref_slice %arg0[%dma_start3A_311, %dma_start3A_312, %dma_start3A_313] : memref<50x8192x128xf32, #tpu.memory_space<any>> -> memref<1x8192x128xf32, #tpu.memory_space<any>>
    %dma_start3A_315 = tpu.memref_squeeze %dma_start3A_314 : memref<1x8192x128xf32, #tpu.memory_space<any>> -> memref<8192x128xf32, #tpu.memory_space<any>>
    tpu.enqueue_dma source(%dma_start3A_315 : memref<8192x128xf32, #tpu.memory_space<any>>) target(%arg2 : memref<8192x128xf32, #tpu.memory_space<vmem>>) target_semaphore(%arg6 : memref<!tpu.dma_semaphore, #tpu.memory_space<semaphore_mem>>)
    %dma_wait3A_316 = arith.constant 7 : i32
    %dma_wait3A_317 = arith.constant 0 : i32
    %dma_wait3A_318 = arith.constant 0 : i32
    %dma_wait3A_319 = tpu.memref_slice %arg0[%dma_wait3A_316, %dma_wait3A_317, %dma_wait3A_318] : memref<50x8192x128xf32, #tpu.memory_space<any>> -> memref<1x8192x128xf32, #tpu.memory_space<any>>
    %dma_wait3A_320 = tpu.memref_squeeze %dma_wait3A_319 : memref<1x8192x128xf32, #tpu.memory_space<any>> -> memref<8192x128xf32, #tpu.memory_space<any>>
    tpu.wait_dma2 semaphore(%arg7 : memref<!tpu.dma_semaphore, #tpu.memory_space<semaphore_mem>>) src(%dma_wait3A_320 : memref<8192x128xf32, #tpu.memory_space<any>>) dst(%arg3 : memref<8192x128xf32, #tpu.memory_space<vmem>>)
    %dma_wait3A_321 = arith.constant 5 : i32
    %dma_wait3A_322 = arith.constant 0 : i32
    %dma_wait3A_323 = arith.constant 0 : i32
    %dma_wait3A_324 = tpu.memref_slice %arg1[%dma_wait3A_321, %dma_wait3A_322, %dma_wait3A_323] : memref<50x64x16384xf32, #tpu.memory_space<any>> -> memref<1x64x8192xf32, #tpu.memory_space<any>>
    %dma_wait3A_325 = tpu.memref_squeeze %dma_wait3A_324 : memref<1x64x8192xf32, #tpu.memory_space<any>> -> memref<64x8192xf32, #tpu.memory_space<any>>
    %dma_wait3A_326 = arith.constant 0 : i32
    %dma_wait3A_327 = arith.constant 0 : i32
    %dma_wait3A_328 = tpu.memref_slice %arg5[%dma_wait3A_326, %dma_wait3A_327] : memref<128x8192xf32, #tpu.memory_space<vmem>> -> memref<64x8192xf32, #tpu.memory_space<vmem>>
    tpu.wait_dma2 semaphore(%arg10 : memref<!tpu.dma_semaphore, #tpu.memory_space<semaphore_mem>>) src(%dma_wait3A_328 : memref<64x8192xf32, #tpu.memory_space<vmem>>) dst(%dma_wait3A_325 : memref<64x8192xf32, #tpu.memory_space<any>>)
    %dma_wait3A_329 = arith.constant 5 : i32
    %dma_wait3A_330 = arith.constant 0 : i32
    %dma_wait3A_331 = arith.constant 8192 : i32
    %dma_wait3A_332 = tpu.memref_slice %arg1[%dma_wait3A_329, %dma_wait3A_330, %dma_wait3A_331] : memref<50x64x16384xf32, #tpu.memory_space<any>> -> memref<1x64x8192xf32, #tpu.memory_space<any>>
    %dma_wait3A_333 = tpu.memref_squeeze %dma_wait3A_332 : memref<1x64x8192xf32, #tpu.memory_space<any>> -> memref<64x8192xf32, #tpu.memory_space<any>>
    %dma_wait3A_334 = arith.constant 64 : i32
    %dma_wait3A_335 = arith.constant 0 : i32
    %dma_wait3A_336 = tpu.memref_slice %arg5[%dma_wait3A_334, %dma_wait3A_335] : memref<128x8192xf32, #tpu.memory_space<vmem>> -> memref<64x8192xf32, #tpu.memory_space<vmem>>
    tpu.wait_dma2 semaphore(%arg11 : memref<!tpu.dma_semaphore, #tpu.memory_space<semaphore_mem>>) src(%dma_wait3A_336 : memref<64x8192xf32, #tpu.memory_space<vmem>>) dst(%dma_wait3A_333 : memref<64x8192xf32, #tpu.memory_space<any>>)
    %get3A_337 = arith.constant 0 : index
    %get3A_338 = arith.constant 0 : index
    %get3A_339 = vector.load %arg3[%get3A_337, %get3A_338] : memref<8192x128xf32, #tpu.memory_space<vmem>>, vector<8192x128xf32>
    %transpose3A_340 = tpu.transpose %get3A_339, [1, 0] : vector<8192x128xf32> -> vector<128x8192xf32>
    %swap3A_341 = arith.constant 0 : index
    %swap3A_342 = arith.constant 0 : index
    %swap3A_343 = vector.load %arg5[%swap3A_341, %swap3A_342] : memref<128x8192xf32, #tpu.memory_space<vmem>>, vector<128x8192xf32>
    tpu.vector_store %arg5[%swap3A_341, %swap3A_342], %transpose3A_340 {strides = array<i32>} : memref<128x8192xf32, #tpu.memory_space<vmem>>, vector<128x8192xf32>,
    %dma_start3A_344 = arith.constant 7 : i32
    %dma_start3A_345 = arith.constant 0 : i32
    %dma_start3A_346 = arith.constant 0 : i32
    %dma_start3A_347 = tpu.memref_slice %arg1[%dma_start3A_344, %dma_start3A_345, %dma_start3A_346] : memref<50x64x16384xf32, #tpu.memory_space<any>> -> memref<1x64x8192xf32, #tpu.memory_space<any>>
    %dma_start3A_348 = tpu.memref_squeeze %dma_start3A_347 : memref<1x64x8192xf32, #tpu.memory_space<any>> -> memref<64x8192xf32, #tpu.memory_space<any>>
    %dma_start3A_349 = arith.constant 0 : i32
    %dma_start3A_350 = arith.constant 0 : i32
    %dma_start3A_351 = tpu.memref_slice %arg5[%dma_start3A_349, %dma_start3A_350] : memref<128x8192xf32, #tpu.memory_space<vmem>> -> memref<64x8192xf32, #tpu.memory_space<vmem>>
    tpu.enqueue_dma source(%dma_start3A_351 : memref<64x8192xf32, #tpu.memory_space<vmem>>) target(%dma_start3A_348 : memref<64x8192xf32, #tpu.memory_space<any>>) target_semaphore(%arg10 : memref<!tpu.dma_semaphore, #tpu.memory_space<semaphore_mem>>)
    %dma_start3A_352 = arith.constant 7 : i32
    %dma_start3A_353 = arith.constant 0 : i32
    %dma_start3A_354 = arith.constant 8192 : i32
    %dma_start3A_355 = tpu.memref_slice %arg1[%dma_start3A_352, %dma_start3A_353, %dma_start3A_354] : memref<50x64x16384xf32, #tpu.memory_space<any>> -> memref<1x64x8192xf32, #tpu.memory_space<any>>
    %dma_start3A_356 = tpu.memref_squeeze %dma_start3A_355 : memref<1x64x8192xf32, #tpu.memory_space<any>> -> memref<64x8192xf32, #tpu.memory_space<any>>
    %dma_start3A_357 = arith.constant 64 : i32
    %dma_start3A_358 = arith.constant 0 : i32
    %dma_start3A_359 = tpu.memref_slice %arg5[%dma_start3A_357, %dma_start3A_358] : memref<128x8192xf32, #tpu.memory_space<vmem>> -> memref<64x8192xf32, #tpu.memory_space<vmem>>
    tpu.enqueue_dma source(%dma_start3A_359 : memref<64x8192xf32, #tpu.memory_space<vmem>>) target(%dma_start3A_356 : memref<64x8192xf32, #tpu.memory_space<any>>) target_semaphore(%arg11 : memref<!tpu.dma_semaphore, #tpu.memory_space<semaphore_mem>>)
    %dma_start3A_360 = arith.constant 9 : i32
    %dma_start3A_361 = arith.constant 0 : i32
    %dma_start3A_362 = arith.constant 0 : i32
    %dma_start3A_363 = tpu.memref_slice %arg0[%dma_start3A_360, %dma_start3A_361, %dma_start3A_362] : memref<50x8192x128xf32, #tpu.memory_space<any>> -> memref<1x8192x128xf32, #tpu.memory_space<any>>
    %dma_start3A_364 = tpu.memref_squeeze %dma_start3A_363 : memref<1x8192x128xf32, #tpu.memory_space<any>> -> memref<8192x128xf32, #tpu.memory_space<any>>
    tpu.enqueue_dma source(%dma_start3A_364 : memref<8192x128xf32, #tpu.memory_space<any>>) target(%arg3 : memref<8192x128xf32, #tpu.memory_space<vmem>>) target_semaphore(%arg7 : memref<!tpu.dma_semaphore, #tpu.memory_space<semaphore_mem>>)
    %dma_wait3A_365 = arith.constant 8 : i32
    %dma_wait3A_366 = arith.constant 0 : i32
    %dma_wait3A_367 = arith.constant 0 : i32
    %dma_wait3A_368 = tpu.memref_slice %arg0[%dma_wait3A_365, %dma_wait3A_366, %dma_wait3A_367] : memref<50x8192x128xf32, #tpu.memory_space<any>> -> memref<1x8192x128xf32, #tpu.memory_space<any>>
    %dma_wait3A_369 = tpu.memref_squeeze %dma_wait3A_368 : memref<1x8192x128xf32, #tpu.memory_space<any>> -> memref<8192x128xf32, #tpu.memory_space<any>>
    tpu.wait_dma2 semaphore(%arg6 : memref<!tpu.dma_semaphore, #tpu.memory_space<semaphore_mem>>) src(%dma_wait3A_369 : memref<8192x128xf32, #tpu.memory_space<any>>) dst(%arg2 : memref<8192x128xf32, #tpu.memory_space<vmem>>)
    %dma_wait3A_370 = arith.constant 6 : i32
    %dma_wait3A_371 = arith.constant 0 : i32
    %dma_wait3A_372 = arith.constant 0 : i32
    %dma_wait3A_373 = tpu.memref_slice %arg1[%dma_wait3A_370, %dma_wait3A_371, %dma_wait3A_372] : memref<50x64x16384xf32, #tpu.memory_space<any>> -> memref<1x64x8192xf32, #tpu.memory_space<any>>
    %dma_wait3A_374 = tpu.memref_squeeze %dma_wait3A_373 : memref<1x64x8192xf32, #tpu.memory_space<any>> -> memref<64x8192xf32, #tpu.memory_space<any>>
    %dma_wait3A_375 = arith.constant 0 : i32
    %dma_wait3A_376 = arith.constant 0 : i32
    %dma_wait3A_377 = tpu.memref_slice %arg4[%dma_wait3A_375, %dma_wait3A_376] : memref<128x8192xf32, #tpu.memory_space<vmem>> -> memref<64x8192xf32, #tpu.memory_space<vmem>>
    tpu.wait_dma2 semaphore(%arg8 : memref<!tpu.dma_semaphore, #tpu.memory_space<semaphore_mem>>) src(%dma_wait3A_377 : memref<64x8192xf32, #tpu.memory_space<vmem>>) dst(%dma_wait3A_374 : memref<64x8192xf32, #tpu.memory_space<any>>)
    %dma_wait3A_378 = arith.constant 6 : i32
    %dma_wait3A_379 = arith.constant 0 : i32
    %dma_wait3A_380 = arith.constant 8192 : i32
    %dma_wait3A_381 = tpu.memref_slice %arg1[%dma_wait3A_378, %dma_wait3A_379, %dma_wait3A_380] : memref<50x64x16384xf32, #tpu.memory_space<any>> -> memref<1x64x8192xf32, #tpu.memory_space<any>>
    %dma_wait3A_382 = tpu.memref_squeeze %dma_wait3A_381 : memref<1x64x8192xf32, #tpu.memory_space<any>> -> memref<64x8192xf32, #tpu.memory_space<any>>
    %dma_wait3A_383 = arith.constant 64 : i32
    %dma_wait3A_384 = arith.constant 0 : i32
    %dma_wait3A_385 = tpu.memref_slice %arg4[%dma_wait3A_383, %dma_wait3A_384] : memref<128x8192xf32, #tpu.memory_space<vmem>> -> memref<64x8192xf32, #tpu.memory_space<vmem>>
    tpu.wait_dma2 semaphore(%arg9 : memref<!tpu.dma_semaphore, #tpu.memory_space<semaphore_mem>>) src(%dma_wait3A_385 : memref<64x8192xf32, #tpu.memory_space<vmem>>) dst(%dma_wait3A_382 : memref<64x8192xf32, #tpu.memory_space<any>>)
    %get3A_386 = arith.constant 0 : index
    %get3A_387 = arith.constant 0 : index
    %get3A_388 = vector.load %arg2[%get3A_386, %get3A_387] : memref<8192x128xf32, #tpu.memory_space<vmem>>, vector<8192x128xf32>
    %transpose3A_389 = tpu.transpose %get3A_388, [1, 0] : vector<8192x128xf32> -> vector<128x8192xf32>
    %swap3A_390 = arith.constant 0 : index
    %swap3A_391 = arith.constant 0 : index
    %swap3A_392 = vector.load %arg4[%swap3A_390, %swap3A_391] : memref<128x8192xf32, #tpu.memory_space<vmem>>, vector<128x8192xf32>
    tpu.vector_store %arg4[%swap3A_390, %swap3A_391], %transpose3A_389 {strides = array<i32>} : memref<128x8192xf32, #tpu.memory_space<vmem>>, vector<128x8192xf32>,
    %dma_start3A_393 = arith.constant 8 : i32
    %dma_start3A_394 = arith.constant 0 : i32
    %dma_start3A_395 = arith.constant 0 : i32
    %dma_start3A_396 = tpu.memref_slice %arg1[%dma_start3A_393, %dma_start3A_394, %dma_start3A_395] : memref<50x64x16384xf32, #tpu.memory_space<any>> -> memref<1x64x8192xf32, #tpu.memory_space<any>>
    %dma_start3A_397 = tpu.memref_squeeze %dma_start3A_396 : memref<1x64x8192xf32, #tpu.memory_space<any>> -> memref<64x8192xf32, #tpu.memory_space<any>>
    %dma_start3A_398 = arith.constant 0 : i32
    %dma_start3A_399 = arith.constant 0 : i32
    %dma_start3A_400 = tpu.memref_slice %arg4[%dma_start3A_398, %dma_start3A_399] : memref<128x8192xf32, #tpu.memory_space<vmem>> -> memref<64x8192xf32, #tpu.memory_space<vmem>>
    tpu.enqueue_dma source(%dma_start3A_400 : memref<64x8192xf32, #tpu.memory_space<vmem>>) target(%dma_start3A_397 : memref<64x8192xf32, #tpu.memory_space<any>>) target_semaphore(%arg8 : memref<!tpu.dma_semaphore, #tpu.memory_space<semaphore_mem>>)
    %dma_start3A_401 = arith.constant 8 : i32
    %dma_start3A_402 = arith.constant 0 : i32
    %dma_start3A_403 = arith.constant 8192 : i32
    %dma_start3A_404 = tpu.memref_slice %arg1[%dma_start3A_401, %dma_start3A_402, %dma_start3A_403] : memref<50x64x16384xf32, #tpu.memory_space<any>> -> memref<1x64x8192xf32, #tpu.memory_space<any>>
    %dma_start3A_405 = tpu.memref_squeeze %dma_start3A_404 : memref<1x64x8192xf32, #tpu.memory_space<any>> -> memref<64x8192xf32, #tpu.memory_space<any>>
    %dma_start3A_406 = arith.constant 64 : i32
    %dma_start3A_407 = arith.constant 0 : i32
    %dma_start3A_408 = tpu.memref_slice %arg4[%dma_start3A_406, %dma_start3A_407] : memref<128x8192xf32, #tpu.memory_space<vmem>> -> memref<64x8192xf32, #tpu.memory_space<vmem>>
    tpu.enqueue_dma source(%dma_start3A_408 : memref<64x8192xf32, #tpu.memory_space<vmem>>) target(%dma_start3A_405 : memref<64x8192xf32, #tpu.memory_space<any>>) target_semaphore(%arg9 : memref<!tpu.dma_semaphore, #tpu.memory_space<semaphore_mem>>)
    %dma_start3A_409 = arith.constant 10 : i32
    %dma_start3A_410 = arith.constant 0 : i32
    %dma_start3A_411 = arith.constant 0 : i32
    %dma_start3A_412 = tpu.memref_slice %arg0[%dma_start3A_409, %dma_start3A_410, %dma_start3A_411] : memref<50x8192x128xf32, #tpu.memory_space<any>> -> memref<1x8192x128xf32, #tpu.memory_space<any>>
    %dma_start3A_413 = tpu.memref_squeeze %dma_start3A_412 : memref<1x8192x128xf32, #tpu.memory_space<any>> -> memref<8192x128xf32, #tpu.memory_space<any>>
    tpu.enqueue_dma source(%dma_start3A_413 : memref<8192x128xf32, #tpu.memory_space<any>>) target(%arg2 : memref<8192x128xf32, #tpu.memory_space<vmem>>) target_semaphore(%arg6 : memref<!tpu.dma_semaphore, #tpu.memory_space<semaphore_mem>>)
    %dma_wait3A_414 = arith.constant 9 : i32
    %dma_wait3A_415 = arith.constant 0 : i32
    %dma_wait3A_416 = arith.constant 0 : i32
    %dma_wait3A_417 = tpu.memref_slice %arg0[%dma_wait3A_414, %dma_wait3A_415, %dma_wait3A_416] : memref<50x8192x128xf32, #tpu.memory_space<any>> -> memref<1x8192x128xf32, #tpu.memory_space<any>>
    %dma_wait3A_418 = tpu.memref_squeeze %dma_wait3A_417 : memref<1x8192x128xf32, #tpu.memory_space<any>> -> memref<8192x128xf32, #tpu.memory_space<any>>
    tpu.wait_dma2 semaphore(%arg7 : memref<!tpu.dma_semaphore, #tpu.memory_space<semaphore_mem>>) src(%dma_wait3A_418 : memref<8192x128xf32, #tpu.memory_space<any>>) dst(%arg3 : memref<8192x128xf32, #tpu.memory_space<vmem>>)
    %dma_wait3A_419 = arith.constant 7 : i32
    %dma_wait3A_420 = arith.constant 0 : i32
    %dma_wait3A_421 = arith.constant 0 : i32
    %dma_wait3A_422 = tpu.memref_slice %arg1[%dma_wait3A_419, %dma_wait3A_420, %dma_wait3A_421] : memref<50x64x16384xf32, #tpu.memory_space<any>> -> memref<1x64x8192xf32, #tpu.memory_space<any>>
    %dma_wait3A_423 = tpu.memref_squeeze %dma_wait3A_422 : memref<1x64x8192xf32, #tpu.memory_space<any>> -> memref<64x8192xf32, #tpu.memory_space<any>>
    %dma_wait3A_424 = arith.constant 0 : i32
    %dma_wait3A_425 = arith.constant 0 : i32
    %dma_wait3A_426 = tpu.memref_slice %arg5[%dma_wait3A_424, %dma_wait3A_425] : memref<128x8192xf32, #tpu.memory_space<vmem>> -> memref<64x8192xf32, #tpu.memory_space<vmem>>
    tpu.wait_dma2 semaphore(%arg10 : memref<!tpu.dma_semaphore, #tpu.memory_space<semaphore_mem>>) src(%dma_wait3A_426 : memref<64x8192xf32, #tpu.memory_space<vmem>>) dst(%dma_wait3A_423 : memref<64x8192xf32, #tpu.memory_space<any>>)
    %dma_wait3A_427 = arith.constant 7 : i32
    %dma_wait3A_428 = arith.constant 0 : i32
    %dma_wait3A_429 = arith.constant 8192 : i32
    %dma_wait3A_430 = tpu.memref_slice %arg1[%dma_wait3A_427, %dma_wait3A_428, %dma_wait3A_429] : memref<50x64x16384xf32, #tpu.memory_space<any>> -> memref<1x64x8192xf32, #tpu.memory_space<any>>
    %dma_wait3A_431 = tpu.memref_squeeze %dma_wait3A_430 : memref<1x64x8192xf32, #tpu.memory_space<any>> -> memref<64x8192xf32, #tpu.memory_space<any>>
    %dma_wait3A_432 = arith.constant 64 : i32
    %dma_wait3A_433 = arith.constant 0 : i32
    %dma_wait3A_434 = tpu.memref_slice %arg5[%dma_wait3A_432, %dma_wait3A_433] : memref<128x8192xf32, #tpu.memory_space<vmem>> -> memref<64x8192xf32, #tpu.memory_space<vmem>>
    tpu.wait_dma2 semaphore(%arg11 : memref<!tpu.dma_semaphore, #tpu.memory_space<semaphore_mem>>) src(%dma_wait3A_434 : memref<64x8192xf32, #tpu.memory_space<vmem>>) dst(%dma_wait3A_431 : memref<64x8192xf32, #tpu.memory_space<any>>)
    %get3A_435 = arith.constant 0 : index
    %get3A_436 = arith.constant 0 : index
    %get3A_437 = vector.load %arg3[%get3A_435, %get3A_436] : memref<8192x128xf32, #tpu.memory_space<vmem>>, vector<8192x128xf32>
    %transpose3A_438 = tpu.transpose %get3A_437, [1, 0] : vector<8192x128xf32> -> vector<128x8192xf32>
    %swap3A_439 = arith.constant 0 : index
    %swap3A_440 = arith.constant 0 : index
    %swap3A_441 = vector.load %arg5[%swap3A_439, %swap3A_440] : memref<128x8192xf32, #tpu.memory_space<vmem>>, vector<128x8192xf32>
    tpu.vector_store %arg5[%swap3A_439, %swap3A_440], %transpose3A_438 {strides = array<i32>} : memref<128x8192xf32, #tpu.memory_space<vmem>>, vector<128x8192xf32>,
    %dma_start3A_442 = arith.constant 9 : i32
    %dma_start3A_443 = arith.constant 0 : i32
    %dma_start3A_444 = arith.constant 0 : i32
    %dma_start3A_445 = tpu.memref_slice %arg1[%dma_start3A_442, %dma_start3A_443, %dma_start3A_444] : memref<50x64x16384xf32, #tpu.memory_space<any>> -> memref<1x64x8192xf32, #tpu.memory_space<any>>
    %dma_start3A_446 = tpu.memref_squeeze %dma_start3A_445 : memref<1x64x8192xf32, #tpu.memory_space<any>> -> memref<64x8192xf32, #tpu.memory_space<any>>
    %dma_start3A_447 = arith.constant 0 : i32
    %dma_start3A_448 = arith.constant 0 : i32
    %dma_start3A_449 = tpu.memref_slice %arg5[%dma_start3A_447, %dma_start3A_448] : memref<128x8192xf32, #tpu.memory_space<vmem>> -> memref<64x8192xf32, #tpu.memory_space<vmem>>
    tpu.enqueue_dma source(%dma_start3A_449 : memref<64x8192xf32, #tpu.memory_space<vmem>>) target(%dma_start3A_446 : memref<64x8192xf32, #tpu.memory_space<any>>) target_semaphore(%arg10 : memref<!tpu.dma_semaphore, #tpu.memory_space<semaphore_mem>>)
    %dma_start3A_450 = arith.constant 9 : i32
    %dma_start3A_451 = arith.constant 0 : i32
    %dma_start3A_452 = arith.constant 8192 : i32
    %dma_start3A_453 = tpu.memref_slice %arg1[%dma_start3A_450, %dma_start3A_451, %dma_start3A_452] : memref<50x64x16384xf32, #tpu.memory_space<any>> -> memref<1x64x8192xf32, #tpu.memory_space<any>>
    %dma_start3A_454 = tpu.memref_squeeze %dma_start3A_453 : memref<1x64x8192xf32, #tpu.memory_space<any>> -> memref<64x8192xf32, #tpu.memory_space<any>>
    %dma_start3A_455 = arith.constant 64 : i32
    %dma_start3A_456 = arith.constant 0 : i32
    %dma_start3A_457 = tpu.memref_slice %arg5[%dma_start3A_455, %dma_start3A_456] : memref<128x8192xf32, #tpu.memory_space<vmem>> -> memref<64x8192xf32, #tpu.memory_space<vmem>>
    tpu.enqueue_dma source(%dma_start3A_457 : memref<64x8192xf32, #tpu.memory_space<vmem>>) target(%dma_start3A_454 : memref<64x8192xf32, #tpu.memory_space<any>>) target_semaphore(%arg11 : memref<!tpu.dma_semaphore, #tpu.memory_space<semaphore_mem>>)
    %dma_start3A_458 = arith.constant 11 : i32
    %dma_start3A_459 = arith.constant 0 : i32
    %dma_start3A_460 = arith.constant 0 : i32
    %dma_start3A_461 = tpu.memref_slice %arg0[%dma_start3A_458, %dma_start3A_459, %dma_start3A_460] : memref<50x8192x128xf32, #tpu.memory_space<any>> -> memref<1x8192x128xf32, #tpu.memory_space<any>>
    %dma_start3A_462 = tpu.memref_squeeze %dma_start3A_461 : memref<1x8192x128xf32, #tpu.memory_space<any>> -> memref<8192x128xf32, #tpu.memory_space<any>>
    tpu.enqueue_dma source(%dma_start3A_462 : memref<8192x128xf32, #tpu.memory_space<any>>) target(%arg3 : memref<8192x128xf32, #tpu.memory_space<vmem>>) target_semaphore(%arg7 : memref<!tpu.dma_semaphore, #tpu.memory_space<semaphore_mem>>)
    %dma_wait3A_463 = arith.constant 10 : i32
    %dma_wait3A_464 = arith.constant 0 : i32
    %dma_wait3A_465 = arith.constant 0 : i32
    %dma_wait3A_466 = tpu.memref_slice %arg0[%dma_wait3A_463, %dma_wait3A_464, %dma_wait3A_465] : memref<50x8192x128xf32, #tpu.memory_space<any>> -> memref<1x8192x128xf32, #tpu.memory_space<any>>
    %dma_wait3A_467 = tpu.memref_squeeze %dma_wait3A_466 : memref<1x8192x128xf32, #tpu.memory_space<any>> -> memref<8192x128xf32, #tpu.memory_space<any>>
    tpu.wait_dma2 semaphore(%arg6 : memref<!tpu.dma_semaphore, #tpu.memory_space<semaphore_mem>>) src(%dma_wait3A_467 : memref<8192x128xf32, #tpu.memory_space<any>>) dst(%arg2 : memref<8192x128xf32, #tpu.memory_space<vmem>>)
    %dma_wait3A_468 = arith.constant 8 : i32
    %dma_wait3A_469 = arith.constant 0 : i32
    %dma_wait3A_470 = arith.constant 0 : i32
    %dma_wait3A_471 = tpu.memref_slice %arg1[%dma_wait3A_468, %dma_wait3A_469, %dma_wait3A_470] : memref<50x64x16384xf32, #tpu.memory_space<any>> -> memref<1x64x8192xf32, #tpu.memory_space<any>>
    %dma_wait3A_472 = tpu.memref_squeeze %dma_wait3A_471 : memref<1x64x8192xf32, #tpu.memory_space<any>> -> memref<64x8192xf32, #tpu.memory_space<any>>
    %dma_wait3A_473 = arith.constant 0 : i32
    %dma_wait3A_474 = arith.constant 0 : i32
    %dma_wait3A_475 = tpu.memref_slice %arg4[%dma_wait3A_473, %dma_wait3A_474] : memref<128x8192xf32, #tpu.memory_space<vmem>> -> memref<64x8192xf32, #tpu.memory_space<vmem>>
    tpu.wait_dma2 semaphore(%arg8 : memref<!tpu.dma_semaphore, #tpu.memory_space<semaphore_mem>>) src(%dma_wait3A_475 : memref<64x8192xf32, #tpu.memory_space<vmem>>) dst(%dma_wait3A_472 : memref<64x8192xf32, #tpu.memory_space<any>>)
    %dma_wait3A_476 = arith.constant 8 : i32
    %dma_wait3A_477 = arith.constant 0 : i32
    %dma_wait3A_478 = arith.constant 8192 : i32
    %dma_wait3A_479 = tpu.memref_slice %arg1[%dma_wait3A_476, %dma_wait3A_477, %dma_wait3A_478] : memref<50x64x16384xf32, #tpu.memory_space<any>> -> memref<1x64x8192xf32, #tpu.memory_space<any>>
    %dma_wait3A_480 = tpu.memref_squeeze %dma_wait3A_479 : memref<1x64x8192xf32, #tpu.memory_space<any>> -> memref<64x8192xf32, #tpu.memory_space<any>>
    %dma_wait3A_481 = arith.constant 64 : i32
    %dma_wait3A_482 = arith.constant 0 : i32
    %dma_wait3A_483 = tpu.memref_slice %arg4[%dma_wait3A_481, %dma_wait3A_482] : memref<128x8192xf32, #tpu.memory_space<vmem>> -> memref<64x8192xf32, #tpu.memory_space<vmem>>
    tpu.wait_dma2 semaphore(%arg9 : memref<!tpu.dma_semaphore, #tpu.memory_space<semaphore_mem>>) src(%dma_wait3A_483 : memref<64x8192xf32, #tpu.memory_space<vmem>>) dst(%dma_wait3A_480 : memref<64x8192xf32, #tpu.memory_space<any>>)
    %get3A_484 = arith.constant 0 : index
    %get3A_485 = arith.constant 0 : index
    %get3A_486 = vector.load %arg2[%get3A_484, %get3A_485] : memref<8192x128xf32, #tpu.memory_space<vmem>>, vector<8192x128xf32>
    %transpose3A_487 = tpu.transpose %get3A_486, [1, 0] : vector<8192x128xf32> -> vector<128x8192xf32>
    %swap3A_488 = arith.constant 0 : index
    %swap3A_489 = arith.constant 0 : index
    %swap3A_490 = vector.load %arg4[%swap3A_488, %swap3A_489] : memref<128x8192xf32, #tpu.memory_space<vmem>>, vector<128x8192xf32>
    tpu.vector_store %arg4[%swap3A_488, %swap3A_489], %transpose3A_487 {strides = array<i32>} : memref<128x8192xf32, #tpu.memory_space<vmem>>, vector<128x8192xf32>,
    %dma_start3A_491 = arith.constant 10 : i32
    %dma_start3A_492 = arith.constant 0 : i32
    %dma_start3A_493 = arith.constant 0 : i32
    %dma_start3A_494 = tpu.memref_slice %arg1[%dma_start3A_491, %dma_start3A_492, %dma_start3A_493] : memref<50x64x16384xf32, #tpu.memory_space<any>> -> memref<1x64x8192xf32, #tpu.memory_space<any>>
    %dma_start3A_495 = tpu.memref_squeeze %dma_start3A_494 : memref<1x64x8192xf32, #tpu.memory_space<any>> -> memref<64x8192xf32, #tpu.memory_space<any>>
    %dma_start3A_496 = arith.constant 0 : i32
    %dma_start3A_497 = arith.constant 0 : i32
    %dma_start3A_498 = tpu.memref_slice %arg4[%dma_start3A_496, %dma_start3A_497] : memref<128x8192xf32, #tpu.memory_space<vmem>> -> memref<64x8192xf32, #tpu.memory_space<vmem>>
    tpu.enqueue_dma source(%dma_start3A_498 : memref<64x8192xf32, #tpu.memory_space<vmem>>) target(%dma_start3A_495 : memref<64x8192xf32, #tpu.memory_space<any>>) target_semaphore(%arg8 : memref<!tpu.dma_semaphore, #tpu.memory_space<semaphore_mem>>)
    %dma_start3A_499 = arith.constant 10 : i32
    %dma_start3A_500 = arith.constant 0 : i32
    %dma_start3A_501 = arith.constant 8192 : i32
    %dma_start3A_502 = tpu.memref_slice %arg1[%dma_start3A_499, %dma_start3A_500, %dma_start3A_501] : memref<50x64x16384xf32, #tpu.memory_space<any>> -> memref<1x64x8192xf32, #tpu.memory_space<any>>
    %dma_start3A_503 = tpu.memref_squeeze %dma_start3A_502 : memref<1x64x8192xf32, #tpu.memory_space<any>> -> memref<64x8192xf32, #tpu.memory_space<any>>
    %dma_start3A_504 = arith.constant 64 : i32
    %dma_start3A_505 = arith.constant 0 : i32
    %dma_start3A_506 = tpu.memref_slice %arg4[%dma_start3A_504, %dma_start3A_505] : memref<128x8192xf32, #tpu.memory_space<vmem>> -> memref<64x8192xf32, #tpu.memory_space<vmem>>
    tpu.enqueue_dma source(%dma_start3A_506 : memref<64x8192xf32, #tpu.memory_space<vmem>>) target(%dma_start3A_503 : memref<64x8192xf32, #tpu.memory_space<any>>) target_semaphore(%arg9 : memref<!tpu.dma_semaphore, #tpu.memory_space<semaphore_mem>>)
    %dma_start3A_507 = arith.constant 12 : i32
    %dma_start3A_508 = arith.constant 0 : i32
    %dma_start3A_509 = arith.constant 0 : i32
    %dma_start3A_510 = tpu.memref_slice %arg0[%dma_start3A_507, %dma_start3A_508, %dma_start3A_509] : memref<50x8192x128xf32, #tpu.memory_space<any>> -> memref<1x8192x128xf32, #tpu.memory_space<any>>
    %dma_start3A_511 = tpu.memref_squeeze %dma_start3A_510 : memref<1x8192x128xf32, #tpu.memory_space<any>> -> memref<8192x128xf32, #tpu.memory_space<any>>
    tpu.enqueue_dma source(%dma_start3A_511 : memref<8192x128xf32, #tpu.memory_space<any>>) target(%arg2 : memref<8192x128xf32, #tpu.memory_space<vmem>>) target_semaphore(%arg6 : memref<!tpu.dma_semaphore, #tpu.memory_space<semaphore_mem>>)
    %dma_wait3A_512 = arith.constant 11 : i32
    %dma_wait3A_513 = arith.constant 0 : i32
    %dma_wait3A_514 = arith.constant 0 : i32
    %dma_wait3A_515 = tpu.memref_slice %arg0[%dma_wait3A_512, %dma_wait3A_513, %dma_wait3A_514] : memref<50x8192x128xf32, #tpu.memory_space<any>> -> memref<1x8192x128xf32, #tpu.memory_space<any>>
    %dma_wait3A_516 = tpu.memref_squeeze %dma_wait3A_515 : memref<1x8192x128xf32, #tpu.memory_space<any>> -> memref<8192x128xf32, #tpu.memory_space<any>>
    tpu.wait_dma2 semaphore(%arg7 : memref<!tpu.dma_semaphore, #tpu.memory_space<semaphore_mem>>) src(%dma_wait3A_516 : memref<8192x128xf32, #tpu.memory_space<any>>) dst(%arg3 : memref<8192x128xf32, #tpu.memory_space<vmem>>)
    %dma_wait3A_517 = arith.constant 9 : i32
    %dma_wait3A_518 = arith.constant 0 : i32
    %dma_wait3A_519 = arith.constant 0 : i32
    %dma_wait3A_520 = tpu.memref_slice %arg1[%dma_wait3A_517, %dma_wait3A_518, %dma_wait3A_519] : memref<50x64x16384xf32, #tpu.memory_space<any>> -> memref<1x64x8192xf32, #tpu.memory_space<any>>
    %dma_wait3A_521 = tpu.memref_squeeze %dma_wait3A_520 : memref<1x64x8192xf32, #tpu.memory_space<any>> -> memref<64x8192xf32, #tpu.memory_space<any>>
    %dma_wait3A_522 = arith.constant 0 : i32
    %dma_wait3A_523 = arith.constant 0 : i32
    %dma_wait3A_524 = tpu.memref_slice %arg5[%dma_wait3A_522, %dma_wait3A_523] : memref<128x8192xf32, #tpu.memory_space<vmem>> -> memref<64x8192xf32, #tpu.memory_space<vmem>>
    tpu.wait_dma2 semaphore(%arg10 : memref<!tpu.dma_semaphore, #tpu.memory_space<semaphore_mem>>) src(%dma_wait3A_524 : memref<64x8192xf32, #tpu.memory_space<vmem>>) dst(%dma_wait3A_521 : memref<64x8192xf32, #tpu.memory_space<any>>)
    %dma_wait3A_525 = arith.constant 9 : i32
    %dma_wait3A_526 = arith.constant 0 : i32
    %dma_wait3A_527 = arith.constant 8192 : i32
    %dma_wait3A_528 = tpu.memref_slice %arg1[%dma_wait3A_525, %dma_wait3A_526, %dma_wait3A_527] : memref<50x64x16384xf32, #tpu.memory_space<any>> -> memref<1x64x8192xf32, #tpu.memory_space<any>>
    %dma_wait3A_529 = tpu.memref_squeeze %dma_wait3A_528 : memref<1x64x8192xf32, #tpu.memory_space<any>> -> memref<64x8192xf32, #tpu.memory_space<any>>
    %dma_wait3A_530 = arith.constant 64 : i32
    %dma_wait3A_531 = arith.constant 0 : i32
    %dma_wait3A_532 = tpu.memref_slice %arg5[%dma_wait3A_530, %dma_wait3A_531] : memref<128x8192xf32, #tpu.memory_space<vmem>> -> memref<64x8192xf32, #tpu.memory_space<vmem>>
    tpu.wait_dma2 semaphore(%arg11 : memref<!tpu.dma_semaphore, #tpu.memory_space<semaphore_mem>>) src(%dma_wait3A_532 : memref<64x8192xf32, #tpu.memory_space<vmem>>) dst(%dma_wait3A_529 : memref<64x8192xf32, #tpu.memory_space<any>>)
    %get3A_533 = arith.constant 0 : index
    %get3A_534 = arith.constant 0 : index
    %get3A_535 = vector.load %arg3[%get3A_533, %get3A_534] : memref<8192x128xf32, #tpu.memory_space<vmem>>, vector<8192x128xf32>
    %transpose3A_536 = tpu.transpose %get3A_535, [1, 0] : vector<8192x128xf32> -> vector<128x8192xf32>
    %swap3A_537 = arith.constant 0 : index
    %swap3A_538 = arith.constant 0 : index
    %swap3A_539 = vector.load %arg5[%swap3A_537, %swap3A_538] : memref<128x8192xf32, #tpu.memory_space<vmem>>, vector<128x8192xf32>
    tpu.vector_store %arg5[%swap3A_537, %swap3A_538], %transpose3A_536 {strides = array<i32>} : memref<128x8192xf32, #tpu.memory_space<vmem>>, vector<128x8192xf32>,
    %dma_start3A_540 = arith.constant 11 : i32
    %dma_start3A_541 = arith.constant 0 : i32
    %dma_start3A_542 = arith.constant 0 : i32
    %dma_start3A_543 = tpu.memref_slice %arg1[%dma_start3A_540, %dma_start3A_541, %dma_start3A_542] : memref<50x64x16384xf32, #tpu.memory_space<any>> -> memref<1x64x8192xf32, #tpu.memory_space<any>>
    %dma_start3A_544 = tpu.memref_squeeze %dma_start3A_543 : memref<1x64x8192xf32, #tpu.memory_space<any>> -> memref<64x8192xf32, #tpu.memory_space<any>>
    %dma_start3A_545 = arith.constant 0 : i32
    %dma_start3A_546 = arith.constant 0 : i32
    %dma_start3A_547 = tpu.memref_slice %arg5[%dma_start3A_545, %dma_start3A_546] : memref<128x8192xf32, #tpu.memory_space<vmem>> -> memref<64x8192xf32, #tpu.memory_space<vmem>>
    tpu.enqueue_dma source(%dma_start3A_547 : memref<64x8192xf32, #tpu.memory_space<vmem>>) target(%dma_start3A_544 : memref<64x8192xf32, #tpu.memory_space<any>>) target_semaphore(%arg10 : memref<!tpu.dma_semaphore, #tpu.memory_space<semaphore_mem>>)
    %dma_start3A_548 = arith.constant 11 : i32
    %dma_start3A_549 = arith.constant 0 : i32
    %dma_start3A_550 = arith.constant 8192 : i32
    %dma_start3A_551 = tpu.memref_slice %arg1[%dma_start3A_548, %dma_start3A_549, %dma_start3A_550] : memref<50x64x16384xf32, #tpu.memory_space<any>> -> memref<1x64x8192xf32, #tpu.memory_space<any>>
    %dma_start3A_552 = tpu.memref_squeeze %dma_start3A_551 : memref<1x64x8192xf32, #tpu.memory_space<any>> -> memref<64x8192xf32, #tpu.memory_space<any>>
    %dma_start3A_553 = arith.constant 64 : i32
    %dma_start3A_554 = arith.constant 0 : i32
    %dma_start3A_555 = tpu.memref_slice %arg5[%dma_start3A_553, %dma_start3A_554] : memref<128x8192xf32, #tpu.memory_space<vmem>> -> memref<64x8192xf32, #tpu.memory_space<vmem>>
    tpu.enqueue_dma source(%dma_start3A_555 : memref<64x8192xf32, #tpu.memory_space<vmem>>) target(%dma_start3A_552 : memref<64x8192xf32, #tpu.memory_space<any>>) target_semaphore(%arg11 : memref<!tpu.dma_semaphore, #tpu.memory_space<semaphore_mem>>)
    %dma_start3A_556 = arith.constant 13 : i32
    %dma_start3A_557 = arith.constant 0 : i32
    %dma_start3A_558 = arith.constant 0 : i32
    %dma_start3A_559 = tpu.memref_slice %arg0[%dma_start3A_556, %dma_start3A_557, %dma_start3A_558] : memref<50x8192x128xf32, #tpu.memory_space<any>> -> memref<1x8192x128xf32, #tpu.memory_space<any>>
    %dma_start3A_560 = tpu.memref_squeeze %dma_start3A_559 : memref<1x8192x128xf32, #tpu.memory_space<any>> -> memref<8192x128xf32, #tpu.memory_space<any>>
    tpu.enqueue_dma source(%dma_start3A_560 : memref<8192x128xf32, #tpu.memory_space<any>>) target(%arg3 : memref<8192x128xf32, #tpu.memory_space<vmem>>) target_semaphore(%arg7 : memref<!tpu.dma_semaphore, #tpu.memory_space<semaphore_mem>>)
    %dma_wait3A_561 = arith.constant 12 : i32
    %dma_wait3A_562 = arith.constant 0 : i32
    %dma_wait3A_563 = arith.constant 0 : i32
    %dma_wait3A_564 = tpu.memref_slice %arg0[%dma_wait3A_561, %dma_wait3A_562, %dma_wait3A_563] : memref<50x8192x128xf32, #tpu.memory_space<any>> -> memref<1x8192x128xf32, #tpu.memory_space<any>>
    %dma_wait3A_565 = tpu.memref_squeeze %dma_wait3A_564 : memref<1x8192x128xf32, #tpu.memory_space<any>> -> memref<8192x128xf32, #tpu.memory_space<any>>
    tpu.wait_dma2 semaphore(%arg6 : memref<!tpu.dma_semaphore, #tpu.memory_space<semaphore_mem>>) src(%dma_wait3A_565 : memref<8192x128xf32, #tpu.memory_space<any>>) dst(%arg2 : memref<8192x128xf32, #tpu.memory_space<vmem>>)
    %dma_wait3A_566 = arith.constant 10 : i32
    %dma_wait3A_567 = arith.constant 0 : i32
    %dma_wait3A_568 = arith.constant 0 : i32
    %dma_wait3A_569 = tpu.memref_slice %arg1[%dma_wait3A_566, %dma_wait3A_567, %dma_wait3A_568] : memref<50x64x16384xf32, #tpu.memory_space<any>> -> memref<1x64x8192xf32, #tpu.memory_space<any>>
    %dma_wait3A_570 = tpu.memref_squeeze %dma_wait3A_569 : memref<1x64x8192xf32, #tpu.memory_space<any>> -> memref<64x8192xf32, #tpu.memory_space<any>>
    %dma_wait3A_571 = arith.constant 0 : i32
    %dma_wait3A_572 = arith.constant 0 : i32
    %dma_wait3A_573 = tpu.memref_slice %arg4[%dma_wait3A_571, %dma_wait3A_572] : memref<128x8192xf32, #tpu.memory_space<vmem>> -> memref<64x8192xf32, #tpu.memory_space<vmem>>
    tpu.wait_dma2 semaphore(%arg8 : memref<!tpu.dma_semaphore, #tpu.memory_space<semaphore_mem>>) src(%dma_wait3A_573 : memref<64x8192xf32, #tpu.memory_space<vmem>>) dst(%dma_wait3A_570 : memref<64x8192xf32, #tpu.memory_space<any>>)
    %dma_wait3A_574 = arith.constant 10 : i32
    %dma_wait3A_575 = arith.constant 0 : i32
    %dma_wait3A_576 = arith.constant 8192 : i32
    %dma_wait3A_577 = tpu.memref_slice %arg1[%dma_wait3A_574, %dma_wait3A_575, %dma_wait3A_576] : memref<50x64x16384xf32, #tpu.memory_space<any>> -> memref<1x64x8192xf32, #tpu.memory_space<any>>
    %dma_wait3A_578 = tpu.memref_squeeze %dma_wait3A_577 : memref<1x64x8192xf32, #tpu.memory_space<any>> -> memref<64x8192xf32, #tpu.memory_space<any>>
    %dma_wait3A_579 = arith.constant 64 : i32
    %dma_wait3A_580 = arith.constant 0 : i32
    %dma_wait3A_581 = tpu.memref_slice %arg4[%dma_wait3A_579, %dma_wait3A_580] : memref<128x8192xf32, #tpu.memory_space<vmem>> -> memref<64x8192xf32, #tpu.memory_space<vmem>>
    tpu.wait_dma2 semaphore(%arg9 : memref<!tpu.dma_semaphore, #tpu.memory_space<semaphore_mem>>) src(%dma_wait3A_581 : memref<64x8192xf32, #tpu.memory_space<vmem>>) dst(%dma_wait3A_578 : memref<64x8192xf32, #tpu.memory_space<any>>)
    %get3A_582 = arith.constant 0 : index
    %get3A_583 = arith.constant 0 : index
    %get3A_584 = vector.load %arg2[%get3A_582, %get3A_583] : memref<8192x128xf32, #tpu.memory_space<vmem>>, vector<8192x128xf32>
    %transpose3A_585 = tpu.transpose %get3A_584, [1, 0] : vector<8192x128xf32> -> vector<128x8192xf32>
    %swap3A_586 = arith.constant 0 : index
    %swap3A_587 = arith.constant 0 : index
    %swap3A_588 = vector.load %arg4[%swap3A_586, %swap3A_587] : memref<128x8192xf32, #tpu.memory_space<vmem>>, vector<128x8192xf32>
    tpu.vector_store %arg4[%swap3A_586, %swap3A_587], %transpose3A_585 {strides = array<i32>} : memref<128x8192xf32, #tpu.memory_space<vmem>>, vector<128x8192xf32>,
    %dma_start3A_589 = arith.constant 12 : i32
    %dma_start3A_590 = arith.constant 0 : i32
    %dma_start3A_591 = arith.constant 0 : i32
    %dma_start3A_592 = tpu.memref_slice %arg1[%dma_start3A_589, %dma_start3A_590, %dma_start3A_591] : memref<50x64x16384xf32, #tpu.memory_space<any>> -> memref<1x64x8192xf32, #tpu.memory_space<any>>
    %dma_start3A_593 = tpu.memref_squeeze %dma_start3A_592 : memref<1x64x8192xf32, #tpu.memory_space<any>> -> memref<64x8192xf32, #tpu.memory_space<any>>
    %dma_start3A_594 = arith.constant 0 : i32
    %dma_start3A_595 = arith.constant 0 : i32
    %dma_start3A_596 = tpu.memref_slice %arg4[%dma_start3A_594, %dma_start3A_595] : memref<128x8192xf32, #tpu.memory_space<vmem>> -> memref<64x8192xf32, #tpu.memory_space<vmem>>
    tpu.enqueue_dma source(%dma_start3A_596 : memref<64x8192xf32, #tpu.memory_space<vmem>>) target(%dma_start3A_593 : memref<64x8192xf32, #tpu.memory_space<any>>) target_semaphore(%arg8 : memref<!tpu.dma_semaphore, #tpu.memory_space<semaphore_mem>>)
    %dma_start3A_597 = arith.constant 12 : i32
    %dma_start3A_598 = arith.constant 0 : i32
    %dma_start3A_599 = arith.constant 8192 : i32
    %dma_start3A_600 = tpu.memref_slice %arg1[%dma_start3A_597, %dma_start3A_598, %dma_start3A_599] : memref<50x64x16384xf32, #tpu.memory_space<any>> -> memref<1x64x8192xf32, #tpu.memory_space<any>>
    %dma_start3A_601 = tpu.memref_squeeze %dma_start3A_600 : memref<1x64x8192xf32, #tpu.memory_space<any>> -> memref<64x8192xf32, #tpu.memory_space<any>>
    %dma_start3A_602 = arith.constant 64 : i32
    %dma_start3A_603 = arith.constant 0 : i32
    %dma_start3A_604 = tpu.memref_slice %arg4[%dma_start3A_602, %dma_start3A_603] : memref<128x8192xf32, #tpu.memory_space<vmem>> -> memref<64x8192xf32, #tpu.memory_space<vmem>>
    tpu.enqueue_dma source(%dma_start3A_604 : memref<64x8192xf32, #tpu.memory_space<vmem>>) target(%dma_start3A_601 : memref<64x8192xf32, #tpu.memory_space<any>>) target_semaphore(%arg9 : memref<!tpu.dma_semaphore, #tpu.memory_space<semaphore_mem>>)
    %dma_start3A_605 = arith.constant 14 : i32
    %dma_start3A_606 = arith.constant 0 : i32
    %dma_start3A_607 = arith.constant 0 : i32
    %dma_start3A_608 = tpu.memref_slice %arg0[%dma_start3A_605, %dma_start3A_606, %dma_start3A_607] : memref<50x8192x128xf32, #tpu.memory_space<any>> -> memref<1x8192x128xf32, #tpu.memory_space<any>>
    %dma_start3A_609 = tpu.memref_squeeze %dma_start3A_608 : memref<1x8192x128xf32, #tpu.memory_space<any>> -> memref<8192x128xf32, #tpu.memory_space<any>>
    tpu.enqueue_dma source(%dma_start3A_609 : memref<8192x128xf32, #tpu.memory_space<any>>) target(%arg2 : memref<8192x128xf32, #tpu.memory_space<vmem>>) target_semaphore(%arg6 : memref<!tpu.dma_semaphore, #tpu.memory_space<semaphore_mem>>)
    %dma_wait3A_610 = arith.constant 13 : i32
    %dma_wait3A_611 = arith.constant 0 : i32
    %dma_wait3A_612 = arith.constant 0 : i32
    %dma_wait3A_613 = tpu.memref_slice %arg0[%dma_wait3A_610, %dma_wait3A_611, %dma_wait3A_612] : memref<50x8192x128xf32, #tpu.memory_space<any>> -> memref<1x8192x128xf32, #tpu.memory_space<any>>
    %dma_wait3A_614 = tpu.memref_squeeze %dma_wait3A_613 : memref<1x8192x128xf32, #tpu.memory_space<any>> -> memref<8192x128xf32, #tpu.memory_space<any>>
    tpu.wait_dma2 semaphore(%arg7 : memref<!tpu.dma_semaphore, #tpu.memory_space<semaphore_mem>>) src(%dma_wait3A_614 : memref<8192x128xf32, #tpu.memory_space<any>>) dst(%arg3 : memref<8192x128xf32, #tpu.memory_space<vmem>>)
    %dma_wait3A_615 = arith.constant 11 : i32
    %dma_wait3A_616 = arith.constant 0 : i32
    %dma_wait3A_617 = arith.constant 0 : i32
    %dma_wait3A_618 = tpu.memref_slice %arg1[%dma_wait3A_615, %dma_wait3A_616, %dma_wait3A_617] : memref<50x64x16384xf32, #tpu.memory_space<any>> -> memref<1x64x8192xf32, #tpu.memory_space<any>>
    %dma_wait3A_619 = tpu.memref_squeeze %dma_wait3A_618 : memref<1x64x8192xf32, #tpu.memory_space<any>> -> memref<64x8192xf32, #tpu.memory_space<any>>
    %dma_wait3A_620 = arith.constant 0 : i32
    %dma_wait3A_621 = arith.constant 0 : i32
    %dma_wait3A_622 = tpu.memref_slice %arg5[%dma_wait3A_620, %dma_wait3A_621] : memref<128x8192xf32, #tpu.memory_space<vmem>> -> memref<64x8192xf32, #tpu.memory_space<vmem>>
    tpu.wait_dma2 semaphore(%arg10 : memref<!tpu.dma_semaphore, #tpu.memory_space<semaphore_mem>>) src(%dma_wait3A_622 : memref<64x8192xf32, #tpu.memory_space<vmem>>) dst(%dma_wait3A_619 : memref<64x8192xf32, #tpu.memory_space<any>>)
    %dma_wait3A_623 = arith.constant 11 : i32
    %dma_wait3A_624 = arith.constant 0 : i32
    %dma_wait3A_625 = arith.constant 8192 : i32
    %dma_wait3A_626 = tpu.memref_slice %arg1[%dma_wait3A_623, %dma_wait3A_624, %dma_wait3A_625] : memref<50x64x16384xf32, #tpu.memory_space<any>> -> memref<1x64x8192xf32, #tpu.memory_space<any>>
    %dma_wait3A_627 = tpu.memref_squeeze %dma_wait3A_626 : memref<1x64x8192xf32, #tpu.memory_space<any>> -> memref<64x8192xf32, #tpu.memory_space<any>>
    %dma_wait3A_628 = arith.constant 64 : i32
    %dma_wait3A_629 = arith.constant 0 : i32
    %dma_wait3A_630 = tpu.memref_slice %arg5[%dma_wait3A_628, %dma_wait3A_629] : memref<128x8192xf32, #tpu.memory_space<vmem>> -> memref<64x8192xf32, #tpu.memory_space<vmem>>
    tpu.wait_dma2 semaphore(%arg11 : memref<!tpu.dma_semaphore, #tpu.memory_space<semaphore_mem>>) src(%dma_wait3A_630 : memref<64x8192xf32, #tpu.memory_space<vmem>>) dst(%dma_wait3A_627 : memref<64x8192xf32, #tpu.memory_space<any>>)
    %get3A_631 = arith.constant 0 : index
    %get3A_632 = arith.constant 0 : index
    %get3A_633 = vector.load %arg3[%get3A_631, %get3A_632] : memref<8192x128xf32, #tpu.memory_space<vmem>>, vector<8192x128xf32>
    %transpose3A_634 = tpu.transpose %get3A_633, [1, 0] : vector<8192x128xf32> -> vector<128x8192xf32>
    %swap3A_635 = arith.constant 0 : index
    %swap3A_636 = arith.constant 0 : index
    %swap3A_637 = vector.load %arg5[%swap3A_635, %swap3A_636] : memref<128x8192xf32, #tpu.memory_space<vmem>>, vector<128x8192xf32>
    tpu.vector_store %arg5[%swap3A_635, %swap3A_636], %transpose3A_634 {strides = array<i32>} : memref<128x8192xf32, #tpu.memory_space<vmem>>, vector<128x8192xf32>,
    %dma_start3A_638 = arith.constant 13 : i32
    %dma_start3A_639 = arith.constant 0 : i32
    %dma_start3A_640 = arith.constant 0 : i32
    %dma_start3A_641 = tpu.memref_slice %arg1[%dma_start3A_638, %dma_start3A_639, %dma_start3A_640] : memref<50x64x16384xf32, #tpu.memory_space<any>> -> memref<1x64x8192xf32, #tpu.memory_space<any>>
    %dma_start3A_642 = tpu.memref_squeeze %dma_start3A_641 : memref<1x64x8192xf32, #tpu.memory_space<any>> -> memref<64x8192xf32, #tpu.memory_space<any>>
    %dma_start3A_643 = arith.constant 0 : i32
    %dma_start3A_644 = arith.constant 0 : i32
    %dma_start3A_645 = tpu.memref_slice %arg5[%dma_start3A_643, %dma_start3A_644] : memref<128x8192xf32, #tpu.memory_space<vmem>> -> memref<64x8192xf32, #tpu.memory_space<vmem>>
    tpu.enqueue_dma source(%dma_start3A_645 : memref<64x8192xf32, #tpu.memory_space<vmem>>) target(%dma_start3A_642 : memref<64x8192xf32, #tpu.memory_space<any>>) target_semaphore(%arg10 : memref<!tpu.dma_semaphore, #tpu.memory_space<semaphore_mem>>)
    %dma_start3A_646 = arith.constant 13 : i32
    %dma_start3A_647 = arith.constant 0 : i32
    %dma_start3A_648 = arith.constant 8192 : i32
    %dma_start3A_649 = tpu.memref_slice %arg1[%dma_start3A_646, %dma_start3A_647, %dma_start3A_648] : memref<50x64x16384xf32, #tpu.memory_space<any>> -> memref<1x64x8192xf32, #tpu.memory_space<any>>
    %dma_start3A_650 = tpu.memref_squeeze %dma_start3A_649 : memref<1x64x8192xf32, #tpu.memory_space<any>> -> memref<64x8192xf32, #tpu.memory_space<any>>
    %dma_start3A_651 = arith.constant 64 : i32
    %dma_start3A_652 = arith.constant 0 : i32
    %dma_start3A_653 = tpu.memref_slice %arg5[%dma_start3A_651, %dma_start3A_652] : memref<128x8192xf32, #tpu.memory_space<vmem>> -> memref<64x8192xf32, #tpu.memory_space<vmem>>
    tpu.enqueue_dma source(%dma_start3A_653 : memref<64x8192xf32, #tpu.memory_space<vmem>>) target(%dma_start3A_650 : memref<64x8192xf32, #tpu.memory_space<any>>) target_semaphore(%arg11 : memref<!tpu.dma_semaphore, #tpu.memory_space<semaphore_mem>>)
    %dma_start3A_654 = arith.constant 15 : i32
    %dma_start3A_655 = arith.constant 0 : i32
    %dma_start3A_656 = arith.constant 0 : i32
    %dma_start3A_657 = tpu.memref_slice %arg0[%dma_start3A_654, %dma_start3A_655, %dma_start3A_656] : memref<50x8192x128xf32, #tpu.memory_space<any>> -> memref<1x8192x128xf32, #tpu.memory_space<any>>
    %dma_start3A_658 = tpu.memref_squeeze %dma_start3A_657 : memref<1x8192x128xf32, #tpu.memory_space<any>> -> memref<8192x128xf32, #tpu.memory_space<any>>
    tpu.enqueue_dma source(%dma_start3A_658 : memref<8192x128xf32, #tpu.memory_space<any>>) target(%arg3 : memref<8192x128xf32, #tpu.memory_space<vmem>>) target_semaphore(%arg7 : memref<!tpu.dma_semaphore, #tpu.memory_space<semaphore_mem>>)
    %dma_wait3A_659 = arith.constant 14 : i32
    %dma_wait3A_660 = arith.constant 0 : i32
    %dma_wait3A_661 = arith.constant 0 : i32
    %dma_wait3A_662 = tpu.memref_slice %arg0[%dma_wait3A_659, %dma_wait3A_660, %dma_wait3A_661] : memref<50x8192x128xf32, #tpu.memory_space<any>> -> memref<1x8192x128xf32, #tpu.memory_space<any>>
    %dma_wait3A_663 = tpu.memref_squeeze %dma_wait3A_662 : memref<1x8192x128xf32, #tpu.memory_space<any>> -> memref<8192x128xf32, #tpu.memory_space<any>>
    tpu.wait_dma2 semaphore(%arg6 : memref<!tpu.dma_semaphore, #tpu.memory_space<semaphore_mem>>) src(%dma_wait3A_663 : memref<8192x128xf32, #tpu.memory_space<any>>) dst(%arg2 : memref<8192x128xf32, #tpu.memory_space<vmem>>)
    %dma_wait3A_664 = arith.constant 12 : i32
    %dma_wait3A_665 = arith.constant 0 : i32
    %dma_wait3A_666 = arith.constant 0 : i32
    %dma_wait3A_667 = tpu.memref_slice %arg1[%dma_wait3A_664, %dma_wait3A_665, %dma_wait3A_666] : memref<50x64x16384xf32, #tpu.memory_space<any>> -> memref<1x64x8192xf32, #tpu.memory_space<any>>
    %dma_wait3A_668 = tpu.memref_squeeze %dma_wait3A_667 : memref<1x64x8192xf32, #tpu.memory_space<any>> -> memref<64x8192xf32, #tpu.memory_space<any>>
    %dma_wait3A_669 = arith.constant 0 : i32
    %dma_wait3A_670 = arith.constant 0 : i32
    %dma_wait3A_671 = tpu.memref_slice %arg4[%dma_wait3A_669, %dma_wait3A_670] : memref<128x8192xf32, #tpu.memory_space<vmem>> -> memref<64x8192xf32, #tpu.memory_space<vmem>>
    tpu.wait_dma2 semaphore(%arg8 : memref<!tpu.dma_semaphore, #tpu.memory_space<semaphore_mem>>) src(%dma_wait3A_671 : memref<64x8192xf32, #tpu.memory_space<vmem>>) dst(%dma_wait3A_668 : memref<64x8192xf32, #tpu.memory_space<any>>)
    %dma_wait3A_672 = arith.constant 12 : i32
    %dma_wait3A_673 = arith.constant 0 : i32
    %dma_wait3A_674 = arith.constant 8192 : i32
    %dma_wait3A_675 = tpu.memref_slice %arg1[%dma_wait3A_672, %dma_wait3A_673, %dma_wait3A_674] : memref<50x64x16384xf32, #tpu.memory_space<any>> -> memref<1x64x8192xf32, #tpu.memory_space<any>>
    %dma_wait3A_676 = tpu.memref_squeeze %dma_wait3A_675 : memref<1x64x8192xf32, #tpu.memory_space<any>> -> memref<64x8192xf32, #tpu.memory_space<any>>
    %dma_wait3A_677 = arith.constant 64 : i32
    %dma_wait3A_678 = arith.constant 0 : i32
    %dma_wait3A_679 = tpu.memref_slice %arg4[%dma_wait3A_677, %dma_wait3A_678] : memref<128x8192xf32, #tpu.memory_space<vmem>> -> memref<64x8192xf32, #tpu.memory_space<vmem>>
    tpu.wait_dma2 semaphore(%arg9 : memref<!tpu.dma_semaphore, #tpu.memory_space<semaphore_mem>>) src(%dma_wait3A_679 : memref<64x8192xf32, #tpu.memory_space<vmem>>) dst(%dma_wait3A_676 : memref<64x8192xf32, #tpu.memory_space<any>>)
    %get3A_680 = arith.constant 0 : index
    %get3A_681 = arith.constant 0 : index
    %get3A_682 = vector.load %arg2[%get3A_680, %get3A_681] : memref<8192x128xf32, #tpu.memory_space<vmem>>, vector<8192x128xf32>
    %transpose3A_683 = tpu.transpose %get3A_682, [1, 0] : vector<8192x128xf32> -> vector<128x8192xf32>
    %swap3A_684 = arith.constant 0 : index
    %swap3A_685 = arith.constant 0 : index
    %swap3A_686 = vector.load %arg4[%swap3A_684, %swap3A_685] : memref<128x8192xf32, #tpu.memory_space<vmem>>, vector<128x8192xf32>
    tpu.vector_store %arg4[%swap3A_684, %swap3A_685], %transpose3A_683 {strides = array<i32>} : memref<128x8192xf32, #tpu.memory_space<vmem>>, vector<128x8192xf32>,
    %dma_start3A_687 = arith.constant 14 : i32
    %dma_start3A_688 = arith.constant 0 : i32
    %dma_start3A_689 = arith.constant 0 : i32
    %dma_start3A_690 = tpu.memref_slice %arg1[%dma_start3A_687, %dma_start3A_688, %dma_start3A_689] : memref<50x64x16384xf32, #tpu.memory_space<any>> -> memref<1x64x8192xf32, #tpu.memory_space<any>>
    %dma_start3A_691 = tpu.memref_squeeze %dma_start3A_690 : memref<1x64x8192xf32, #tpu.memory_space<any>> -> memref<64x8192xf32, #tpu.memory_space<any>>
    %dma_start3A_692 = arith.constant 0 : i32
    %dma_start3A_693 = arith.constant 0 : i32
    %dma_start3A_694 = tpu.memref_slice %arg4[%dma_start3A_692, %dma_start3A_693] : memref<128x8192xf32, #tpu.memory_space<vmem>> -> memref<64x8192xf32, #tpu.memory_space<vmem>>
    tpu.enqueue_dma source(%dma_start3A_694 : memref<64x8192xf32, #tpu.memory_space<vmem>>) target(%dma_start3A_691 : memref<64x8192xf32, #tpu.memory_space<any>>) target_semaphore(%arg8 : memref<!tpu.dma_semaphore, #tpu.memory_space<semaphore_mem>>)
    %dma_start3A_695 = arith.constant 14 : i32
    %dma_start3A_696 = arith.constant 0 : i32
    %dma_start3A_697 = arith.constant 8192 : i32
    %dma_start3A_698 = tpu.memref_slice %arg1[%dma_start3A_695, %dma_start3A_696, %dma_start3A_697] : memref<50x64x16384xf32, #tpu.memory_space<any>> -> memref<1x64x8192xf32, #tpu.memory_space<any>>
    %dma_start3A_699 = tpu.memref_squeeze %dma_start3A_698 : memref<1x64x8192xf32, #tpu.memory_space<any>> -> memref<64x8192xf32, #tpu.memory_space<any>>
    %dma_start3A_700 = arith.constant 64 : i32
    %dma_start3A_701 = arith.constant 0 : i32
    %dma_start3A_702 = tpu.memref_slice %arg4[%dma_start3A_700, %dma_start3A_701] : memref<128x8192xf32, #tpu.memory_space<vmem>> -> memref<64x8192xf32, #tpu.memory_space<vmem>>
    tpu.enqueue_dma source(%dma_start3A_702 : memref<64x8192xf32, #tpu.memory_space<vmem>>) target(%dma_start3A_699 : memref<64x8192xf32, #tpu.memory_space<any>>) target_semaphore(%arg9 : memref<!tpu.dma_semaphore, #tpu.memory_space<semaphore_mem>>)
    %dma_start3A_703 = arith.constant 16 : i32
    %dma_start3A_704 = arith.constant 0 : i32
    %dma_start3A_705 = arith.constant 0 : i32
    %dma_start3A_706 = tpu.memref_slice %arg0[%dma_start3A_703, %dma_start3A_704, %dma_start3A_705] : memref<50x8192x128xf32, #tpu.memory_space<any>> -> memref<1x8192x128xf32, #tpu.memory_space<any>>
    %dma_start3A_707 = tpu.memref_squeeze %dma_start3A_706 : memref<1x8192x128xf32, #tpu.memory_space<any>> -> memref<8192x128xf32, #tpu.memory_space<any>>
    tpu.enqueue_dma source(%dma_start3A_707 : memref<8192x128xf32, #tpu.memory_space<any>>) target(%arg2 : memref<8192x128xf32, #tpu.memory_space<vmem>>) target_semaphore(%arg6 : memref<!tpu.dma_semaphore, #tpu.memory_space<semaphore_mem>>)
    %dma_wait3A_708 = arith.constant 15 : i32
    %dma_wait3A_709 = arith.constant 0 : i32
    %dma_wait3A_710 = arith.constant 0 : i32
    %dma_wait3A_711 = tpu.memref_slice %arg0[%dma_wait3A_708, %dma_wait3A_709, %dma_wait3A_710] : memref<50x8192x128xf32, #tpu.memory_space<any>> -> memref<1x8192x128xf32, #tpu.memory_space<any>>
    %dma_wait3A_712 = tpu.memref_squeeze %dma_wait3A_711 : memref<1x8192x128xf32, #tpu.memory_space<any>> -> memref<8192x128xf32, #tpu.memory_space<any>>
    tpu.wait_dma2 semaphore(%arg7 : memref<!tpu.dma_semaphore, #tpu.memory_space<semaphore_mem>>) src(%dma_wait3A_712 : memref<8192x128xf32, #tpu.memory_space<any>>) dst(%arg3 : memref<8192x128xf32, #tpu.memory_space<vmem>>)
    %dma_wait3A_713 = arith.constant 13 : i32
    %dma_wait3A_714 = arith.constant 0 : i32
    %dma_wait3A_715 = arith.constant 0 : i32
    %dma_wait3A_716 = tpu.memref_slice %arg1[%dma_wait3A_713, %dma_wait3A_714, %dma_wait3A_715] : memref<50x64x16384xf32, #tpu.memory_space<any>> -> memref<1x64x8192xf32, #tpu.memory_space<any>>
    %dma_wait3A_717 = tpu.memref_squeeze %dma_wait3A_716 : memref<1x64x8192xf32, #tpu.memory_space<any>> -> memref<64x8192xf32, #tpu.memory_space<any>>
    %dma_wait3A_718 = arith.constant 0 : i32
    %dma_wait3A_719 = arith.constant 0 : i32
    %dma_wait3A_720 = tpu.memref_slice %arg5[%dma_wait3A_718, %dma_wait3A_719] : memref<128x8192xf32, #tpu.memory_space<vmem>> -> memref<64x8192xf32, #tpu.memory_space<vmem>>
    tpu.wait_dma2 semaphore(%arg10 : memref<!tpu.dma_semaphore, #tpu.memory_space<semaphore_mem>>) src(%dma_wait3A_720 : memref<64x8192xf32, #tpu.memory_space<vmem>>) dst(%dma_wait3A_717 : memref<64x8192xf32, #tpu.memory_space<any>>)
    %dma_wait3A_721 = arith.constant 13 : i32
    %dma_wait3A_722 = arith.constant 0 : i32
    %dma_wait3A_723 = arith.constant 8192 : i32
    %dma_wait3A_724 = tpu.memref_slice %arg1[%dma_wait3A_721, %dma_wait3A_722, %dma_wait3A_723] : memref<50x64x16384xf32, #tpu.memory_space<any>> -> memref<1x64x8192xf32, #tpu.memory_space<any>>
    %dma_wait3A_725 = tpu.memref_squeeze %dma_wait3A_724 : memref<1x64x8192xf32, #tpu.memory_space<any>> -> memref<64x8192xf32, #tpu.memory_space<any>>
    %dma_wait3A_726 = arith.constant 64 : i32
    %dma_wait3A_727 = arith.constant 0 : i32
    %dma_wait3A_728 = tpu.memref_slice %arg5[%dma_wait3A_726, %dma_wait3A_727] : memref<128x8192xf32, #tpu.memory_space<vmem>> -> memref<64x8192xf32, #tpu.memory_space<vmem>>
    tpu.wait_dma2 semaphore(%arg11 : memref<!tpu.dma_semaphore, #tpu.memory_space<semaphore_mem>>) src(%dma_wait3A_728 : memref<64x8192xf32, #tpu.memory_space<vmem>>) dst(%dma_wait3A_725 : memref<64x8192xf32, #tpu.memory_space<any>>)
    %get3A_729 = arith.constant 0 : index
    %get3A_730 = arith.constant 0 : index
    %get3A_731 = vector.load %arg3[%get3A_729, %get3A_730] : memref<8192x128xf32, #tpu.memory_space<vmem>>, vector<8192x128xf32>
    %transpose3A_732 = tpu.transpose %get3A_731, [1, 0] : vector<8192x128xf32> -> vector<128x8192xf32>
    %swap3A_733 = arith.constant 0 : index
    %swap3A_734 = arith.constant 0 : index
    %swap3A_735 = vector.load %arg5[%swap3A_733, %swap3A_734] : memref<128x8192xf32, #tpu.memory_space<vmem>>, vector<128x8192xf32>
    tpu.vector_store %arg5[%swap3A_733, %swap3A_734], %transpose3A_732 {strides = array<i32>} : memref<128x8192xf32, #tpu.memory_space<vmem>>, vector<128x8192xf32>,
    %dma_start3A_736 = arith.constant 15 : i32
    %dma_start3A_737 = arith.constant 0 : i32
    %dma_start3A_738 = arith.constant 0 : i32
    %dma_start3A_739 = tpu.memref_slice %arg1[%dma_start3A_736, %dma_start3A_737, %dma_start3A_738] : memref<50x64x16384xf32, #tpu.memory_space<any>> -> memref<1x64x8192xf32, #tpu.memory_space<any>>
    %dma_start3A_740 = tpu.memref_squeeze %dma_start3A_739 : memref<1x64x8192xf32, #tpu.memory_space<any>> -> memref<64x8192xf32, #tpu.memory_space<any>>
    %dma_start3A_741 = arith.constant 0 : i32
    %dma_start3A_742 = arith.constant 0 : i32
    %dma_start3A_743 = tpu.memref_slice %arg5[%dma_start3A_741, %dma_start3A_742] : memref<128x8192xf32, #tpu.memory_space<vmem>> -> memref<64x8192xf32, #tpu.memory_space<vmem>>
    tpu.enqueue_dma source(%dma_start3A_743 : memref<64x8192xf32, #tpu.memory_space<vmem>>) target(%dma_start3A_740 : memref<64x8192xf32, #tpu.memory_space<any>>) target_semaphore(%arg10 : memref<!tpu.dma_semaphore, #tpu.memory_space<semaphore_mem>>)
    %dma_start3A_744 = arith.constant 15 : i32
    %dma_start3A_745 = arith.constant 0 : i32
    %dma_start3A_746 = arith.constant 8192 : i32
    %dma_start3A_747 = tpu.memref_slice %arg1[%dma_start3A_744, %dma_start3A_745, %dma_start3A_746] : memref<50x64x16384xf32, #tpu.memory_space<any>> -> memref<1x64x8192xf32, #tpu.memory_space<any>>
    %dma_start3A_748 = tpu.memref_squeeze %dma_start3A_747 : memref<1x64x8192xf32, #tpu.memory_space<any>> -> memref<64x8192xf32, #tpu.memory_space<any>>
    %dma_start3A_749 = arith.constant 64 : i32
    %dma_start3A_750 = arith.constant 0 : i32
    %dma_start3A_751 = tpu.memref_slice %arg5[%dma_start3A_749, %dma_start3A_750] : memref<128x8192xf32, #tpu.memory_space<vmem>> -> memref<64x8192xf32, #tpu.memory_space<vmem>>
    tpu.enqueue_dma source(%dma_start3A_751 : memref<64x8192xf32, #tpu.memory_space<vmem>>) target(%dma_start3A_748 : memref<64x8192xf32, #tpu.memory_space<any>>) target_semaphore(%arg11 : memref<!tpu.dma_semaphore, #tpu.memory_space<semaphore_mem>>)
    %dma_start3A_752 = arith.constant 17 : i32
    %dma_start3A_753 = arith.constant 0 : i32
    %dma_start3A_754 = arith.constant 0 : i32
    %dma_start3A_755 = tpu.memref_slice %arg0[%dma_start3A_752, %dma_start3A_753, %dma_start3A_754] : memref<50x8192x128xf32, #tpu.memory_space<any>> -> memref<1x8192x128xf32, #tpu.memory_space<any>>
    %dma_start3A_756 = tpu.memref_squeeze %dma_start3A_755 : memref<1x8192x128xf32, #tpu.memory_space<any>> -> memref<8192x128xf32, #tpu.memory_space<any>>
    tpu.enqueue_dma source(%dma_start3A_756 : memref<8192x128xf32, #tpu.memory_space<any>>) target(%arg3 : memref<8192x128xf32, #tpu.memory_space<vmem>>) target_semaphore(%arg7 : memref<!tpu.dma_semaphore, #tpu.memory_space<semaphore_mem>>)
    %dma_wait3A_757 = arith.constant 16 : i32
    %dma_wait3A_758 = arith.constant 0 : i32
    %dma_wait3A_759 = arith.constant 0 : i32
    %dma_wait3A_760 = tpu.memref_slice %arg0[%dma_wait3A_757, %dma_wait3A_758, %dma_wait3A_759] : memref<50x8192x128xf32, #tpu.memory_space<any>> -> memref<1x8192x128xf32, #tpu.memory_space<any>>
    %dma_wait3A_761 = tpu.memref_squeeze %dma_wait3A_760 : memref<1x8192x128xf32, #tpu.memory_space<any>> -> memref<8192x128xf32, #tpu.memory_space<any>>
    tpu.wait_dma2 semaphore(%arg6 : memref<!tpu.dma_semaphore, #tpu.memory_space<semaphore_mem>>) src(%dma_wait3A_761 : memref<8192x128xf32, #tpu.memory_space<any>>) dst(%arg2 : memref<8192x128xf32, #tpu.memory_space<vmem>>)
    %dma_wait3A_762 = arith.constant 14 : i32
    %dma_wait3A_763 = arith.constant 0 : i32
    %dma_wait3A_764 = arith.constant 0 : i32
    %dma_wait3A_765 = tpu.memref_slice %arg1[%dma_wait3A_762, %dma_wait3A_763, %dma_wait3A_764] : memref<50x64x16384xf32, #tpu.memory_space<any>> -> memref<1x64x8192xf32, #tpu.memory_space<any>>
    %dma_wait3A_766 = tpu.memref_squeeze %dma_wait3A_765 : memref<1x64x8192xf32, #tpu.memory_space<any>> -> memref<64x8192xf32, #tpu.memory_space<any>>
    %dma_wait3A_767 = arith.constant 0 : i32
    %dma_wait3A_768 = arith.constant 0 : i32
    %dma_wait3A_769 = tpu.memref_slice %arg4[%dma_wait3A_767, %dma_wait3A_768] : memref<128x8192xf32, #tpu.memory_space<vmem>> -> memref<64x8192xf32, #tpu.memory_space<vmem>>
    tpu.wait_dma2 semaphore(%arg8 : memref<!tpu.dma_semaphore, #tpu.memory_space<semaphore_mem>>) src(%dma_wait3A_769 : memref<64x8192xf32, #tpu.memory_space<vmem>>) dst(%dma_wait3A_766 : memref<64x8192xf32, #tpu.memory_space<any>>)
    %dma_wait3A_770 = arith.constant 14 : i32
    %dma_wait3A_771 = arith.constant 0 : i32
    %dma_wait3A_772 = arith.constant 8192 : i32
    %dma_wait3A_773 = tpu.memref_slice %arg1[%dma_wait3A_770, %dma_wait3A_771, %dma_wait3A_772] : memref<50x64x16384xf32, #tpu.memory_space<any>> -> memref<1x64x8192xf32, #tpu.memory_space<any>>
    %dma_wait3A_774 = tpu.memref_squeeze %dma_wait3A_773 : memref<1x64x8192xf32, #tpu.memory_space<any>> -> memref<64x8192xf32, #tpu.memory_space<any>>
    %dma_wait3A_775 = arith.constant 64 : i32
    %dma_wait3A_776 = arith.constant 0 : i32
    %dma_wait3A_777 = tpu.memref_slice %arg4[%dma_wait3A_775, %dma_wait3A_776] : memref<128x8192xf32, #tpu.memory_space<vmem>> -> memref<64x8192xf32, #tpu.memory_space<vmem>>
    tpu.wait_dma2 semaphore(%arg9 : memref<!tpu.dma_semaphore, #tpu.memory_space<semaphore_mem>>) src(%dma_wait3A_777 : memref<64x8192xf32, #tpu.memory_space<vmem>>) dst(%dma_wait3A_774 : memref<64x8192xf32, #tpu.memory_space<any>>)
    %get3A_778 = arith.constant 0 : index
    %get3A_779 = arith.constant 0 : index
    %get3A_780 = vector.load %arg2[%get3A_778, %get3A_779] : memref<8192x128xf32, #tpu.memory_space<vmem>>, vector<8192x128xf32>
    %transpose3A_781 = tpu.transpose %get3A_780, [1, 0] : vector<8192x128xf32> -> vector<128x8192xf32>
    %swap3A_782 = arith.constant 0 : index
    %swap3A_783 = arith.constant 0 : index
    %swap3A_784 = vector.load %arg4[%swap3A_782, %swap3A_783] : memref<128x8192xf32, #tpu.memory_space<vmem>>, vector<128x8192xf32>
    tpu.vector_store %arg4[%swap3A_782, %swap3A_783], %transpose3A_781 {strides = array<i32>} : memref<128x8192xf32, #tpu.memory_space<vmem>>, vector<128x8192xf32>,
    %dma_start3A_785 = arith.constant 16 : i32
    %dma_start3A_786 = arith.constant 0 : i32
    %dma_start3A_787 = arith.constant 0 : i32
    %dma_start3A_788 = tpu.memref_slice %arg1[%dma_start3A_785, %dma_start3A_786, %dma_start3A_787] : memref<50x64x16384xf32, #tpu.memory_space<any>> -> memref<1x64x8192xf32, #tpu.memory_space<any>>
    %dma_start3A_789 = tpu.memref_squeeze %dma_start3A_788 : memref<1x64x8192xf32, #tpu.memory_space<any>> -> memref<64x8192xf32, #tpu.memory_space<any>>
    %dma_start3A_790 = arith.constant 0 : i32
    %dma_start3A_791 = arith.constant 0 : i32
    %dma_start3A_792 = tpu.memref_slice %arg4[%dma_start3A_790, %dma_start3A_791] : memref<128x8192xf32, #tpu.memory_space<vmem>> -> memref<64x8192xf32, #tpu.memory_space<vmem>>
    tpu.enqueue_dma source(%dma_start3A_792 : memref<64x8192xf32, #tpu.memory_space<vmem>>) target(%dma_start3A_789 : memref<64x8192xf32, #tpu.memory_space<any>>) target_semaphore(%arg8 : memref<!tpu.dma_semaphore, #tpu.memory_space<semaphore_mem>>)
    %dma_start3A_793 = arith.constant 16 : i32
    %dma_start3A_794 = arith.constant 0 : i32
    %dma_start3A_795 = arith.constant 8192 : i32
    %dma_start3A_796 = tpu.memref_slice %arg1[%dma_start3A_793, %dma_start3A_794, %dma_start3A_795] : memref<50x64x16384xf32, #tpu.memory_space<any>> -> memref<1x64x8192xf32, #tpu.memory_space<any>>
    %dma_start3A_797 = tpu.memref_squeeze %dma_start3A_796 : memref<1x64x8192xf32, #tpu.memory_space<any>> -> memref<64x8192xf32, #tpu.memory_space<any>>
    %dma_start3A_798 = arith.constant 64 : i32
    %dma_start3A_799 = arith.constant 0 : i32
    %dma_start3A_800 = tpu.memref_slice %arg4[%dma_start3A_798, %dma_start3A_799] : memref<128x8192xf32, #tpu.memory_space<vmem>> -> memref<64x8192xf32, #tpu.memory_space<vmem>>
    tpu.enqueue_dma source(%dma_start3A_800 : memref<64x8192xf32, #tpu.memory_space<vmem>>) target(%dma_start3A_797 : memref<64x8192xf32, #tpu.memory_space<any>>) target_semaphore(%arg9 : memref<!tpu.dma_semaphore, #tpu.memory_space<semaphore_mem>>)
    %dma_start3A_801 = arith.constant 18 : i32
    %dma_start3A_802 = arith.constant 0 : i32
    %dma_start3A_803 = arith.constant 0 : i32
    %dma_start3A_804 = tpu.memref_slice %arg0[%dma_start3A_801, %dma_start3A_802, %dma_start3A_803] : memref<50x8192x128xf32, #tpu.memory_space<any>> -> memref<1x8192x128xf32, #tpu.memory_space<any>>
    %dma_start3A_805 = tpu.memref_squeeze %dma_start3A_804 : memref<1x8192x128xf32, #tpu.memory_space<any>> -> memref<8192x128xf32, #tpu.memory_space<any>>
    tpu.enqueue_dma source(%dma_start3A_805 : memref<8192x128xf32, #tpu.memory_space<any>>) target(%arg2 : memref<8192x128xf32, #tpu.memory_space<vmem>>) target_semaphore(%arg6 : memref<!tpu.dma_semaphore, #tpu.memory_space<semaphore_mem>>)
    %dma_wait3A_806 = arith.constant 17 : i32
    %dma_wait3A_807 = arith.constant 0 : i32
    %dma_wait3A_808 = arith.constant 0 : i32
    %dma_wait3A_809 = tpu.memref_slice %arg0[%dma_wait3A_806, %dma_wait3A_807, %dma_wait3A_808] : memref<50x8192x128xf32, #tpu.memory_space<any>> -> memref<1x8192x128xf32, #tpu.memory_space<any>>
    %dma_wait3A_810 = tpu.memref_squeeze %dma_wait3A_809 : memref<1x8192x128xf32, #tpu.memory_space<any>> -> memref<8192x128xf32, #tpu.memory_space<any>>
    tpu.wait_dma2 semaphore(%arg7 : memref<!tpu.dma_semaphore, #tpu.memory_space<semaphore_mem>>) src(%dma_wait3A_810 : memref<8192x128xf32, #tpu.memory_space<any>>) dst(%arg3 : memref<8192x128xf32, #tpu.memory_space<vmem>>)
    %dma_wait3A_811 = arith.constant 15 : i32
    %dma_wait3A_812 = arith.constant 0 : i32
    %dma_wait3A_813 = arith.constant 0 : i32
    %dma_wait3A_814 = tpu.memref_slice %arg1[%dma_wait3A_811, %dma_wait3A_812, %dma_wait3A_813] : memref<50x64x16384xf32, #tpu.memory_space<any>> -> memref<1x64x8192xf32, #tpu.memory_space<any>>
    %dma_wait3A_815 = tpu.memref_squeeze %dma_wait3A_814 : memref<1x64x8192xf32, #tpu.memory_space<any>> -> memref<64x8192xf32, #tpu.memory_space<any>>
    %dma_wait3A_816 = arith.constant 0 : i32
    %dma_wait3A_817 = arith.constant 0 : i32
    %dma_wait3A_818 = tpu.memref_slice %arg5[%dma_wait3A_816, %dma_wait3A_817] : memref<128x8192xf32, #tpu.memory_space<vmem>> -> memref<64x8192xf32, #tpu.memory_space<vmem>>
    tpu.wait_dma2 semaphore(%arg10 : memref<!tpu.dma_semaphore, #tpu.memory_space<semaphore_mem>>) src(%dma_wait3A_818 : memref<64x8192xf32, #tpu.memory_space<vmem>>) dst(%dma_wait3A_815 : memref<64x8192xf32, #tpu.memory_space<any>>)
    %dma_wait3A_819 = arith.constant 15 : i32
    %dma_wait3A_820 = arith.constant 0 : i32
    %dma_wait3A_821 = arith.constant 8192 : i32
    %dma_wait3A_822 = tpu.memref_slice %arg1[%dma_wait3A_819, %dma_wait3A_820, %dma_wait3A_821] : memref<50x64x16384xf32, #tpu.memory_space<any>> -> memref<1x64x8192xf32, #tpu.memory_space<any>>
    %dma_wait3A_823 = tpu.memref_squeeze %dma_wait3A_822 : memref<1x64x8192xf32, #tpu.memory_space<any>> -> memref<64x8192xf32, #tpu.memory_space<any>>
    %dma_wait3A_824 = arith.constant 64 : i32
    %dma_wait3A_825 = arith.constant 0 : i32
    %dma_wait3A_826 = tpu.memref_slice %arg5[%dma_wait3A_824, %dma_wait3A_825] : memref<128x8192xf32, #tpu.memory_space<vmem>> -> memref<64x8192xf32, #tpu.memory_space<vmem>>
    tpu.wait_dma2 semaphore(%arg11 : memref<!tpu.dma_semaphore, #tpu.memory_space<semaphore_mem>>) src(%dma_wait3A_826 : memref<64x8192xf32, #tpu.memory_space<vmem>>) dst(%dma_wait3A_823 : memref<64x8192xf32, #tpu.memory_space<any>>)
    %get3A_827 = arith.constant 0 : index
    %get3A_828 = arith.constant 0 : index
    %get3A_829 = vector.load %arg3[%get3A_827, %get3A_828] : memref<8192x128xf32, #tpu.memory_space<vmem>>, vector<8192x128xf32>
    %transpose3A_830 = tpu.transpose %get3A_829, [1, 0] : vector<8192x128xf32> -> vector<128x8192xf32>
    %swap3A_831 = arith.constant 0 : index
    %swap3A_832 = arith.constant 0 : index
    %swap3A_833 = vector.load %arg5[%swap3A_831, %swap3A_832] : memref<128x8192xf32, #tpu.memory_space<vmem>>, vector<128x8192xf32>
    tpu.vector_store %arg5[%swap3A_831, %swap3A_832], %transpose3A_830 {strides = array<i32>} : memref<128x8192xf32, #tpu.memory_space<vmem>>, vector<128x8192xf32>,
    %dma_start3A_834 = arith.constant 17 : i32
    %dma_start3A_835 = arith.constant 0 : i32
    %dma_start3A_836 = arith.constant 0 : i32
    %dma_start3A_837 = tpu.memref_slice %arg1[%dma_start3A_834, %dma_start3A_835, %dma_start3A_836] : memref<50x64x16384xf32, #tpu.memory_space<any>> -> memref<1x64x8192xf32, #tpu.memory_space<any>>
    %dma_start3A_838 = tpu.memref_squeeze %dma_start3A_837 : memref<1x64x8192xf32, #tpu.memory_space<any>> -> memref<64x8192xf32, #tpu.memory_space<any>>
    %dma_start3A_839 = arith.constant 0 : i32
    %dma_start3A_840 = arith.constant 0 : i32
    %dma_start3A_841 = tpu.memref_slice %arg5[%dma_start3A_839, %dma_start3A_840] : memref<128x8192xf32, #tpu.memory_space<vmem>> -> memref<64x8192xf32, #tpu.memory_space<vmem>>
    tpu.enqueue_dma source(%dma_start3A_841 : memref<64x8192xf32, #tpu.memory_space<vmem>>) target(%dma_start3A_838 : memref<64x8192xf32, #tpu.memory_space<any>>) target_semaphore(%arg10 : memref<!tpu.dma_semaphore, #tpu.memory_space<semaphore_mem>>)
    %dma_start3A_842 = arith.constant 17 : i32
    %dma_start3A_843 = arith.constant 0 : i32
    %dma_start3A_844 = arith.constant 8192 : i32
    %dma_start3A_845 = tpu.memref_slice %arg1[%dma_start3A_842, %dma_start3A_843, %dma_start3A_844] : memref<50x64x16384xf32, #tpu.memory_space<any>> -> memref<1x64x8192xf32, #tpu.memory_space<any>>
    %dma_start3A_846 = tpu.memref_squeeze %dma_start3A_845 : memref<1x64x8192xf32, #tpu.memory_space<any>> -> memref<64x8192xf32, #tpu.memory_space<any>>
    %dma_start3A_847 = arith.constant 64 : i32
    %dma_start3A_848 = arith.constant 0 : i32
    %dma_start3A_849 = tpu.memref_slice %arg5[%dma_start3A_847, %dma_start3A_848] : memref<128x8192xf32, #tpu.memory_space<vmem>> -> memref<64x8192xf32, #tpu.memory_space<vmem>>
    tpu.enqueue_dma source(%dma_start3A_849 : memref<64x8192xf32, #tpu.memory_space<vmem>>) target(%dma_start3A_846 : memref<64x8192xf32, #tpu.memory_space<any>>) target_semaphore(%arg11 : memref<!tpu.dma_semaphore, #tpu.memory_space<semaphore_mem>>)
    %dma_start3A_850 = arith.constant 19 : i32
    %dma_start3A_851 = arith.constant 0 : i32
    %dma_start3A_852 = arith.constant 0 : i32
    %dma_start3A_853 = tpu.memref_slice %arg0[%dma_start3A_850, %dma_start3A_851, %dma_start3A_852] : memref<50x8192x128xf32, #tpu.memory_space<any>> -> memref<1x8192x128xf32, #tpu.memory_space<any>>
    %dma_start3A_854 = tpu.memref_squeeze %dma_start3A_853 : memref<1x8192x128xf32, #tpu.memory_space<any>> -> memref<8192x128xf32, #tpu.memory_space<any>>
    tpu.enqueue_dma source(%dma_start3A_854 : memref<8192x128xf32, #tpu.memory_space<any>>) target(%arg3 : memref<8192x128xf32, #tpu.memory_space<vmem>>) target_semaphore(%arg7 : memref<!tpu.dma_semaphore, #tpu.memory_space<semaphore_mem>>)
    %dma_wait3A_855 = arith.constant 18 : i32
    %dma_wait3A_856 = arith.constant 0 : i32
    %dma_wait3A_857 = arith.constant 0 : i32
    %dma_wait3A_858 = tpu.memref_slice %arg0[%dma_wait3A_855, %dma_wait3A_856, %dma_wait3A_857] : memref<50x8192x128xf32, #tpu.memory_space<any>> -> memref<1x8192x128xf32, #tpu.memory_space<any>>
    %dma_wait3A_859 = tpu.memref_squeeze %dma_wait3A_858 : memref<1x8192x128xf32, #tpu.memory_space<any>> -> memref<8192x128xf32, #tpu.memory_space<any>>
    tpu.wait_dma2 semaphore(%arg6 : memref<!tpu.dma_semaphore, #tpu.memory_space<semaphore_mem>>) src(%dma_wait3A_859 : memref<8192x128xf32, #tpu.memory_space<any>>) dst(%arg2 : memref<8192x128xf32, #tpu.memory_space<vmem>>)
    %dma_wait3A_860 = arith.constant 16 : i32
    %dma_wait3A_861 = arith.constant 0 : i32
    %dma_wait3A_862 = arith.constant 0 : i32
    %dma_wait3A_863 = tpu.memref_slice %arg1[%dma_wait3A_860, %dma_wait3A_861, %dma_wait3A_862] : memref<50x64x16384xf32, #tpu.memory_space<any>> -> memref<1x64x8192xf32, #tpu.memory_space<any>>
    %dma_wait3A_864 = tpu.memref_squeeze %dma_wait3A_863 : memref<1x64x8192xf32, #tpu.memory_space<any>> -> memref<64x8192xf32, #tpu.memory_space<any>>
    %dma_wait3A_865 = arith.constant 0 : i32
    %dma_wait3A_866 = arith.constant 0 : i32
    %dma_wait3A_867 = tpu.memref_slice %arg4[%dma_wait3A_865, %dma_wait3A_866] : memref<128x8192xf32, #tpu.memory_space<vmem>> -> memref<64x8192xf32, #tpu.memory_space<vmem>>
    tpu.wait_dma2 semaphore(%arg8 : memref<!tpu.dma_semaphore, #tpu.memory_space<semaphore_mem>>) src(%dma_wait3A_867 : memref<64x8192xf32, #tpu.memory_space<vmem>>) dst(%dma_wait3A_864 : memref<64x8192xf32, #tpu.memory_space<any>>)
    %dma_wait3A_868 = arith.constant 16 : i32
    %dma_wait3A_869 = arith.constant 0 : i32
    %dma_wait3A_870 = arith.constant 8192 : i32
    %dma_wait3A_871 = tpu.memref_slice %arg1[%dma_wait3A_868, %dma_wait3A_869, %dma_wait3A_870] : memref<50x64x16384xf32, #tpu.memory_space<any>> -> memref<1x64x8192xf32, #tpu.memory_space<any>>
    %dma_wait3A_872 = tpu.memref_squeeze %dma_wait3A_871 : memref<1x64x8192xf32, #tpu.memory_space<any>> -> memref<64x8192xf32, #tpu.memory_space<any>>
    %dma_wait3A_873 = arith.constant 64 : i32
    %dma_wait3A_874 = arith.constant 0 : i32
    %dma_wait3A_875 = tpu.memref_slice %arg4[%dma_wait3A_873, %dma_wait3A_874] : memref<128x8192xf32, #tpu.memory_space<vmem>> -> memref<64x8192xf32, #tpu.memory_space<vmem>>
    tpu.wait_dma2 semaphore(%arg9 : memref<!tpu.dma_semaphore, #tpu.memory_space<semaphore_mem>>) src(%dma_wait3A_875 : memref<64x8192xf32, #tpu.memory_space<vmem>>) dst(%dma_wait3A_872 : memref<64x8192xf32, #tpu.memory_space<any>>)
    %get3A_876 = arith.constant 0 : index
    %get3A_877 = arith.constant 0 : index
    %get3A_878 = vector.load %arg2[%get3A_876, %get3A_877] : memref<8192x128xf32, #tpu.memory_space<vmem>>, vector<8192x128xf32>
    %transpose3A_879 = tpu.transpose %get3A_878, [1, 0] : vector<8192x128xf32> -> vector<128x8192xf32>
    %swap3A_880 = arith.constant 0 : index
    %swap3A_881 = arith.constant 0 : index
    %swap3A_882 = vector.load %arg4[%swap3A_880, %swap3A_881] : memref<128x8192xf32, #tpu.memory_space<vmem>>, vector<128x8192xf32>
    tpu.vector_store %arg4[%swap3A_880, %swap3A_881], %transpose3A_879 {strides = array<i32>} : memref<128x8192xf32, #tpu.memory_space<vmem>>, vector<128x8192xf32>,
    %dma_start3A_883 = arith.constant 18 : i32
    %dma_start3A_884 = arith.constant 0 : i32
    %dma_start3A_885 = arith.constant 0 : i32
    %dma_start3A_886 = tpu.memref_slice %arg1[%dma_start3A_883, %dma_start3A_884, %dma_start3A_885] : memref<50x64x16384xf32, #tpu.memory_space<any>> -> memref<1x64x8192xf32, #tpu.memory_space<any>>
    %dma_start3A_887 = tpu.memref_squeeze %dma_start3A_886 : memref<1x64x8192xf32, #tpu.memory_space<any>> -> memref<64x8192xf32, #tpu.memory_space<any>>
    %dma_start3A_888 = arith.constant 0 : i32
    %dma_start3A_889 = arith.constant 0 : i32
    %dma_start3A_890 = tpu.memref_slice %arg4[%dma_start3A_888, %dma_start3A_889] : memref<128x8192xf32, #tpu.memory_space<vmem>> -> memref<64x8192xf32, #tpu.memory_space<vmem>>
    tpu.enqueue_dma source(%dma_start3A_890 : memref<64x8192xf32, #tpu.memory_space<vmem>>) target(%dma_start3A_887 : memref<64x8192xf32, #tpu.memory_space<any>>) target_semaphore(%arg8 : memref<!tpu.dma_semaphore, #tpu.memory_space<semaphore_mem>>)
    %dma_start3A_891 = arith.constant 18 : i32
    %dma_start3A_892 = arith.constant 0 : i32
    %dma_start3A_893 = arith.constant 8192 : i32
    %dma_start3A_894 = tpu.memref_slice %arg1[%dma_start3A_891, %dma_start3A_892, %dma_start3A_893] : memref<50x64x16384xf32, #tpu.memory_space<any>> -> memref<1x64x8192xf32, #tpu.memory_space<any>>
    %dma_start3A_895 = tpu.memref_squeeze %dma_start3A_894 : memref<1x64x8192xf32, #tpu.memory_space<any>> -> memref<64x8192xf32, #tpu.memory_space<any>>
    %dma_start3A_896 = arith.constant 64 : i32
    %dma_start3A_897 = arith.constant 0 : i32
    %dma_start3A_898 = tpu.memref_slice %arg4[%dma_start3A_896, %dma_start3A_897] : memref<128x8192xf32, #tpu.memory_space<vmem>> -> memref<64x8192xf32, #tpu.memory_space<vmem>>
    tpu.enqueue_dma source(%dma_start3A_898 : memref<64x8192xf32, #tpu.memory_space<vmem>>) target(%dma_start3A_895 : memref<64x8192xf32, #tpu.memory_space<any>>) target_semaphore(%arg9 : memref<!tpu.dma_semaphore, #tpu.memory_space<semaphore_mem>>)
    %dma_start3A_899 = arith.constant 20 : i32
    %dma_start3A_900 = arith.constant 0 : i32
    %dma_start3A_901 = arith.constant 0 : i32
    %dma_start3A_902 = tpu.memref_slice %arg0[%dma_start3A_899, %dma_start3A_900, %dma_start3A_901] : memref<50x8192x128xf32, #tpu.memory_space<any>> -> memref<1x8192x128xf32, #tpu.memory_space<any>>
    %dma_start3A_903 = tpu.memref_squeeze %dma_start3A_902 : memref<1x8192x128xf32, #tpu.memory_space<any>> -> memref<8192x128xf32, #tpu.memory_space<any>>
    tpu.enqueue_dma source(%dma_start3A_903 : memref<8192x128xf32, #tpu.memory_space<any>>) target(%arg2 : memref<8192x128xf32, #tpu.memory_space<vmem>>) target_semaphore(%arg6 : memref<!tpu.dma_semaphore, #tpu.memory_space<semaphore_mem>>)
    %dma_wait3A_904 = arith.constant 19 : i32
    %dma_wait3A_905 = arith.constant 0 : i32
    %dma_wait3A_906 = arith.constant 0 : i32
    %dma_wait3A_907 = tpu.memref_slice %arg0[%dma_wait3A_904, %dma_wait3A_905, %dma_wait3A_906] : memref<50x8192x128xf32, #tpu.memory_space<any>> -> memref<1x8192x128xf32, #tpu.memory_space<any>>
    %dma_wait3A_908 = tpu.memref_squeeze %dma_wait3A_907 : memref<1x8192x128xf32, #tpu.memory_space<any>> -> memref<8192x128xf32, #tpu.memory_space<any>>
    tpu.wait_dma2 semaphore(%arg7 : memref<!tpu.dma_semaphore, #tpu.memory_space<semaphore_mem>>) src(%dma_wait3A_908 : memref<8192x128xf32, #tpu.memory_space<any>>) dst(%arg3 : memref<8192x128xf32, #tpu.memory_space<vmem>>)
    %dma_wait3A_909 = arith.constant 17 : i32
    %dma_wait3A_910 = arith.constant 0 : i32
    %dma_wait3A_911 = arith.constant 0 : i32
    %dma_wait3A_912 = tpu.memref_slice %arg1[%dma_wait3A_909, %dma_wait3A_910, %dma_wait3A_911] : memref<50x64x16384xf32, #tpu.memory_space<any>> -> memref<1x64x8192xf32, #tpu.memory_space<any>>
    %dma_wait3A_913 = tpu.memref_squeeze %dma_wait3A_912 : memref<1x64x8192xf32, #tpu.memory_space<any>> -> memref<64x8192xf32, #tpu.memory_space<any>>
    %dma_wait3A_914 = arith.constant 0 : i32
    %dma_wait3A_915 = arith.constant 0 : i32
    %dma_wait3A_916 = tpu.memref_slice %arg5[%dma_wait3A_914, %dma_wait3A_915] : memref<128x8192xf32, #tpu.memory_space<vmem>> -> memref<64x8192xf32, #tpu.memory_space<vmem>>
    tpu.wait_dma2 semaphore(%arg10 : memref<!tpu.dma_semaphore, #tpu.memory_space<semaphore_mem>>) src(%dma_wait3A_916 : memref<64x8192xf32, #tpu.memory_space<vmem>>) dst(%dma_wait3A_913 : memref<64x8192xf32, #tpu.memory_space<any>>)
    %dma_wait3A_917 = arith.constant 17 : i32
    %dma_wait3A_918 = arith.constant 0 : i32
    %dma_wait3A_919 = arith.constant 8192 : i32
    %dma_wait3A_920 = tpu.memref_slice %arg1[%dma_wait3A_917, %dma_wait3A_918, %dma_wait3A_919] : memref<50x64x16384xf32, #tpu.memory_space<any>> -> memref<1x64x8192xf32, #tpu.memory_space<any>>
    %dma_wait3A_921 = tpu.memref_squeeze %dma_wait3A_920 : memref<1x64x8192xf32, #tpu.memory_space<any>> -> memref<64x8192xf32, #tpu.memory_space<any>>
    %dma_wait3A_922 = arith.constant 64 : i32
    %dma_wait3A_923 = arith.constant 0 : i32
    %dma_wait3A_924 = tpu.memref_slice %arg5[%dma_wait3A_922, %dma_wait3A_923] : memref<128x8192xf32, #tpu.memory_space<vmem>> -> memref<64x8192xf32, #tpu.memory_space<vmem>>
    tpu.wait_dma2 semaphore(%arg11 : memref<!tpu.dma_semaphore, #tpu.memory_space<semaphore_mem>>) src(%dma_wait3A_924 : memref<64x8192xf32, #tpu.memory_space<vmem>>) dst(%dma_wait3A_921 : memref<64x8192xf32, #tpu.memory_space<any>>)
    %get3A_925 = arith.constant 0 : index
    %get3A_926 = arith.constant 0 : index
    %get3A_927 = vector.load %arg3[%get3A_925, %get3A_926] : memref<8192x128xf32, #tpu.memory_space<vmem>>, vector<8192x128xf32>
    %transpose3A_928 = tpu.transpose %get3A_927, [1, 0] : vector<8192x128xf32> -> vector<128x8192xf32>
    %swap3A_929 = arith.constant 0 : index
    %swap3A_930 = arith.constant 0 : index
    %swap3A_931 = vector.load %arg5[%swap3A_929, %swap3A_930] : memref<128x8192xf32, #tpu.memory_space<vmem>>, vector<128x8192xf32>
    tpu.vector_store %arg5[%swap3A_929, %swap3A_930], %transpose3A_928 {strides = array<i32>} : memref<128x8192xf32, #tpu.memory_space<vmem>>, vector<128x8192xf32>,
    %dma_start3A_932 = arith.constant 19 : i32
    %dma_start3A_933 = arith.constant 0 : i32
    %dma_start3A_934 = arith.constant 0 : i32
    %dma_start3A_935 = tpu.memref_slice %arg1[%dma_start3A_932, %dma_start3A_933, %dma_start3A_934] : memref<50x64x16384xf32, #tpu.memory_space<any>> -> memref<1x64x8192xf32, #tpu.memory_space<any>>
    %dma_start3A_936 = tpu.memref_squeeze %dma_start3A_935 : memref<1x64x8192xf32, #tpu.memory_space<any>> -> memref<64x8192xf32, #tpu.memory_space<any>>
    %dma_start3A_937 = arith.constant 0 : i32
    %dma_start3A_938 = arith.constant 0 : i32
    %dma_start3A_939 = tpu.memref_slice %arg5[%dma_start3A_937, %dma_start3A_938] : memref<128x8192xf32, #tpu.memory_space<vmem>> -> memref<64x8192xf32, #tpu.memory_space<vmem>>
    tpu.enqueue_dma source(%dma_start3A_939 : memref<64x8192xf32, #tpu.memory_space<vmem>>) target(%dma_start3A_936 : memref<64x8192xf32, #tpu.memory_space<any>>) target_semaphore(%arg10 : memref<!tpu.dma_semaphore, #tpu.memory_space<semaphore_mem>>)
    %dma_start3A_940 = arith.constant 19 : i32
    %dma_start3A_941 = arith.constant 0 : i32
    %dma_start3A_942 = arith.constant 8192 : i32
    %dma_start3A_943 = tpu.memref_slice %arg1[%dma_start3A_940, %dma_start3A_941, %dma_start3A_942] : memref<50x64x16384xf32, #tpu.memory_space<any>> -> memref<1x64x8192xf32, #tpu.memory_space<any>>
    %dma_start3A_944 = tpu.memref_squeeze %dma_start3A_943 : memref<1x64x8192xf32, #tpu.memory_space<any>> -> memref<64x8192xf32, #tpu.memory_space<any>>
    %dma_start3A_945 = arith.constant 64 : i32
    %dma_start3A_946 = arith.constant 0 : i32
    %dma_start3A_947 = tpu.memref_slice %arg5[%dma_start3A_945, %dma_start3A_946] : memref<128x8192xf32, #tpu.memory_space<vmem>> -> memref<64x8192xf32, #tpu.memory_space<vmem>>
    tpu.enqueue_dma source(%dma_start3A_947 : memref<64x8192xf32, #tpu.memory_space<vmem>>) target(%dma_start3A_944 : memref<64x8192xf32, #tpu.memory_space<any>>) target_semaphore(%arg11 : memref<!tpu.dma_semaphore, #tpu.memory_space<semaphore_mem>>)
    %dma_start3A_948 = arith.constant 21 : i32
    %dma_start3A_949 = arith.constant 0 : i32
    %dma_start3A_950 = arith.constant 0 : i32
    %dma_start3A_951 = tpu.memref_slice %arg0[%dma_start3A_948, %dma_start3A_949, %dma_start3A_950] : memref<50x8192x128xf32, #tpu.memory_space<any>> -> memref<1x8192x128xf32, #tpu.memory_space<any>>
    %dma_start3A_952 = tpu.memref_squeeze %dma_start3A_951 : memref<1x8192x128xf32, #tpu.memory_space<any>> -> memref<8192x128xf32, #tpu.memory_space<any>>
    tpu.enqueue_dma source(%dma_start3A_952 : memref<8192x128xf32, #tpu.memory_space<any>>) target(%arg3 : memref<8192x128xf32, #tpu.memory_space<vmem>>) target_semaphore(%arg7 : memref<!tpu.dma_semaphore, #tpu.memory_space<semaphore_mem>>)
    %dma_wait3A_953 = arith.constant 20 : i32
    %dma_wait3A_954 = arith.constant 0 : i32
    %dma_wait3A_955 = arith.constant 0 : i32
    %dma_wait3A_956 = tpu.memref_slice %arg0[%dma_wait3A_953, %dma_wait3A_954, %dma_wait3A_955] : memref<50x8192x128xf32, #tpu.memory_space<any>> -> memref<1x8192x128xf32, #tpu.memory_space<any>>
    %dma_wait3A_957 = tpu.memref_squeeze %dma_wait3A_956 : memref<1x8192x128xf32, #tpu.memory_space<any>> -> memref<8192x128xf32, #tpu.memory_space<any>>
    tpu.wait_dma2 semaphore(%arg6 : memref<!tpu.dma_semaphore, #tpu.memory_space<semaphore_mem>>) src(%dma_wait3A_957 : memref<8192x128xf32, #tpu.memory_space<any>>) dst(%arg2 : memref<8192x128xf32, #tpu.memory_space<vmem>>)
    %dma_wait3A_958 = arith.constant 18 : i32
    %dma_wait3A_959 = arith.constant 0 : i32
    %dma_wait3A_960 = arith.constant 0 : i32
    %dma_wait3A_961 = tpu.memref_slice %arg1[%dma_wait3A_958, %dma_wait3A_959, %dma_wait3A_960] : memref<50x64x16384xf32, #tpu.memory_space<any>> -> memref<1x64x8192xf32, #tpu.memory_space<any>>
    %dma_wait3A_962 = tpu.memref_squeeze %dma_wait3A_961 : memref<1x64x8192xf32, #tpu.memory_space<any>> -> memref<64x8192xf32, #tpu.memory_space<any>>
    %dma_wait3A_963 = arith.constant 0 : i32
    %dma_wait3A_964 = arith.constant 0 : i32
    %dma_wait3A_965 = tpu.memref_slice %arg4[%dma_wait3A_963, %dma_wait3A_964] : memref<128x8192xf32, #tpu.memory_space<vmem>> -> memref<64x8192xf32, #tpu.memory_space<vmem>>
    tpu.wait_dma2 semaphore(%arg8 : memref<!tpu.dma_semaphore, #tpu.memory_space<semaphore_mem>>) src(%dma_wait3A_965 : memref<64x8192xf32, #tpu.memory_space<vmem>>) dst(%dma_wait3A_962 : memref<64x8192xf32, #tpu.memory_space<any>>)
    %dma_wait3A_966 = arith.constant 18 : i32
    %dma_wait3A_967 = arith.constant 0 : i32
    %dma_wait3A_968 = arith.constant 8192 : i32
    %dma_wait3A_969 = tpu.memref_slice %arg1[%dma_wait3A_966, %dma_wait3A_967, %dma_wait3A_968] : memref<50x64x16384xf32, #tpu.memory_space<any>> -> memref<1x64x8192xf32, #tpu.memory_space<any>>
    %dma_wait3A_970 = tpu.memref_squeeze %dma_wait3A_969 : memref<1x64x8192xf32, #tpu.memory_space<any>> -> memref<64x8192xf32, #tpu.memory_space<any>>
    %dma_wait3A_971 = arith.constant 64 : i32
    %dma_wait3A_972 = arith.constant 0 : i32
    %dma_wait3A_973 = tpu.memref_slice %arg4[%dma_wait3A_971, %dma_wait3A_972] : memref<128x8192xf32, #tpu.memory_space<vmem>> -> memref<64x8192xf32, #tpu.memory_space<vmem>>
    tpu.wait_dma2 semaphore(%arg9 : memref<!tpu.dma_semaphore, #tpu.memory_space<semaphore_mem>>) src(%dma_wait3A_973 : memref<64x8192xf32, #tpu.memory_space<vmem>>) dst(%dma_wait3A_970 : memref<64x8192xf32, #tpu.memory_space<any>>)
    %get3A_974 = arith.constant 0 : index
    %get3A_975 = arith.constant 0 : index
    %get3A_976 = vector.load %arg2[%get3A_974, %get3A_975] : memref<8192x128xf32, #tpu.memory_space<vmem>>, vector<8192x128xf32>
    %transpose3A_977 = tpu.transpose %get3A_976, [1, 0] : vector<8192x128xf32> -> vector<128x8192xf32>
    %swap3A_978 = arith.constant 0 : index
    %swap3A_979 = arith.constant 0 : index
    %swap3A_980 = vector.load %arg4[%swap3A_978, %swap3A_979] : memref<128x8192xf32, #tpu.memory_space<vmem>>, vector<128x8192xf32>
    tpu.vector_store %arg4[%swap3A_978, %swap3A_979], %transpose3A_977 {strides = array<i32>} : memref<128x8192xf32, #tpu.memory_space<vmem>>, vector<128x8192xf32>,
    %dma_start3A_981 = arith.constant 20 : i32
    %dma_start3A_982 = arith.constant 0 : i32
    %dma_start3A_983 = arith.constant 0 : i32
    %dma_start3A_984 = tpu.memref_slice %arg1[%dma_start3A_981, %dma_start3A_982, %dma_start3A_983] : memref<50x64x16384xf32, #tpu.memory_space<any>> -> memref<1x64x8192xf32, #tpu.memory_space<any>>
    %dma_start3A_985 = tpu.memref_squeeze %dma_start3A_984 : memref<1x64x8192xf32, #tpu.memory_space<any>> -> memref<64x8192xf32, #tpu.memory_space<any>>
    %dma_start3A_986 = arith.constant 0 : i32
    %dma_start3A_987 = arith.constant 0 : i32
    %dma_start3A_988 = tpu.memref_slice %arg4[%dma_start3A_986, %dma_start3A_987] : memref<128x8192xf32, #tpu.memory_space<vmem>> -> memref<64x8192xf32, #tpu.memory_space<vmem>>
    tpu.enqueue_dma source(%dma_start3A_988 : memref<64x8192xf32, #tpu.memory_space<vmem>>) target(%dma_start3A_985 : memref<64x8192xf32, #tpu.memory_space<any>>) target_semaphore(%arg8 : memref<!tpu.dma_semaphore, #tpu.memory_space<semaphore_mem>>)
    %dma_start3A_989 = arith.constant 20 : i32
    %dma_start3A_990 = arith.constant 0 : i32
    %dma_start3A_991 = arith.constant 8192 : i32
    %dma_start3A_992 = tpu.memref_slice %arg1[%dma_start3A_989, %dma_start3A_990, %dma_start3A_991] : memref<50x64x16384xf32, #tpu.memory_space<any>> -> memref<1x64x8192xf32, #tpu.memory_space<any>>
    %dma_start3A_993 = tpu.memref_squeeze %dma_start3A_992 : memref<1x64x8192xf32, #tpu.memory_space<any>> -> memref<64x8192xf32, #tpu.memory_space<any>>
    %dma_start3A_994 = arith.constant 64 : i32
    %dma_start3A_995 = arith.constant 0 : i32
    %dma_start3A_996 = tpu.memref_slice %arg4[%dma_start3A_994, %dma_start3A_995] : memref<128x8192xf32, #tpu.memory_space<vmem>> -> memref<64x8192xf32, #tpu.memory_space<vmem>>
    tpu.enqueue_dma source(%dma_start3A_996 : memref<64x8192xf32, #tpu.memory_space<vmem>>) target(%dma_start3A_993 : memref<64x8192xf32, #tpu.memory_space<any>>) target_semaphore(%arg9 : memref<!tpu.dma_semaphore, #tpu.memory_space<semaphore_mem>>)
    %dma_start3A_997 = arith.constant 22 : i32
    %dma_start3A_998 = arith.constant 0 : i32
    %dma_start3A_999 = arith.constant 0 : i32
    %dma_start3A_1000 = tpu.memref_slice %arg0[%dma_start3A_997, %dma_start3A_998, %dma_start3A_999] : memref<50x8192x128xf32, #tpu.memory_space<any>> -> memref<1x8192x128xf32, #tpu.memory_space<any>>
    %dma_start3A_1001 = tpu.memref_squeeze %dma_start3A_1000 : memref<1x8192x128xf32, #tpu.memory_space<any>> -> memref<8192x128xf32, #tpu.memory_space<any>>
    tpu.enqueue_dma source(%dma_start3A_1001 : memref<8192x128xf32, #tpu.memory_space<any>>) target(%arg2 : memref<8192x128xf32, #tpu.memory_space<vmem>>) target_semaphore(%arg6 : memref<!tpu.dma_semaphore, #tpu.memory_space<semaphore_mem>>)
    %dma_wait3A_1002 = arith.constant 21 : i32
    %dma_wait3A_1003 = arith.constant 0 : i32
    %dma_wait3A_1004 = arith.constant 0 : i32
    %dma_wait3A_1005 = tpu.memref_slice %arg0[%dma_wait3A_1002, %dma_wait3A_1003, %dma_wait3A_1004] : memref<50x8192x128xf32, #tpu.memory_space<any>> -> memref<1x8192x128xf32, #tpu.memory_space<any>>
    %dma_wait3A_1006 = tpu.memref_squeeze %dma_wait3A_1005 : memref<1x8192x128xf32, #tpu.memory_space<any>> -> memref<8192x128xf32, #tpu.memory_space<any>>
    tpu.wait_dma2 semaphore(%arg7 : memref<!tpu.dma_semaphore, #tpu.memory_space<semaphore_mem>>) src(%dma_wait3A_1006 : memref<8192x128xf32, #tpu.memory_space<any>>) dst(%arg3 : memref<8192x128xf32, #tpu.memory_space<vmem>>)
    %dma_wait3A_1007 = arith.constant 19 : i32
    %dma_wait3A_1008 = arith.constant 0 : i32
    %dma_wait3A_1009 = arith.constant 0 : i32
    %dma_wait3A_1010 = tpu.memref_slice %arg1[%dma_wait3A_1007, %dma_wait3A_1008, %dma_wait3A_1009] : memref<50x64x16384xf32, #tpu.memory_space<any>> -> memref<1x64x8192xf32, #tpu.memory_space<any>>
    %dma_wait3A_1011 = tpu.memref_squeeze %dma_wait3A_1010 : memref<1x64x8192xf32, #tpu.memory_space<any>> -> memref<64x8192xf32, #tpu.memory_space<any>>
    %dma_wait3A_1012 = arith.constant 0 : i32
    %dma_wait3A_1013 = arith.constant 0 : i32
    %dma_wait3A_1014 = tpu.memref_slice %arg5[%dma_wait3A_1012, %dma_wait3A_1013] : memref<128x8192xf32, #tpu.memory_space<vmem>> -> memref<64x8192xf32, #tpu.memory_space<vmem>>
    tpu.wait_dma2 semaphore(%arg10 : memref<!tpu.dma_semaphore, #tpu.memory_space<semaphore_mem>>) src(%dma_wait3A_1014 : memref<64x8192xf32, #tpu.memory_space<vmem>>) dst(%dma_wait3A_1011 : memref<64x8192xf32, #tpu.memory_space<any>>)
    %dma_wait3A_1015 = arith.constant 19 : i32
    %dma_wait3A_1016 = arith.constant 0 : i32
    %dma_wait3A_1017 = arith.constant 8192 : i32
    %dma_wait3A_1018 = tpu.memref_slice %arg1[%dma_wait3A_1015, %dma_wait3A_1016, %dma_wait3A_1017] : memref<50x64x16384xf32, #tpu.memory_space<any>> -> memref<1x64x8192xf32, #tpu.memory_space<any>>
    %dma_wait3A_1019 = tpu.memref_squeeze %dma_wait3A_1018 : memref<1x64x8192xf32, #tpu.memory_space<any>> -> memref<64x8192xf32, #tpu.memory_space<any>>
    %dma_wait3A_1020 = arith.constant 64 : i32
    %dma_wait3A_1021 = arith.constant 0 : i32
    %dma_wait3A_1022 = tpu.memref_slice %arg5[%dma_wait3A_1020, %dma_wait3A_1021] : memref<128x8192xf32, #tpu.memory_space<vmem>> -> memref<64x8192xf32, #tpu.memory_space<vmem>>
    tpu.wait_dma2 semaphore(%arg11 : memref<!tpu.dma_semaphore, #tpu.memory_space<semaphore_mem>>) src(%dma_wait3A_1022 : memref<64x8192xf32, #tpu.memory_space<vmem>>) dst(%dma_wait3A_1019 : memref<64x8192xf32, #tpu.memory_space<any>>)
    %get3A_1023 = arith.constant 0 : index
    %get3A_1024 = arith.constant 0 : index
    %get3A_1025 = vector.load %arg3[%get3A_1023, %get3A_1024] : memref<8192x128xf32, #tpu.memory_space<vmem>>, vector<8192x128xf32>
    %transpose3A_1026 = tpu.transpose %get3A_1025, [1, 0] : vector<8192x128xf32> -> vector<128x8192xf32>
    %swap3A_1027 = arith.constant 0 : index
    %swap3A_1028 = arith.constant 0 : index
    %swap3A_1029 = vector.load %arg5[%swap3A_1027, %swap3A_1028] : memref<128x8192xf32, #tpu.memory_space<vmem>>, vector<128x8192xf32>
    tpu.vector_store %arg5[%swap3A_1027, %swap3A_1028], %transpose3A_1026 {strides = array<i32>} : memref<128x8192xf32, #tpu.memory_space<vmem>>, vector<128x8192xf32>,
    %dma_start3A_1030 = arith.constant 21 : i32
    %dma_start3A_1031 = arith.constant 0 : i32
    %dma_start3A_1032 = arith.constant 0 : i32
    %dma_start3A_1033 = tpu.memref_slice %arg1[%dma_start3A_1030, %dma_start3A_1031, %dma_start3A_1032] : memref<50x64x16384xf32, #tpu.memory_space<any>> -> memref<1x64x8192xf32, #tpu.memory_space<any>>
    %dma_start3A_1034 = tpu.memref_squeeze %dma_start3A_1033 : memref<1x64x8192xf32, #tpu.memory_space<any>> -> memref<64x8192xf32, #tpu.memory_space<any>>
    %dma_start3A_1035 = arith.constant 0 : i32
    %dma_start3A_1036 = arith.constant 0 : i32
    %dma_start3A_1037 = tpu.memref_slice %arg5[%dma_start3A_1035, %dma_start3A_1036] : memref<128x8192xf32, #tpu.memory_space<vmem>> -> memref<64x8192xf32, #tpu.memory_space<vmem>>
    tpu.enqueue_dma source(%dma_start3A_1037 : memref<64x8192xf32, #tpu.memory_space<vmem>>) target(%dma_start3A_1034 : memref<64x8192xf32, #tpu.memory_space<any>>) target_semaphore(%arg10 : memref<!tpu.dma_semaphore, #tpu.memory_space<semaphore_mem>>)
    %dma_start3A_1038 = arith.constant 21 : i32
    %dma_start3A_1039 = arith.constant 0 : i32
    %dma_start3A_1040 = arith.constant 8192 : i32
    %dma_start3A_1041 = tpu.memref_slice %arg1[%dma_start3A_1038, %dma_start3A_1039, %dma_start3A_1040] : memref<50x64x16384xf32, #tpu.memory_space<any>> -> memref<1x64x8192xf32, #tpu.memory_space<any>>
    %dma_start3A_1042 = tpu.memref_squeeze %dma_start3A_1041 : memref<1x64x8192xf32, #tpu.memory_space<any>> -> memref<64x8192xf32, #tpu.memory_space<any>>
    %dma_start3A_1043 = arith.constant 64 : i32
    %dma_start3A_1044 = arith.constant 0 : i32
    %dma_start3A_1045 = tpu.memref_slice %arg5[%dma_start3A_1043, %dma_start3A_1044] : memref<128x8192xf32, #tpu.memory_space<vmem>> -> memref<64x8192xf32, #tpu.memory_space<vmem>>
    tpu.enqueue_dma source(%dma_start3A_1045 : memref<64x8192xf32, #tpu.memory_space<vmem>>) target(%dma_start3A_1042 : memref<64x8192xf32, #tpu.memory_space<any>>) target_semaphore(%arg11 : memref<!tpu.dma_semaphore, #tpu.memory_space<semaphore_mem>>)
    %dma_start3A_1046 = arith.constant 23 : i32
    %dma_start3A_1047 = arith.constant 0 : i32
    %dma_start3A_1048 = arith.constant 0 : i32
    %dma_start3A_1049 = tpu.memref_slice %arg0[%dma_start3A_1046, %dma_start3A_1047, %dma_start3A_1048] : memref<50x8192x128xf32, #tpu.memory_space<any>> -> memref<1x8192x128xf32, #tpu.memory_space<any>>
    %dma_start3A_1050 = tpu.memref_squeeze %dma_start3A_1049 : memref<1x8192x128xf32, #tpu.memory_space<any>> -> memref<8192x128xf32, #tpu.memory_space<any>>
    tpu.enqueue_dma source(%dma_start3A_1050 : memref<8192x128xf32, #tpu.memory_space<any>>) target(%arg3 : memref<8192x128xf32, #tpu.memory_space<vmem>>) target_semaphore(%arg7 : memref<!tpu.dma_semaphore, #tpu.memory_space<semaphore_mem>>)
    %dma_wait3A_1051 = arith.constant 22 : i32
    %dma_wait3A_1052 = arith.constant 0 : i32
    %dma_wait3A_1053 = arith.constant 0 : i32
    %dma_wait3A_1054 = tpu.memref_slice %arg0[%dma_wait3A_1051, %dma_wait3A_1052, %dma_wait3A_1053] : memref<50x8192x128xf32, #tpu.memory_space<any>> -> memref<1x8192x128xf32, #tpu.memory_space<any>>
    %dma_wait3A_1055 = tpu.memref_squeeze %dma_wait3A_1054 : memref<1x8192x128xf32, #tpu.memory_space<any>> -> memref<8192x128xf32, #tpu.memory_space<any>>
    tpu.wait_dma2 semaphore(%arg6 : memref<!tpu.dma_semaphore, #tpu.memory_space<semaphore_mem>>) src(%dma_wait3A_1055 : memref<8192x128xf32, #tpu.memory_space<any>>) dst(%arg2 : memref<8192x128xf32, #tpu.memory_space<vmem>>)
    %dma_wait3A_1056 = arith.constant 20 : i32
    %dma_wait3A_1057 = arith.constant 0 : i32
    %dma_wait3A_1058 = arith.constant 0 : i32
    %dma_wait3A_1059 = tpu.memref_slice %arg1[%dma_wait3A_1056, %dma_wait3A_1057, %dma_wait3A_1058] : memref<50x64x16384xf32, #tpu.memory_space<any>> -> memref<1x64x8192xf32, #tpu.memory_space<any>>
    %dma_wait3A_1060 = tpu.memref_squeeze %dma_wait3A_1059 : memref<1x64x8192xf32, #tpu.memory_space<any>> -> memref<64x8192xf32, #tpu.memory_space<any>>
    %dma_wait3A_1061 = arith.constant 0 : i32
    %dma_wait3A_1062 = arith.constant 0 : i32
    %dma_wait3A_1063 = tpu.memref_slice %arg4[%dma_wait3A_1061, %dma_wait3A_1062] : memref<128x8192xf32, #tpu.memory_space<vmem>> -> memref<64x8192xf32, #tpu.memory_space<vmem>>
    tpu.wait_dma2 semaphore(%arg8 : memref<!tpu.dma_semaphore, #tpu.memory_space<semaphore_mem>>) src(%dma_wait3A_1063 : memref<64x8192xf32, #tpu.memory_space<vmem>>) dst(%dma_wait3A_1060 : memref<64x8192xf32, #tpu.memory_space<any>>)
    %dma_wait3A_1064 = arith.constant 20 : i32
    %dma_wait3A_1065 = arith.constant 0 : i32
    %dma_wait3A_1066 = arith.constant 8192 : i32
    %dma_wait3A_1067 = tpu.memref_slice %arg1[%dma_wait3A_1064, %dma_wait3A_1065, %dma_wait3A_1066] : memref<50x64x16384xf32, #tpu.memory_space<any>> -> memref<1x64x8192xf32, #tpu.memory_space<any>>
    %dma_wait3A_1068 = tpu.memref_squeeze %dma_wait3A_1067 : memref<1x64x8192xf32, #tpu.memory_space<any>> -> memref<64x8192xf32, #tpu.memory_space<any>>
    %dma_wait3A_1069 = arith.constant 64 : i32
    %dma_wait3A_1070 = arith.constant 0 : i32
    %dma_wait3A_1071 = tpu.memref_slice %arg4[%dma_wait3A_1069, %dma_wait3A_1070] : memref<128x8192xf32, #tpu.memory_space<vmem>> -> memref<64x8192xf32, #tpu.memory_space<vmem>>
    tpu.wait_dma2 semaphore(%arg9 : memref<!tpu.dma_semaphore, #tpu.memory_space<semaphore_mem>>) src(%dma_wait3A_1071 : memref<64x8192xf32, #tpu.memory_space<vmem>>) dst(%dma_wait3A_1068 : memref<64x8192xf32, #tpu.memory_space<any>>)
    %get3A_1072 = arith.constant 0 : index
    %get3A_1073 = arith.constant 0 : index
    %get3A_1074 = vector.load %arg2[%get3A_1072, %get3A_1073] : memref<8192x128xf32, #tpu.memory_space<vmem>>, vector<8192x128xf32>
    %transpose3A_1075 = tpu.transpose %get3A_1074, [1, 0] : vector<8192x128xf32> -> vector<128x8192xf32>
    %swap3A_1076 = arith.constant 0 : index
    %swap3A_1077 = arith.constant 0 : index
    %swap3A_1078 = vector.load %arg4[%swap3A_1076, %swap3A_1077] : memref<128x8192xf32, #tpu.memory_space<vmem>>, vector<128x8192xf32>
    tpu.vector_store %arg4[%swap3A_1076, %swap3A_1077], %transpose3A_1075 {strides = array<i32>} : memref<128x8192xf32, #tpu.memory_space<vmem>>, vector<128x8192xf32>,
    %dma_start3A_1079 = arith.constant 22 : i32
    %dma_start3A_1080 = arith.constant 0 : i32
    %dma_start3A_1081 = arith.constant 0 : i32
    %dma_start3A_1082 = tpu.memref_slice %arg1[%dma_start3A_1079, %dma_start3A_1080, %dma_start3A_1081] : memref<50x64x16384xf32, #tpu.memory_space<any>> -> memref<1x64x8192xf32, #tpu.memory_space<any>>
    %dma_start3A_1083 = tpu.memref_squeeze %dma_start3A_1082 : memref<1x64x8192xf32, #tpu.memory_space<any>> -> memref<64x8192xf32, #tpu.memory_space<any>>
    %dma_start3A_1084 = arith.constant 0 : i32
    %dma_start3A_1085 = arith.constant 0 : i32
    %dma_start3A_1086 = tpu.memref_slice %arg4[%dma_start3A_1084, %dma_start3A_1085] : memref<128x8192xf32, #tpu.memory_space<vmem>> -> memref<64x8192xf32, #tpu.memory_space<vmem>>
    tpu.enqueue_dma source(%dma_start3A_1086 : memref<64x8192xf32, #tpu.memory_space<vmem>>) target(%dma_start3A_1083 : memref<64x8192xf32, #tpu.memory_space<any>>) target_semaphore(%arg8 : memref<!tpu.dma_semaphore, #tpu.memory_space<semaphore_mem>>)
    %dma_start3A_1087 = arith.constant 22 : i32
    %dma_start3A_1088 = arith.constant 0 : i32
    %dma_start3A_1089 = arith.constant 8192 : i32
    %dma_start3A_1090 = tpu.memref_slice %arg1[%dma_start3A_1087, %dma_start3A_1088, %dma_start3A_1089] : memref<50x64x16384xf32, #tpu.memory_space<any>> -> memref<1x64x8192xf32, #tpu.memory_space<any>>
    %dma_start3A_1091 = tpu.memref_squeeze %dma_start3A_1090 : memref<1x64x8192xf32, #tpu.memory_space<any>> -> memref<64x8192xf32, #tpu.memory_space<any>>
    %dma_start3A_1092 = arith.constant 64 : i32
    %dma_start3A_1093 = arith.constant 0 : i32
    %dma_start3A_1094 = tpu.memref_slice %arg4[%dma_start3A_1092, %dma_start3A_1093] : memref<128x8192xf32, #tpu.memory_space<vmem>> -> memref<64x8192xf32, #tpu.memory_space<vmem>>
    tpu.enqueue_dma source(%dma_start3A_1094 : memref<64x8192xf32, #tpu.memory_space<vmem>>) target(%dma_start3A_1091 : memref<64x8192xf32, #tpu.memory_space<any>>) target_semaphore(%arg9 : memref<!tpu.dma_semaphore, #tpu.memory_space<semaphore_mem>>)
    %dma_start3A_1095 = arith.constant 24 : i32
    %dma_start3A_1096 = arith.constant 0 : i32
    %dma_start3A_1097 = arith.constant 0 : i32
    %dma_start3A_1098 = tpu.memref_slice %arg0[%dma_start3A_1095, %dma_start3A_1096, %dma_start3A_1097] : memref<50x8192x128xf32, #tpu.memory_space<any>> -> memref<1x8192x128xf32, #tpu.memory_space<any>>
    %dma_start3A_1099 = tpu.memref_squeeze %dma_start3A_1098 : memref<1x8192x128xf32, #tpu.memory_space<any>> -> memref<8192x128xf32, #tpu.memory_space<any>>
    tpu.enqueue_dma source(%dma_start3A_1099 : memref<8192x128xf32, #tpu.memory_space<any>>) target(%arg2 : memref<8192x128xf32, #tpu.memory_space<vmem>>) target_semaphore(%arg6 : memref<!tpu.dma_semaphore, #tpu.memory_space<semaphore_mem>>)
    %dma_wait3A_1100 = arith.constant 23 : i32
    %dma_wait3A_1101 = arith.constant 0 : i32
    %dma_wait3A_1102 = arith.constant 0 : i32
    %dma_wait3A_1103 = tpu.memref_slice %arg0[%dma_wait3A_1100, %dma_wait3A_1101, %dma_wait3A_1102] : memref<50x8192x128xf32, #tpu.memory_space<any>> -> memref<1x8192x128xf32, #tpu.memory_space<any>>
    %dma_wait3A_1104 = tpu.memref_squeeze %dma_wait3A_1103 : memref<1x8192x128xf32, #tpu.memory_space<any>> -> memref<8192x128xf32, #tpu.memory_space<any>>
    tpu.wait_dma2 semaphore(%arg7 : memref<!tpu.dma_semaphore, #tpu.memory_space<semaphore_mem>>) src(%dma_wait3A_1104 : memref<8192x128xf32, #tpu.memory_space<any>>) dst(%arg3 : memref<8192x128xf32, #tpu.memory_space<vmem>>)
    %dma_wait3A_1105 = arith.constant 21 : i32
    %dma_wait3A_1106 = arith.constant 0 : i32
    %dma_wait3A_1107 = arith.constant 0 : i32
    %dma_wait3A_1108 = tpu.memref_slice %arg1[%dma_wait3A_1105, %dma_wait3A_1106, %dma_wait3A_1107] : memref<50x64x16384xf32, #tpu.memory_space<any>> -> memref<1x64x8192xf32, #tpu.memory_space<any>>
    %dma_wait3A_1109 = tpu.memref_squeeze %dma_wait3A_1108 : memref<1x64x8192xf32, #tpu.memory_space<any>> -> memref<64x8192xf32, #tpu.memory_space<any>>
    %dma_wait3A_1110 = arith.constant 0 : i32
    %dma_wait3A_1111 = arith.constant 0 : i32
    %dma_wait3A_1112 = tpu.memref_slice %arg5[%dma_wait3A_1110, %dma_wait3A_1111] : memref<128x8192xf32, #tpu.memory_space<vmem>> -> memref<64x8192xf32, #tpu.memory_space<vmem>>
    tpu.wait_dma2 semaphore(%arg10 : memref<!tpu.dma_semaphore, #tpu.memory_space<semaphore_mem>>) src(%dma_wait3A_1112 : memref<64x8192xf32, #tpu.memory_space<vmem>>) dst(%dma_wait3A_1109 : memref<64x8192xf32, #tpu.memory_space<any>>)
    %dma_wait3A_1113 = arith.constant 21 : i32
    %dma_wait3A_1114 = arith.constant 0 : i32
    %dma_wait3A_1115 = arith.constant 8192 : i32
    %dma_wait3A_1116 = tpu.memref_slice %arg1[%dma_wait3A_1113, %dma_wait3A_1114, %dma_wait3A_1115] : memref<50x64x16384xf32, #tpu.memory_space<any>> -> memref<1x64x8192xf32, #tpu.memory_space<any>>
    %dma_wait3A_1117 = tpu.memref_squeeze %dma_wait3A_1116 : memref<1x64x8192xf32, #tpu.memory_space<any>> -> memref<64x8192xf32, #tpu.memory_space<any>>
    %dma_wait3A_1118 = arith.constant 64 : i32
    %dma_wait3A_1119 = arith.constant 0 : i32
    %dma_wait3A_1120 = tpu.memref_slice %arg5[%dma_wait3A_1118, %dma_wait3A_1119] : memref<128x8192xf32, #tpu.memory_space<vmem>> -> memref<64x8192xf32, #tpu.memory_space<vmem>>
    tpu.wait_dma2 semaphore(%arg11 : memref<!tpu.dma_semaphore, #tpu.memory_space<semaphore_mem>>) src(%dma_wait3A_1120 : memref<64x8192xf32, #tpu.memory_space<vmem>>) dst(%dma_wait3A_1117 : memref<64x8192xf32, #tpu.memory_space<any>>)
    %get3A_1121 = arith.constant 0 : index
    %get3A_1122 = arith.constant 0 : index
    %get3A_1123 = vector.load %arg3[%get3A_1121, %get3A_1122] : memref<8192x128xf32, #tpu.memory_space<vmem>>, vector<8192x128xf32>
    %transpose3A_1124 = tpu.transpose %get3A_1123, [1, 0] : vector<8192x128xf32> -> vector<128x8192xf32>
    %swap3A_1125 = arith.constant 0 : index
    %swap3A_1126 = arith.constant 0 : index
    %swap3A_1127 = vector.load %arg5[%swap3A_1125, %swap3A_1126] : memref<128x8192xf32, #tpu.memory_space<vmem>>, vector<128x8192xf32>
    tpu.vector_store %arg5[%swap3A_1125, %swap3A_1126], %transpose3A_1124 {strides = array<i32>} : memref<128x8192xf32, #tpu.memory_space<vmem>>, vector<128x8192xf32>,
    %dma_start3A_1128 = arith.constant 23 : i32
    %dma_start3A_1129 = arith.constant 0 : i32
    %dma_start3A_1130 = arith.constant 0 : i32
    %dma_start3A_1131 = tpu.memref_slice %arg1[%dma_start3A_1128, %dma_start3A_1129, %dma_start3A_1130] : memref<50x64x16384xf32, #tpu.memory_space<any>> -> memref<1x64x8192xf32, #tpu.memory_space<any>>
    %dma_start3A_1132 = tpu.memref_squeeze %dma_start3A_1131 : memref<1x64x8192xf32, #tpu.memory_space<any>> -> memref<64x8192xf32, #tpu.memory_space<any>>
    %dma_start3A_1133 = arith.constant 0 : i32
    %dma_start3A_1134 = arith.constant 0 : i32
    %dma_start3A_1135 = tpu.memref_slice %arg5[%dma_start3A_1133, %dma_start3A_1134] : memref<128x8192xf32, #tpu.memory_space<vmem>> -> memref<64x8192xf32, #tpu.memory_space<vmem>>
    tpu.enqueue_dma source(%dma_start3A_1135 : memref<64x8192xf32, #tpu.memory_space<vmem>>) target(%dma_start3A_1132 : memref<64x8192xf32, #tpu.memory_space<any>>) target_semaphore(%arg10 : memref<!tpu.dma_semaphore, #tpu.memory_space<semaphore_mem>>)
    %dma_start3A_1136 = arith.constant 23 : i32
    %dma_start3A_1137 = arith.constant 0 : i32
    %dma_start3A_1138 = arith.constant 8192 : i32
    %dma_start3A_1139 = tpu.memref_slice %arg1[%dma_start3A_1136, %dma_start3A_1137, %dma_start3A_1138] : memref<50x64x16384xf32, #tpu.memory_space<any>> -> memref<1x64x8192xf32, #tpu.memory_space<any>>
    %dma_start3A_1140 = tpu.memref_squeeze %dma_start3A_1139 : memref<1x64x8192xf32, #tpu.memory_space<any>> -> memref<64x8192xf32, #tpu.memory_space<any>>
    %dma_start3A_1141 = arith.constant 64 : i32
    %dma_start3A_1142 = arith.constant 0 : i32
    %dma_start3A_1143 = tpu.memref_slice %arg5[%dma_start3A_1141, %dma_start3A_1142] : memref<128x8192xf32, #tpu.memory_space<vmem>> -> memref<64x8192xf32, #tpu.memory_space<vmem>>
    tpu.enqueue_dma source(%dma_start3A_1143 : memref<64x8192xf32, #tpu.memory_space<vmem>>) target(%dma_start3A_1140 : memref<64x8192xf32, #tpu.memory_space<any>>) target_semaphore(%arg11 : memref<!tpu.dma_semaphore, #tpu.memory_space<semaphore_mem>>)
    %dma_start3A_1144 = arith.constant 25 : i32
    %dma_start3A_1145 = arith.constant 0 : i32
    %dma_start3A_1146 = arith.constant 0 : i32
    %dma_start3A_1147 = tpu.memref_slice %arg0[%dma_start3A_1144, %dma_start3A_1145, %dma_start3A_1146] : memref<50x8192x128xf32, #tpu.memory_space<any>> -> memref<1x8192x128xf32, #tpu.memory_space<any>>
    %dma_start3A_1148 = tpu.memref_squeeze %dma_start3A_1147 : memref<1x8192x128xf32, #tpu.memory_space<any>> -> memref<8192x128xf32, #tpu.memory_space<any>>
    tpu.enqueue_dma source(%dma_start3A_1148 : memref<8192x128xf32, #tpu.memory_space<any>>) target(%arg3 : memref<8192x128xf32, #tpu.memory_space<vmem>>) target_semaphore(%arg7 : memref<!tpu.dma_semaphore, #tpu.memory_space<semaphore_mem>>)
    %dma_wait3A_1149 = arith.constant 24 : i32
    %dma_wait3A_1150 = arith.constant 0 : i32
    %dma_wait3A_1151 = arith.constant 0 : i32
    %dma_wait3A_1152 = tpu.memref_slice %arg0[%dma_wait3A_1149, %dma_wait3A_1150, %dma_wait3A_1151] : memref<50x8192x128xf32, #tpu.memory_space<any>> -> memref<1x8192x128xf32, #tpu.memory_space<any>>
    %dma_wait3A_1153 = tpu.memref_squeeze %dma_wait3A_1152 : memref<1x8192x128xf32, #tpu.memory_space<any>> -> memref<8192x128xf32, #tpu.memory_space<any>>
    tpu.wait_dma2 semaphore(%arg6 : memref<!tpu.dma_semaphore, #tpu.memory_space<semaphore_mem>>) src(%dma_wait3A_1153 : memref<8192x128xf32, #tpu.memory_space<any>>) dst(%arg2 : memref<8192x128xf32, #tpu.memory_space<vmem>>)
    %dma_wait3A_1154 = arith.constant 22 : i32
    %dma_wait3A_1155 = arith.constant 0 : i32
    %dma_wait3A_1156 = arith.constant 0 : i32
    %dma_wait3A_1157 = tpu.memref_slice %arg1[%dma_wait3A_1154, %dma_wait3A_1155, %dma_wait3A_1156] : memref<50x64x16384xf32, #tpu.memory_space<any>> -> memref<1x64x8192xf32, #tpu.memory_space<any>>
    %dma_wait3A_1158 = tpu.memref_squeeze %dma_wait3A_1157 : memref<1x64x8192xf32, #tpu.memory_space<any>> -> memref<64x8192xf32, #tpu.memory_space<any>>
    %dma_wait3A_1159 = arith.constant 0 : i32
    %dma_wait3A_1160 = arith.constant 0 : i32
    %dma_wait3A_1161 = tpu.memref_slice %arg4[%dma_wait3A_1159, %dma_wait3A_1160] : memref<128x8192xf32, #tpu.memory_space<vmem>> -> memref<64x8192xf32, #tpu.memory_space<vmem>>
    tpu.wait_dma2 semaphore(%arg8 : memref<!tpu.dma_semaphore, #tpu.memory_space<semaphore_mem>>) src(%dma_wait3A_1161 : memref<64x8192xf32, #tpu.memory_space<vmem>>) dst(%dma_wait3A_1158 : memref<64x8192xf32, #tpu.memory_space<any>>)
    %dma_wait3A_1162 = arith.constant 22 : i32
    %dma_wait3A_1163 = arith.constant 0 : i32
    %dma_wait3A_1164 = arith.constant 8192 : i32
    %dma_wait3A_1165 = tpu.memref_slice %arg1[%dma_wait3A_1162, %dma_wait3A_1163, %dma_wait3A_1164] : memref<50x64x16384xf32, #tpu.memory_space<any>> -> memref<1x64x8192xf32, #tpu.memory_space<any>>
    %dma_wait3A_1166 = tpu.memref_squeeze %dma_wait3A_1165 : memref<1x64x8192xf32, #tpu.memory_space<any>> -> memref<64x8192xf32, #tpu.memory_space<any>>
    %dma_wait3A_1167 = arith.constant 64 : i32
    %dma_wait3A_1168 = arith.constant 0 : i32
    %dma_wait3A_1169 = tpu.memref_slice %arg4[%dma_wait3A_1167, %dma_wait3A_1168] : memref<128x8192xf32, #tpu.memory_space<vmem>> -> memref<64x8192xf32, #tpu.memory_space<vmem>>
    tpu.wait_dma2 semaphore(%arg9 : memref<!tpu.dma_semaphore, #tpu.memory_space<semaphore_mem>>) src(%dma_wait3A_1169 : memref<64x8192xf32, #tpu.memory_space<vmem>>) dst(%dma_wait3A_1166 : memref<64x8192xf32, #tpu.memory_space<any>>)
    %get3A_1170 = arith.constant 0 : index
    %get3A_1171 = arith.constant 0 : index
    %get3A_1172 = vector.load %arg2[%get3A_1170, %get3A_1171] : memref<8192x128xf32, #tpu.memory_space<vmem>>, vector<8192x128xf32>
    %transpose3A_1173 = tpu.transpose %get3A_1172, [1, 0] : vector<8192x128xf32> -> vector<128x8192xf32>
    %swap3A_1174 = arith.constant 0 : index
    %swap3A_1175 = arith.constant 0 : index
    %swap3A_1176 = vector.load %arg4[%swap3A_1174, %swap3A_1175] : memref<128x8192xf32, #tpu.memory_space<vmem>>, vector<128x8192xf32>
    tpu.vector_store %arg4[%swap3A_1174, %swap3A_1175], %transpose3A_1173 {strides = array<i32>} : memref<128x8192xf32, #tpu.memory_space<vmem>>, vector<128x8192xf32>,
    %dma_start3A_1177 = arith.constant 24 : i32
    %dma_start3A_1178 = arith.constant 0 : i32
    %dma_start3A_1179 = arith.constant 0 : i32
    %dma_start3A_1180 = tpu.memref_slice %arg1[%dma_start3A_1177, %dma_start3A_1178, %dma_start3A_1179] : memref<50x64x16384xf32, #tpu.memory_space<any>> -> memref<1x64x8192xf32, #tpu.memory_space<any>>
    %dma_start3A_1181 = tpu.memref_squeeze %dma_start3A_1180 : memref<1x64x8192xf32, #tpu.memory_space<any>> -> memref<64x8192xf32, #tpu.memory_space<any>>
    %dma_start3A_1182 = arith.constant 0 : i32
    %dma_start3A_1183 = arith.constant 0 : i32
    %dma_start3A_1184 = tpu.memref_slice %arg4[%dma_start3A_1182, %dma_start3A_1183] : memref<128x8192xf32, #tpu.memory_space<vmem>> -> memref<64x8192xf32, #tpu.memory_space<vmem>>
    tpu.enqueue_dma source(%dma_start3A_1184 : memref<64x8192xf32, #tpu.memory_space<vmem>>) target(%dma_start3A_1181 : memref<64x8192xf32, #tpu.memory_space<any>>) target_semaphore(%arg8 : memref<!tpu.dma_semaphore, #tpu.memory_space<semaphore_mem>>)
    %dma_start3A_1185 = arith.constant 24 : i32
    %dma_start3A_1186 = arith.constant 0 : i32
    %dma_start3A_1187 = arith.constant 8192 : i32
    %dma_start3A_1188 = tpu.memref_slice %arg1[%dma_start3A_1185, %dma_start3A_1186, %dma_start3A_1187] : memref<50x64x16384xf32, #tpu.memory_space<any>> -> memref<1x64x8192xf32, #tpu.memory_space<any>>
    %dma_start3A_1189 = tpu.memref_squeeze %dma_start3A_1188 : memref<1x64x8192xf32, #tpu.memory_space<any>> -> memref<64x8192xf32, #tpu.memory_space<any>>
    %dma_start3A_1190 = arith.constant 64 : i32
    %dma_start3A_1191 = arith.constant 0 : i32
    %dma_start3A_1192 = tpu.memref_slice %arg4[%dma_start3A_1190, %dma_start3A_1191] : memref<128x8192xf32, #tpu.memory_space<vmem>> -> memref<64x8192xf32, #tpu.memory_space<vmem>>
    tpu.enqueue_dma source(%dma_start3A_1192 : memref<64x8192xf32, #tpu.memory_space<vmem>>) target(%dma_start3A_1189 : memref<64x8192xf32, #tpu.memory_space<any>>) target_semaphore(%arg9 : memref<!tpu.dma_semaphore, #tpu.memory_space<semaphore_mem>>)
    %dma_start3A_1193 = arith.constant 26 : i32
    %dma_start3A_1194 = arith.constant 0 : i32
    %dma_start3A_1195 = arith.constant 0 : i32
    %dma_start3A_1196 = tpu.memref_slice %arg0[%dma_start3A_1193, %dma_start3A_1194, %dma_start3A_1195] : memref<50x8192x128xf32, #tpu.memory_space<any>> -> memref<1x8192x128xf32, #tpu.memory_space<any>>
    %dma_start3A_1197 = tpu.memref_squeeze %dma_start3A_1196 : memref<1x8192x128xf32, #tpu.memory_space<any>> -> memref<8192x128xf32, #tpu.memory_space<any>>
    tpu.enqueue_dma source(%dma_start3A_1197 : memref<8192x128xf32, #tpu.memory_space<any>>) target(%arg2 : memref<8192x128xf32, #tpu.memory_space<vmem>>) target_semaphore(%arg6 : memref<!tpu.dma_semaphore, #tpu.memory_space<semaphore_mem>>)
    %dma_wait3A_1198 = arith.constant 25 : i32
    %dma_wait3A_1199 = arith.constant 0 : i32
    %dma_wait3A_1200 = arith.constant 0 : i32
    %dma_wait3A_1201 = tpu.memref_slice %arg0[%dma_wait3A_1198, %dma_wait3A_1199, %dma_wait3A_1200] : memref<50x8192x128xf32, #tpu.memory_space<any>> -> memref<1x8192x128xf32, #tpu.memory_space<any>>
    %dma_wait3A_1202 = tpu.memref_squeeze %dma_wait3A_1201 : memref<1x8192x128xf32, #tpu.memory_space<any>> -> memref<8192x128xf32, #tpu.memory_space<any>>
    tpu.wait_dma2 semaphore(%arg7 : memref<!tpu.dma_semaphore, #tpu.memory_space<semaphore_mem>>) src(%dma_wait3A_1202 : memref<8192x128xf32, #tpu.memory_space<any>>) dst(%arg3 : memref<8192x128xf32, #tpu.memory_space<vmem>>)
    %dma_wait3A_1203 = arith.constant 23 : i32
    %dma_wait3A_1204 = arith.constant 0 : i32
    %dma_wait3A_1205 = arith.constant 0 : i32
    %dma_wait3A_1206 = tpu.memref_slice %arg1[%dma_wait3A_1203, %dma_wait3A_1204, %dma_wait3A_1205] : memref<50x64x16384xf32, #tpu.memory_space<any>> -> memref<1x64x8192xf32, #tpu.memory_space<any>>
    %dma_wait3A_1207 = tpu.memref_squeeze %dma_wait3A_1206 : memref<1x64x8192xf32, #tpu.memory_space<any>> -> memref<64x8192xf32, #tpu.memory_space<any>>
    %dma_wait3A_1208 = arith.constant 0 : i32
    %dma_wait3A_1209 = arith.constant 0 : i32
    %dma_wait3A_1210 = tpu.memref_slice %arg5[%dma_wait3A_1208, %dma_wait3A_1209] : memref<128x8192xf32, #tpu.memory_space<vmem>> -> memref<64x8192xf32, #tpu.memory_space<vmem>>
    tpu.wait_dma2 semaphore(%arg10 : memref<!tpu.dma_semaphore, #tpu.memory_space<semaphore_mem>>) src(%dma_wait3A_1210 : memref<64x8192xf32, #tpu.memory_space<vmem>>) dst(%dma_wait3A_1207 : memref<64x8192xf32, #tpu.memory_space<any>>)
    %dma_wait3A_1211 = arith.constant 23 : i32
    %dma_wait3A_1212 = arith.constant 0 : i32
    %dma_wait3A_1213 = arith.constant 8192 : i32
    %dma_wait3A_1214 = tpu.memref_slice %arg1[%dma_wait3A_1211, %dma_wait3A_1212, %dma_wait3A_1213] : memref<50x64x16384xf32, #tpu.memory_space<any>> -> memref<1x64x8192xf32, #tpu.memory_space<any>>
    %dma_wait3A_1215 = tpu.memref_squeeze %dma_wait3A_1214 : memref<1x64x8192xf32, #tpu.memory_space<any>> -> memref<64x8192xf32, #tpu.memory_space<any>>
    %dma_wait3A_1216 = arith.constant 64 : i32
    %dma_wait3A_1217 = arith.constant 0 : i32
    %dma_wait3A_1218 = tpu.memref_slice %arg5[%dma_wait3A_1216, %dma_wait3A_1217] : memref<128x8192xf32, #tpu.memory_space<vmem>> -> memref<64x8192xf32, #tpu.memory_space<vmem>>
    tpu.wait_dma2 semaphore(%arg11 : memref<!tpu.dma_semaphore, #tpu.memory_space<semaphore_mem>>) src(%dma_wait3A_1218 : memref<64x8192xf32, #tpu.memory_space<vmem>>) dst(%dma_wait3A_1215 : memref<64x8192xf32, #tpu.memory_space<any>>)
    %get3A_1219 = arith.constant 0 : index
    %get3A_1220 = arith.constant 0 : index
    %get3A_1221 = vector.load %arg3[%get3A_1219, %get3A_1220] : memref<8192x128xf32, #tpu.memory_space<vmem>>, vector<8192x128xf32>
    %transpose3A_1222 = tpu.transpose %get3A_1221, [1, 0] : vector<8192x128xf32> -> vector<128x8192xf32>
    %swap3A_1223 = arith.constant 0 : index
    %swap3A_1224 = arith.constant 0 : index
    %swap3A_1225 = vector.load %arg5[%swap3A_1223, %swap3A_1224] : memref<128x8192xf32, #tpu.memory_space<vmem>>, vector<128x8192xf32>
    tpu.vector_store %arg5[%swap3A_1223, %swap3A_1224], %transpose3A_1222 {strides = array<i32>} : memref<128x8192xf32, #tpu.memory_space<vmem>>, vector<128x8192xf32>,
    %dma_start3A_1226 = arith.constant 25 : i32
    %dma_start3A_1227 = arith.constant 0 : i32
    %dma_start3A_1228 = arith.constant 0 : i32
    %dma_start3A_1229 = tpu.memref_slice %arg1[%dma_start3A_1226, %dma_start3A_1227, %dma_start3A_1228] : memref<50x64x16384xf32, #tpu.memory_space<any>> -> memref<1x64x8192xf32, #tpu.memory_space<any>>
    %dma_start3A_1230 = tpu.memref_squeeze %dma_start3A_1229 : memref<1x64x8192xf32, #tpu.memory_space<any>> -> memref<64x8192xf32, #tpu.memory_space<any>>
    %dma_start3A_1231 = arith.constant 0 : i32
    %dma_start3A_1232 = arith.constant 0 : i32
    %dma_start3A_1233 = tpu.memref_slice %arg5[%dma_start3A_1231, %dma_start3A_1232] : memref<128x8192xf32, #tpu.memory_space<vmem>> -> memref<64x8192xf32, #tpu.memory_space<vmem>>
    tpu.enqueue_dma source(%dma_start3A_1233 : memref<64x8192xf32, #tpu.memory_space<vmem>>) target(%dma_start3A_1230 : memref<64x8192xf32, #tpu.memory_space<any>>) target_semaphore(%arg10 : memref<!tpu.dma_semaphore, #tpu.memory_space<semaphore_mem>>)
    %dma_start3A_1234 = arith.constant 25 : i32
    %dma_start3A_1235 = arith.constant 0 : i32
    %dma_start3A_1236 = arith.constant 8192 : i32
    %dma_start3A_1237 = tpu.memref_slice %arg1[%dma_start3A_1234, %dma_start3A_1235, %dma_start3A_1236] : memref<50x64x16384xf32, #tpu.memory_space<any>> -> memref<1x64x8192xf32, #tpu.memory_space<any>>
    %dma_start3A_1238 = tpu.memref_squeeze %dma_start3A_1237 : memref<1x64x8192xf32, #tpu.memory_space<any>> -> memref<64x8192xf32, #tpu.memory_space<any>>
    %dma_start3A_1239 = arith.constant 64 : i32
    %dma_start3A_1240 = arith.constant 0 : i32
    %dma_start3A_1241 = tpu.memref_slice %arg5[%dma_start3A_1239, %dma_start3A_1240] : memref<128x8192xf32, #tpu.memory_space<vmem>> -> memref<64x8192xf32, #tpu.memory_space<vmem>>
    tpu.enqueue_dma source(%dma_start3A_1241 : memref<64x8192xf32, #tpu.memory_space<vmem>>) target(%dma_start3A_1238 : memref<64x8192xf32, #tpu.memory_space<any>>) target_semaphore(%arg11 : memref<!tpu.dma_semaphore, #tpu.memory_space<semaphore_mem>>)
    %dma_start3A_1242 = arith.constant 27 : i32
    %dma_start3A_1243 = arith.constant 0 : i32
    %dma_start3A_1244 = arith.constant 0 : i32
    %dma_start3A_1245 = tpu.memref_slice %arg0[%dma_start3A_1242, %dma_start3A_1243, %dma_start3A_1244] : memref<50x8192x128xf32, #tpu.memory_space<any>> -> memref<1x8192x128xf32, #tpu.memory_space<any>>
    %dma_start3A_1246 = tpu.memref_squeeze %dma_start3A_1245 : memref<1x8192x128xf32, #tpu.memory_space<any>> -> memref<8192x128xf32, #tpu.memory_space<any>>
    tpu.enqueue_dma source(%dma_start3A_1246 : memref<8192x128xf32, #tpu.memory_space<any>>) target(%arg3 : memref<8192x128xf32, #tpu.memory_space<vmem>>) target_semaphore(%arg7 : memref<!tpu.dma_semaphore, #tpu.memory_space<semaphore_mem>>)
    %dma_wait3A_1247 = arith.constant 26 : i32
    %dma_wait3A_1248 = arith.constant 0 : i32
    %dma_wait3A_1249 = arith.constant 0 : i32
    %dma_wait3A_1250 = tpu.memref_slice %arg0[%dma_wait3A_1247, %dma_wait3A_1248, %dma_wait3A_1249] : memref<50x8192x128xf32, #tpu.memory_space<any>> -> memref<1x8192x128xf32, #tpu.memory_space<any>>
    %dma_wait3A_1251 = tpu.memref_squeeze %dma_wait3A_1250 : memref<1x8192x128xf32, #tpu.memory_space<any>> -> memref<8192x128xf32, #tpu.memory_space<any>>
    tpu.wait_dma2 semaphore(%arg6 : memref<!tpu.dma_semaphore, #tpu.memory_space<semaphore_mem>>) src(%dma_wait3A_1251 : memref<8192x128xf32, #tpu.memory_space<any>>) dst(%arg2 : memref<8192x128xf32, #tpu.memory_space<vmem>>)
    %dma_wait3A_1252 = arith.constant 24 : i32
    %dma_wait3A_1253 = arith.constant 0 : i32
    %dma_wait3A_1254 = arith.constant 0 : i32
    %dma_wait3A_1255 = tpu.memref_slice %arg1[%dma_wait3A_1252, %dma_wait3A_1253, %dma_wait3A_1254] : memref<50x64x16384xf32, #tpu.memory_space<any>> -> memref<1x64x8192xf32, #tpu.memory_space<any>>
    %dma_wait3A_1256 = tpu.memref_squeeze %dma_wait3A_1255 : memref<1x64x8192xf32, #tpu.memory_space<any>> -> memref<64x8192xf32, #tpu.memory_space<any>>
    %dma_wait3A_1257 = arith.constant 0 : i32
    %dma_wait3A_1258 = arith.constant 0 : i32
    %dma_wait3A_1259 = tpu.memref_slice %arg4[%dma_wait3A_1257, %dma_wait3A_1258] : memref<128x8192xf32, #tpu.memory_space<vmem>> -> memref<64x8192xf32, #tpu.memory_space<vmem>>
    tpu.wait_dma2 semaphore(%arg8 : memref<!tpu.dma_semaphore, #tpu.memory_space<semaphore_mem>>) src(%dma_wait3A_1259 : memref<64x8192xf32, #tpu.memory_space<vmem>>) dst(%dma_wait3A_1256 : memref<64x8192xf32, #tpu.memory_space<any>>)
    %dma_wait3A_1260 = arith.constant 24 : i32
    %dma_wait3A_1261 = arith.constant 0 : i32
    %dma_wait3A_1262 = arith.constant 8192 : i32
    %dma_wait3A_1263 = tpu.memref_slice %arg1[%dma_wait3A_1260, %dma_wait3A_1261, %dma_wait3A_1262] : memref<50x64x16384xf32, #tpu.memory_space<any>> -> memref<1x64x8192xf32, #tpu.memory_space<any>>
    %dma_wait3A_1264 = tpu.memref_squeeze %dma_wait3A_1263 : memref<1x64x8192xf32, #tpu.memory_space<any>> -> memref<64x8192xf32, #tpu.memory_space<any>>
    %dma_wait3A_1265 = arith.constant 64 : i32
    %dma_wait3A_1266 = arith.constant 0 : i32
    %dma_wait3A_1267 = tpu.memref_slice %arg4[%dma_wait3A_1265, %dma_wait3A_1266] : memref<128x8192xf32, #tpu.memory_space<vmem>> -> memref<64x8192xf32, #tpu.memory_space<vmem>>
    tpu.wait_dma2 semaphore(%arg9 : memref<!tpu.dma_semaphore, #tpu.memory_space<semaphore_mem>>) src(%dma_wait3A_1267 : memref<64x8192xf32, #tpu.memory_space<vmem>>) dst(%dma_wait3A_1264 : memref<64x8192xf32, #tpu.memory_space<any>>)
    %get3A_1268 = arith.constant 0 : index
    %get3A_1269 = arith.constant 0 : index
    %get3A_1270 = vector.load %arg2[%get3A_1268, %get3A_1269] : memref<8192x128xf32, #tpu.memory_space<vmem>>, vector<8192x128xf32>
    %transpose3A_1271 = tpu.transpose %get3A_1270, [1, 0] : vector<8192x128xf32> -> vector<128x8192xf32>
    %swap3A_1272 = arith.constant 0 : index
    %swap3A_1273 = arith.constant 0 : index
    %swap3A_1274 = vector.load %arg4[%swap3A_1272, %swap3A_1273] : memref<128x8192xf32, #tpu.memory_space<vmem>>, vector<128x8192xf32>
    tpu.vector_store %arg4[%swap3A_1272, %swap3A_1273], %transpose3A_1271 {strides = array<i32>} : memref<128x8192xf32, #tpu.memory_space<vmem>>, vector<128x8192xf32>,
    %dma_start3A_1275 = arith.constant 26 : i32
    %dma_start3A_1276 = arith.constant 0 : i32
    %dma_start3A_1277 = arith.constant 0 : i32
    %dma_start3A_1278 = tpu.memref_slice %arg1[%dma_start3A_1275, %dma_start3A_1276, %dma_start3A_1277] : memref<50x64x16384xf32, #tpu.memory_space<any>> -> memref<1x64x8192xf32, #tpu.memory_space<any>>
    %dma_start3A_1279 = tpu.memref_squeeze %dma_start3A_1278 : memref<1x64x8192xf32, #tpu.memory_space<any>> -> memref<64x8192xf32, #tpu.memory_space<any>>
    %dma_start3A_1280 = arith.constant 0 : i32
    %dma_start3A_1281 = arith.constant 0 : i32
    %dma_start3A_1282 = tpu.memref_slice %arg4[%dma_start3A_1280, %dma_start3A_1281] : memref<128x8192xf32, #tpu.memory_space<vmem>> -> memref<64x8192xf32, #tpu.memory_space<vmem>>
    tpu.enqueue_dma source(%dma_start3A_1282 : memref<64x8192xf32, #tpu.memory_space<vmem>>) target(%dma_start3A_1279 : memref<64x8192xf32, #tpu.memory_space<any>>) target_semaphore(%arg8 : memref<!tpu.dma_semaphore, #tpu.memory_space<semaphore_mem>>)
    %dma_start3A_1283 = arith.constant 26 : i32
    %dma_start3A_1284 = arith.constant 0 : i32
    %dma_start3A_1285 = arith.constant 8192 : i32
    %dma_start3A_1286 = tpu.memref_slice %arg1[%dma_start3A_1283, %dma_start3A_1284, %dma_start3A_1285] : memref<50x64x16384xf32, #tpu.memory_space<any>> -> memref<1x64x8192xf32, #tpu.memory_space<any>>
    %dma_start3A_1287 = tpu.memref_squeeze %dma_start3A_1286 : memref<1x64x8192xf32, #tpu.memory_space<any>> -> memref<64x8192xf32, #tpu.memory_space<any>>
    %dma_start3A_1288 = arith.constant 64 : i32
    %dma_start3A_1289 = arith.constant 0 : i32
    %dma_start3A_1290 = tpu.memref_slice %arg4[%dma_start3A_1288, %dma_start3A_1289] : memref<128x8192xf32, #tpu.memory_space<vmem>> -> memref<64x8192xf32, #tpu.memory_space<vmem>>
    tpu.enqueue_dma source(%dma_start3A_1290 : memref<64x8192xf32, #tpu.memory_space<vmem>>) target(%dma_start3A_1287 : memref<64x8192xf32, #tpu.memory_space<any>>) target_semaphore(%arg9 : memref<!tpu.dma_semaphore, #tpu.memory_space<semaphore_mem>>)
    %dma_start3A_1291 = arith.constant 28 : i32
    %dma_start3A_1292 = arith.constant 0 : i32
    %dma_start3A_1293 = arith.constant 0 : i32
    %dma_start3A_1294 = tpu.memref_slice %arg0[%dma_start3A_1291, %dma_start3A_1292, %dma_start3A_1293] : memref<50x8192x128xf32, #tpu.memory_space<any>> -> memref<1x8192x128xf32, #tpu.memory_space<any>>
    %dma_start3A_1295 = tpu.memref_squeeze %dma_start3A_1294 : memref<1x8192x128xf32, #tpu.memory_space<any>> -> memref<8192x128xf32, #tpu.memory_space<any>>
    tpu.enqueue_dma source(%dma_start3A_1295 : memref<8192x128xf32, #tpu.memory_space<any>>) target(%arg2 : memref<8192x128xf32, #tpu.memory_space<vmem>>) target_semaphore(%arg6 : memref<!tpu.dma_semaphore, #tpu.memory_space<semaphore_mem>>)
    %dma_wait3A_1296 = arith.constant 27 : i32
    %dma_wait3A_1297 = arith.constant 0 : i32
    %dma_wait3A_1298 = arith.constant 0 : i32
    %dma_wait3A_1299 = tpu.memref_slice %arg0[%dma_wait3A_1296, %dma_wait3A_1297, %dma_wait3A_1298] : memref<50x8192x128xf32, #tpu.memory_space<any>> -> memref<1x8192x128xf32, #tpu.memory_space<any>>
    %dma_wait3A_1300 = tpu.memref_squeeze %dma_wait3A_1299 : memref<1x8192x128xf32, #tpu.memory_space<any>> -> memref<8192x128xf32, #tpu.memory_space<any>>
    tpu.wait_dma2 semaphore(%arg7 : memref<!tpu.dma_semaphore, #tpu.memory_space<semaphore_mem>>) src(%dma_wait3A_1300 : memref<8192x128xf32, #tpu.memory_space<any>>) dst(%arg3 : memref<8192x128xf32, #tpu.memory_space<vmem>>)
    %dma_wait3A_1301 = arith.constant 25 : i32
    %dma_wait3A_1302 = arith.constant 0 : i32
    %dma_wait3A_1303 = arith.constant 0 : i32
    %dma_wait3A_1304 = tpu.memref_slice %arg1[%dma_wait3A_1301, %dma_wait3A_1302, %dma_wait3A_1303] : memref<50x64x16384xf32, #tpu.memory_space<any>> -> memref<1x64x8192xf32, #tpu.memory_space<any>>
    %dma_wait3A_1305 = tpu.memref_squeeze %dma_wait3A_1304 : memref<1x64x8192xf32, #tpu.memory_space<any>> -> memref<64x8192xf32, #tpu.memory_space<any>>
    %dma_wait3A_1306 = arith.constant 0 : i32
    %dma_wait3A_1307 = arith.constant 0 : i32
    %dma_wait3A_1308 = tpu.memref_slice %arg5[%dma_wait3A_1306, %dma_wait3A_1307] : memref<128x8192xf32, #tpu.memory_space<vmem>> -> memref<64x8192xf32, #tpu.memory_space<vmem>>
    tpu.wait_dma2 semaphore(%arg10 : memref<!tpu.dma_semaphore, #tpu.memory_space<semaphore_mem>>) src(%dma_wait3A_1308 : memref<64x8192xf32, #tpu.memory_space<vmem>>) dst(%dma_wait3A_1305 : memref<64x8192xf32, #tpu.memory_space<any>>)
    %dma_wait3A_1309 = arith.constant 25 : i32
    %dma_wait3A_1310 = arith.constant 0 : i32
    %dma_wait3A_1311 = arith.constant 8192 : i32
    %dma_wait3A_1312 = tpu.memref_slice %arg1[%dma_wait3A_1309, %dma_wait3A_1310, %dma_wait3A_1311] : memref<50x64x16384xf32, #tpu.memory_space<any>> -> memref<1x64x8192xf32, #tpu.memory_space<any>>
    %dma_wait3A_1313 = tpu.memref_squeeze %dma_wait3A_1312 : memref<1x64x8192xf32, #tpu.memory_space<any>> -> memref<64x8192xf32, #tpu.memory_space<any>>
    %dma_wait3A_1314 = arith.constant 64 : i32
    %dma_wait3A_1315 = arith.constant 0 : i32
    %dma_wait3A_1316 = tpu.memref_slice %arg5[%dma_wait3A_1314, %dma_wait3A_1315] : memref<128x8192xf32, #tpu.memory_space<vmem>> -> memref<64x8192xf32, #tpu.memory_space<vmem>>
    tpu.wait_dma2 semaphore(%arg11 : memref<!tpu.dma_semaphore, #tpu.memory_space<semaphore_mem>>) src(%dma_wait3A_1316 : memref<64x8192xf32, #tpu.memory_space<vmem>>) dst(%dma_wait3A_1313 : memref<64x8192xf32, #tpu.memory_space<any>>)
    %get3A_1317 = arith.constant 0 : index
    %get3A_1318 = arith.constant 0 : index
    %get3A_1319 = vector.load %arg3[%get3A_1317, %get3A_1318] : memref<8192x128xf32, #tpu.memory_space<vmem>>, vector<8192x128xf32>
    %transpose3A_1320 = tpu.transpose %get3A_1319, [1, 0] : vector<8192x128xf32> -> vector<128x8192xf32>
    %swap3A_1321 = arith.constant 0 : index
    %swap3A_1322 = arith.constant 0 : index
    %swap3A_1323 = vector.load %arg5[%swap3A_1321, %swap3A_1322] : memref<128x8192xf32, #tpu.memory_space<vmem>>, vector<128x8192xf32>
    tpu.vector_store %arg5[%swap3A_1321, %swap3A_1322], %transpose3A_1320 {strides = array<i32>} : memref<128x8192xf32, #tpu.memory_space<vmem>>, vector<128x8192xf32>,
    %dma_start3A_1324 = arith.constant 27 : i32
    %dma_start3A_1325 = arith.constant 0 : i32
    %dma_start3A_1326 = arith.constant 0 : i32
    %dma_start3A_1327 = tpu.memref_slice %arg1[%dma_start3A_1324, %dma_start3A_1325, %dma_start3A_1326] : memref<50x64x16384xf32, #tpu.memory_space<any>> -> memref<1x64x8192xf32, #tpu.memory_space<any>>
    %dma_start3A_1328 = tpu.memref_squeeze %dma_start3A_1327 : memref<1x64x8192xf32, #tpu.memory_space<any>> -> memref<64x8192xf32, #tpu.memory_space<any>>
    %dma_start3A_1329 = arith.constant 0 : i32
    %dma_start3A_1330 = arith.constant 0 : i32
    %dma_start3A_1331 = tpu.memref_slice %arg5[%dma_start3A_1329, %dma_start3A_1330] : memref<128x8192xf32, #tpu.memory_space<vmem>> -> memref<64x8192xf32, #tpu.memory_space<vmem>>
    tpu.enqueue_dma source(%dma_start3A_1331 : memref<64x8192xf32, #tpu.memory_space<vmem>>) target(%dma_start3A_1328 : memref<64x8192xf32, #tpu.memory_space<any>>) target_semaphore(%arg10 : memref<!tpu.dma_semaphore, #tpu.memory_space<semaphore_mem>>)
    %dma_start3A_1332 = arith.constant 27 : i32
    %dma_start3A_1333 = arith.constant 0 : i32
    %dma_start3A_1334 = arith.constant 8192 : i32
    %dma_start3A_1335 = tpu.memref_slice %arg1[%dma_start3A_1332, %dma_start3A_1333, %dma_start3A_1334] : memref<50x64x16384xf32, #tpu.memory_space<any>> -> memref<1x64x8192xf32, #tpu.memory_space<any>>
    %dma_start3A_1336 = tpu.memref_squeeze %dma_start3A_1335 : memref<1x64x8192xf32, #tpu.memory_space<any>> -> memref<64x8192xf32, #tpu.memory_space<any>>
    %dma_start3A_1337 = arith.constant 64 : i32
    %dma_start3A_1338 = arith.constant 0 : i32
    %dma_start3A_1339 = tpu.memref_slice %arg5[%dma_start3A_1337, %dma_start3A_1338] : memref<128x8192xf32, #tpu.memory_space<vmem>> -> memref<64x8192xf32, #tpu.memory_space<vmem>>
    tpu.enqueue_dma source(%dma_start3A_1339 : memref<64x8192xf32, #tpu.memory_space<vmem>>) target(%dma_start3A_1336 : memref<64x8192xf32, #tpu.memory_space<any>>) target_semaphore(%arg11 : memref<!tpu.dma_semaphore, #tpu.memory_space<semaphore_mem>>)
    %dma_start3A_1340 = arith.constant 29 : i32
    %dma_start3A_1341 = arith.constant 0 : i32
    %dma_start3A_1342 = arith.constant 0 : i32
    %dma_start3A_1343 = tpu.memref_slice %arg0[%dma_start3A_1340, %dma_start3A_1341, %dma_start3A_1342] : memref<50x8192x128xf32, #tpu.memory_space<any>> -> memref<1x8192x128xf32, #tpu.memory_space<any>>
    %dma_start3A_1344 = tpu.memref_squeeze %dma_start3A_1343 : memref<1x8192x128xf32, #tpu.memory_space<any>> -> memref<8192x128xf32, #tpu.memory_space<any>>
    tpu.enqueue_dma source(%dma_start3A_1344 : memref<8192x128xf32, #tpu.memory_space<any>>) target(%arg3 : memref<8192x128xf32, #tpu.memory_space<vmem>>) target_semaphore(%arg7 : memref<!tpu.dma_semaphore, #tpu.memory_space<semaphore_mem>>)
    %dma_wait3A_1345 = arith.constant 28 : i32
    %dma_wait3A_1346 = arith.constant 0 : i32
    %dma_wait3A_1347 = arith.constant 0 : i32
    %dma_wait3A_1348 = tpu.memref_slice %arg0[%dma_wait3A_1345, %dma_wait3A_1346, %dma_wait3A_1347] : memref<50x8192x128xf32, #tpu.memory_space<any>> -> memref<1x8192x128xf32, #tpu.memory_space<any>>
    %dma_wait3A_1349 = tpu.memref_squeeze %dma_wait3A_1348 : memref<1x8192x128xf32, #tpu.memory_space<any>> -> memref<8192x128xf32, #tpu.memory_space<any>>
    tpu.wait_dma2 semaphore(%arg6 : memref<!tpu.dma_semaphore, #tpu.memory_space<semaphore_mem>>) src(%dma_wait3A_1349 : memref<8192x128xf32, #tpu.memory_space<any>>) dst(%arg2 : memref<8192x128xf32, #tpu.memory_space<vmem>>)
    %dma_wait3A_1350 = arith.constant 26 : i32
    %dma_wait3A_1351 = arith.constant 0 : i32
    %dma_wait3A_1352 = arith.constant 0 : i32
    %dma_wait3A_1353 = tpu.memref_slice %arg1[%dma_wait3A_1350, %dma_wait3A_1351, %dma_wait3A_1352] : memref<50x64x16384xf32, #tpu.memory_space<any>> -> memref<1x64x8192xf32, #tpu.memory_space<any>>
    %dma_wait3A_1354 = tpu.memref_squeeze %dma_wait3A_1353 : memref<1x64x8192xf32, #tpu.memory_space<any>> -> memref<64x8192xf32, #tpu.memory_space<any>>
    %dma_wait3A_1355 = arith.constant 0 : i32
    %dma_wait3A_1356 = arith.constant 0 : i32
    %dma_wait3A_1357 = tpu.memref_slice %arg4[%dma_wait3A_1355, %dma_wait3A_1356] : memref<128x8192xf32, #tpu.memory_space<vmem>> -> memref<64x8192xf32, #tpu.memory_space<vmem>>
    tpu.wait_dma2 semaphore(%arg8 : memref<!tpu.dma_semaphore, #tpu.memory_space<semaphore_mem>>) src(%dma_wait3A_1357 : memref<64x8192xf32, #tpu.memory_space<vmem>>) dst(%dma_wait3A_1354 : memref<64x8192xf32, #tpu.memory_space<any>>)
    %dma_wait3A_1358 = arith.constant 26 : i32
    %dma_wait3A_1359 = arith.constant 0 : i32
    %dma_wait3A_1360 = arith.constant 8192 : i32
    %dma_wait3A_1361 = tpu.memref_slice %arg1[%dma_wait3A_1358, %dma_wait3A_1359, %dma_wait3A_1360] : memref<50x64x16384xf32, #tpu.memory_space<any>> -> memref<1x64x8192xf32, #tpu.memory_space<any>>
    %dma_wait3A_1362 = tpu.memref_squeeze %dma_wait3A_1361 : memref<1x64x8192xf32, #tpu.memory_space<any>> -> memref<64x8192xf32, #tpu.memory_space<any>>
    %dma_wait3A_1363 = arith.constant 64 : i32
    %dma_wait3A_1364 = arith.constant 0 : i32
    %dma_wait3A_1365 = tpu.memref_slice %arg4[%dma_wait3A_1363, %dma_wait3A_1364] : memref<128x8192xf32, #tpu.memory_space<vmem>> -> memref<64x8192xf32, #tpu.memory_space<vmem>>
    tpu.wait_dma2 semaphore(%arg9 : memref<!tpu.dma_semaphore, #tpu.memory_space<semaphore_mem>>) src(%dma_wait3A_1365 : memref<64x8192xf32, #tpu.memory_space<vmem>>) dst(%dma_wait3A_1362 : memref<64x8192xf32, #tpu.memory_space<any>>)
    %get3A_1366 = arith.constant 0 : index
    %get3A_1367 = arith.constant 0 : index
    %get3A_1368 = vector.load %arg2[%get3A_1366, %get3A_1367] : memref<8192x128xf32, #tpu.memory_space<vmem>>, vector<8192x128xf32>
    %transpose3A_1369 = tpu.transpose %get3A_1368, [1, 0] : vector<8192x128xf32> -> vector<128x8192xf32>
    %swap3A_1370 = arith.constant 0 : index
    %swap3A_1371 = arith.constant 0 : index
    %swap3A_1372 = vector.load %arg4[%swap3A_1370, %swap3A_1371] : memref<128x8192xf32, #tpu.memory_space<vmem>>, vector<128x8192xf32>
    tpu.vector_store %arg4[%swap3A_1370, %swap3A_1371], %transpose3A_1369 {strides = array<i32>} : memref<128x8192xf32, #tpu.memory_space<vmem>>, vector<128x8192xf32>,
    %dma_start3A_1373 = arith.constant 28 : i32
    %dma_start3A_1374 = arith.constant 0 : i32
    %dma_start3A_1375 = arith.constant 0 : i32
    %dma_start3A_1376 = tpu.memref_slice %arg1[%dma_start3A_1373, %dma_start3A_1374, %dma_start3A_1375] : memref<50x64x16384xf32, #tpu.memory_space<any>> -> memref<1x64x8192xf32, #tpu.memory_space<any>>
    %dma_start3A_1377 = tpu.memref_squeeze %dma_start3A_1376 : memref<1x64x8192xf32, #tpu.memory_space<any>> -> memref<64x8192xf32, #tpu.memory_space<any>>
    %dma_start3A_1378 = arith.constant 0 : i32
    %dma_start3A_1379 = arith.constant 0 : i32
    %dma_start3A_1380 = tpu.memref_slice %arg4[%dma_start3A_1378, %dma_start3A_1379] : memref<128x8192xf32, #tpu.memory_space<vmem>> -> memref<64x8192xf32, #tpu.memory_space<vmem>>
    tpu.enqueue_dma source(%dma_start3A_1380 : memref<64x8192xf32, #tpu.memory_space<vmem>>) target(%dma_start3A_1377 : memref<64x8192xf32, #tpu.memory_space<any>>) target_semaphore(%arg8 : memref<!tpu.dma_semaphore, #tpu.memory_space<semaphore_mem>>)
    %dma_start3A_1381 = arith.constant 28 : i32
    %dma_start3A_1382 = arith.constant 0 : i32
    %dma_start3A_1383 = arith.constant 8192 : i32
    %dma_start3A_1384 = tpu.memref_slice %arg1[%dma_start3A_1381, %dma_start3A_1382, %dma_start3A_1383] : memref<50x64x16384xf32, #tpu.memory_space<any>> -> memref<1x64x8192xf32, #tpu.memory_space<any>>
    %dma_start3A_1385 = tpu.memref_squeeze %dma_start3A_1384 : memref<1x64x8192xf32, #tpu.memory_space<any>> -> memref<64x8192xf32, #tpu.memory_space<any>>
    %dma_start3A_1386 = arith.constant 64 : i32
    %dma_start3A_1387 = arith.constant 0 : i32
    %dma_start3A_1388 = tpu.memref_slice %arg4[%dma_start3A_1386, %dma_start3A_1387] : memref<128x8192xf32, #tpu.memory_space<vmem>> -> memref<64x8192xf32, #tpu.memory_space<vmem>>
    tpu.enqueue_dma source(%dma_start3A_1388 : memref<64x8192xf32, #tpu.memory_space<vmem>>) target(%dma_start3A_1385 : memref<64x8192xf32, #tpu.memory_space<any>>) target_semaphore(%arg9 : memref<!tpu.dma_semaphore, #tpu.memory_space<semaphore_mem>>)
    %dma_start3A_1389 = arith.constant 30 : i32
    %dma_start3A_1390 = arith.constant 0 : i32
    %dma_start3A_1391 = arith.constant 0 : i32
    %dma_start3A_1392 = tpu.memref_slice %arg0[%dma_start3A_1389, %dma_start3A_1390, %dma_start3A_1391] : memref<50x8192x128xf32, #tpu.memory_space<any>> -> memref<1x8192x128xf32, #tpu.memory_space<any>>
    %dma_start3A_1393 = tpu.memref_squeeze %dma_start3A_1392 : memref<1x8192x128xf32, #tpu.memory_space<any>> -> memref<8192x128xf32, #tpu.memory_space<any>>
    tpu.enqueue_dma source(%dma_start3A_1393 : memref<8192x128xf32, #tpu.memory_space<any>>) target(%arg2 : memref<8192x128xf32, #tpu.memory_space<vmem>>) target_semaphore(%arg6 : memref<!tpu.dma_semaphore, #tpu.memory_space<semaphore_mem>>)
    %dma_wait3A_1394 = arith.constant 29 : i32
    %dma_wait3A_1395 = arith.constant 0 : i32
    %dma_wait3A_1396 = arith.constant 0 : i32
    %dma_wait3A_1397 = tpu.memref_slice %arg0[%dma_wait3A_1394, %dma_wait3A_1395, %dma_wait3A_1396] : memref<50x8192x128xf32, #tpu.memory_space<any>> -> memref<1x8192x128xf32, #tpu.memory_space<any>>
    %dma_wait3A_1398 = tpu.memref_squeeze %dma_wait3A_1397 : memref<1x8192x128xf32, #tpu.memory_space<any>> -> memref<8192x128xf32, #tpu.memory_space<any>>
    tpu.wait_dma2 semaphore(%arg7 : memref<!tpu.dma_semaphore, #tpu.memory_space<semaphore_mem>>) src(%dma_wait3A_1398 : memref<8192x128xf32, #tpu.memory_space<any>>) dst(%arg3 : memref<8192x128xf32, #tpu.memory_space<vmem>>)
    %dma_wait3A_1399 = arith.constant 27 : i32
    %dma_wait3A_1400 = arith.constant 0 : i32
    %dma_wait3A_1401 = arith.constant 0 : i32
    %dma_wait3A_1402 = tpu.memref_slice %arg1[%dma_wait3A_1399, %dma_wait3A_1400, %dma_wait3A_1401] : memref<50x64x16384xf32, #tpu.memory_space<any>> -> memref<1x64x8192xf32, #tpu.memory_space<any>>
    %dma_wait3A_1403 = tpu.memref_squeeze %dma_wait3A_1402 : memref<1x64x8192xf32, #tpu.memory_space<any>> -> memref<64x8192xf32, #tpu.memory_space<any>>
    %dma_wait3A_1404 = arith.constant 0 : i32
    %dma_wait3A_1405 = arith.constant 0 : i32
    %dma_wait3A_1406 = tpu.memref_slice %arg5[%dma_wait3A_1404, %dma_wait3A_1405] : memref<128x8192xf32, #tpu.memory_space<vmem>> -> memref<64x8192xf32, #tpu.memory_space<vmem>>
    tpu.wait_dma2 semaphore(%arg10 : memref<!tpu.dma_semaphore, #tpu.memory_space<semaphore_mem>>) src(%dma_wait3A_1406 : memref<64x8192xf32, #tpu.memory_space<vmem>>) dst(%dma_wait3A_1403 : memref<64x8192xf32, #tpu.memory_space<any>>)
    %dma_wait3A_1407 = arith.constant 27 : i32
    %dma_wait3A_1408 = arith.constant 0 : i32
    %dma_wait3A_1409 = arith.constant 8192 : i32
    %dma_wait3A_1410 = tpu.memref_slice %arg1[%dma_wait3A_1407, %dma_wait3A_1408, %dma_wait3A_1409] : memref<50x64x16384xf32, #tpu.memory_space<any>> -> memref<1x64x8192xf32, #tpu.memory_space<any>>
    %dma_wait3A_1411 = tpu.memref_squeeze %dma_wait3A_1410 : memref<1x64x8192xf32, #tpu.memory_space<any>> -> memref<64x8192xf32, #tpu.memory_space<any>>
    %dma_wait3A_1412 = arith.constant 64 : i32
    %dma_wait3A_1413 = arith.constant 0 : i32
    %dma_wait3A_1414 = tpu.memref_slice %arg5[%dma_wait3A_1412, %dma_wait3A_1413] : memref<128x8192xf32, #tpu.memory_space<vmem>> -> memref<64x8192xf32, #tpu.memory_space<vmem>>
    tpu.wait_dma2 semaphore(%arg11 : memref<!tpu.dma_semaphore, #tpu.memory_space<semaphore_mem>>) src(%dma_wait3A_1414 : memref<64x8192xf32, #tpu.memory_space<vmem>>) dst(%dma_wait3A_1411 : memref<64x8192xf32, #tpu.memory_space<any>>)
    %get3A_1415 = arith.constant 0 : index
    %get3A_1416 = arith.constant 0 : index
    %get3A_1417 = vector.load %arg3[%get3A_1415, %get3A_1416] : memref<8192x128xf32, #tpu.memory_space<vmem>>, vector<8192x128xf32>
    %transpose3A_1418 = tpu.transpose %get3A_1417, [1, 0] : vector<8192x128xf32> -> vector<128x8192xf32>
    %swap3A_1419 = arith.constant 0 : index
    %swap3A_1420 = arith.constant 0 : index
    %swap3A_1421 = vector.load %arg5[%swap3A_1419, %swap3A_1420] : memref<128x8192xf32, #tpu.memory_space<vmem>>, vector<128x8192xf32>
    tpu.vector_store %arg5[%swap3A_1419, %swap3A_1420], %transpose3A_1418 {strides = array<i32>} : memref<128x8192xf32, #tpu.memory_space<vmem>>, vector<128x8192xf32>,
    %dma_start3A_1422 = arith.constant 29 : i32
    %dma_start3A_1423 = arith.constant 0 : i32
    %dma_start3A_1424 = arith.constant 0 : i32
    %dma_start3A_1425 = tpu.memref_slice %arg1[%dma_start3A_1422, %dma_start3A_1423, %dma_start3A_1424] : memref<50x64x16384xf32, #tpu.memory_space<any>> -> memref<1x64x8192xf32, #tpu.memory_space<any>>
    %dma_start3A_1426 = tpu.memref_squeeze %dma_start3A_1425 : memref<1x64x8192xf32, #tpu.memory_space<any>> -> memref<64x8192xf32, #tpu.memory_space<any>>
    %dma_start3A_1427 = arith.constant 0 : i32
    %dma_start3A_1428 = arith.constant 0 : i32
    %dma_start3A_1429 = tpu.memref_slice %arg5[%dma_start3A_1427, %dma_start3A_1428] : memref<128x8192xf32, #tpu.memory_space<vmem>> -> memref<64x8192xf32, #tpu.memory_space<vmem>>
    tpu.enqueue_dma source(%dma_start3A_1429 : memref<64x8192xf32, #tpu.memory_space<vmem>>) target(%dma_start3A_1426 : memref<64x8192xf32, #tpu.memory_space<any>>) target_semaphore(%arg10 : memref<!tpu.dma_semaphore, #tpu.memory_space<semaphore_mem>>)
    %dma_start3A_1430 = arith.constant 29 : i32
    %dma_start3A_1431 = arith.constant 0 : i32
    %dma_start3A_1432 = arith.constant 8192 : i32
    %dma_start3A_1433 = tpu.memref_slice %arg1[%dma_start3A_1430, %dma_start3A_1431, %dma_start3A_1432] : memref<50x64x16384xf32, #tpu.memory_space<any>> -> memref<1x64x8192xf32, #tpu.memory_space<any>>
    %dma_start3A_1434 = tpu.memref_squeeze %dma_start3A_1433 : memref<1x64x8192xf32, #tpu.memory_space<any>> -> memref<64x8192xf32, #tpu.memory_space<any>>
    %dma_start3A_1435 = arith.constant 64 : i32
    %dma_start3A_1436 = arith.constant 0 : i32
    %dma_start3A_1437 = tpu.memref_slice %arg5[%dma_start3A_1435, %dma_start3A_1436] : memref<128x8192xf32, #tpu.memory_space<vmem>> -> memref<64x8192xf32, #tpu.memory_space<vmem>>
    tpu.enqueue_dma source(%dma_start3A_1437 : memref<64x8192xf32, #tpu.memory_space<vmem>>) target(%dma_start3A_1434 : memref<64x8192xf32, #tpu.memory_space<any>>) target_semaphore(%arg11 : memref<!tpu.dma_semaphore, #tpu.memory_space<semaphore_mem>>)
    %dma_start3A_1438 = arith.constant 31 : i32
    %dma_start3A_1439 = arith.constant 0 : i32
    %dma_start3A_1440 = arith.constant 0 : i32
    %dma_start3A_1441 = tpu.memref_slice %arg0[%dma_start3A_1438, %dma_start3A_1439, %dma_start3A_1440] : memref<50x8192x128xf32, #tpu.memory_space<any>> -> memref<1x8192x128xf32, #tpu.memory_space<any>>
    %dma_start3A_1442 = tpu.memref_squeeze %dma_start3A_1441 : memref<1x8192x128xf32, #tpu.memory_space<any>> -> memref<8192x128xf32, #tpu.memory_space<any>>
    tpu.enqueue_dma source(%dma_start3A_1442 : memref<8192x128xf32, #tpu.memory_space<any>>) target(%arg3 : memref<8192x128xf32, #tpu.memory_space<vmem>>) target_semaphore(%arg7 : memref<!tpu.dma_semaphore, #tpu.memory_space<semaphore_mem>>)
    %dma_wait3A_1443 = arith.constant 30 : i32
    %dma_wait3A_1444 = arith.constant 0 : i32
    %dma_wait3A_1445 = arith.constant 0 : i32
    %dma_wait3A_1446 = tpu.memref_slice %arg0[%dma_wait3A_1443, %dma_wait3A_1444, %dma_wait3A_1445] : memref<50x8192x128xf32, #tpu.memory_space<any>> -> memref<1x8192x128xf32, #tpu.memory_space<any>>
    %dma_wait3A_1447 = tpu.memref_squeeze %dma_wait3A_1446 : memref<1x8192x128xf32, #tpu.memory_space<any>> -> memref<8192x128xf32, #tpu.memory_space<any>>
    tpu.wait_dma2 semaphore(%arg6 : memref<!tpu.dma_semaphore, #tpu.memory_space<semaphore_mem>>) src(%dma_wait3A_1447 : memref<8192x128xf32, #tpu.memory_space<any>>) dst(%arg2 : memref<8192x128xf32, #tpu.memory_space<vmem>>)
    %dma_wait3A_1448 = arith.constant 28 : i32
    %dma_wait3A_1449 = arith.constant 0 : i32
    %dma_wait3A_1450 = arith.constant 0 : i32
    %dma_wait3A_1451 = tpu.memref_slice %arg1[%dma_wait3A_1448, %dma_wait3A_1449, %dma_wait3A_1450] : memref<50x64x16384xf32, #tpu.memory_space<any>> -> memref<1x64x8192xf32, #tpu.memory_space<any>>
    %dma_wait3A_1452 = tpu.memref_squeeze %dma_wait3A_1451 : memref<1x64x8192xf32, #tpu.memory_space<any>> -> memref<64x8192xf32, #tpu.memory_space<any>>
    %dma_wait3A_1453 = arith.constant 0 : i32
    %dma_wait3A_1454 = arith.constant 0 : i32
    %dma_wait3A_1455 = tpu.memref_slice %arg4[%dma_wait3A_1453, %dma_wait3A_1454] : memref<128x8192xf32, #tpu.memory_space<vmem>> -> memref<64x8192xf32, #tpu.memory_space<vmem>>
    tpu.wait_dma2 semaphore(%arg8 : memref<!tpu.dma_semaphore, #tpu.memory_space<semaphore_mem>>) src(%dma_wait3A_1455 : memref<64x8192xf32, #tpu.memory_space<vmem>>) dst(%dma_wait3A_1452 : memref<64x8192xf32, #tpu.memory_space<any>>)
    %dma_wait3A_1456 = arith.constant 28 : i32
    %dma_wait3A_1457 = arith.constant 0 : i32
    %dma_wait3A_1458 = arith.constant 8192 : i32
    %dma_wait3A_1459 = tpu.memref_slice %arg1[%dma_wait3A_1456, %dma_wait3A_1457, %dma_wait3A_1458] : memref<50x64x16384xf32, #tpu.memory_space<any>> -> memref<1x64x8192xf32, #tpu.memory_space<any>>
    %dma_wait3A_1460 = tpu.memref_squeeze %dma_wait3A_1459 : memref<1x64x8192xf32, #tpu.memory_space<any>> -> memref<64x8192xf32, #tpu.memory_space<any>>
    %dma_wait3A_1461 = arith.constant 64 : i32
    %dma_wait3A_1462 = arith.constant 0 : i32
    %dma_wait3A_1463 = tpu.memref_slice %arg4[%dma_wait3A_1461, %dma_wait3A_1462] : memref<128x8192xf32, #tpu.memory_space<vmem>> -> memref<64x8192xf32, #tpu.memory_space<vmem>>
    tpu.wait_dma2 semaphore(%arg9 : memref<!tpu.dma_semaphore, #tpu.memory_space<semaphore_mem>>) src(%dma_wait3A_1463 : memref<64x8192xf32, #tpu.memory_space<vmem>>) dst(%dma_wait3A_1460 : memref<64x8192xf32, #tpu.memory_space<any>>)
    %get3A_1464 = arith.constant 0 : index
    %get3A_1465 = arith.constant 0 : index
    %get3A_1466 = vector.load %arg2[%get3A_1464, %get3A_1465] : memref<8192x128xf32, #tpu.memory_space<vmem>>, vector<8192x128xf32>
    %transpose3A_1467 = tpu.transpose %get3A_1466, [1, 0] : vector<8192x128xf32> -> vector<128x8192xf32>
    %swap3A_1468 = arith.constant 0 : index
    %swap3A_1469 = arith.constant 0 : index
    %swap3A_1470 = vector.load %arg4[%swap3A_1468, %swap3A_1469] : memref<128x8192xf32, #tpu.memory_space<vmem>>, vector<128x8192xf32>
    tpu.vector_store %arg4[%swap3A_1468, %swap3A_1469], %transpose3A_1467 {strides = array<i32>} : memref<128x8192xf32, #tpu.memory_space<vmem>>, vector<128x8192xf32>,
    %dma_start3A_1471 = arith.constant 30 : i32
    %dma_start3A_1472 = arith.constant 0 : i32
    %dma_start3A_1473 = arith.constant 0 : i32
    %dma_start3A_1474 = tpu.memref_slice %arg1[%dma_start3A_1471, %dma_start3A_1472, %dma_start3A_1473] : memref<50x64x16384xf32, #tpu.memory_space<any>> -> memref<1x64x8192xf32, #tpu.memory_space<any>>
    %dma_start3A_1475 = tpu.memref_squeeze %dma_start3A_1474 : memref<1x64x8192xf32, #tpu.memory_space<any>> -> memref<64x8192xf32, #tpu.memory_space<any>>
    %dma_start3A_1476 = arith.constant 0 : i32
    %dma_start3A_1477 = arith.constant 0 : i32
    %dma_start3A_1478 = tpu.memref_slice %arg4[%dma_start3A_1476, %dma_start3A_1477] : memref<128x8192xf32, #tpu.memory_space<vmem>> -> memref<64x8192xf32, #tpu.memory_space<vmem>>
    tpu.enqueue_dma source(%dma_start3A_1478 : memref<64x8192xf32, #tpu.memory_space<vmem>>) target(%dma_start3A_1475 : memref<64x8192xf32, #tpu.memory_space<any>>) target_semaphore(%arg8 : memref<!tpu.dma_semaphore, #tpu.memory_space<semaphore_mem>>)
    %dma_start3A_1479 = arith.constant 30 : i32
    %dma_start3A_1480 = arith.constant 0 : i32
    %dma_start3A_1481 = arith.constant 8192 : i32
    %dma_start3A_1482 = tpu.memref_slice %arg1[%dma_start3A_1479, %dma_start3A_1480, %dma_start3A_1481] : memref<50x64x16384xf32, #tpu.memory_space<any>> -> memref<1x64x8192xf32, #tpu.memory_space<any>>
    %dma_start3A_1483 = tpu.memref_squeeze %dma_start3A_1482 : memref<1x64x8192xf32, #tpu.memory_space<any>> -> memref<64x8192xf32, #tpu.memory_space<any>>
    %dma_start3A_1484 = arith.constant 64 : i32
    %dma_start3A_1485 = arith.constant 0 : i32
    %dma_start3A_1486 = tpu.memref_slice %arg4[%dma_start3A_1484, %dma_start3A_1485] : memref<128x8192xf32, #tpu.memory_space<vmem>> -> memref<64x8192xf32, #tpu.memory_space<vmem>>
    tpu.enqueue_dma source(%dma_start3A_1486 : memref<64x8192xf32, #tpu.memory_space<vmem>>) target(%dma_start3A_1483 : memref<64x8192xf32, #tpu.memory_space<any>>) target_semaphore(%arg9 : memref<!tpu.dma_semaphore, #tpu.memory_space<semaphore_mem>>)
    %dma_start3A_1487 = arith.constant 32 : i32
    %dma_start3A_1488 = arith.constant 0 : i32
    %dma_start3A_1489 = arith.constant 0 : i32
    %dma_start3A_1490 = tpu.memref_slice %arg0[%dma_start3A_1487, %dma_start3A_1488, %dma_start3A_1489] : memref<50x8192x128xf32, #tpu.memory_space<any>> -> memref<1x8192x128xf32, #tpu.memory_space<any>>
    %dma_start3A_1491 = tpu.memref_squeeze %dma_start3A_1490 : memref<1x8192x128xf32, #tpu.memory_space<any>> -> memref<8192x128xf32, #tpu.memory_space<any>>
    tpu.enqueue_dma source(%dma_start3A_1491 : memref<8192x128xf32, #tpu.memory_space<any>>) target(%arg2 : memref<8192x128xf32, #tpu.memory_space<vmem>>) target_semaphore(%arg6 : memref<!tpu.dma_semaphore, #tpu.memory_space<semaphore_mem>>)
    %dma_wait3A_1492 = arith.constant 31 : i32
    %dma_wait3A_1493 = arith.constant 0 : i32
    %dma_wait3A_1494 = arith.constant 0 : i32
    %dma_wait3A_1495 = tpu.memref_slice %arg0[%dma_wait3A_1492, %dma_wait3A_1493, %dma_wait3A_1494] : memref<50x8192x128xf32, #tpu.memory_space<any>> -> memref<1x8192x128xf32, #tpu.memory_space<any>>
    %dma_wait3A_1496 = tpu.memref_squeeze %dma_wait3A_1495 : memref<1x8192x128xf32, #tpu.memory_space<any>> -> memref<8192x128xf32, #tpu.memory_space<any>>
    tpu.wait_dma2 semaphore(%arg7 : memref<!tpu.dma_semaphore, #tpu.memory_space<semaphore_mem>>) src(%dma_wait3A_1496 : memref<8192x128xf32, #tpu.memory_space<any>>) dst(%arg3 : memref<8192x128xf32, #tpu.memory_space<vmem>>)
    %dma_wait3A_1497 = arith.constant 29 : i32
    %dma_wait3A_1498 = arith.constant 0 : i32
    %dma_wait3A_1499 = arith.constant 0 : i32
    %dma_wait3A_1500 = tpu.memref_slice %arg1[%dma_wait3A_1497, %dma_wait3A_1498, %dma_wait3A_1499] : memref<50x64x16384xf32, #tpu.memory_space<any>> -> memref<1x64x8192xf32, #tpu.memory_space<any>>
    %dma_wait3A_1501 = tpu.memref_squeeze %dma_wait3A_1500 : memref<1x64x8192xf32, #tpu.memory_space<any>> -> memref<64x8192xf32, #tpu.memory_space<any>>
    %dma_wait3A_1502 = arith.constant 0 : i32
    %dma_wait3A_1503 = arith.constant 0 : i32
    %dma_wait3A_1504 = tpu.memref_slice %arg5[%dma_wait3A_1502, %dma_wait3A_1503] : memref<128x8192xf32, #tpu.memory_space<vmem>> -> memref<64x8192xf32, #tpu.memory_space<vmem>>
    tpu.wait_dma2 semaphore(%arg10 : memref<!tpu.dma_semaphore, #tpu.memory_space<semaphore_mem>>) src(%dma_wait3A_1504 : memref<64x8192xf32, #tpu.memory_space<vmem>>) dst(%dma_wait3A_1501 : memref<64x8192xf32, #tpu.memory_space<any>>)
    %dma_wait3A_1505 = arith.constant 29 : i32
    %dma_wait3A_1506 = arith.constant 0 : i32
    %dma_wait3A_1507 = arith.constant 8192 : i32
    %dma_wait3A_1508 = tpu.memref_slice %arg1[%dma_wait3A_1505, %dma_wait3A_1506, %dma_wait3A_1507] : memref<50x64x16384xf32, #tpu.memory_space<any>> -> memref<1x64x8192xf32, #tpu.memory_space<any>>
    %dma_wait3A_1509 = tpu.memref_squeeze %dma_wait3A_1508 : memref<1x64x8192xf32, #tpu.memory_space<any>> -> memref<64x8192xf32, #tpu.memory_space<any>>
    %dma_wait3A_1510 = arith.constant 64 : i32
    %dma_wait3A_1511 = arith.constant 0 : i32
    %dma_wait3A_1512 = tpu.memref_slice %arg5[%dma_wait3A_1510, %dma_wait3A_1511] : memref<128x8192xf32, #tpu.memory_space<vmem>> -> memref<64x8192xf32, #tpu.memory_space<vmem>>
    tpu.wait_dma2 semaphore(%arg11 : memref<!tpu.dma_semaphore, #tpu.memory_space<semaphore_mem>>) src(%dma_wait3A_1512 : memref<64x8192xf32, #tpu.memory_space<vmem>>) dst(%dma_wait3A_1509 : memref<64x8192xf32, #tpu.memory_space<any>>)
    %get3A_1513 = arith.constant 0 : index
    %get3A_1514 = arith.constant 0 : index
    %get3A_1515 = vector.load %arg3[%get3A_1513, %get3A_1514] : memref<8192x128xf32, #tpu.memory_space<vmem>>, vector<8192x128xf32>
    %transpose3A_1516 = tpu.transpose %get3A_1515, [1, 0] : vector<8192x128xf32> -> vector<128x8192xf32>
    %swap3A_1517 = arith.constant 0 : index
    %swap3A_1518 = arith.constant 0 : index
    %swap3A_1519 = vector.load %arg5[%swap3A_1517, %swap3A_1518] : memref<128x8192xf32, #tpu.memory_space<vmem>>, vector<128x8192xf32>
    tpu.vector_store %arg5[%swap3A_1517, %swap3A_1518], %transpose3A_1516 {strides = array<i32>} : memref<128x8192xf32, #tpu.memory_space<vmem>>, vector<128x8192xf32>,
    %dma_start3A_1520 = arith.constant 31 : i32
    %dma_start3A_1521 = arith.constant 0 : i32
    %dma_start3A_1522 = arith.constant 0 : i32
    %dma_start3A_1523 = tpu.memref_slice %arg1[%dma_start3A_1520, %dma_start3A_1521, %dma_start3A_1522] : memref<50x64x16384xf32, #tpu.memory_space<any>> -> memref<1x64x8192xf32, #tpu.memory_space<any>>
    %dma_start3A_1524 = tpu.memref_squeeze %dma_start3A_1523 : memref<1x64x8192xf32, #tpu.memory_space<any>> -> memref<64x8192xf32, #tpu.memory_space<any>>
    %dma_start3A_1525 = arith.constant 0 : i32
    %dma_start3A_1526 = arith.constant 0 : i32
    %dma_start3A_1527 = tpu.memref_slice %arg5[%dma_start3A_1525, %dma_start3A_1526] : memref<128x8192xf32, #tpu.memory_space<vmem>> -> memref<64x8192xf32, #tpu.memory_space<vmem>>
    tpu.enqueue_dma source(%dma_start3A_1527 : memref<64x8192xf32, #tpu.memory_space<vmem>>) target(%dma_start3A_1524 : memref<64x8192xf32, #tpu.memory_space<any>>) target_semaphore(%arg10 : memref<!tpu.dma_semaphore, #tpu.memory_space<semaphore_mem>>)
    %dma_start3A_1528 = arith.constant 31 : i32
    %dma_start3A_1529 = arith.constant 0 : i32
    %dma_start3A_1530 = arith.constant 8192 : i32
    %dma_start3A_1531 = tpu.memref_slice %arg1[%dma_start3A_1528, %dma_start3A_1529, %dma_start3A_1530] : memref<50x64x16384xf32, #tpu.memory_space<any>> -> memref<1x64x8192xf32, #tpu.memory_space<any>>
    %dma_start3A_1532 = tpu.memref_squeeze %dma_start3A_1531 : memref<1x64x8192xf32, #tpu.memory_space<any>> -> memref<64x8192xf32, #tpu.memory_space<any>>
    %dma_start3A_1533 = arith.constant 64 : i32
    %dma_start3A_1534 = arith.constant 0 : i32
    %dma_start3A_1535 = tpu.memref_slice %arg5[%dma_start3A_1533, %dma_start3A_1534] : memref<128x8192xf32, #tpu.memory_space<vmem>> -> memref<64x8192xf32, #tpu.memory_space<vmem>>
    tpu.enqueue_dma source(%dma_start3A_1535 : memref<64x8192xf32, #tpu.memory_space<vmem>>) target(%dma_start3A_1532 : memref<64x8192xf32, #tpu.memory_space<any>>) target_semaphore(%arg11 : memref<!tpu.dma_semaphore, #tpu.memory_space<semaphore_mem>>)
    %dma_start3A_1536 = arith.constant 33 : i32
    %dma_start3A_1537 = arith.constant 0 : i32
    %dma_start3A_1538 = arith.constant 0 : i32
    %dma_start3A_1539 = tpu.memref_slice %arg0[%dma_start3A_1536, %dma_start3A_1537, %dma_start3A_1538] : memref<50x8192x128xf32, #tpu.memory_space<any>> -> memref<1x8192x128xf32, #tpu.memory_space<any>>
    %dma_start3A_1540 = tpu.memref_squeeze %dma_start3A_1539 : memref<1x8192x128xf32, #tpu.memory_space<any>> -> memref<8192x128xf32, #tpu.memory_space<any>>
    tpu.enqueue_dma source(%dma_start3A_1540 : memref<8192x128xf32, #tpu.memory_space<any>>) target(%arg3 : memref<8192x128xf32, #tpu.memory_space<vmem>>) target_semaphore(%arg7 : memref<!tpu.dma_semaphore, #tpu.memory_space<semaphore_mem>>)
    %dma_wait3A_1541 = arith.constant 32 : i32
    %dma_wait3A_1542 = arith.constant 0 : i32
    %dma_wait3A_1543 = arith.constant 0 : i32
    %dma_wait3A_1544 = tpu.memref_slice %arg0[%dma_wait3A_1541, %dma_wait3A_1542, %dma_wait3A_1543] : memref<50x8192x128xf32, #tpu.memory_space<any>> -> memref<1x8192x128xf32, #tpu.memory_space<any>>
    %dma_wait3A_1545 = tpu.memref_squeeze %dma_wait3A_1544 : memref<1x8192x128xf32, #tpu.memory_space<any>> -> memref<8192x128xf32, #tpu.memory_space<any>>
    tpu.wait_dma2 semaphore(%arg6 : memref<!tpu.dma_semaphore, #tpu.memory_space<semaphore_mem>>) src(%dma_wait3A_1545 : memref<8192x128xf32, #tpu.memory_space<any>>) dst(%arg2 : memref<8192x128xf32, #tpu.memory_space<vmem>>)
    %dma_wait3A_1546 = arith.constant 30 : i32
    %dma_wait3A_1547 = arith.constant 0 : i32
    %dma_wait3A_1548 = arith.constant 0 : i32
    %dma_wait3A_1549 = tpu.memref_slice %arg1[%dma_wait3A_1546, %dma_wait3A_1547, %dma_wait3A_1548] : memref<50x64x16384xf32, #tpu.memory_space<any>> -> memref<1x64x8192xf32, #tpu.memory_space<any>>
    %dma_wait3A_1550 = tpu.memref_squeeze %dma_wait3A_1549 : memref<1x64x8192xf32, #tpu.memory_space<any>> -> memref<64x8192xf32, #tpu.memory_space<any>>
    %dma_wait3A_1551 = arith.constant 0 : i32
    %dma_wait3A_1552 = arith.constant 0 : i32
    %dma_wait3A_1553 = tpu.memref_slice %arg4[%dma_wait3A_1551, %dma_wait3A_1552] : memref<128x8192xf32, #tpu.memory_space<vmem>> -> memref<64x8192xf32, #tpu.memory_space<vmem>>
    tpu.wait_dma2 semaphore(%arg8 : memref<!tpu.dma_semaphore, #tpu.memory_space<semaphore_mem>>) src(%dma_wait3A_1553 : memref<64x8192xf32, #tpu.memory_space<vmem>>) dst(%dma_wait3A_1550 : memref<64x8192xf32, #tpu.memory_space<any>>)
    %dma_wait3A_1554 = arith.constant 30 : i32
    %dma_wait3A_1555 = arith.constant 0 : i32
    %dma_wait3A_1556 = arith.constant 8192 : i32
    %dma_wait3A_1557 = tpu.memref_slice %arg1[%dma_wait3A_1554, %dma_wait3A_1555, %dma_wait3A_1556] : memref<50x64x16384xf32, #tpu.memory_space<any>> -> memref<1x64x8192xf32, #tpu.memory_space<any>>
    %dma_wait3A_1558 = tpu.memref_squeeze %dma_wait3A_1557 : memref<1x64x8192xf32, #tpu.memory_space<any>> -> memref<64x8192xf32, #tpu.memory_space<any>>
    %dma_wait3A_1559 = arith.constant 64 : i32
    %dma_wait3A_1560 = arith.constant 0 : i32
    %dma_wait3A_1561 = tpu.memref_slice %arg4[%dma_wait3A_1559, %dma_wait3A_1560] : memref<128x8192xf32, #tpu.memory_space<vmem>> -> memref<64x8192xf32, #tpu.memory_space<vmem>>
    tpu.wait_dma2 semaphore(%arg9 : memref<!tpu.dma_semaphore, #tpu.memory_space<semaphore_mem>>) src(%dma_wait3A_1561 : memref<64x8192xf32, #tpu.memory_space<vmem>>) dst(%dma_wait3A_1558 : memref<64x8192xf32, #tpu.memory_space<any>>)
    %get3A_1562 = arith.constant 0 : index
    %get3A_1563 = arith.constant 0 : index
    %get3A_1564 = vector.load %arg2[%get3A_1562, %get3A_1563] : memref<8192x128xf32, #tpu.memory_space<vmem>>, vector<8192x128xf32>
    %transpose3A_1565 = tpu.transpose %get3A_1564, [1, 0] : vector<8192x128xf32> -> vector<128x8192xf32>
    %swap3A_1566 = arith.constant 0 : index
    %swap3A_1567 = arith.constant 0 : index
    %swap3A_1568 = vector.load %arg4[%swap3A_1566, %swap3A_1567] : memref<128x8192xf32, #tpu.memory_space<vmem>>, vector<128x8192xf32>
    tpu.vector_store %arg4[%swap3A_1566, %swap3A_1567], %transpose3A_1565 {strides = array<i32>} : memref<128x8192xf32, #tpu.memory_space<vmem>>, vector<128x8192xf32>,
    %dma_start3A_1569 = arith.constant 32 : i32
    %dma_start3A_1570 = arith.constant 0 : i32
    %dma_start3A_1571 = arith.constant 0 : i32
    %dma_start3A_1572 = tpu.memref_slice %arg1[%dma_start3A_1569, %dma_start3A_1570, %dma_start3A_1571] : memref<50x64x16384xf32, #tpu.memory_space<any>> -> memref<1x64x8192xf32, #tpu.memory_space<any>>
    %dma_start3A_1573 = tpu.memref_squeeze %dma_start3A_1572 : memref<1x64x8192xf32, #tpu.memory_space<any>> -> memref<64x8192xf32, #tpu.memory_space<any>>
    %dma_start3A_1574 = arith.constant 0 : i32
    %dma_start3A_1575 = arith.constant 0 : i32
    %dma_start3A_1576 = tpu.memref_slice %arg4[%dma_start3A_1574, %dma_start3A_1575] : memref<128x8192xf32, #tpu.memory_space<vmem>> -> memref<64x8192xf32, #tpu.memory_space<vmem>>
    tpu.enqueue_dma source(%dma_start3A_1576 : memref<64x8192xf32, #tpu.memory_space<vmem>>) target(%dma_start3A_1573 : memref<64x8192xf32, #tpu.memory_space<any>>) target_semaphore(%arg8 : memref<!tpu.dma_semaphore, #tpu.memory_space<semaphore_mem>>)
    %dma_start3A_1577 = arith.constant 32 : i32
    %dma_start3A_1578 = arith.constant 0 : i32
    %dma_start3A_1579 = arith.constant 8192 : i32
    %dma_start3A_1580 = tpu.memref_slice %arg1[%dma_start3A_1577, %dma_start3A_1578, %dma_start3A_1579] : memref<50x64x16384xf32, #tpu.memory_space<any>> -> memref<1x64x8192xf32, #tpu.memory_space<any>>
    %dma_start3A_1581 = tpu.memref_squeeze %dma_start3A_1580 : memref<1x64x8192xf32, #tpu.memory_space<any>> -> memref<64x8192xf32, #tpu.memory_space<any>>
    %dma_start3A_1582 = arith.constant 64 : i32
    %dma_start3A_1583 = arith.constant 0 : i32
    %dma_start3A_1584 = tpu.memref_slice %arg4[%dma_start3A_1582, %dma_start3A_1583] : memref<128x8192xf32, #tpu.memory_space<vmem>> -> memref<64x8192xf32, #tpu.memory_space<vmem>>
    tpu.enqueue_dma source(%dma_start3A_1584 : memref<64x8192xf32, #tpu.memory_space<vmem>>) target(%dma_start3A_1581 : memref<64x8192xf32, #tpu.memory_space<any>>) target_semaphore(%arg9 : memref<!tpu.dma_semaphore, #tpu.memory_space<semaphore_mem>>)
    %dma_start3A_1585 = arith.constant 34 : i32
    %dma_start3A_1586 = arith.constant 0 : i32
    %dma_start3A_1587 = arith.constant 0 : i32
    %dma_start3A_1588 = tpu.memref_slice %arg0[%dma_start3A_1585, %dma_start3A_1586, %dma_start3A_1587] : memref<50x8192x128xf32, #tpu.memory_space<any>> -> memref<1x8192x128xf32, #tpu.memory_space<any>>
    %dma_start3A_1589 = tpu.memref_squeeze %dma_start3A_1588 : memref<1x8192x128xf32, #tpu.memory_space<any>> -> memref<8192x128xf32, #tpu.memory_space<any>>
    tpu.enqueue_dma source(%dma_start3A_1589 : memref<8192x128xf32, #tpu.memory_space<any>>) target(%arg2 : memref<8192x128xf32, #tpu.memory_space<vmem>>) target_semaphore(%arg6 : memref<!tpu.dma_semaphore, #tpu.memory_space<semaphore_mem>>)
    %dma_wait3A_1590 = arith.constant 33 : i32
    %dma_wait3A_1591 = arith.constant 0 : i32
    %dma_wait3A_1592 = arith.constant 0 : i32
    %dma_wait3A_1593 = tpu.memref_slice %arg0[%dma_wait3A_1590, %dma_wait3A_1591, %dma_wait3A_1592] : memref<50x8192x128xf32, #tpu.memory_space<any>> -> memref<1x8192x128xf32, #tpu.memory_space<any>>
    %dma_wait3A_1594 = tpu.memref_squeeze %dma_wait3A_1593 : memref<1x8192x128xf32, #tpu.memory_space<any>> -> memref<8192x128xf32, #tpu.memory_space<any>>
    tpu.wait_dma2 semaphore(%arg7 : memref<!tpu.dma_semaphore, #tpu.memory_space<semaphore_mem>>) src(%dma_wait3A_1594 : memref<8192x128xf32, #tpu.memory_space<any>>) dst(%arg3 : memref<8192x128xf32, #tpu.memory_space<vmem>>)
    %dma_wait3A_1595 = arith.constant 31 : i32
    %dma_wait3A_1596 = arith.constant 0 : i32
    %dma_wait3A_1597 = arith.constant 0 : i32
    %dma_wait3A_1598 = tpu.memref_slice %arg1[%dma_wait3A_1595, %dma_wait3A_1596, %dma_wait3A_1597] : memref<50x64x16384xf32, #tpu.memory_space<any>> -> memref<1x64x8192xf32, #tpu.memory_space<any>>
    %dma_wait3A_1599 = tpu.memref_squeeze %dma_wait3A_1598 : memref<1x64x8192xf32, #tpu.memory_space<any>> -> memref<64x8192xf32, #tpu.memory_space<any>>
    %dma_wait3A_1600 = arith.constant 0 : i32
    %dma_wait3A_1601 = arith.constant 0 : i32
    %dma_wait3A_1602 = tpu.memref_slice %arg5[%dma_wait3A_1600, %dma_wait3A_1601] : memref<128x8192xf32, #tpu.memory_space<vmem>> -> memref<64x8192xf32, #tpu.memory_space<vmem>>
    tpu.wait_dma2 semaphore(%arg10 : memref<!tpu.dma_semaphore, #tpu.memory_space<semaphore_mem>>) src(%dma_wait3A_1602 : memref<64x8192xf32, #tpu.memory_space<vmem>>) dst(%dma_wait3A_1599 : memref<64x8192xf32, #tpu.memory_space<any>>)
    %dma_wait3A_1603 = arith.constant 31 : i32
    %dma_wait3A_1604 = arith.constant 0 : i32
    %dma_wait3A_1605 = arith.constant 8192 : i32
    %dma_wait3A_1606 = tpu.memref_slice %arg1[%dma_wait3A_1603, %dma_wait3A_1604, %dma_wait3A_1605] : memref<50x64x16384xf32, #tpu.memory_space<any>> -> memref<1x64x8192xf32, #tpu.memory_space<any>>
    %dma_wait3A_1607 = tpu.memref_squeeze %dma_wait3A_1606 : memref<1x64x8192xf32, #tpu.memory_space<any>> -> memref<64x8192xf32, #tpu.memory_space<any>>
    %dma_wait3A_1608 = arith.constant 64 : i32
    %dma_wait3A_1609 = arith.constant 0 : i32
    %dma_wait3A_1610 = tpu.memref_slice %arg5[%dma_wait3A_1608, %dma_wait3A_1609] : memref<128x8192xf32, #tpu.memory_space<vmem>> -> memref<64x8192xf32, #tpu.memory_space<vmem>>
    tpu.wait_dma2 semaphore(%arg11 : memref<!tpu.dma_semaphore, #tpu.memory_space<semaphore_mem>>) src(%dma_wait3A_1610 : memref<64x8192xf32, #tpu.memory_space<vmem>>) dst(%dma_wait3A_1607 : memref<64x8192xf32, #tpu.memory_space<any>>)
    %get3A_1611 = arith.constant 0 : index
    %get3A_1612 = arith.constant 0 : index
    %get3A_1613 = vector.load %arg3[%get3A_1611, %get3A_1612] : memref<8192x128xf32, #tpu.memory_space<vmem>>, vector<8192x128xf32>
    %transpose3A_1614 = tpu.transpose %get3A_1613, [1, 0] : vector<8192x128xf32> -> vector<128x8192xf32>
    %swap3A_1615 = arith.constant 0 : index
    %swap3A_1616 = arith.constant 0 : index
    %swap3A_1617 = vector.load %arg5[%swap3A_1615, %swap3A_1616] : memref<128x8192xf32, #tpu.memory_space<vmem>>, vector<128x8192xf32>
    tpu.vector_store %arg5[%swap3A_1615, %swap3A_1616], %transpose3A_1614 {strides = array<i32>} : memref<128x8192xf32, #tpu.memory_space<vmem>>, vector<128x8192xf32>,
    %dma_start3A_1618 = arith.constant 33 : i32
    %dma_start3A_1619 = arith.constant 0 : i32
    %dma_start3A_1620 = arith.constant 0 : i32
    %dma_start3A_1621 = tpu.memref_slice %arg1[%dma_start3A_1618, %dma_start3A_1619, %dma_start3A_1620] : memref<50x64x16384xf32, #tpu.memory_space<any>> -> memref<1x64x8192xf32, #tpu.memory_space<any>>
    %dma_start3A_1622 = tpu.memref_squeeze %dma_start3A_1621 : memref<1x64x8192xf32, #tpu.memory_space<any>> -> memref<64x8192xf32, #tpu.memory_space<any>>
    %dma_start3A_1623 = arith.constant 0 : i32
    %dma_start3A_1624 = arith.constant 0 : i32
    %dma_start3A_1625 = tpu.memref_slice %arg5[%dma_start3A_1623, %dma_start3A_1624] : memref<128x8192xf32, #tpu.memory_space<vmem>> -> memref<64x8192xf32, #tpu.memory_space<vmem>>
    tpu.enqueue_dma source(%dma_start3A_1625 : memref<64x8192xf32, #tpu.memory_space<vmem>>) target(%dma_start3A_1622 : memref<64x8192xf32, #tpu.memory_space<any>>) target_semaphore(%arg10 : memref<!tpu.dma_semaphore, #tpu.memory_space<semaphore_mem>>)
    %dma_start3A_1626 = arith.constant 33 : i32
    %dma_start3A_1627 = arith.constant 0 : i32
    %dma_start3A_1628 = arith.constant 8192 : i32
    %dma_start3A_1629 = tpu.memref_slice %arg1[%dma_start3A_1626, %dma_start3A_1627, %dma_start3A_1628] : memref<50x64x16384xf32, #tpu.memory_space<any>> -> memref<1x64x8192xf32, #tpu.memory_space<any>>
    %dma_start3A_1630 = tpu.memref_squeeze %dma_start3A_1629 : memref<1x64x8192xf32, #tpu.memory_space<any>> -> memref<64x8192xf32, #tpu.memory_space<any>>
    %dma_start3A_1631 = arith.constant 64 : i32
    %dma_start3A_1632 = arith.constant 0 : i32
    %dma_start3A_1633 = tpu.memref_slice %arg5[%dma_start3A_1631, %dma_start3A_1632] : memref<128x8192xf32, #tpu.memory_space<vmem>> -> memref<64x8192xf32, #tpu.memory_space<vmem>>
    tpu.enqueue_dma source(%dma_start3A_1633 : memref<64x8192xf32, #tpu.memory_space<vmem>>) target(%dma_start3A_1630 : memref<64x8192xf32, #tpu.memory_space<any>>) target_semaphore(%arg11 : memref<!tpu.dma_semaphore, #tpu.memory_space<semaphore_mem>>)
    %dma_start3A_1634 = arith.constant 35 : i32
    %dma_start3A_1635 = arith.constant 0 : i32
    %dma_start3A_1636 = arith.constant 0 : i32
    %dma_start3A_1637 = tpu.memref_slice %arg0[%dma_start3A_1634, %dma_start3A_1635, %dma_start3A_1636] : memref<50x8192x128xf32, #tpu.memory_space<any>> -> memref<1x8192x128xf32, #tpu.memory_space<any>>
    %dma_start3A_1638 = tpu.memref_squeeze %dma_start3A_1637 : memref<1x8192x128xf32, #tpu.memory_space<any>> -> memref<8192x128xf32, #tpu.memory_space<any>>
    tpu.enqueue_dma source(%dma_start3A_1638 : memref<8192x128xf32, #tpu.memory_space<any>>) target(%arg3 : memref<8192x128xf32, #tpu.memory_space<vmem>>) target_semaphore(%arg7 : memref<!tpu.dma_semaphore, #tpu.memory_space<semaphore_mem>>)
    %dma_wait3A_1639 = arith.constant 34 : i32
    %dma_wait3A_1640 = arith.constant 0 : i32
    %dma_wait3A_1641 = arith.constant 0 : i32
    %dma_wait3A_1642 = tpu.memref_slice %arg0[%dma_wait3A_1639, %dma_wait3A_1640, %dma_wait3A_1641] : memref<50x8192x128xf32, #tpu.memory_space<any>> -> memref<1x8192x128xf32, #tpu.memory_space<any>>
    %dma_wait3A_1643 = tpu.memref_squeeze %dma_wait3A_1642 : memref<1x8192x128xf32, #tpu.memory_space<any>> -> memref<8192x128xf32, #tpu.memory_space<any>>
    tpu.wait_dma2 semaphore(%arg6 : memref<!tpu.dma_semaphore, #tpu.memory_space<semaphore_mem>>) src(%dma_wait3A_1643 : memref<8192x128xf32, #tpu.memory_space<any>>) dst(%arg2 : memref<8192x128xf32, #tpu.memory_space<vmem>>)
    %dma_wait3A_1644 = arith.constant 32 : i32
    %dma_wait3A_1645 = arith.constant 0 : i32
    %dma_wait3A_1646 = arith.constant 0 : i32
    %dma_wait3A_1647 = tpu.memref_slice %arg1[%dma_wait3A_1644, %dma_wait3A_1645, %dma_wait3A_1646] : memref<50x64x16384xf32, #tpu.memory_space<any>> -> memref<1x64x8192xf32, #tpu.memory_space<any>>
    %dma_wait3A_1648 = tpu.memref_squeeze %dma_wait3A_1647 : memref<1x64x8192xf32, #tpu.memory_space<any>> -> memref<64x8192xf32, #tpu.memory_space<any>>
    %dma_wait3A_1649 = arith.constant 0 : i32
    %dma_wait3A_1650 = arith.constant 0 : i32
    %dma_wait3A_1651 = tpu.memref_slice %arg4[%dma_wait3A_1649, %dma_wait3A_1650] : memref<128x8192xf32, #tpu.memory_space<vmem>> -> memref<64x8192xf32, #tpu.memory_space<vmem>>
    tpu.wait_dma2 semaphore(%arg8 : memref<!tpu.dma_semaphore, #tpu.memory_space<semaphore_mem>>) src(%dma_wait3A_1651 : memref<64x8192xf32, #tpu.memory_space<vmem>>) dst(%dma_wait3A_1648 : memref<64x8192xf32, #tpu.memory_space<any>>)
    %dma_wait3A_1652 = arith.constant 32 : i32
    %dma_wait3A_1653 = arith.constant 0 : i32
    %dma_wait3A_1654 = arith.constant 8192 : i32
    %dma_wait3A_1655 = tpu.memref_slice %arg1[%dma_wait3A_1652, %dma_wait3A_1653, %dma_wait3A_1654] : memref<50x64x16384xf32, #tpu.memory_space<any>> -> memref<1x64x8192xf32, #tpu.memory_space<any>>
    %dma_wait3A_1656 = tpu.memref_squeeze %dma_wait3A_1655 : memref<1x64x8192xf32, #tpu.memory_space<any>> -> memref<64x8192xf32, #tpu.memory_space<any>>
    %dma_wait3A_1657 = arith.constant 64 : i32
    %dma_wait3A_1658 = arith.constant 0 : i32
    %dma_wait3A_1659 = tpu.memref_slice %arg4[%dma_wait3A_1657, %dma_wait3A_1658] : memref<128x8192xf32, #tpu.memory_space<vmem>> -> memref<64x8192xf32, #tpu.memory_space<vmem>>
    tpu.wait_dma2 semaphore(%arg9 : memref<!tpu.dma_semaphore, #tpu.memory_space<semaphore_mem>>) src(%dma_wait3A_1659 : memref<64x8192xf32, #tpu.memory_space<vmem>>) dst(%dma_wait3A_1656 : memref<64x8192xf32, #tpu.memory_space<any>>)
    %get3A_1660 = arith.constant 0 : index
    %get3A_1661 = arith.constant 0 : index
    %get3A_1662 = vector.load %arg2[%get3A_1660, %get3A_1661] : memref<8192x128xf32, #tpu.memory_space<vmem>>, vector<8192x128xf32>
    %transpose3A_1663 = tpu.transpose %get3A_1662, [1, 0] : vector<8192x128xf32> -> vector<128x8192xf32>
    %swap3A_1664 = arith.constant 0 : index
    %swap3A_1665 = arith.constant 0 : index
    %swap3A_1666 = vector.load %arg4[%swap3A_1664, %swap3A_1665] : memref<128x8192xf32, #tpu.memory_space<vmem>>, vector<128x8192xf32>
    tpu.vector_store %arg4[%swap3A_1664, %swap3A_1665], %transpose3A_1663 {strides = array<i32>} : memref<128x8192xf32, #tpu.memory_space<vmem>>, vector<128x8192xf32>,
    %dma_start3A_1667 = arith.constant 34 : i32
    %dma_start3A_1668 = arith.constant 0 : i32
    %dma_start3A_1669 = arith.constant 0 : i32
    %dma_start3A_1670 = tpu.memref_slice %arg1[%dma_start3A_1667, %dma_start3A_1668, %dma_start3A_1669] : memref<50x64x16384xf32, #tpu.memory_space<any>> -> memref<1x64x8192xf32, #tpu.memory_space<any>>
    %dma_start3A_1671 = tpu.memref_squeeze %dma_start3A_1670 : memref<1x64x8192xf32, #tpu.memory_space<any>> -> memref<64x8192xf32, #tpu.memory_space<any>>
    %dma_start3A_1672 = arith.constant 0 : i32
    %dma_start3A_1673 = arith.constant 0 : i32
    %dma_start3A_1674 = tpu.memref_slice %arg4[%dma_start3A_1672, %dma_start3A_1673] : memref<128x8192xf32, #tpu.memory_space<vmem>> -> memref<64x8192xf32, #tpu.memory_space<vmem>>
    tpu.enqueue_dma source(%dma_start3A_1674 : memref<64x8192xf32, #tpu.memory_space<vmem>>) target(%dma_start3A_1671 : memref<64x8192xf32, #tpu.memory_space<any>>) target_semaphore(%arg8 : memref<!tpu.dma_semaphore, #tpu.memory_space<semaphore_mem>>)
    %dma_start3A_1675 = arith.constant 34 : i32
    %dma_start3A_1676 = arith.constant 0 : i32
    %dma_start3A_1677 = arith.constant 8192 : i32
    %dma_start3A_1678 = tpu.memref_slice %arg1[%dma_start3A_1675, %dma_start3A_1676, %dma_start3A_1677] : memref<50x64x16384xf32, #tpu.memory_space<any>> -> memref<1x64x8192xf32, #tpu.memory_space<any>>
    %dma_start3A_1679 = tpu.memref_squeeze %dma_start3A_1678 : memref<1x64x8192xf32, #tpu.memory_space<any>> -> memref<64x8192xf32, #tpu.memory_space<any>>
    %dma_start3A_1680 = arith.constant 64 : i32
    %dma_start3A_1681 = arith.constant 0 : i32
    %dma_start3A_1682 = tpu.memref_slice %arg4[%dma_start3A_1680, %dma_start3A_1681] : memref<128x8192xf32, #tpu.memory_space<vmem>> -> memref<64x8192xf32, #tpu.memory_space<vmem>>
    tpu.enqueue_dma source(%dma_start3A_1682 : memref<64x8192xf32, #tpu.memory_space<vmem>>) target(%dma_start3A_1679 : memref<64x8192xf32, #tpu.memory_space<any>>) target_semaphore(%arg9 : memref<!tpu.dma_semaphore, #tpu.memory_space<semaphore_mem>>)
    %dma_start3A_1683 = arith.constant 36 : i32
    %dma_start3A_1684 = arith.constant 0 : i32
    %dma_start3A_1685 = arith.constant 0 : i32
    %dma_start3A_1686 = tpu.memref_slice %arg0[%dma_start3A_1683, %dma_start3A_1684, %dma_start3A_1685] : memref<50x8192x128xf32, #tpu.memory_space<any>> -> memref<1x8192x128xf32, #tpu.memory_space<any>>
    %dma_start3A_1687 = tpu.memref_squeeze %dma_start3A_1686 : memref<1x8192x128xf32, #tpu.memory_space<any>> -> memref<8192x128xf32, #tpu.memory_space<any>>
    tpu.enqueue_dma source(%dma_start3A_1687 : memref<8192x128xf32, #tpu.memory_space<any>>) target(%arg2 : memref<8192x128xf32, #tpu.memory_space<vmem>>) target_semaphore(%arg6 : memref<!tpu.dma_semaphore, #tpu.memory_space<semaphore_mem>>)
    %dma_wait3A_1688 = arith.constant 35 : i32
    %dma_wait3A_1689 = arith.constant 0 : i32
    %dma_wait3A_1690 = arith.constant 0 : i32
    %dma_wait3A_1691 = tpu.memref_slice %arg0[%dma_wait3A_1688, %dma_wait3A_1689, %dma_wait3A_1690] : memref<50x8192x128xf32, #tpu.memory_space<any>> -> memref<1x8192x128xf32, #tpu.memory_space<any>>
    %dma_wait3A_1692 = tpu.memref_squeeze %dma_wait3A_1691 : memref<1x8192x128xf32, #tpu.memory_space<any>> -> memref<8192x128xf32, #tpu.memory_space<any>>
    tpu.wait_dma2 semaphore(%arg7 : memref<!tpu.dma_semaphore, #tpu.memory_space<semaphore_mem>>) src(%dma_wait3A_1692 : memref<8192x128xf32, #tpu.memory_space<any>>) dst(%arg3 : memref<8192x128xf32, #tpu.memory_space<vmem>>)
    %dma_wait3A_1693 = arith.constant 33 : i32
    %dma_wait3A_1694 = arith.constant 0 : i32
    %dma_wait3A_1695 = arith.constant 0 : i32
    %dma_wait3A_1696 = tpu.memref_slice %arg1[%dma_wait3A_1693, %dma_wait3A_1694, %dma_wait3A_1695] : memref<50x64x16384xf32, #tpu.memory_space<any>> -> memref<1x64x8192xf32, #tpu.memory_space<any>>
    %dma_wait3A_1697 = tpu.memref_squeeze %dma_wait3A_1696 : memref<1x64x8192xf32, #tpu.memory_space<any>> -> memref<64x8192xf32, #tpu.memory_space<any>>
    %dma_wait3A_1698 = arith.constant 0 : i32
    %dma_wait3A_1699 = arith.constant 0 : i32
    %dma_wait3A_1700 = tpu.memref_slice %arg5[%dma_wait3A_1698, %dma_wait3A_1699] : memref<128x8192xf32, #tpu.memory_space<vmem>> -> memref<64x8192xf32, #tpu.memory_space<vmem>>
    tpu.wait_dma2 semaphore(%arg10 : memref<!tpu.dma_semaphore, #tpu.memory_space<semaphore_mem>>) src(%dma_wait3A_1700 : memref<64x8192xf32, #tpu.memory_space<vmem>>) dst(%dma_wait3A_1697 : memref<64x8192xf32, #tpu.memory_space<any>>)
    %dma_wait3A_1701 = arith.constant 33 : i32
    %dma_wait3A_1702 = arith.constant 0 : i32
    %dma_wait3A_1703 = arith.constant 8192 : i32
    %dma_wait3A_1704 = tpu.memref_slice %arg1[%dma_wait3A_1701, %dma_wait3A_1702, %dma_wait3A_1703] : memref<50x64x16384xf32, #tpu.memory_space<any>> -> memref<1x64x8192xf32, #tpu.memory_space<any>>
    %dma_wait3A_1705 = tpu.memref_squeeze %dma_wait3A_1704 : memref<1x64x8192xf32, #tpu.memory_space<any>> -> memref<64x8192xf32, #tpu.memory_space<any>>
    %dma_wait3A_1706 = arith.constant 64 : i32
    %dma_wait3A_1707 = arith.constant 0 : i32
    %dma_wait3A_1708 = tpu.memref_slice %arg5[%dma_wait3A_1706, %dma_wait3A_1707] : memref<128x8192xf32, #tpu.memory_space<vmem>> -> memref<64x8192xf32, #tpu.memory_space<vmem>>
    tpu.wait_dma2 semaphore(%arg11 : memref<!tpu.dma_semaphore, #tpu.memory_space<semaphore_mem>>) src(%dma_wait3A_1708 : memref<64x8192xf32, #tpu.memory_space<vmem>>) dst(%dma_wait3A_1705 : memref<64x8192xf32, #tpu.memory_space<any>>)
    %get3A_1709 = arith.constant 0 : index
    %get3A_1710 = arith.constant 0 : index
    %get3A_1711 = vector.load %arg3[%get3A_1709, %get3A_1710] : memref<8192x128xf32, #tpu.memory_space<vmem>>, vector<8192x128xf32>
    %transpose3A_1712 = tpu.transpose %get3A_1711, [1, 0] : vector<8192x128xf32> -> vector<128x8192xf32>
    %swap3A_1713 = arith.constant 0 : index
    %swap3A_1714 = arith.constant 0 : index
    %swap3A_1715 = vector.load %arg5[%swap3A_1713, %swap3A_1714] : memref<128x8192xf32, #tpu.memory_space<vmem>>, vector<128x8192xf32>
    tpu.vector_store %arg5[%swap3A_1713, %swap3A_1714], %transpose3A_1712 {strides = array<i32>} : memref<128x8192xf32, #tpu.memory_space<vmem>>, vector<128x8192xf32>,
    %dma_start3A_1716 = arith.constant 35 : i32
    %dma_start3A_1717 = arith.constant 0 : i32
    %dma_start3A_1718 = arith.constant 0 : i32
    %dma_start3A_1719 = tpu.memref_slice %arg1[%dma_start3A_1716, %dma_start3A_1717, %dma_start3A_1718] : memref<50x64x16384xf32, #tpu.memory_space<any>> -> memref<1x64x8192xf32, #tpu.memory_space<any>>
    %dma_start3A_1720 = tpu.memref_squeeze %dma_start3A_1719 : memref<1x64x8192xf32, #tpu.memory_space<any>> -> memref<64x8192xf32, #tpu.memory_space<any>>
    %dma_start3A_1721 = arith.constant 0 : i32
    %dma_start3A_1722 = arith.constant 0 : i32
    %dma_start3A_1723 = tpu.memref_slice %arg5[%dma_start3A_1721, %dma_start3A_1722] : memref<128x8192xf32, #tpu.memory_space<vmem>> -> memref<64x8192xf32, #tpu.memory_space<vmem>>
    tpu.enqueue_dma source(%dma_start3A_1723 : memref<64x8192xf32, #tpu.memory_space<vmem>>) target(%dma_start3A_1720 : memref<64x8192xf32, #tpu.memory_space<any>>) target_semaphore(%arg10 : memref<!tpu.dma_semaphore, #tpu.memory_space<semaphore_mem>>)
    %dma_start3A_1724 = arith.constant 35 : i32
    %dma_start3A_1725 = arith.constant 0 : i32
    %dma_start3A_1726 = arith.constant 8192 : i32
    %dma_start3A_1727 = tpu.memref_slice %arg1[%dma_start3A_1724, %dma_start3A_1725, %dma_start3A_1726] : memref<50x64x16384xf32, #tpu.memory_space<any>> -> memref<1x64x8192xf32, #tpu.memory_space<any>>
    %dma_start3A_1728 = tpu.memref_squeeze %dma_start3A_1727 : memref<1x64x8192xf32, #tpu.memory_space<any>> -> memref<64x8192xf32, #tpu.memory_space<any>>
    %dma_start3A_1729 = arith.constant 64 : i32
    %dma_start3A_1730 = arith.constant 0 : i32
    %dma_start3A_1731 = tpu.memref_slice %arg5[%dma_start3A_1729, %dma_start3A_1730] : memref<128x8192xf32, #tpu.memory_space<vmem>> -> memref<64x8192xf32, #tpu.memory_space<vmem>>
    tpu.enqueue_dma source(%dma_start3A_1731 : memref<64x8192xf32, #tpu.memory_space<vmem>>) target(%dma_start3A_1728 : memref<64x8192xf32, #tpu.memory_space<any>>) target_semaphore(%arg11 : memref<!tpu.dma_semaphore, #tpu.memory_space<semaphore_mem>>)
    %dma_start3A_1732 = arith.constant 37 : i32
    %dma_start3A_1733 = arith.constant 0 : i32
    %dma_start3A_1734 = arith.constant 0 : i32
    %dma_start3A_1735 = tpu.memref_slice %arg0[%dma_start3A_1732, %dma_start3A_1733, %dma_start3A_1734] : memref<50x8192x128xf32, #tpu.memory_space<any>> -> memref<1x8192x128xf32, #tpu.memory_space<any>>
    %dma_start3A_1736 = tpu.memref_squeeze %dma_start3A_1735 : memref<1x8192x128xf32, #tpu.memory_space<any>> -> memref<8192x128xf32, #tpu.memory_space<any>>
    tpu.enqueue_dma source(%dma_start3A_1736 : memref<8192x128xf32, #tpu.memory_space<any>>) target(%arg3 : memref<8192x128xf32, #tpu.memory_space<vmem>>) target_semaphore(%arg7 : memref<!tpu.dma_semaphore, #tpu.memory_space<semaphore_mem>>)
    %dma_wait3A_1737 = arith.constant 36 : i32
    %dma_wait3A_1738 = arith.constant 0 : i32
    %dma_wait3A_1739 = arith.constant 0 : i32
    %dma_wait3A_1740 = tpu.memref_slice %arg0[%dma_wait3A_1737, %dma_wait3A_1738, %dma_wait3A_1739] : memref<50x8192x128xf32, #tpu.memory_space<any>> -> memref<1x8192x128xf32, #tpu.memory_space<any>>
    %dma_wait3A_1741 = tpu.memref_squeeze %dma_wait3A_1740 : memref<1x8192x128xf32, #tpu.memory_space<any>> -> memref<8192x128xf32, #tpu.memory_space<any>>
    tpu.wait_dma2 semaphore(%arg6 : memref<!tpu.dma_semaphore, #tpu.memory_space<semaphore_mem>>) src(%dma_wait3A_1741 : memref<8192x128xf32, #tpu.memory_space<any>>) dst(%arg2 : memref<8192x128xf32, #tpu.memory_space<vmem>>)
    %dma_wait3A_1742 = arith.constant 34 : i32
    %dma_wait3A_1743 = arith.constant 0 : i32
    %dma_wait3A_1744 = arith.constant 0 : i32
    %dma_wait3A_1745 = tpu.memref_slice %arg1[%dma_wait3A_1742, %dma_wait3A_1743, %dma_wait3A_1744] : memref<50x64x16384xf32, #tpu.memory_space<any>> -> memref<1x64x8192xf32, #tpu.memory_space<any>>
    %dma_wait3A_1746 = tpu.memref_squeeze %dma_wait3A_1745 : memref<1x64x8192xf32, #tpu.memory_space<any>> -> memref<64x8192xf32, #tpu.memory_space<any>>
    %dma_wait3A_1747 = arith.constant 0 : i32
    %dma_wait3A_1748 = arith.constant 0 : i32
    %dma_wait3A_1749 = tpu.memref_slice %arg4[%dma_wait3A_1747, %dma_wait3A_1748] : memref<128x8192xf32, #tpu.memory_space<vmem>> -> memref<64x8192xf32, #tpu.memory_space<vmem>>
    tpu.wait_dma2 semaphore(%arg8 : memref<!tpu.dma_semaphore, #tpu.memory_space<semaphore_mem>>) src(%dma_wait3A_1749 : memref<64x8192xf32, #tpu.memory_space<vmem>>) dst(%dma_wait3A_1746 : memref<64x8192xf32, #tpu.memory_space<any>>)
    %dma_wait3A_1750 = arith.constant 34 : i32
    %dma_wait3A_1751 = arith.constant 0 : i32
    %dma_wait3A_1752 = arith.constant 8192 : i32
    %dma_wait3A_1753 = tpu.memref_slice %arg1[%dma_wait3A_1750, %dma_wait3A_1751, %dma_wait3A_1752] : memref<50x64x16384xf32, #tpu.memory_space<any>> -> memref<1x64x8192xf32, #tpu.memory_space<any>>
    %dma_wait3A_1754 = tpu.memref_squeeze %dma_wait3A_1753 : memref<1x64x8192xf32, #tpu.memory_space<any>> -> memref<64x8192xf32, #tpu.memory_space<any>>
    %dma_wait3A_1755 = arith.constant 64 : i32
    %dma_wait3A_1756 = arith.constant 0 : i32
    %dma_wait3A_1757 = tpu.memref_slice %arg4[%dma_wait3A_1755, %dma_wait3A_1756] : memref<128x8192xf32, #tpu.memory_space<vmem>> -> memref<64x8192xf32, #tpu.memory_space<vmem>>
    tpu.wait_dma2 semaphore(%arg9 : memref<!tpu.dma_semaphore, #tpu.memory_space<semaphore_mem>>) src(%dma_wait3A_1757 : memref<64x8192xf32, #tpu.memory_space<vmem>>) dst(%dma_wait3A_1754 : memref<64x8192xf32, #tpu.memory_space<any>>)
    %get3A_1758 = arith.constant 0 : index
    %get3A_1759 = arith.constant 0 : index
    %get3A_1760 = vector.load %arg2[%get3A_1758, %get3A_1759] : memref<8192x128xf32, #tpu.memory_space<vmem>>, vector<8192x128xf32>
    %transpose3A_1761 = tpu.transpose %get3A_1760, [1, 0] : vector<8192x128xf32> -> vector<128x8192xf32>
    %swap3A_1762 = arith.constant 0 : index
    %swap3A_1763 = arith.constant 0 : index
    %swap3A_1764 = vector.load %arg4[%swap3A_1762, %swap3A_1763] : memref<128x8192xf32, #tpu.memory_space<vmem>>, vector<128x8192xf32>
    tpu.vector_store %arg4[%swap3A_1762, %swap3A_1763], %transpose3A_1761 {strides = array<i32>} : memref<128x8192xf32, #tpu.memory_space<vmem>>, vector<128x8192xf32>,
    %dma_start3A_1765 = arith.constant 36 : i32
    %dma_start3A_1766 = arith.constant 0 : i32
    %dma_start3A_1767 = arith.constant 0 : i32
    %dma_start3A_1768 = tpu.memref_slice %arg1[%dma_start3A_1765, %dma_start3A_1766, %dma_start3A_1767] : memref<50x64x16384xf32, #tpu.memory_space<any>> -> memref<1x64x8192xf32, #tpu.memory_space<any>>
    %dma_start3A_1769 = tpu.memref_squeeze %dma_start3A_1768 : memref<1x64x8192xf32, #tpu.memory_space<any>> -> memref<64x8192xf32, #tpu.memory_space<any>>
    %dma_start3A_1770 = arith.constant 0 : i32
    %dma_start3A_1771 = arith.constant 0 : i32
    %dma_start3A_1772 = tpu.memref_slice %arg4[%dma_start3A_1770, %dma_start3A_1771] : memref<128x8192xf32, #tpu.memory_space<vmem>> -> memref<64x8192xf32, #tpu.memory_space<vmem>>
    tpu.enqueue_dma source(%dma_start3A_1772 : memref<64x8192xf32, #tpu.memory_space<vmem>>) target(%dma_start3A_1769 : memref<64x8192xf32, #tpu.memory_space<any>>) target_semaphore(%arg8 : memref<!tpu.dma_semaphore, #tpu.memory_space<semaphore_mem>>)
    %dma_start3A_1773 = arith.constant 36 : i32
    %dma_start3A_1774 = arith.constant 0 : i32
    %dma_start3A_1775 = arith.constant 8192 : i32
    %dma_start3A_1776 = tpu.memref_slice %arg1[%dma_start3A_1773, %dma_start3A_1774, %dma_start3A_1775] : memref<50x64x16384xf32, #tpu.memory_space<any>> -> memref<1x64x8192xf32, #tpu.memory_space<any>>
    %dma_start3A_1777 = tpu.memref_squeeze %dma_start3A_1776 : memref<1x64x8192xf32, #tpu.memory_space<any>> -> memref<64x8192xf32, #tpu.memory_space<any>>
    %dma_start3A_1778 = arith.constant 64 : i32
    %dma_start3A_1779 = arith.constant 0 : i32
    %dma_start3A_1780 = tpu.memref_slice %arg4[%dma_start3A_1778, %dma_start3A_1779] : memref<128x8192xf32, #tpu.memory_space<vmem>> -> memref<64x8192xf32, #tpu.memory_space<vmem>>
    tpu.enqueue_dma source(%dma_start3A_1780 : memref<64x8192xf32, #tpu.memory_space<vmem>>) target(%dma_start3A_1777 : memref<64x8192xf32, #tpu.memory_space<any>>) target_semaphore(%arg9 : memref<!tpu.dma_semaphore, #tpu.memory_space<semaphore_mem>>)
    %dma_start3A_1781 = arith.constant 38 : i32
    %dma_start3A_1782 = arith.constant 0 : i32
    %dma_start3A_1783 = arith.constant 0 : i32
    %dma_start3A_1784 = tpu.memref_slice %arg0[%dma_start3A_1781, %dma_start3A_1782, %dma_start3A_1783] : memref<50x8192x128xf32, #tpu.memory_space<any>> -> memref<1x8192x128xf32, #tpu.memory_space<any>>
    %dma_start3A_1785 = tpu.memref_squeeze %dma_start3A_1784 : memref<1x8192x128xf32, #tpu.memory_space<any>> -> memref<8192x128xf32, #tpu.memory_space<any>>
    tpu.enqueue_dma source(%dma_start3A_1785 : memref<8192x128xf32, #tpu.memory_space<any>>) target(%arg2 : memref<8192x128xf32, #tpu.memory_space<vmem>>) target_semaphore(%arg6 : memref<!tpu.dma_semaphore, #tpu.memory_space<semaphore_mem>>)
    %dma_wait3A_1786 = arith.constant 37 : i32
    %dma_wait3A_1787 = arith.constant 0 : i32
    %dma_wait3A_1788 = arith.constant 0 : i32
    %dma_wait3A_1789 = tpu.memref_slice %arg0[%dma_wait3A_1786, %dma_wait3A_1787, %dma_wait3A_1788] : memref<50x8192x128xf32, #tpu.memory_space<any>> -> memref<1x8192x128xf32, #tpu.memory_space<any>>
    %dma_wait3A_1790 = tpu.memref_squeeze %dma_wait3A_1789 : memref<1x8192x128xf32, #tpu.memory_space<any>> -> memref<8192x128xf32, #tpu.memory_space<any>>
    tpu.wait_dma2 semaphore(%arg7 : memref<!tpu.dma_semaphore, #tpu.memory_space<semaphore_mem>>) src(%dma_wait3A_1790 : memref<8192x128xf32, #tpu.memory_space<any>>) dst(%arg3 : memref<8192x128xf32, #tpu.memory_space<vmem>>)
    %dma_wait3A_1791 = arith.constant 35 : i32
    %dma_wait3A_1792 = arith.constant 0 : i32
    %dma_wait3A_1793 = arith.constant 0 : i32
    %dma_wait3A_1794 = tpu.memref_slice %arg1[%dma_wait3A_1791, %dma_wait3A_1792, %dma_wait3A_1793] : memref<50x64x16384xf32, #tpu.memory_space<any>> -> memref<1x64x8192xf32, #tpu.memory_space<any>>
    %dma_wait3A_1795 = tpu.memref_squeeze %dma_wait3A_1794 : memref<1x64x8192xf32, #tpu.memory_space<any>> -> memref<64x8192xf32, #tpu.memory_space<any>>
    %dma_wait3A_1796 = arith.constant 0 : i32
    %dma_wait3A_1797 = arith.constant 0 : i32
    %dma_wait3A_1798 = tpu.memref_slice %arg5[%dma_wait3A_1796, %dma_wait3A_1797] : memref<128x8192xf32, #tpu.memory_space<vmem>> -> memref<64x8192xf32, #tpu.memory_space<vmem>>
    tpu.wait_dma2 semaphore(%arg10 : memref<!tpu.dma_semaphore, #tpu.memory_space<semaphore_mem>>) src(%dma_wait3A_1798 : memref<64x8192xf32, #tpu.memory_space<vmem>>) dst(%dma_wait3A_1795 : memref<64x8192xf32, #tpu.memory_space<any>>)
    %dma_wait3A_1799 = arith.constant 35 : i32
    %dma_wait3A_1800 = arith.constant 0 : i32
    %dma_wait3A_1801 = arith.constant 8192 : i32
    %dma_wait3A_1802 = tpu.memref_slice %arg1[%dma_wait3A_1799, %dma_wait3A_1800, %dma_wait3A_1801] : memref<50x64x16384xf32, #tpu.memory_space<any>> -> memref<1x64x8192xf32, #tpu.memory_space<any>>
    %dma_wait3A_1803 = tpu.memref_squeeze %dma_wait3A_1802 : memref<1x64x8192xf32, #tpu.memory_space<any>> -> memref<64x8192xf32, #tpu.memory_space<any>>
    %dma_wait3A_1804 = arith.constant 64 : i32
    %dma_wait3A_1805 = arith.constant 0 : i32
    %dma_wait3A_1806 = tpu.memref_slice %arg5[%dma_wait3A_1804, %dma_wait3A_1805] : memref<128x8192xf32, #tpu.memory_space<vmem>> -> memref<64x8192xf32, #tpu.memory_space<vmem>>
    tpu.wait_dma2 semaphore(%arg11 : memref<!tpu.dma_semaphore, #tpu.memory_space<semaphore_mem>>) src(%dma_wait3A_1806 : memref<64x8192xf32, #tpu.memory_space<vmem>>) dst(%dma_wait3A_1803 : memref<64x8192xf32, #tpu.memory_space<any>>)
    %get3A_1807 = arith.constant 0 : index
    %get3A_1808 = arith.constant 0 : index
    %get3A_1809 = vector.load %arg3[%get3A_1807, %get3A_1808] : memref<8192x128xf32, #tpu.memory_space<vmem>>, vector<8192x128xf32>
    %transpose3A_1810 = tpu.transpose %get3A_1809, [1, 0] : vector<8192x128xf32> -> vector<128x8192xf32>
    %swap3A_1811 = arith.constant 0 : index
    %swap3A_1812 = arith.constant 0 : index
    %swap3A_1813 = vector.load %arg5[%swap3A_1811, %swap3A_1812] : memref<128x8192xf32, #tpu.memory_space<vmem>>, vector<128x8192xf32>
    tpu.vector_store %arg5[%swap3A_1811, %swap3A_1812], %transpose3A_1810 {strides = array<i32>} : memref<128x8192xf32, #tpu.memory_space<vmem>>, vector<128x8192xf32>,
    %dma_start3A_1814 = arith.constant 37 : i32
    %dma_start3A_1815 = arith.constant 0 : i32
    %dma_start3A_1816 = arith.constant 0 : i32
    %dma_start3A_1817 = tpu.memref_slice %arg1[%dma_start3A_1814, %dma_start3A_1815, %dma_start3A_1816] : memref<50x64x16384xf32, #tpu.memory_space<any>> -> memref<1x64x8192xf32, #tpu.memory_space<any>>
    %dma_start3A_1818 = tpu.memref_squeeze %dma_start3A_1817 : memref<1x64x8192xf32, #tpu.memory_space<any>> -> memref<64x8192xf32, #tpu.memory_space<any>>
    %dma_start3A_1819 = arith.constant 0 : i32
    %dma_start3A_1820 = arith.constant 0 : i32
    %dma_start3A_1821 = tpu.memref_slice %arg5[%dma_start3A_1819, %dma_start3A_1820] : memref<128x8192xf32, #tpu.memory_space<vmem>> -> memref<64x8192xf32, #tpu.memory_space<vmem>>
    tpu.enqueue_dma source(%dma_start3A_1821 : memref<64x8192xf32, #tpu.memory_space<vmem>>) target(%dma_start3A_1818 : memref<64x8192xf32, #tpu.memory_space<any>>) target_semaphore(%arg10 : memref<!tpu.dma_semaphore, #tpu.memory_space<semaphore_mem>>)
    %dma_start3A_1822 = arith.constant 37 : i32
    %dma_start3A_1823 = arith.constant 0 : i32
    %dma_start3A_1824 = arith.constant 8192 : i32
    %dma_start3A_1825 = tpu.memref_slice %arg1[%dma_start3A_1822, %dma_start3A_1823, %dma_start3A_1824] : memref<50x64x16384xf32, #tpu.memory_space<any>> -> memref<1x64x8192xf32, #tpu.memory_space<any>>
    %dma_start3A_1826 = tpu.memref_squeeze %dma_start3A_1825 : memref<1x64x8192xf32, #tpu.memory_space<any>> -> memref<64x8192xf32, #tpu.memory_space<any>>
    %dma_start3A_1827 = arith.constant 64 : i32
    %dma_start3A_1828 = arith.constant 0 : i32
    %dma_start3A_1829 = tpu.memref_slice %arg5[%dma_start3A_1827, %dma_start3A_1828] : memref<128x8192xf32, #tpu.memory_space<vmem>> -> memref<64x8192xf32, #tpu.memory_space<vmem>>
    tpu.enqueue_dma source(%dma_start3A_1829 : memref<64x8192xf32, #tpu.memory_space<vmem>>) target(%dma_start3A_1826 : memref<64x8192xf32, #tpu.memory_space<any>>) target_semaphore(%arg11 : memref<!tpu.dma_semaphore, #tpu.memory_space<semaphore_mem>>)
    %dma_start3A_1830 = arith.constant 39 : i32
    %dma_start3A_1831 = arith.constant 0 : i32
    %dma_start3A_1832 = arith.constant 0 : i32
    %dma_start3A_1833 = tpu.memref_slice %arg0[%dma_start3A_1830, %dma_start3A_1831, %dma_start3A_1832] : memref<50x8192x128xf32, #tpu.memory_space<any>> -> memref<1x8192x128xf32, #tpu.memory_space<any>>
    %dma_start3A_1834 = tpu.memref_squeeze %dma_start3A_1833 : memref<1x8192x128xf32, #tpu.memory_space<any>> -> memref<8192x128xf32, #tpu.memory_space<any>>
    tpu.enqueue_dma source(%dma_start3A_1834 : memref<8192x128xf32, #tpu.memory_space<any>>) target(%arg3 : memref<8192x128xf32, #tpu.memory_space<vmem>>) target_semaphore(%arg7 : memref<!tpu.dma_semaphore, #tpu.memory_space<semaphore_mem>>)
    %dma_wait3A_1835 = arith.constant 38 : i32
    %dma_wait3A_1836 = arith.constant 0 : i32
    %dma_wait3A_1837 = arith.constant 0 : i32
    %dma_wait3A_1838 = tpu.memref_slice %arg0[%dma_wait3A_1835, %dma_wait3A_1836, %dma_wait3A_1837] : memref<50x8192x128xf32, #tpu.memory_space<any>> -> memref<1x8192x128xf32, #tpu.memory_space<any>>
    %dma_wait3A_1839 = tpu.memref_squeeze %dma_wait3A_1838 : memref<1x8192x128xf32, #tpu.memory_space<any>> -> memref<8192x128xf32, #tpu.memory_space<any>>
    tpu.wait_dma2 semaphore(%arg6 : memref<!tpu.dma_semaphore, #tpu.memory_space<semaphore_mem>>) src(%dma_wait3A_1839 : memref<8192x128xf32, #tpu.memory_space<any>>) dst(%arg2 : memref<8192x128xf32, #tpu.memory_space<vmem>>)
    %dma_wait3A_1840 = arith.constant 36 : i32
    %dma_wait3A_1841 = arith.constant 0 : i32
    %dma_wait3A_1842 = arith.constant 0 : i32
    %dma_wait3A_1843 = tpu.memref_slice %arg1[%dma_wait3A_1840, %dma_wait3A_1841, %dma_wait3A_1842] : memref<50x64x16384xf32, #tpu.memory_space<any>> -> memref<1x64x8192xf32, #tpu.memory_space<any>>
    %dma_wait3A_1844 = tpu.memref_squeeze %dma_wait3A_1843 : memref<1x64x8192xf32, #tpu.memory_space<any>> -> memref<64x8192xf32, #tpu.memory_space<any>>
    %dma_wait3A_1845 = arith.constant 0 : i32
    %dma_wait3A_1846 = arith.constant 0 : i32
    %dma_wait3A_1847 = tpu.memref_slice %arg4[%dma_wait3A_1845, %dma_wait3A_1846] : memref<128x8192xf32, #tpu.memory_space<vmem>> -> memref<64x8192xf32, #tpu.memory_space<vmem>>
    tpu.wait_dma2 semaphore(%arg8 : memref<!tpu.dma_semaphore, #tpu.memory_space<semaphore_mem>>) src(%dma_wait3A_1847 : memref<64x8192xf32, #tpu.memory_space<vmem>>) dst(%dma_wait3A_1844 : memref<64x8192xf32, #tpu.memory_space<any>>)
    %dma_wait3A_1848 = arith.constant 36 : i32
    %dma_wait3A_1849 = arith.constant 0 : i32
    %dma_wait3A_1850 = arith.constant 8192 : i32
    %dma_wait3A_1851 = tpu.memref_slice %arg1[%dma_wait3A_1848, %dma_wait3A_1849, %dma_wait3A_1850] : memref<50x64x16384xf32, #tpu.memory_space<any>> -> memref<1x64x8192xf32, #tpu.memory_space<any>>
    %dma_wait3A_1852 = tpu.memref_squeeze %dma_wait3A_1851 : memref<1x64x8192xf32, #tpu.memory_space<any>> -> memref<64x8192xf32, #tpu.memory_space<any>>
    %dma_wait3A_1853 = arith.constant 64 : i32
    %dma_wait3A_1854 = arith.constant 0 : i32
    %dma_wait3A_1855 = tpu.memref_slice %arg4[%dma_wait3A_1853, %dma_wait3A_1854] : memref<128x8192xf32, #tpu.memory_space<vmem>> -> memref<64x8192xf32, #tpu.memory_space<vmem>>
    tpu.wait_dma2 semaphore(%arg9 : memref<!tpu.dma_semaphore, #tpu.memory_space<semaphore_mem>>) src(%dma_wait3A_1855 : memref<64x8192xf32, #tpu.memory_space<vmem>>) dst(%dma_wait3A_1852 : memref<64x8192xf32, #tpu.memory_space<any>>)
    %get3A_1856 = arith.constant 0 : index
    %get3A_1857 = arith.constant 0 : index
    %get3A_1858 = vector.load %arg2[%get3A_1856, %get3A_1857] : memref<8192x128xf32, #tpu.memory_space<vmem>>, vector<8192x128xf32>
    %transpose3A_1859 = tpu.transpose %get3A_1858, [1, 0] : vector<8192x128xf32> -> vector<128x8192xf32>
    %swap3A_1860 = arith.constant 0 : index
    %swap3A_1861 = arith.constant 0 : index
    %swap3A_1862 = vector.load %arg4[%swap3A_1860, %swap3A_1861] : memref<128x8192xf32, #tpu.memory_space<vmem>>, vector<128x8192xf32>
    tpu.vector_store %arg4[%swap3A_1860, %swap3A_1861], %transpose3A_1859 {strides = array<i32>} : memref<128x8192xf32, #tpu.memory_space<vmem>>, vector<128x8192xf32>,
    %dma_start3A_1863 = arith.constant 38 : i32
    %dma_start3A_1864 = arith.constant 0 : i32
    %dma_start3A_1865 = arith.constant 0 : i32
    %dma_start3A_1866 = tpu.memref_slice %arg1[%dma_start3A_1863, %dma_start3A_1864, %dma_start3A_1865] : memref<50x64x16384xf32, #tpu.memory_space<any>> -> memref<1x64x8192xf32, #tpu.memory_space<any>>
    %dma_start3A_1867 = tpu.memref_squeeze %dma_start3A_1866 : memref<1x64x8192xf32, #tpu.memory_space<any>> -> memref<64x8192xf32, #tpu.memory_space<any>>
    %dma_start3A_1868 = arith.constant 0 : i32
    %dma_start3A_1869 = arith.constant 0 : i32
    %dma_start3A_1870 = tpu.memref_slice %arg4[%dma_start3A_1868, %dma_start3A_1869] : memref<128x8192xf32, #tpu.memory_space<vmem>> -> memref<64x8192xf32, #tpu.memory_space<vmem>>
    tpu.enqueue_dma source(%dma_start3A_1870 : memref<64x8192xf32, #tpu.memory_space<vmem>>) target(%dma_start3A_1867 : memref<64x8192xf32, #tpu.memory_space<any>>) target_semaphore(%arg8 : memref<!tpu.dma_semaphore, #tpu.memory_space<semaphore_mem>>)
    %dma_start3A_1871 = arith.constant 38 : i32
    %dma_start3A_1872 = arith.constant 0 : i32
    %dma_start3A_1873 = arith.constant 8192 : i32
    %dma_start3A_1874 = tpu.memref_slice %arg1[%dma_start3A_1871, %dma_start3A_1872, %dma_start3A_1873] : memref<50x64x16384xf32, #tpu.memory_space<any>> -> memref<1x64x8192xf32, #tpu.memory_space<any>>
    %dma_start3A_1875 = tpu.memref_squeeze %dma_start3A_1874 : memref<1x64x8192xf32, #tpu.memory_space<any>> -> memref<64x8192xf32, #tpu.memory_space<any>>
    %dma_start3A_1876 = arith.constant 64 : i32
    %dma_start3A_1877 = arith.constant 0 : i32
    %dma_start3A_1878 = tpu.memref_slice %arg4[%dma_start3A_1876, %dma_start3A_1877] : memref<128x8192xf32, #tpu.memory_space<vmem>> -> memref<64x8192xf32, #tpu.memory_space<vmem>>
    tpu.enqueue_dma source(%dma_start3A_1878 : memref<64x8192xf32, #tpu.memory_space<vmem>>) target(%dma_start3A_1875 : memref<64x8192xf32, #tpu.memory_space<any>>) target_semaphore(%arg9 : memref<!tpu.dma_semaphore, #tpu.memory_space<semaphore_mem>>)
    %dma_start3A_1879 = arith.constant 40 : i32
    %dma_start3A_1880 = arith.constant 0 : i32
    %dma_start3A_1881 = arith.constant 0 : i32
    %dma_start3A_1882 = tpu.memref_slice %arg0[%dma_start3A_1879, %dma_start3A_1880, %dma_start3A_1881] : memref<50x8192x128xf32, #tpu.memory_space<any>> -> memref<1x8192x128xf32, #tpu.memory_space<any>>
    %dma_start3A_1883 = tpu.memref_squeeze %dma_start3A_1882 : memref<1x8192x128xf32, #tpu.memory_space<any>> -> memref<8192x128xf32, #tpu.memory_space<any>>
    tpu.enqueue_dma source(%dma_start3A_1883 : memref<8192x128xf32, #tpu.memory_space<any>>) target(%arg2 : memref<8192x128xf32, #tpu.memory_space<vmem>>) target_semaphore(%arg6 : memref<!tpu.dma_semaphore, #tpu.memory_space<semaphore_mem>>)
    %dma_wait3A_1884 = arith.constant 39 : i32
    %dma_wait3A_1885 = arith.constant 0 : i32
    %dma_wait3A_1886 = arith.constant 0 : i32
    %dma_wait3A_1887 = tpu.memref_slice %arg0[%dma_wait3A_1884, %dma_wait3A_1885, %dma_wait3A_1886] : memref<50x8192x128xf32, #tpu.memory_space<any>> -> memref<1x8192x128xf32, #tpu.memory_space<any>>
    %dma_wait3A_1888 = tpu.memref_squeeze %dma_wait3A_1887 : memref<1x8192x128xf32, #tpu.memory_space<any>> -> memref<8192x128xf32, #tpu.memory_space<any>>
    tpu.wait_dma2 semaphore(%arg7 : memref<!tpu.dma_semaphore, #tpu.memory_space<semaphore_mem>>) src(%dma_wait3A_1888 : memref<8192x128xf32, #tpu.memory_space<any>>) dst(%arg3 : memref<8192x128xf32, #tpu.memory_space<vmem>>)
    %dma_wait3A_1889 = arith.constant 37 : i32
    %dma_wait3A_1890 = arith.constant 0 : i32
    %dma_wait3A_1891 = arith.constant 0 : i32
    %dma_wait3A_1892 = tpu.memref_slice %arg1[%dma_wait3A_1889, %dma_wait3A_1890, %dma_wait3A_1891] : memref<50x64x16384xf32, #tpu.memory_space<any>> -> memref<1x64x8192xf32, #tpu.memory_space<any>>
    %dma_wait3A_1893 = tpu.memref_squeeze %dma_wait3A_1892 : memref<1x64x8192xf32, #tpu.memory_space<any>> -> memref<64x8192xf32, #tpu.memory_space<any>>
    %dma_wait3A_1894 = arith.constant 0 : i32
    %dma_wait3A_1895 = arith.constant 0 : i32
    %dma_wait3A_1896 = tpu.memref_slice %arg5[%dma_wait3A_1894, %dma_wait3A_1895] : memref<128x8192xf32, #tpu.memory_space<vmem>> -> memref<64x8192xf32, #tpu.memory_space<vmem>>
    tpu.wait_dma2 semaphore(%arg10 : memref<!tpu.dma_semaphore, #tpu.memory_space<semaphore_mem>>) src(%dma_wait3A_1896 : memref<64x8192xf32, #tpu.memory_space<vmem>>) dst(%dma_wait3A_1893 : memref<64x8192xf32, #tpu.memory_space<any>>)
    %dma_wait3A_1897 = arith.constant 37 : i32
    %dma_wait3A_1898 = arith.constant 0 : i32
    %dma_wait3A_1899 = arith.constant 8192 : i32
    %dma_wait3A_1900 = tpu.memref_slice %arg1[%dma_wait3A_1897, %dma_wait3A_1898, %dma_wait3A_1899] : memref<50x64x16384xf32, #tpu.memory_space<any>> -> memref<1x64x8192xf32, #tpu.memory_space<any>>
    %dma_wait3A_1901 = tpu.memref_squeeze %dma_wait3A_1900 : memref<1x64x8192xf32, #tpu.memory_space<any>> -> memref<64x8192xf32, #tpu.memory_space<any>>
    %dma_wait3A_1902 = arith.constant 64 : i32
    %dma_wait3A_1903 = arith.constant 0 : i32
    %dma_wait3A_1904 = tpu.memref_slice %arg5[%dma_wait3A_1902, %dma_wait3A_1903] : memref<128x8192xf32, #tpu.memory_space<vmem>> -> memref<64x8192xf32, #tpu.memory_space<vmem>>
    tpu.wait_dma2 semaphore(%arg11 : memref<!tpu.dma_semaphore, #tpu.memory_space<semaphore_mem>>) src(%dma_wait3A_1904 : memref<64x8192xf32, #tpu.memory_space<vmem>>) dst(%dma_wait3A_1901 : memref<64x8192xf32, #tpu.memory_space<any>>)
    %get3A_1905 = arith.constant 0 : index
    %get3A_1906 = arith.constant 0 : index
    %get3A_1907 = vector.load %arg3[%get3A_1905, %get3A_1906] : memref<8192x128xf32, #tpu.memory_space<vmem>>, vector<8192x128xf32>
    %transpose3A_1908 = tpu.transpose %get3A_1907, [1, 0] : vector<8192x128xf32> -> vector<128x8192xf32>
    %swap3A_1909 = arith.constant 0 : index
    %swap3A_1910 = arith.constant 0 : index
    %swap3A_1911 = vector.load %arg5[%swap3A_1909, %swap3A_1910] : memref<128x8192xf32, #tpu.memory_space<vmem>>, vector<128x8192xf32>
    tpu.vector_store %arg5[%swap3A_1909, %swap3A_1910], %transpose3A_1908 {strides = array<i32>} : memref<128x8192xf32, #tpu.memory_space<vmem>>, vector<128x8192xf32>,
    %dma_start3A_1912 = arith.constant 39 : i32
    %dma_start3A_1913 = arith.constant 0 : i32
    %dma_start3A_1914 = arith.constant 0 : i32
    %dma_start3A_1915 = tpu.memref_slice %arg1[%dma_start3A_1912, %dma_start3A_1913, %dma_start3A_1914] : memref<50x64x16384xf32, #tpu.memory_space<any>> -> memref<1x64x8192xf32, #tpu.memory_space<any>>
    %dma_start3A_1916 = tpu.memref_squeeze %dma_start3A_1915 : memref<1x64x8192xf32, #tpu.memory_space<any>> -> memref<64x8192xf32, #tpu.memory_space<any>>
    %dma_start3A_1917 = arith.constant 0 : i32
    %dma_start3A_1918 = arith.constant 0 : i32
    %dma_start3A_1919 = tpu.memref_slice %arg5[%dma_start3A_1917, %dma_start3A_1918] : memref<128x8192xf32, #tpu.memory_space<vmem>> -> memref<64x8192xf32, #tpu.memory_space<vmem>>
    tpu.enqueue_dma source(%dma_start3A_1919 : memref<64x8192xf32, #tpu.memory_space<vmem>>) target(%dma_start3A_1916 : memref<64x8192xf32, #tpu.memory_space<any>>) target_semaphore(%arg10 : memref<!tpu.dma_semaphore, #tpu.memory_space<semaphore_mem>>)
    %dma_start3A_1920 = arith.constant 39 : i32
    %dma_start3A_1921 = arith.constant 0 : i32
    %dma_start3A_1922 = arith.constant 8192 : i32
    %dma_start3A_1923 = tpu.memref_slice %arg1[%dma_start3A_1920, %dma_start3A_1921, %dma_start3A_1922] : memref<50x64x16384xf32, #tpu.memory_space<any>> -> memref<1x64x8192xf32, #tpu.memory_space<any>>
    %dma_start3A_1924 = tpu.memref_squeeze %dma_start3A_1923 : memref<1x64x8192xf32, #tpu.memory_space<any>> -> memref<64x8192xf32, #tpu.memory_space<any>>
    %dma_start3A_1925 = arith.constant 64 : i32
    %dma_start3A_1926 = arith.constant 0 : i32
    %dma_start3A_1927 = tpu.memref_slice %arg5[%dma_start3A_1925, %dma_start3A_1926] : memref<128x8192xf32, #tpu.memory_space<vmem>> -> memref<64x8192xf32, #tpu.memory_space<vmem>>
    tpu.enqueue_dma source(%dma_start3A_1927 : memref<64x8192xf32, #tpu.memory_space<vmem>>) target(%dma_start3A_1924 : memref<64x8192xf32, #tpu.memory_space<any>>) target_semaphore(%arg11 : memref<!tpu.dma_semaphore, #tpu.memory_space<semaphore_mem>>)
    %dma_start3A_1928 = arith.constant 41 : i32
    %dma_start3A_1929 = arith.constant 0 : i32
    %dma_start3A_1930 = arith.constant 0 : i32
    %dma_start3A_1931 = tpu.memref_slice %arg0[%dma_start3A_1928, %dma_start3A_1929, %dma_start3A_1930] : memref<50x8192x128xf32, #tpu.memory_space<any>> -> memref<1x8192x128xf32, #tpu.memory_space<any>>
    %dma_start3A_1932 = tpu.memref_squeeze %dma_start3A_1931 : memref<1x8192x128xf32, #tpu.memory_space<any>> -> memref<8192x128xf32, #tpu.memory_space<any>>
    tpu.enqueue_dma source(%dma_start3A_1932 : memref<8192x128xf32, #tpu.memory_space<any>>) target(%arg3 : memref<8192x128xf32, #tpu.memory_space<vmem>>) target_semaphore(%arg7 : memref<!tpu.dma_semaphore, #tpu.memory_space<semaphore_mem>>)
    %dma_wait3A_1933 = arith.constant 40 : i32
    %dma_wait3A_1934 = arith.constant 0 : i32
    %dma_wait3A_1935 = arith.constant 0 : i32
    %dma_wait3A_1936 = tpu.memref_slice %arg0[%dma_wait3A_1933, %dma_wait3A_1934, %dma_wait3A_1935] : memref<50x8192x128xf32, #tpu.memory_space<any>> -> memref<1x8192x128xf32, #tpu.memory_space<any>>
    %dma_wait3A_1937 = tpu.memref_squeeze %dma_wait3A_1936 : memref<1x8192x128xf32, #tpu.memory_space<any>> -> memref<8192x128xf32, #tpu.memory_space<any>>
    tpu.wait_dma2 semaphore(%arg6 : memref<!tpu.dma_semaphore, #tpu.memory_space<semaphore_mem>>) src(%dma_wait3A_1937 : memref<8192x128xf32, #tpu.memory_space<any>>) dst(%arg2 : memref<8192x128xf32, #tpu.memory_space<vmem>>)
    %dma_wait3A_1938 = arith.constant 38 : i32
    %dma_wait3A_1939 = arith.constant 0 : i32
    %dma_wait3A_1940 = arith.constant 0 : i32
    %dma_wait3A_1941 = tpu.memref_slice %arg1[%dma_wait3A_1938, %dma_wait3A_1939, %dma_wait3A_1940] : memref<50x64x16384xf32, #tpu.memory_space<any>> -> memref<1x64x8192xf32, #tpu.memory_space<any>>
    %dma_wait3A_1942 = tpu.memref_squeeze %dma_wait3A_1941 : memref<1x64x8192xf32, #tpu.memory_space<any>> -> memref<64x8192xf32, #tpu.memory_space<any>>
    %dma_wait3A_1943 = arith.constant 0 : i32
    %dma_wait3A_1944 = arith.constant 0 : i32
    %dma_wait3A_1945 = tpu.memref_slice %arg4[%dma_wait3A_1943, %dma_wait3A_1944] : memref<128x8192xf32, #tpu.memory_space<vmem>> -> memref<64x8192xf32, #tpu.memory_space<vmem>>
    tpu.wait_dma2 semaphore(%arg8 : memref<!tpu.dma_semaphore, #tpu.memory_space<semaphore_mem>>) src(%dma_wait3A_1945 : memref<64x8192xf32, #tpu.memory_space<vmem>>) dst(%dma_wait3A_1942 : memref<64x8192xf32, #tpu.memory_space<any>>)
    %dma_wait3A_1946 = arith.constant 38 : i32
    %dma_wait3A_1947 = arith.constant 0 : i32
    %dma_wait3A_1948 = arith.constant 8192 : i32
    %dma_wait3A_1949 = tpu.memref_slice %arg1[%dma_wait3A_1946, %dma_wait3A_1947, %dma_wait3A_1948] : memref<50x64x16384xf32, #tpu.memory_space<any>> -> memref<1x64x8192xf32, #tpu.memory_space<any>>
    %dma_wait3A_1950 = tpu.memref_squeeze %dma_wait3A_1949 : memref<1x64x8192xf32, #tpu.memory_space<any>> -> memref<64x8192xf32, #tpu.memory_space<any>>
    %dma_wait3A_1951 = arith.constant 64 : i32
    %dma_wait3A_1952 = arith.constant 0 : i32
    %dma_wait3A_1953 = tpu.memref_slice %arg4[%dma_wait3A_1951, %dma_wait3A_1952] : memref<128x8192xf32, #tpu.memory_space<vmem>> -> memref<64x8192xf32, #tpu.memory_space<vmem>>
    tpu.wait_dma2 semaphore(%arg9 : memref<!tpu.dma_semaphore, #tpu.memory_space<semaphore_mem>>) src(%dma_wait3A_1953 : memref<64x8192xf32, #tpu.memory_space<vmem>>) dst(%dma_wait3A_1950 : memref<64x8192xf32, #tpu.memory_space<any>>)
    %get3A_1954 = arith.constant 0 : index
    %get3A_1955 = arith.constant 0 : index
    %get3A_1956 = vector.load %arg2[%get3A_1954, %get3A_1955] : memref<8192x128xf32, #tpu.memory_space<vmem>>, vector<8192x128xf32>
    %transpose3A_1957 = tpu.transpose %get3A_1956, [1, 0] : vector<8192x128xf32> -> vector<128x8192xf32>
    %swap3A_1958 = arith.constant 0 : index
    %swap3A_1959 = arith.constant 0 : index
    %swap3A_1960 = vector.load %arg4[%swap3A_1958, %swap3A_1959] : memref<128x8192xf32, #tpu.memory_space<vmem>>, vector<128x8192xf32>
    tpu.vector_store %arg4[%swap3A_1958, %swap3A_1959], %transpose3A_1957 {strides = array<i32>} : memref<128x8192xf32, #tpu.memory_space<vmem>>, vector<128x8192xf32>,
    %dma_start3A_1961 = arith.constant 40 : i32
    %dma_start3A_1962 = arith.constant 0 : i32
    %dma_start3A_1963 = arith.constant 0 : i32
    %dma_start3A_1964 = tpu.memref_slice %arg1[%dma_start3A_1961, %dma_start3A_1962, %dma_start3A_1963] : memref<50x64x16384xf32, #tpu.memory_space<any>> -> memref<1x64x8192xf32, #tpu.memory_space<any>>
    %dma_start3A_1965 = tpu.memref_squeeze %dma_start3A_1964 : memref<1x64x8192xf32, #tpu.memory_space<any>> -> memref<64x8192xf32, #tpu.memory_space<any>>
    %dma_start3A_1966 = arith.constant 0 : i32
    %dma_start3A_1967 = arith.constant 0 : i32
    %dma_start3A_1968 = tpu.memref_slice %arg4[%dma_start3A_1966, %dma_start3A_1967] : memref<128x8192xf32, #tpu.memory_space<vmem>> -> memref<64x8192xf32, #tpu.memory_space<vmem>>
    tpu.enqueue_dma source(%dma_start3A_1968 : memref<64x8192xf32, #tpu.memory_space<vmem>>) target(%dma_start3A_1965 : memref<64x8192xf32, #tpu.memory_space<any>>) target_semaphore(%arg8 : memref<!tpu.dma_semaphore, #tpu.memory_space<semaphore_mem>>)
    %dma_start3A_1969 = arith.constant 40 : i32
    %dma_start3A_1970 = arith.constant 0 : i32
    %dma_start3A_1971 = arith.constant 8192 : i32
    %dma_start3A_1972 = tpu.memref_slice %arg1[%dma_start3A_1969, %dma_start3A_1970, %dma_start3A_1971] : memref<50x64x16384xf32, #tpu.memory_space<any>> -> memref<1x64x8192xf32, #tpu.memory_space<any>>
    %dma_start3A_1973 = tpu.memref_squeeze %dma_start3A_1972 : memref<1x64x8192xf32, #tpu.memory_space<any>> -> memref<64x8192xf32, #tpu.memory_space<any>>
    %dma_start3A_1974 = arith.constant 64 : i32
    %dma_start3A_1975 = arith.constant 0 : i32
    %dma_start3A_1976 = tpu.memref_slice %arg4[%dma_start3A_1974, %dma_start3A_1975] : memref<128x8192xf32, #tpu.memory_space<vmem>> -> memref<64x8192xf32, #tpu.memory_space<vmem>>
    tpu.enqueue_dma source(%dma_start3A_1976 : memref<64x8192xf32, #tpu.memory_space<vmem>>) target(%dma_start3A_1973 : memref<64x8192xf32, #tpu.memory_space<any>>) target_semaphore(%arg9 : memref<!tpu.dma_semaphore, #tpu.memory_space<semaphore_mem>>)
    %dma_start3A_1977 = arith.constant 42 : i32
    %dma_start3A_1978 = arith.constant 0 : i32
    %dma_start3A_1979 = arith.constant 0 : i32
    %dma_start3A_1980 = tpu.memref_slice %arg0[%dma_start3A_1977, %dma_start3A_1978, %dma_start3A_1979] : memref<50x8192x128xf32, #tpu.memory_space<any>> -> memref<1x8192x128xf32, #tpu.memory_space<any>>
    %dma_start3A_1981 = tpu.memref_squeeze %dma_start3A_1980 : memref<1x8192x128xf32, #tpu.memory_space<any>> -> memref<8192x128xf32, #tpu.memory_space<any>>
    tpu.enqueue_dma source(%dma_start3A_1981 : memref<8192x128xf32, #tpu.memory_space<any>>) target(%arg2 : memref<8192x128xf32, #tpu.memory_space<vmem>>) target_semaphore(%arg6 : memref<!tpu.dma_semaphore, #tpu.memory_space<semaphore_mem>>)
    %dma_wait3A_1982 = arith.constant 41 : i32
    %dma_wait3A_1983 = arith.constant 0 : i32
    %dma_wait3A_1984 = arith.constant 0 : i32
    %dma_wait3A_1985 = tpu.memref_slice %arg0[%dma_wait3A_1982, %dma_wait3A_1983, %dma_wait3A_1984] : memref<50x8192x128xf32, #tpu.memory_space<any>> -> memref<1x8192x128xf32, #tpu.memory_space<any>>
    %dma_wait3A_1986 = tpu.memref_squeeze %dma_wait3A_1985 : memref<1x8192x128xf32, #tpu.memory_space<any>> -> memref<8192x128xf32, #tpu.memory_space<any>>
    tpu.wait_dma2 semaphore(%arg7 : memref<!tpu.dma_semaphore, #tpu.memory_space<semaphore_mem>>) src(%dma_wait3A_1986 : memref<8192x128xf32, #tpu.memory_space<any>>) dst(%arg3 : memref<8192x128xf32, #tpu.memory_space<vmem>>)
    %dma_wait3A_1987 = arith.constant 39 : i32
    %dma_wait3A_1988 = arith.constant 0 : i32
    %dma_wait3A_1989 = arith.constant 0 : i32
    %dma_wait3A_1990 = tpu.memref_slice %arg1[%dma_wait3A_1987, %dma_wait3A_1988, %dma_wait3A_1989] : memref<50x64x16384xf32, #tpu.memory_space<any>> -> memref<1x64x8192xf32, #tpu.memory_space<any>>
    %dma_wait3A_1991 = tpu.memref_squeeze %dma_wait3A_1990 : memref<1x64x8192xf32, #tpu.memory_space<any>> -> memref<64x8192xf32, #tpu.memory_space<any>>
    %dma_wait3A_1992 = arith.constant 0 : i32
    %dma_wait3A_1993 = arith.constant 0 : i32
    %dma_wait3A_1994 = tpu.memref_slice %arg5[%dma_wait3A_1992, %dma_wait3A_1993] : memref<128x8192xf32, #tpu.memory_space<vmem>> -> memref<64x8192xf32, #tpu.memory_space<vmem>>
    tpu.wait_dma2 semaphore(%arg10 : memref<!tpu.dma_semaphore, #tpu.memory_space<semaphore_mem>>) src(%dma_wait3A_1994 : memref<64x8192xf32, #tpu.memory_space<vmem>>) dst(%dma_wait3A_1991 : memref<64x8192xf32, #tpu.memory_space<any>>)
    %dma_wait3A_1995 = arith.constant 39 : i32
    %dma_wait3A_1996 = arith.constant 0 : i32
    %dma_wait3A_1997 = arith.constant 8192 : i32
    %dma_wait3A_1998 = tpu.memref_slice %arg1[%dma_wait3A_1995, %dma_wait3A_1996, %dma_wait3A_1997] : memref<50x64x16384xf32, #tpu.memory_space<any>> -> memref<1x64x8192xf32, #tpu.memory_space<any>>
    %dma_wait3A_1999 = tpu.memref_squeeze %dma_wait3A_1998 : memref<1x64x8192xf32, #tpu.memory_space<any>> -> memref<64x8192xf32, #tpu.memory_space<any>>
    %dma_wait3A_2000 = arith.constant 64 : i32
    %dma_wait3A_2001 = arith.constant 0 : i32
    %dma_wait3A_2002 = tpu.memref_slice %arg5[%dma_wait3A_2000, %dma_wait3A_2001] : memref<128x8192xf32, #tpu.memory_space<vmem>> -> memref<64x8192xf32, #tpu.memory_space<vmem>>
    tpu.wait_dma2 semaphore(%arg11 : memref<!tpu.dma_semaphore, #tpu.memory_space<semaphore_mem>>) src(%dma_wait3A_2002 : memref<64x8192xf32, #tpu.memory_space<vmem>>) dst(%dma_wait3A_1999 : memref<64x8192xf32, #tpu.memory_space<any>>)
    %get3A_2003 = arith.constant 0 : index
    %get3A_2004 = arith.constant 0 : index
    %get3A_2005 = vector.load %arg3[%get3A_2003, %get3A_2004] : memref<8192x128xf32, #tpu.memory_space<vmem>>, vector<8192x128xf32>
    %transpose3A_2006 = tpu.transpose %get3A_2005, [1, 0] : vector<8192x128xf32> -> vector<128x8192xf32>
    %swap3A_2007 = arith.constant 0 : index
    %swap3A_2008 = arith.constant 0 : index
    %swap3A_2009 = vector.load %arg5[%swap3A_2007, %swap3A_2008] : memref<128x8192xf32, #tpu.memory_space<vmem>>, vector<128x8192xf32>
    tpu.vector_store %arg5[%swap3A_2007, %swap3A_2008], %transpose3A_2006 {strides = array<i32>} : memref<128x8192xf32, #tpu.memory_space<vmem>>, vector<128x8192xf32>,
    %dma_start3A_2010 = arith.constant 41 : i32
    %dma_start3A_2011 = arith.constant 0 : i32
    %dma_start3A_2012 = arith.constant 0 : i32
    %dma_start3A_2013 = tpu.memref_slice %arg1[%dma_start3A_2010, %dma_start3A_2011, %dma_start3A_2012] : memref<50x64x16384xf32, #tpu.memory_space<any>> -> memref<1x64x8192xf32, #tpu.memory_space<any>>
    %dma_start3A_2014 = tpu.memref_squeeze %dma_start3A_2013 : memref<1x64x8192xf32, #tpu.memory_space<any>> -> memref<64x8192xf32, #tpu.memory_space<any>>
    %dma_start3A_2015 = arith.constant 0 : i32
    %dma_start3A_2016 = arith.constant 0 : i32
    %dma_start3A_2017 = tpu.memref_slice %arg5[%dma_start3A_2015, %dma_start3A_2016] : memref<128x8192xf32, #tpu.memory_space<vmem>> -> memref<64x8192xf32, #tpu.memory_space<vmem>>
    tpu.enqueue_dma source(%dma_start3A_2017 : memref<64x8192xf32, #tpu.memory_space<vmem>>) target(%dma_start3A_2014 : memref<64x8192xf32, #tpu.memory_space<any>>) target_semaphore(%arg10 : memref<!tpu.dma_semaphore, #tpu.memory_space<semaphore_mem>>)
    %dma_start3A_2018 = arith.constant 41 : i32
    %dma_start3A_2019 = arith.constant 0 : i32
    %dma_start3A_2020 = arith.constant 8192 : i32
    %dma_start3A_2021 = tpu.memref_slice %arg1[%dma_start3A_2018, %dma_start3A_2019, %dma_start3A_2020] : memref<50x64x16384xf32, #tpu.memory_space<any>> -> memref<1x64x8192xf32, #tpu.memory_space<any>>
    %dma_start3A_2022 = tpu.memref_squeeze %dma_start3A_2021 : memref<1x64x8192xf32, #tpu.memory_space<any>> -> memref<64x8192xf32, #tpu.memory_space<any>>
    %dma_start3A_2023 = arith.constant 64 : i32
    %dma_start3A_2024 = arith.constant 0 : i32
    %dma_start3A_2025 = tpu.memref_slice %arg5[%dma_start3A_2023, %dma_start3A_2024] : memref<128x8192xf32, #tpu.memory_space<vmem>> -> memref<64x8192xf32, #tpu.memory_space<vmem>>
    tpu.enqueue_dma source(%dma_start3A_2025 : memref<64x8192xf32, #tpu.memory_space<vmem>>) target(%dma_start3A_2022 : memref<64x8192xf32, #tpu.memory_space<any>>) target_semaphore(%arg11 : memref<!tpu.dma_semaphore, #tpu.memory_space<semaphore_mem>>)
    %dma_start3A_2026 = arith.constant 43 : i32
    %dma_start3A_2027 = arith.constant 0 : i32
    %dma_start3A_2028 = arith.constant 0 : i32
    %dma_start3A_2029 = tpu.memref_slice %arg0[%dma_start3A_2026, %dma_start3A_2027, %dma_start3A_2028] : memref<50x8192x128xf32, #tpu.memory_space<any>> -> memref<1x8192x128xf32, #tpu.memory_space<any>>
    %dma_start3A_2030 = tpu.memref_squeeze %dma_start3A_2029 : memref<1x8192x128xf32, #tpu.memory_space<any>> -> memref<8192x128xf32, #tpu.memory_space<any>>
    tpu.enqueue_dma source(%dma_start3A_2030 : memref<8192x128xf32, #tpu.memory_space<any>>) target(%arg3 : memref<8192x128xf32, #tpu.memory_space<vmem>>) target_semaphore(%arg7 : memref<!tpu.dma_semaphore, #tpu.memory_space<semaphore_mem>>)
    %dma_wait3A_2031 = arith.constant 42 : i32
    %dma_wait3A_2032 = arith.constant 0 : i32
    %dma_wait3A_2033 = arith.constant 0 : i32
    %dma_wait3A_2034 = tpu.memref_slice %arg0[%dma_wait3A_2031, %dma_wait3A_2032, %dma_wait3A_2033] : memref<50x8192x128xf32, #tpu.memory_space<any>> -> memref<1x8192x128xf32, #tpu.memory_space<any>>
    %dma_wait3A_2035 = tpu.memref_squeeze %dma_wait3A_2034 : memref<1x8192x128xf32, #tpu.memory_space<any>> -> memref<8192x128xf32, #tpu.memory_space<any>>
    tpu.wait_dma2 semaphore(%arg6 : memref<!tpu.dma_semaphore, #tpu.memory_space<semaphore_mem>>) src(%dma_wait3A_2035 : memref<8192x128xf32, #tpu.memory_space<any>>) dst(%arg2 : memref<8192x128xf32, #tpu.memory_space<vmem>>)
    %dma_wait3A_2036 = arith.constant 40 : i32
    %dma_wait3A_2037 = arith.constant 0 : i32
    %dma_wait3A_2038 = arith.constant 0 : i32
    %dma_wait3A_2039 = tpu.memref_slice %arg1[%dma_wait3A_2036, %dma_wait3A_2037, %dma_wait3A_2038] : memref<50x64x16384xf32, #tpu.memory_space<any>> -> memref<1x64x8192xf32, #tpu.memory_space<any>>
    %dma_wait3A_2040 = tpu.memref_squeeze %dma_wait3A_2039 : memref<1x64x8192xf32, #tpu.memory_space<any>> -> memref<64x8192xf32, #tpu.memory_space<any>>
    %dma_wait3A_2041 = arith.constant 0 : i32
    %dma_wait3A_2042 = arith.constant 0 : i32
    %dma_wait3A_2043 = tpu.memref_slice %arg4[%dma_wait3A_2041, %dma_wait3A_2042] : memref<128x8192xf32, #tpu.memory_space<vmem>> -> memref<64x8192xf32, #tpu.memory_space<vmem>>
    tpu.wait_dma2 semaphore(%arg8 : memref<!tpu.dma_semaphore, #tpu.memory_space<semaphore_mem>>) src(%dma_wait3A_2043 : memref<64x8192xf32, #tpu.memory_space<vmem>>) dst(%dma_wait3A_2040 : memref<64x8192xf32, #tpu.memory_space<any>>)
    %dma_wait3A_2044 = arith.constant 40 : i32
    %dma_wait3A_2045 = arith.constant 0 : i32
    %dma_wait3A_2046 = arith.constant 8192 : i32
    %dma_wait3A_2047 = tpu.memref_slice %arg1[%dma_wait3A_2044, %dma_wait3A_2045, %dma_wait3A_2046] : memref<50x64x16384xf32, #tpu.memory_space<any>> -> memref<1x64x8192xf32, #tpu.memory_space<any>>
    %dma_wait3A_2048 = tpu.memref_squeeze %dma_wait3A_2047 : memref<1x64x8192xf32, #tpu.memory_space<any>> -> memref<64x8192xf32, #tpu.memory_space<any>>
    %dma_wait3A_2049 = arith.constant 64 : i32
    %dma_wait3A_2050 = arith.constant 0 : i32
    %dma_wait3A_2051 = tpu.memref_slice %arg4[%dma_wait3A_2049, %dma_wait3A_2050] : memref<128x8192xf32, #tpu.memory_space<vmem>> -> memref<64x8192xf32, #tpu.memory_space<vmem>>
    tpu.wait_dma2 semaphore(%arg9 : memref<!tpu.dma_semaphore, #tpu.memory_space<semaphore_mem>>) src(%dma_wait3A_2051 : memref<64x8192xf32, #tpu.memory_space<vmem>>) dst(%dma_wait3A_2048 : memref<64x8192xf32, #tpu.memory_space<any>>)
    %get3A_2052 = arith.constant 0 : index
    %get3A_2053 = arith.constant 0 : index
    %get3A_2054 = vector.load %arg2[%get3A_2052, %get3A_2053] : memref<8192x128xf32, #tpu.memory_space<vmem>>, vector<8192x128xf32>
    %transpose3A_2055 = tpu.transpose %get3A_2054, [1, 0] : vector<8192x128xf32> -> vector<128x8192xf32>
    %swap3A_2056 = arith.constant 0 : index
    %swap3A_2057 = arith.constant 0 : index
    %swap3A_2058 = vector.load %arg4[%swap3A_2056, %swap3A_2057] : memref<128x8192xf32, #tpu.memory_space<vmem>>, vector<128x8192xf32>
    tpu.vector_store %arg4[%swap3A_2056, %swap3A_2057], %transpose3A_2055 {strides = array<i32>} : memref<128x8192xf32, #tpu.memory_space<vmem>>, vector<128x8192xf32>,
    %dma_start3A_2059 = arith.constant 42 : i32
    %dma_start3A_2060 = arith.constant 0 : i32
    %dma_start3A_2061 = arith.constant 0 : i32
    %dma_start3A_2062 = tpu.memref_slice %arg1[%dma_start3A_2059, %dma_start3A_2060, %dma_start3A_2061] : memref<50x64x16384xf32, #tpu.memory_space<any>> -> memref<1x64x8192xf32, #tpu.memory_space<any>>
    %dma_start3A_2063 = tpu.memref_squeeze %dma_start3A_2062 : memref<1x64x8192xf32, #tpu.memory_space<any>> -> memref<64x8192xf32, #tpu.memory_space<any>>
    %dma_start3A_2064 = arith.constant 0 : i32
    %dma_start3A_2065 = arith.constant 0 : i32
    %dma_start3A_2066 = tpu.memref_slice %arg4[%dma_start3A_2064, %dma_start3A_2065] : memref<128x8192xf32, #tpu.memory_space<vmem>> -> memref<64x8192xf32, #tpu.memory_space<vmem>>
    tpu.enqueue_dma source(%dma_start3A_2066 : memref<64x8192xf32, #tpu.memory_space<vmem>>) target(%dma_start3A_2063 : memref<64x8192xf32, #tpu.memory_space<any>>) target_semaphore(%arg8 : memref<!tpu.dma_semaphore, #tpu.memory_space<semaphore_mem>>)
    %dma_start3A_2067 = arith.constant 42 : i32
    %dma_start3A_2068 = arith.constant 0 : i32
    %dma_start3A_2069 = arith.constant 8192 : i32
    %dma_start3A_2070 = tpu.memref_slice %arg1[%dma_start3A_2067, %dma_start3A_2068, %dma_start3A_2069] : memref<50x64x16384xf32, #tpu.memory_space<any>> -> memref<1x64x8192xf32, #tpu.memory_space<any>>
    %dma_start3A_2071 = tpu.memref_squeeze %dma_start3A_2070 : memref<1x64x8192xf32, #tpu.memory_space<any>> -> memref<64x8192xf32, #tpu.memory_space<any>>
    %dma_start3A_2072 = arith.constant 64 : i32
    %dma_start3A_2073 = arith.constant 0 : i32
    %dma_start3A_2074 = tpu.memref_slice %arg4[%dma_start3A_2072, %dma_start3A_2073] : memref<128x8192xf32, #tpu.memory_space<vmem>> -> memref<64x8192xf32, #tpu.memory_space<vmem>>
    tpu.enqueue_dma source(%dma_start3A_2074 : memref<64x8192xf32, #tpu.memory_space<vmem>>) target(%dma_start3A_2071 : memref<64x8192xf32, #tpu.memory_space<any>>) target_semaphore(%arg9 : memref<!tpu.dma_semaphore, #tpu.memory_space<semaphore_mem>>)
    %dma_start3A_2075 = arith.constant 44 : i32
    %dma_start3A_2076 = arith.constant 0 : i32
    %dma_start3A_2077 = arith.constant 0 : i32
    %dma_start3A_2078 = tpu.memref_slice %arg0[%dma_start3A_2075, %dma_start3A_2076, %dma_start3A_2077] : memref<50x8192x128xf32, #tpu.memory_space<any>> -> memref<1x8192x128xf32, #tpu.memory_space<any>>
    %dma_start3A_2079 = tpu.memref_squeeze %dma_start3A_2078 : memref<1x8192x128xf32, #tpu.memory_space<any>> -> memref<8192x128xf32, #tpu.memory_space<any>>
    tpu.enqueue_dma source(%dma_start3A_2079 : memref<8192x128xf32, #tpu.memory_space<any>>) target(%arg2 : memref<8192x128xf32, #tpu.memory_space<vmem>>) target_semaphore(%arg6 : memref<!tpu.dma_semaphore, #tpu.memory_space<semaphore_mem>>)
    %dma_wait3A_2080 = arith.constant 43 : i32
    %dma_wait3A_2081 = arith.constant 0 : i32
    %dma_wait3A_2082 = arith.constant 0 : i32
    %dma_wait3A_2083 = tpu.memref_slice %arg0[%dma_wait3A_2080, %dma_wait3A_2081, %dma_wait3A_2082] : memref<50x8192x128xf32, #tpu.memory_space<any>> -> memref<1x8192x128xf32, #tpu.memory_space<any>>
    %dma_wait3A_2084 = tpu.memref_squeeze %dma_wait3A_2083 : memref<1x8192x128xf32, #tpu.memory_space<any>> -> memref<8192x128xf32, #tpu.memory_space<any>>
    tpu.wait_dma2 semaphore(%arg7 : memref<!tpu.dma_semaphore, #tpu.memory_space<semaphore_mem>>) src(%dma_wait3A_2084 : memref<8192x128xf32, #tpu.memory_space<any>>) dst(%arg3 : memref<8192x128xf32, #tpu.memory_space<vmem>>)
    %dma_wait3A_2085 = arith.constant 41 : i32
    %dma_wait3A_2086 = arith.constant 0 : i32
    %dma_wait3A_2087 = arith.constant 0 : i32
    %dma_wait3A_2088 = tpu.memref_slice %arg1[%dma_wait3A_2085, %dma_wait3A_2086, %dma_wait3A_2087] : memref<50x64x16384xf32, #tpu.memory_space<any>> -> memref<1x64x8192xf32, #tpu.memory_space<any>>
    %dma_wait3A_2089 = tpu.memref_squeeze %dma_wait3A_2088 : memref<1x64x8192xf32, #tpu.memory_space<any>> -> memref<64x8192xf32, #tpu.memory_space<any>>
    %dma_wait3A_2090 = arith.constant 0 : i32
    %dma_wait3A_2091 = arith.constant 0 : i32
    %dma_wait3A_2092 = tpu.memref_slice %arg5[%dma_wait3A_2090, %dma_wait3A_2091] : memref<128x8192xf32, #tpu.memory_space<vmem>> -> memref<64x8192xf32, #tpu.memory_space<vmem>>
    tpu.wait_dma2 semaphore(%arg10 : memref<!tpu.dma_semaphore, #tpu.memory_space<semaphore_mem>>) src(%dma_wait3A_2092 : memref<64x8192xf32, #tpu.memory_space<vmem>>) dst(%dma_wait3A_2089 : memref<64x8192xf32, #tpu.memory_space<any>>)
    %dma_wait3A_2093 = arith.constant 41 : i32
    %dma_wait3A_2094 = arith.constant 0 : i32
    %dma_wait3A_2095 = arith.constant 8192 : i32
    %dma_wait3A_2096 = tpu.memref_slice %arg1[%dma_wait3A_2093, %dma_wait3A_2094, %dma_wait3A_2095] : memref<50x64x16384xf32, #tpu.memory_space<any>> -> memref<1x64x8192xf32, #tpu.memory_space<any>>
    %dma_wait3A_2097 = tpu.memref_squeeze %dma_wait3A_2096 : memref<1x64x8192xf32, #tpu.memory_space<any>> -> memref<64x8192xf32, #tpu.memory_space<any>>
    %dma_wait3A_2098 = arith.constant 64 : i32
    %dma_wait3A_2099 = arith.constant 0 : i32
    %dma_wait3A_2100 = tpu.memref_slice %arg5[%dma_wait3A_2098, %dma_wait3A_2099] : memref<128x8192xf32, #tpu.memory_space<vmem>> -> memref<64x8192xf32, #tpu.memory_space<vmem>>
    tpu.wait_dma2 semaphore(%arg11 : memref<!tpu.dma_semaphore, #tpu.memory_space<semaphore_mem>>) src(%dma_wait3A_2100 : memref<64x8192xf32, #tpu.memory_space<vmem>>) dst(%dma_wait3A_2097 : memref<64x8192xf32, #tpu.memory_space<any>>)
    %get3A_2101 = arith.constant 0 : index
    %get3A_2102 = arith.constant 0 : index
    %get3A_2103 = vector.load %arg3[%get3A_2101, %get3A_2102] : memref<8192x128xf32, #tpu.memory_space<vmem>>, vector<8192x128xf32>
    %transpose3A_2104 = tpu.transpose %get3A_2103, [1, 0] : vector<8192x128xf32> -> vector<128x8192xf32>
    %swap3A_2105 = arith.constant 0 : index
    %swap3A_2106 = arith.constant 0 : index
    %swap3A_2107 = vector.load %arg5[%swap3A_2105, %swap3A_2106] : memref<128x8192xf32, #tpu.memory_space<vmem>>, vector<128x8192xf32>
    tpu.vector_store %arg5[%swap3A_2105, %swap3A_2106], %transpose3A_2104 {strides = array<i32>} : memref<128x8192xf32, #tpu.memory_space<vmem>>, vector<128x8192xf32>,
    %dma_start3A_2108 = arith.constant 43 : i32
    %dma_start3A_2109 = arith.constant 0 : i32
    %dma_start3A_2110 = arith.constant 0 : i32
    %dma_start3A_2111 = tpu.memref_slice %arg1[%dma_start3A_2108, %dma_start3A_2109, %dma_start3A_2110] : memref<50x64x16384xf32, #tpu.memory_space<any>> -> memref<1x64x8192xf32, #tpu.memory_space<any>>
    %dma_start3A_2112 = tpu.memref_squeeze %dma_start3A_2111 : memref<1x64x8192xf32, #tpu.memory_space<any>> -> memref<64x8192xf32, #tpu.memory_space<any>>
    %dma_start3A_2113 = arith.constant 0 : i32
    %dma_start3A_2114 = arith.constant 0 : i32
    %dma_start3A_2115 = tpu.memref_slice %arg5[%dma_start3A_2113, %dma_start3A_2114] : memref<128x8192xf32, #tpu.memory_space<vmem>> -> memref<64x8192xf32, #tpu.memory_space<vmem>>
    tpu.enqueue_dma source(%dma_start3A_2115 : memref<64x8192xf32, #tpu.memory_space<vmem>>) target(%dma_start3A_2112 : memref<64x8192xf32, #tpu.memory_space<any>>) target_semaphore(%arg10 : memref<!tpu.dma_semaphore, #tpu.memory_space<semaphore_mem>>)
    %dma_start3A_2116 = arith.constant 43 : i32
    %dma_start3A_2117 = arith.constant 0 : i32
    %dma_start3A_2118 = arith.constant 8192 : i32
    %dma_start3A_2119 = tpu.memref_slice %arg1[%dma_start3A_2116, %dma_start3A_2117, %dma_start3A_2118] : memref<50x64x16384xf32, #tpu.memory_space<any>> -> memref<1x64x8192xf32, #tpu.memory_space<any>>
    %dma_start3A_2120 = tpu.memref_squeeze %dma_start3A_2119 : memref<1x64x8192xf32, #tpu.memory_space<any>> -> memref<64x8192xf32, #tpu.memory_space<any>>
    %dma_start3A_2121 = arith.constant 64 : i32
    %dma_start3A_2122 = arith.constant 0 : i32
    %dma_start3A_2123 = tpu.memref_slice %arg5[%dma_start3A_2121, %dma_start3A_2122] : memref<128x8192xf32, #tpu.memory_space<vmem>> -> memref<64x8192xf32, #tpu.memory_space<vmem>>
    tpu.enqueue_dma source(%dma_start3A_2123 : memref<64x8192xf32, #tpu.memory_space<vmem>>) target(%dma_start3A_2120 : memref<64x8192xf32, #tpu.memory_space<any>>) target_semaphore(%arg11 : memref<!tpu.dma_semaphore, #tpu.memory_space<semaphore_mem>>)
    %dma_start3A_2124 = arith.constant 45 : i32
    %dma_start3A_2125 = arith.constant 0 : i32
    %dma_start3A_2126 = arith.constant 0 : i32
    %dma_start3A_2127 = tpu.memref_slice %arg0[%dma_start3A_2124, %dma_start3A_2125, %dma_start3A_2126] : memref<50x8192x128xf32, #tpu.memory_space<any>> -> memref<1x8192x128xf32, #tpu.memory_space<any>>
    %dma_start3A_2128 = tpu.memref_squeeze %dma_start3A_2127 : memref<1x8192x128xf32, #tpu.memory_space<any>> -> memref<8192x128xf32, #tpu.memory_space<any>>
    tpu.enqueue_dma source(%dma_start3A_2128 : memref<8192x128xf32, #tpu.memory_space<any>>) target(%arg3 : memref<8192x128xf32, #tpu.memory_space<vmem>>) target_semaphore(%arg7 : memref<!tpu.dma_semaphore, #tpu.memory_space<semaphore_mem>>)
    %dma_wait3A_2129 = arith.constant 44 : i32
    %dma_wait3A_2130 = arith.constant 0 : i32
    %dma_wait3A_2131 = arith.constant 0 : i32
    %dma_wait3A_2132 = tpu.memref_slice %arg0[%dma_wait3A_2129, %dma_wait3A_2130, %dma_wait3A_2131] : memref<50x8192x128xf32, #tpu.memory_space<any>> -> memref<1x8192x128xf32, #tpu.memory_space<any>>
    %dma_wait3A_2133 = tpu.memref_squeeze %dma_wait3A_2132 : memref<1x8192x128xf32, #tpu.memory_space<any>> -> memref<8192x128xf32, #tpu.memory_space<any>>
    tpu.wait_dma2 semaphore(%arg6 : memref<!tpu.dma_semaphore, #tpu.memory_space<semaphore_mem>>) src(%dma_wait3A_2133 : memref<8192x128xf32, #tpu.memory_space<any>>) dst(%arg2 : memref<8192x128xf32, #tpu.memory_space<vmem>>)
    %dma_wait3A_2134 = arith.constant 42 : i32
    %dma_wait3A_2135 = arith.constant 0 : i32
    %dma_wait3A_2136 = arith.constant 0 : i32
    %dma_wait3A_2137 = tpu.memref_slice %arg1[%dma_wait3A_2134, %dma_wait3A_2135, %dma_wait3A_2136] : memref<50x64x16384xf32, #tpu.memory_space<any>> -> memref<1x64x8192xf32, #tpu.memory_space<any>>
    %dma_wait3A_2138 = tpu.memref_squeeze %dma_wait3A_2137 : memref<1x64x8192xf32, #tpu.memory_space<any>> -> memref<64x8192xf32, #tpu.memory_space<any>>
    %dma_wait3A_2139 = arith.constant 0 : i32
    %dma_wait3A_2140 = arith.constant 0 : i32
    %dma_wait3A_2141 = tpu.memref_slice %arg4[%dma_wait3A_2139, %dma_wait3A_2140] : memref<128x8192xf32, #tpu.memory_space<vmem>> -> memref<64x8192xf32, #tpu.memory_space<vmem>>
    tpu.wait_dma2 semaphore(%arg8 : memref<!tpu.dma_semaphore, #tpu.memory_space<semaphore_mem>>) src(%dma_wait3A_2141 : memref<64x8192xf32, #tpu.memory_space<vmem>>) dst(%dma_wait3A_2138 : memref<64x8192xf32, #tpu.memory_space<any>>)
    %dma_wait3A_2142 = arith.constant 42 : i32
    %dma_wait3A_2143 = arith.constant 0 : i32
    %dma_wait3A_2144 = arith.constant 8192 : i32
    %dma_wait3A_2145 = tpu.memref_slice %arg1[%dma_wait3A_2142, %dma_wait3A_2143, %dma_wait3A_2144] : memref<50x64x16384xf32, #tpu.memory_space<any>> -> memref<1x64x8192xf32, #tpu.memory_space<any>>
    %dma_wait3A_2146 = tpu.memref_squeeze %dma_wait3A_2145 : memref<1x64x8192xf32, #tpu.memory_space<any>> -> memref<64x8192xf32, #tpu.memory_space<any>>
    %dma_wait3A_2147 = arith.constant 64 : i32
    %dma_wait3A_2148 = arith.constant 0 : i32
    %dma_wait3A_2149 = tpu.memref_slice %arg4[%dma_wait3A_2147, %dma_wait3A_2148] : memref<128x8192xf32, #tpu.memory_space<vmem>> -> memref<64x8192xf32, #tpu.memory_space<vmem>>
    tpu.wait_dma2 semaphore(%arg9 : memref<!tpu.dma_semaphore, #tpu.memory_space<semaphore_mem>>) src(%dma_wait3A_2149 : memref<64x8192xf32, #tpu.memory_space<vmem>>) dst(%dma_wait3A_2146 : memref<64x8192xf32, #tpu.memory_space<any>>)
    %get3A_2150 = arith.constant 0 : index
    %get3A_2151 = arith.constant 0 : index
    %get3A_2152 = vector.load %arg2[%get3A_2150, %get3A_2151] : memref<8192x128xf32, #tpu.memory_space<vmem>>, vector<8192x128xf32>
    %transpose3A_2153 = tpu.transpose %get3A_2152, [1, 0] : vector<8192x128xf32> -> vector<128x8192xf32>
    %swap3A_2154 = arith.constant 0 : index
    %swap3A_2155 = arith.constant 0 : index
    %swap3A_2156 = vector.load %arg4[%swap3A_2154, %swap3A_2155] : memref<128x8192xf32, #tpu.memory_space<vmem>>, vector<128x8192xf32>
    tpu.vector_store %arg4[%swap3A_2154, %swap3A_2155], %transpose3A_2153 {strides = array<i32>} : memref<128x8192xf32, #tpu.memory_space<vmem>>, vector<128x8192xf32>,
    %dma_start3A_2157 = arith.constant 44 : i32
    %dma_start3A_2158 = arith.constant 0 : i32
    %dma_start3A_2159 = arith.constant 0 : i32
    %dma_start3A_2160 = tpu.memref_slice %arg1[%dma_start3A_2157, %dma_start3A_2158, %dma_start3A_2159] : memref<50x64x16384xf32, #tpu.memory_space<any>> -> memref<1x64x8192xf32, #tpu.memory_space<any>>
    %dma_start3A_2161 = tpu.memref_squeeze %dma_start3A_2160 : memref<1x64x8192xf32, #tpu.memory_space<any>> -> memref<64x8192xf32, #tpu.memory_space<any>>
    %dma_start3A_2162 = arith.constant 0 : i32
    %dma_start3A_2163 = arith.constant 0 : i32
    %dma_start3A_2164 = tpu.memref_slice %arg4[%dma_start3A_2162, %dma_start3A_2163] : memref<128x8192xf32, #tpu.memory_space<vmem>> -> memref<64x8192xf32, #tpu.memory_space<vmem>>
    tpu.enqueue_dma source(%dma_start3A_2164 : memref<64x8192xf32, #tpu.memory_space<vmem>>) target(%dma_start3A_2161 : memref<64x8192xf32, #tpu.memory_space<any>>) target_semaphore(%arg8 : memref<!tpu.dma_semaphore, #tpu.memory_space<semaphore_mem>>)
    %dma_start3A_2165 = arith.constant 44 : i32
    %dma_start3A_2166 = arith.constant 0 : i32
    %dma_start3A_2167 = arith.constant 8192 : i32
    %dma_start3A_2168 = tpu.memref_slice %arg1[%dma_start3A_2165, %dma_start3A_2166, %dma_start3A_2167] : memref<50x64x16384xf32, #tpu.memory_space<any>> -> memref<1x64x8192xf32, #tpu.memory_space<any>>
    %dma_start3A_2169 = tpu.memref_squeeze %dma_start3A_2168 : memref<1x64x8192xf32, #tpu.memory_space<any>> -> memref<64x8192xf32, #tpu.memory_space<any>>
    %dma_start3A_2170 = arith.constant 64 : i32
    %dma_start3A_2171 = arith.constant 0 : i32
    %dma_start3A_2172 = tpu.memref_slice %arg4[%dma_start3A_2170, %dma_start3A_2171] : memref<128x8192xf32, #tpu.memory_space<vmem>> -> memref<64x8192xf32, #tpu.memory_space<vmem>>
    tpu.enqueue_dma source(%dma_start3A_2172 : memref<64x8192xf32, #tpu.memory_space<vmem>>) target(%dma_start3A_2169 : memref<64x8192xf32, #tpu.memory_space<any>>) target_semaphore(%arg9 : memref<!tpu.dma_semaphore, #tpu.memory_space<semaphore_mem>>)
    %dma_start3A_2173 = arith.constant 46 : i32
    %dma_start3A_2174 = arith.constant 0 : i32
    %dma_start3A_2175 = arith.constant 0 : i32
    %dma_start3A_2176 = tpu.memref_slice %arg0[%dma_start3A_2173, %dma_start3A_2174, %dma_start3A_2175] : memref<50x8192x128xf32, #tpu.memory_space<any>> -> memref<1x8192x128xf32, #tpu.memory_space<any>>
    %dma_start3A_2177 = tpu.memref_squeeze %dma_start3A_2176 : memref<1x8192x128xf32, #tpu.memory_space<any>> -> memref<8192x128xf32, #tpu.memory_space<any>>
    tpu.enqueue_dma source(%dma_start3A_2177 : memref<8192x128xf32, #tpu.memory_space<any>>) target(%arg2 : memref<8192x128xf32, #tpu.memory_space<vmem>>) target_semaphore(%arg6 : memref<!tpu.dma_semaphore, #tpu.memory_space<semaphore_mem>>)
    %dma_wait3A_2178 = arith.constant 45 : i32
    %dma_wait3A_2179 = arith.constant 0 : i32
    %dma_wait3A_2180 = arith.constant 0 : i32
    %dma_wait3A_2181 = tpu.memref_slice %arg0[%dma_wait3A_2178, %dma_wait3A_2179, %dma_wait3A_2180] : memref<50x8192x128xf32, #tpu.memory_space<any>> -> memref<1x8192x128xf32, #tpu.memory_space<any>>
    %dma_wait3A_2182 = tpu.memref_squeeze %dma_wait3A_2181 : memref<1x8192x128xf32, #tpu.memory_space<any>> -> memref<8192x128xf32, #tpu.memory_space<any>>
    tpu.wait_dma2 semaphore(%arg7 : memref<!tpu.dma_semaphore, #tpu.memory_space<semaphore_mem>>) src(%dma_wait3A_2182 : memref<8192x128xf32, #tpu.memory_space<any>>) dst(%arg3 : memref<8192x128xf32, #tpu.memory_space<vmem>>)
    %dma_wait3A_2183 = arith.constant 43 : i32
    %dma_wait3A_2184 = arith.constant 0 : i32
    %dma_wait3A_2185 = arith.constant 0 : i32
    %dma_wait3A_2186 = tpu.memref_slice %arg1[%dma_wait3A_2183, %dma_wait3A_2184, %dma_wait3A_2185] : memref<50x64x16384xf32, #tpu.memory_space<any>> -> memref<1x64x8192xf32, #tpu.memory_space<any>>
    %dma_wait3A_2187 = tpu.memref_squeeze %dma_wait3A_2186 : memref<1x64x8192xf32, #tpu.memory_space<any>> -> memref<64x8192xf32, #tpu.memory_space<any>>
    %dma_wait3A_2188 = arith.constant 0 : i32
    %dma_wait3A_2189 = arith.constant 0 : i32
    %dma_wait3A_2190 = tpu.memref_slice %arg5[%dma_wait3A_2188, %dma_wait3A_2189] : memref<128x8192xf32, #tpu.memory_space<vmem>> -> memref<64x8192xf32, #tpu.memory_space<vmem>>
    tpu.wait_dma2 semaphore(%arg10 : memref<!tpu.dma_semaphore, #tpu.memory_space<semaphore_mem>>) src(%dma_wait3A_2190 : memref<64x8192xf32, #tpu.memory_space<vmem>>) dst(%dma_wait3A_2187 : memref<64x8192xf32, #tpu.memory_space<any>>)
    %dma_wait3A_2191 = arith.constant 43 : i32
    %dma_wait3A_2192 = arith.constant 0 : i32
    %dma_wait3A_2193 = arith.constant 8192 : i32
    %dma_wait3A_2194 = tpu.memref_slice %arg1[%dma_wait3A_2191, %dma_wait3A_2192, %dma_wait3A_2193] : memref<50x64x16384xf32, #tpu.memory_space<any>> -> memref<1x64x8192xf32, #tpu.memory_space<any>>
    %dma_wait3A_2195 = tpu.memref_squeeze %dma_wait3A_2194 : memref<1x64x8192xf32, #tpu.memory_space<any>> -> memref<64x8192xf32, #tpu.memory_space<any>>
    %dma_wait3A_2196 = arith.constant 64 : i32
    %dma_wait3A_2197 = arith.constant 0 : i32
    %dma_wait3A_2198 = tpu.memref_slice %arg5[%dma_wait3A_2196, %dma_wait3A_2197] : memref<128x8192xf32, #tpu.memory_space<vmem>> -> memref<64x8192xf32, #tpu.memory_space<vmem>>
    tpu.wait_dma2 semaphore(%arg11 : memref<!tpu.dma_semaphore, #tpu.memory_space<semaphore_mem>>) src(%dma_wait3A_2198 : memref<64x8192xf32, #tpu.memory_space<vmem>>) dst(%dma_wait3A_2195 : memref<64x8192xf32, #tpu.memory_space<any>>)
    %get3A_2199 = arith.constant 0 : index
    %get3A_2200 = arith.constant 0 : index
    %get3A_2201 = vector.load %arg3[%get3A_2199, %get3A_2200] : memref<8192x128xf32, #tpu.memory_space<vmem>>, vector<8192x128xf32>
    %transpose3A_2202 = tpu.transpose %get3A_2201, [1, 0] : vector<8192x128xf32> -> vector<128x8192xf32>
    %swap3A_2203 = arith.constant 0 : index
    %swap3A_2204 = arith.constant 0 : index
    %swap3A_2205 = vector.load %arg5[%swap3A_2203, %swap3A_2204] : memref<128x8192xf32, #tpu.memory_space<vmem>>, vector<128x8192xf32>
    tpu.vector_store %arg5[%swap3A_2203, %swap3A_2204], %transpose3A_2202 {strides = array<i32>} : memref<128x8192xf32, #tpu.memory_space<vmem>>, vector<128x8192xf32>,
    %dma_start3A_2206 = arith.constant 45 : i32
    %dma_start3A_2207 = arith.constant 0 : i32
    %dma_start3A_2208 = arith.constant 0 : i32
    %dma_start3A_2209 = tpu.memref_slice %arg1[%dma_start3A_2206, %dma_start3A_2207, %dma_start3A_2208] : memref<50x64x16384xf32, #tpu.memory_space<any>> -> memref<1x64x8192xf32, #tpu.memory_space<any>>
    %dma_start3A_2210 = tpu.memref_squeeze %dma_start3A_2209 : memref<1x64x8192xf32, #tpu.memory_space<any>> -> memref<64x8192xf32, #tpu.memory_space<any>>
    %dma_start3A_2211 = arith.constant 0 : i32
    %dma_start3A_2212 = arith.constant 0 : i32
    %dma_start3A_2213 = tpu.memref_slice %arg5[%dma_start3A_2211, %dma_start3A_2212] : memref<128x8192xf32, #tpu.memory_space<vmem>> -> memref<64x8192xf32, #tpu.memory_space<vmem>>
    tpu.enqueue_dma source(%dma_start3A_2213 : memref<64x8192xf32, #tpu.memory_space<vmem>>) target(%dma_start3A_2210 : memref<64x8192xf32, #tpu.memory_space<any>>) target_semaphore(%arg10 : memref<!tpu.dma_semaphore, #tpu.memory_space<semaphore_mem>>)
    %dma_start3A_2214 = arith.constant 45 : i32
    %dma_start3A_2215 = arith.constant 0 : i32
    %dma_start3A_2216 = arith.constant 8192 : i32
    %dma_start3A_2217 = tpu.memref_slice %arg1[%dma_start3A_2214, %dma_start3A_2215, %dma_start3A_2216] : memref<50x64x16384xf32, #tpu.memory_space<any>> -> memref<1x64x8192xf32, #tpu.memory_space<any>>
    %dma_start3A_2218 = tpu.memref_squeeze %dma_start3A_2217 : memref<1x64x8192xf32, #tpu.memory_space<any>> -> memref<64x8192xf32, #tpu.memory_space<any>>
    %dma_start3A_2219 = arith.constant 64 : i32
    %dma_start3A_2220 = arith.constant 0 : i32
    %dma_start3A_2221 = tpu.memref_slice %arg5[%dma_start3A_2219, %dma_start3A_2220] : memref<128x8192xf32, #tpu.memory_space<vmem>> -> memref<64x8192xf32, #tpu.memory_space<vmem>>
    tpu.enqueue_dma source(%dma_start3A_2221 : memref<64x8192xf32, #tpu.memory_space<vmem>>) target(%dma_start3A_2218 : memref<64x8192xf32, #tpu.memory_space<any>>) target_semaphore(%arg11 : memref<!tpu.dma_semaphore, #tpu.memory_space<semaphore_mem>>)
    %dma_start3A_2222 = arith.constant 47 : i32
    %dma_start3A_2223 = arith.constant 0 : i32
    %dma_start3A_2224 = arith.constant 0 : i32
    %dma_start3A_2225 = tpu.memref_slice %arg0[%dma_start3A_2222, %dma_start3A_2223, %dma_start3A_2224] : memref<50x8192x128xf32, #tpu.memory_space<any>> -> memref<1x8192x128xf32, #tpu.memory_space<any>>
    %dma_start3A_2226 = tpu.memref_squeeze %dma_start3A_2225 : memref<1x8192x128xf32, #tpu.memory_space<any>> -> memref<8192x128xf32, #tpu.memory_space<any>>
    tpu.enqueue_dma source(%dma_start3A_2226 : memref<8192x128xf32, #tpu.memory_space<any>>) target(%arg3 : memref<8192x128xf32, #tpu.memory_space<vmem>>) target_semaphore(%arg7 : memref<!tpu.dma_semaphore, #tpu.memory_space<semaphore_mem>>)
    %dma_wait3A_2227 = arith.constant 46 : i32
    %dma_wait3A_2228 = arith.constant 0 : i32
    %dma_wait3A_2229 = arith.constant 0 : i32
    %dma_wait3A_2230 = tpu.memref_slice %arg0[%dma_wait3A_2227, %dma_wait3A_2228, %dma_wait3A_2229] : memref<50x8192x128xf32, #tpu.memory_space<any>> -> memref<1x8192x128xf32, #tpu.memory_space<any>>
    %dma_wait3A_2231 = tpu.memref_squeeze %dma_wait3A_2230 : memref<1x8192x128xf32, #tpu.memory_space<any>> -> memref<8192x128xf32, #tpu.memory_space<any>>
    tpu.wait_dma2 semaphore(%arg6 : memref<!tpu.dma_semaphore, #tpu.memory_space<semaphore_mem>>) src(%dma_wait3A_2231 : memref<8192x128xf32, #tpu.memory_space<any>>) dst(%arg2 : memref<8192x128xf32, #tpu.memory_space<vmem>>)
    %dma_wait3A_2232 = arith.constant 44 : i32
    %dma_wait3A_2233 = arith.constant 0 : i32
    %dma_wait3A_2234 = arith.constant 0 : i32
    %dma_wait3A_2235 = tpu.memref_slice %arg1[%dma_wait3A_2232, %dma_wait3A_2233, %dma_wait3A_2234] : memref<50x64x16384xf32, #tpu.memory_space<any>> -> memref<1x64x8192xf32, #tpu.memory_space<any>>
    %dma_wait3A_2236 = tpu.memref_squeeze %dma_wait3A_2235 : memref<1x64x8192xf32, #tpu.memory_space<any>> -> memref<64x8192xf32, #tpu.memory_space<any>>
    %dma_wait3A_2237 = arith.constant 0 : i32
    %dma_wait3A_2238 = arith.constant 0 : i32
    %dma_wait3A_2239 = tpu.memref_slice %arg4[%dma_wait3A_2237, %dma_wait3A_2238] : memref<128x8192xf32, #tpu.memory_space<vmem>> -> memref<64x8192xf32, #tpu.memory_space<vmem>>
    tpu.wait_dma2 semaphore(%arg8 : memref<!tpu.dma_semaphore, #tpu.memory_space<semaphore_mem>>) src(%dma_wait3A_2239 : memref<64x8192xf32, #tpu.memory_space<vmem>>) dst(%dma_wait3A_2236 : memref<64x8192xf32, #tpu.memory_space<any>>)
    %dma_wait3A_2240 = arith.constant 44 : i32
    %dma_wait3A_2241 = arith.constant 0 : i32
    %dma_wait3A_2242 = arith.constant 8192 : i32
    %dma_wait3A_2243 = tpu.memref_slice %arg1[%dma_wait3A_2240, %dma_wait3A_2241, %dma_wait3A_2242] : memref<50x64x16384xf32, #tpu.memory_space<any>> -> memref<1x64x8192xf32, #tpu.memory_space<any>>
    %dma_wait3A_2244 = tpu.memref_squeeze %dma_wait3A_2243 : memref<1x64x8192xf32, #tpu.memory_space<any>> -> memref<64x8192xf32, #tpu.memory_space<any>>
    %dma_wait3A_2245 = arith.constant 64 : i32
    %dma_wait3A_2246 = arith.constant 0 : i32
    %dma_wait3A_2247 = tpu.memref_slice %arg4[%dma_wait3A_2245, %dma_wait3A_2246] : memref<128x8192xf32, #tpu.memory_space<vmem>> -> memref<64x8192xf32, #tpu.memory_space<vmem>>
    tpu.wait_dma2 semaphore(%arg9 : memref<!tpu.dma_semaphore, #tpu.memory_space<semaphore_mem>>) src(%dma_wait3A_2247 : memref<64x8192xf32, #tpu.memory_space<vmem>>) dst(%dma_wait3A_2244 : memref<64x8192xf32, #tpu.memory_space<any>>)
    %get3A_2248 = arith.constant 0 : index
    %get3A_2249 = arith.constant 0 : index
    %get3A_2250 = vector.load %arg2[%get3A_2248, %get3A_2249] : memref<8192x128xf32, #tpu.memory_space<vmem>>, vector<8192x128xf32>
    %transpose3A_2251 = tpu.transpose %get3A_2250, [1, 0] : vector<8192x128xf32> -> vector<128x8192xf32>
    %swap3A_2252 = arith.constant 0 : index
    %swap3A_2253 = arith.constant 0 : index
    %swap3A_2254 = vector.load %arg4[%swap3A_2252, %swap3A_2253] : memref<128x8192xf32, #tpu.memory_space<vmem>>, vector<128x8192xf32>
    tpu.vector_store %arg4[%swap3A_2252, %swap3A_2253], %transpose3A_2251 {strides = array<i32>} : memref<128x8192xf32, #tpu.memory_space<vmem>>, vector<128x8192xf32>,
    %dma_start3A_2255 = arith.constant 46 : i32
    %dma_start3A_2256 = arith.constant 0 : i32
    %dma_start3A_2257 = arith.constant 0 : i32
    %dma_start3A_2258 = tpu.memref_slice %arg1[%dma_start3A_2255, %dma_start3A_2256, %dma_start3A_2257] : memref<50x64x16384xf32, #tpu.memory_space<any>> -> memref<1x64x8192xf32, #tpu.memory_space<any>>
    %dma_start3A_2259 = tpu.memref_squeeze %dma_start3A_2258 : memref<1x64x8192xf32, #tpu.memory_space<any>> -> memref<64x8192xf32, #tpu.memory_space<any>>
    %dma_start3A_2260 = arith.constant 0 : i32
    %dma_start3A_2261 = arith.constant 0 : i32
    %dma_start3A_2262 = tpu.memref_slice %arg4[%dma_start3A_2260, %dma_start3A_2261] : memref<128x8192xf32, #tpu.memory_space<vmem>> -> memref<64x8192xf32, #tpu.memory_space<vmem>>
    tpu.enqueue_dma source(%dma_start3A_2262 : memref<64x8192xf32, #tpu.memory_space<vmem>>) target(%dma_start3A_2259 : memref<64x8192xf32, #tpu.memory_space<any>>) target_semaphore(%arg8 : memref<!tpu.dma_semaphore, #tpu.memory_space<semaphore_mem>>)
    %dma_start3A_2263 = arith.constant 46 : i32
    %dma_start3A_2264 = arith.constant 0 : i32
    %dma_start3A_2265 = arith.constant 8192 : i32
    %dma_start3A_2266 = tpu.memref_slice %arg1[%dma_start3A_2263, %dma_start3A_2264, %dma_start3A_2265] : memref<50x64x16384xf32, #tpu.memory_space<any>> -> memref<1x64x8192xf32, #tpu.memory_space<any>>
    %dma_start3A_2267 = tpu.memref_squeeze %dma_start3A_2266 : memref<1x64x8192xf32, #tpu.memory_space<any>> -> memref<64x8192xf32, #tpu.memory_space<any>>
    %dma_start3A_2268 = arith.constant 64 : i32
    %dma_start3A_2269 = arith.constant 0 : i32
    %dma_start3A_2270 = tpu.memref_slice %arg4[%dma_start3A_2268, %dma_start3A_2269] : memref<128x8192xf32, #tpu.memory_space<vmem>> -> memref<64x8192xf32, #tpu.memory_space<vmem>>
    tpu.enqueue_dma source(%dma_start3A_2270 : memref<64x8192xf32, #tpu.memory_space<vmem>>) target(%dma_start3A_2267 : memref<64x8192xf32, #tpu.memory_space<any>>) target_semaphore(%arg9 : memref<!tpu.dma_semaphore, #tpu.memory_space<semaphore_mem>>)
    %dma_start3A_2271 = arith.constant 48 : i32
    %dma_start3A_2272 = arith.constant 0 : i32
    %dma_start3A_2273 = arith.constant 0 : i32
    %dma_start3A_2274 = tpu.memref_slice %arg0[%dma_start3A_2271, %dma_start3A_2272, %dma_start3A_2273] : memref<50x8192x128xf32, #tpu.memory_space<any>> -> memref<1x8192x128xf32, #tpu.memory_space<any>>
    %dma_start3A_2275 = tpu.memref_squeeze %dma_start3A_2274 : memref<1x8192x128xf32, #tpu.memory_space<any>> -> memref<8192x128xf32, #tpu.memory_space<any>>
    tpu.enqueue_dma source(%dma_start3A_2275 : memref<8192x128xf32, #tpu.memory_space<any>>) target(%arg2 : memref<8192x128xf32, #tpu.memory_space<vmem>>) target_semaphore(%arg6 : memref<!tpu.dma_semaphore, #tpu.memory_space<semaphore_mem>>)
    %dma_wait3A_2276 = arith.constant 47 : i32
    %dma_wait3A_2277 = arith.constant 0 : i32
    %dma_wait3A_2278 = arith.constant 0 : i32
    %dma_wait3A_2279 = tpu.memref_slice %arg0[%dma_wait3A_2276, %dma_wait3A_2277, %dma_wait3A_2278] : memref<50x8192x128xf32, #tpu.memory_space<any>> -> memref<1x8192x128xf32, #tpu.memory_space<any>>
    %dma_wait3A_2280 = tpu.memref_squeeze %dma_wait3A_2279 : memref<1x8192x128xf32, #tpu.memory_space<any>> -> memref<8192x128xf32, #tpu.memory_space<any>>
    tpu.wait_dma2 semaphore(%arg7 : memref<!tpu.dma_semaphore, #tpu.memory_space<semaphore_mem>>) src(%dma_wait3A_2280 : memref<8192x128xf32, #tpu.memory_space<any>>) dst(%arg3 : memref<8192x128xf32, #tpu.memory_space<vmem>>)
    %dma_wait3A_2281 = arith.constant 45 : i32
    %dma_wait3A_2282 = arith.constant 0 : i32
    %dma_wait3A_2283 = arith.constant 0 : i32
    %dma_wait3A_2284 = tpu.memref_slice %arg1[%dma_wait3A_2281, %dma_wait3A_2282, %dma_wait3A_2283] : memref<50x64x16384xf32, #tpu.memory_space<any>> -> memref<1x64x8192xf32, #tpu.memory_space<any>>
    %dma_wait3A_2285 = tpu.memref_squeeze %dma_wait3A_2284 : memref<1x64x8192xf32, #tpu.memory_space<any>> -> memref<64x8192xf32, #tpu.memory_space<any>>
    %dma_wait3A_2286 = arith.constant 0 : i32
    %dma_wait3A_2287 = arith.constant 0 : i32
    %dma_wait3A_2288 = tpu.memref_slice %arg5[%dma_wait3A_2286, %dma_wait3A_2287] : memref<128x8192xf32, #tpu.memory_space<vmem>> -> memref<64x8192xf32, #tpu.memory_space<vmem>>
    tpu.wait_dma2 semaphore(%arg10 : memref<!tpu.dma_semaphore, #tpu.memory_space<semaphore_mem>>) src(%dma_wait3A_2288 : memref<64x8192xf32, #tpu.memory_space<vmem>>) dst(%dma_wait3A_2285 : memref<64x8192xf32, #tpu.memory_space<any>>)
    %dma_wait3A_2289 = arith.constant 45 : i32
    %dma_wait3A_2290 = arith.constant 0 : i32
    %dma_wait3A_2291 = arith.constant 8192 : i32
    %dma_wait3A_2292 = tpu.memref_slice %arg1[%dma_wait3A_2289, %dma_wait3A_2290, %dma_wait3A_2291] : memref<50x64x16384xf32, #tpu.memory_space<any>> -> memref<1x64x8192xf32, #tpu.memory_space<any>>
    %dma_wait3A_2293 = tpu.memref_squeeze %dma_wait3A_2292 : memref<1x64x8192xf32, #tpu.memory_space<any>> -> memref<64x8192xf32, #tpu.memory_space<any>>
    %dma_wait3A_2294 = arith.constant 64 : i32
    %dma_wait3A_2295 = arith.constant 0 : i32
    %dma_wait3A_2296 = tpu.memref_slice %arg5[%dma_wait3A_2294, %dma_wait3A_2295] : memref<128x8192xf32, #tpu.memory_space<vmem>> -> memref<64x8192xf32, #tpu.memory_space<vmem>>
    tpu.wait_dma2 semaphore(%arg11 : memref<!tpu.dma_semaphore, #tpu.memory_space<semaphore_mem>>) src(%dma_wait3A_2296 : memref<64x8192xf32, #tpu.memory_space<vmem>>) dst(%dma_wait3A_2293 : memref<64x8192xf32, #tpu.memory_space<any>>)
    %get3A_2297 = arith.constant 0 : index
    %get3A_2298 = arith.constant 0 : index
    %get3A_2299 = vector.load %arg3[%get3A_2297, %get3A_2298] : memref<8192x128xf32, #tpu.memory_space<vmem>>, vector<8192x128xf32>
    %transpose3A_2300 = tpu.transpose %get3A_2299, [1, 0] : vector<8192x128xf32> -> vector<128x8192xf32>
    %swap3A_2301 = arith.constant 0 : index
    %swap3A_2302 = arith.constant 0 : index
    %swap3A_2303 = vector.load %arg5[%swap3A_2301, %swap3A_2302] : memref<128x8192xf32, #tpu.memory_space<vmem>>, vector<128x8192xf32>
    tpu.vector_store %arg5[%swap3A_2301, %swap3A_2302], %transpose3A_2300 {strides = array<i32>} : memref<128x8192xf32, #tpu.memory_space<vmem>>, vector<128x8192xf32>,
    %dma_start3A_2304 = arith.constant 47 : i32
    %dma_start3A_2305 = arith.constant 0 : i32
    %dma_start3A_2306 = arith.constant 0 : i32
    %dma_start3A_2307 = tpu.memref_slice %arg1[%dma_start3A_2304, %dma_start3A_2305, %dma_start3A_2306] : memref<50x64x16384xf32, #tpu.memory_space<any>> -> memref<1x64x8192xf32, #tpu.memory_space<any>>
    %dma_start3A_2308 = tpu.memref_squeeze %dma_start3A_2307 : memref<1x64x8192xf32, #tpu.memory_space<any>> -> memref<64x8192xf32, #tpu.memory_space<any>>
    %dma_start3A_2309 = arith.constant 0 : i32
    %dma_start3A_2310 = arith.constant 0 : i32
    %dma_start3A_2311 = tpu.memref_slice %arg5[%dma_start3A_2309, %dma_start3A_2310] : memref<128x8192xf32, #tpu.memory_space<vmem>> -> memref<64x8192xf32, #tpu.memory_space<vmem>>
    tpu.enqueue_dma source(%dma_start3A_2311 : memref<64x8192xf32, #tpu.memory_space<vmem>>) target(%dma_start3A_2308 : memref<64x8192xf32, #tpu.memory_space<any>>) target_semaphore(%arg10 : memref<!tpu.dma_semaphore, #tpu.memory_space<semaphore_mem>>)
    %dma_start3A_2312 = arith.constant 47 : i32
    %dma_start3A_2313 = arith.constant 0 : i32
    %dma_start3A_2314 = arith.constant 8192 : i32
    %dma_start3A_2315 = tpu.memref_slice %arg1[%dma_start3A_2312, %dma_start3A_2313, %dma_start3A_2314] : memref<50x64x16384xf32, #tpu.memory_space<any>> -> memref<1x64x8192xf32, #tpu.memory_space<any>>
    %dma_start3A_2316 = tpu.memref_squeeze %dma_start3A_2315 : memref<1x64x8192xf32, #tpu.memory_space<any>> -> memref<64x8192xf32, #tpu.memory_space<any>>
    %dma_start3A_2317 = arith.constant 64 : i32
    %dma_start3A_2318 = arith.constant 0 : i32
    %dma_start3A_2319 = tpu.memref_slice %arg5[%dma_start3A_2317, %dma_start3A_2318] : memref<128x8192xf32, #tpu.memory_space<vmem>> -> memref<64x8192xf32, #tpu.memory_space<vmem>>
    tpu.enqueue_dma source(%dma_start3A_2319 : memref<64x8192xf32, #tpu.memory_space<vmem>>) target(%dma_start3A_2316 : memref<64x8192xf32, #tpu.memory_space<any>>) target_semaphore(%arg11 : memref<!tpu.dma_semaphore, #tpu.memory_space<semaphore_mem>>)
    %dma_start3A_2320 = arith.constant 49 : i32
    %dma_start3A_2321 = arith.constant 0 : i32
    %dma_start3A_2322 = arith.constant 0 : i32
    %dma_start3A_2323 = tpu.memref_slice %arg0[%dma_start3A_2320, %dma_start3A_2321, %dma_start3A_2322] : memref<50x8192x128xf32, #tpu.memory_space<any>> -> memref<1x8192x128xf32, #tpu.memory_space<any>>
    %dma_start3A_2324 = tpu.memref_squeeze %dma_start3A_2323 : memref<1x8192x128xf32, #tpu.memory_space<any>> -> memref<8192x128xf32, #tpu.memory_space<any>>
    tpu.enqueue_dma source(%dma_start3A_2324 : memref<8192x128xf32, #tpu.memory_space<any>>) target(%arg3 : memref<8192x128xf32, #tpu.memory_space<vmem>>) target_semaphore(%arg7 : memref<!tpu.dma_semaphore, #tpu.memory_space<semaphore_mem>>)
    %dma_wait3A_2325 = arith.constant 48 : i32
    %dma_wait3A_2326 = arith.constant 0 : i32
    %dma_wait3A_2327 = arith.constant 0 : i32
    %dma_wait3A_2328 = tpu.memref_slice %arg0[%dma_wait3A_2325, %dma_wait3A_2326, %dma_wait3A_2327] : memref<50x8192x128xf32, #tpu.memory_space<any>> -> memref<1x8192x128xf32, #tpu.memory_space<any>>
    %dma_wait3A_2329 = tpu.memref_squeeze %dma_wait3A_2328 : memref<1x8192x128xf32, #tpu.memory_space<any>> -> memref<8192x128xf32, #tpu.memory_space<any>>
    tpu.wait_dma2 semaphore(%arg6 : memref<!tpu.dma_semaphore, #tpu.memory_space<semaphore_mem>>) src(%dma_wait3A_2329 : memref<8192x128xf32, #tpu.memory_space<any>>) dst(%arg2 : memref<8192x128xf32, #tpu.memory_space<vmem>>)
    %dma_wait3A_2330 = arith.constant 46 : i32
    %dma_wait3A_2331 = arith.constant 0 : i32
    %dma_wait3A_2332 = arith.constant 0 : i32
    %dma_wait3A_2333 = tpu.memref_slice %arg1[%dma_wait3A_2330, %dma_wait3A_2331, %dma_wait3A_2332] : memref<50x64x16384xf32, #tpu.memory_space<any>> -> memref<1x64x8192xf32, #tpu.memory_space<any>>
    %dma_wait3A_2334 = tpu.memref_squeeze %dma_wait3A_2333 : memref<1x64x8192xf32, #tpu.memory_space<any>> -> memref<64x8192xf32, #tpu.memory_space<any>>
    %dma_wait3A_2335 = arith.constant 0 : i32
    %dma_wait3A_2336 = arith.constant 0 : i32
    %dma_wait3A_2337 = tpu.memref_slice %arg4[%dma_wait3A_2335, %dma_wait3A_2336] : memref<128x8192xf32, #tpu.memory_space<vmem>> -> memref<64x8192xf32, #tpu.memory_space<vmem>>
    tpu.wait_dma2 semaphore(%arg8 : memref<!tpu.dma_semaphore, #tpu.memory_space<semaphore_mem>>) src(%dma_wait3A_2337 : memref<64x8192xf32, #tpu.memory_space<vmem>>) dst(%dma_wait3A_2334 : memref<64x8192xf32, #tpu.memory_space<any>>)
    %dma_wait3A_2338 = arith.constant 46 : i32
    %dma_wait3A_2339 = arith.constant 0 : i32
    %dma_wait3A_2340 = arith.constant 8192 : i32
    %dma_wait3A_2341 = tpu.memref_slice %arg1[%dma_wait3A_2338, %dma_wait3A_2339, %dma_wait3A_2340] : memref<50x64x16384xf32, #tpu.memory_space<any>> -> memref<1x64x8192xf32, #tpu.memory_space<any>>
    %dma_wait3A_2342 = tpu.memref_squeeze %dma_wait3A_2341 : memref<1x64x8192xf32, #tpu.memory_space<any>> -> memref<64x8192xf32, #tpu.memory_space<any>>
    %dma_wait3A_2343 = arith.constant 64 : i32
    %dma_wait3A_2344 = arith.constant 0 : i32
    %dma_wait3A_2345 = tpu.memref_slice %arg4[%dma_wait3A_2343, %dma_wait3A_2344] : memref<128x8192xf32, #tpu.memory_space<vmem>> -> memref<64x8192xf32, #tpu.memory_space<vmem>>
    tpu.wait_dma2 semaphore(%arg9 : memref<!tpu.dma_semaphore, #tpu.memory_space<semaphore_mem>>) src(%dma_wait3A_2345 : memref<64x8192xf32, #tpu.memory_space<vmem>>) dst(%dma_wait3A_2342 : memref<64x8192xf32, #tpu.memory_space<any>>)
    %get3A_2346 = arith.constant 0 : index
    %get3A_2347 = arith.constant 0 : index
    %get3A_2348 = vector.load %arg2[%get3A_2346, %get3A_2347] : memref<8192x128xf32, #tpu.memory_space<vmem>>, vector<8192x128xf32>
    %transpose3A_2349 = tpu.transpose %get3A_2348, [1, 0] : vector<8192x128xf32> -> vector<128x8192xf32>
    %swap3A_2350 = arith.constant 0 : index
    %swap3A_2351 = arith.constant 0 : index
    %swap3A_2352 = vector.load %arg4[%swap3A_2350, %swap3A_2351] : memref<128x8192xf32, #tpu.memory_space<vmem>>, vector<128x8192xf32>
    tpu.vector_store %arg4[%swap3A_2350, %swap3A_2351], %transpose3A_2349 {strides = array<i32>} : memref<128x8192xf32, #tpu.memory_space<vmem>>, vector<128x8192xf32>,
    %dma_start3A_2353 = arith.constant 48 : i32
    %dma_start3A_2354 = arith.constant 0 : i32
    %dma_start3A_2355 = arith.constant 0 : i32
    %dma_start3A_2356 = tpu.memref_slice %arg1[%dma_start3A_2353, %dma_start3A_2354, %dma_start3A_2355] : memref<50x64x16384xf32, #tpu.memory_space<any>> -> memref<1x64x8192xf32, #tpu.memory_space<any>>
    %dma_start3A_2357 = tpu.memref_squeeze %dma_start3A_2356 : memref<1x64x8192xf32, #tpu.memory_space<any>> -> memref<64x8192xf32, #tpu.memory_space<any>>
    %dma_start3A_2358 = arith.constant 0 : i32
    %dma_start3A_2359 = arith.constant 0 : i32
    %dma_start3A_2360 = tpu.memref_slice %arg4[%dma_start3A_2358, %dma_start3A_2359] : memref<128x8192xf32, #tpu.memory_space<vmem>> -> memref<64x8192xf32, #tpu.memory_space<vmem>>
    tpu.enqueue_dma source(%dma_start3A_2360 : memref<64x8192xf32, #tpu.memory_space<vmem>>) target(%dma_start3A_2357 : memref<64x8192xf32, #tpu.memory_space<any>>) target_semaphore(%arg8 : memref<!tpu.dma_semaphore, #tpu.memory_space<semaphore_mem>>)
    %dma_start3A_2361 = arith.constant 48 : i32
    %dma_start3A_2362 = arith.constant 0 : i32
    %dma_start3A_2363 = arith.constant 8192 : i32
    %dma_start3A_2364 = tpu.memref_slice %arg1[%dma_start3A_2361, %dma_start3A_2362, %dma_start3A_2363] : memref<50x64x16384xf32, #tpu.memory_space<any>> -> memref<1x64x8192xf32, #tpu.memory_space<any>>
    %dma_start3A_2365 = tpu.memref_squeeze %dma_start3A_2364 : memref<1x64x8192xf32, #tpu.memory_space<any>> -> memref<64x8192xf32, #tpu.memory_space<any>>
    %dma_start3A_2366 = arith.constant 64 : i32
    %dma_start3A_2367 = arith.constant 0 : i32
    %dma_start3A_2368 = tpu.memref_slice %arg4[%dma_start3A_2366, %dma_start3A_2367] : memref<128x8192xf32, #tpu.memory_space<vmem>> -> memref<64x8192xf32, #tpu.memory_space<vmem>>
    tpu.enqueue_dma source(%dma_start3A_2368 : memref<64x8192xf32, #tpu.memory_space<vmem>>) target(%dma_start3A_2365 : memref<64x8192xf32, #tpu.memory_space<any>>) target_semaphore(%arg9 : memref<!tpu.dma_semaphore, #tpu.memory_space<semaphore_mem>>)
    %dma_wait3A_2369 = arith.constant 49 : i32
    %dma_wait3A_2370 = arith.constant 0 : i32
    %dma_wait3A_2371 = arith.constant 0 : i32
    %dma_wait3A_2372 = tpu.memref_slice %arg0[%dma_wait3A_2369, %dma_wait3A_2370, %dma_wait3A_2371] : memref<50x8192x128xf32, #tpu.memory_space<any>> -> memref<1x8192x128xf32, #tpu.memory_space<any>>
    %dma_wait3A_2373 = tpu.memref_squeeze %dma_wait3A_2372 : memref<1x8192x128xf32, #tpu.memory_space<any>> -> memref<8192x128xf32, #tpu.memory_space<any>>
    tpu.wait_dma2 semaphore(%arg7 : memref<!tpu.dma_semaphore, #tpu.memory_space<semaphore_mem>>) src(%dma_wait3A_2373 : memref<8192x128xf32, #tpu.memory_space<any>>) dst(%arg3 : memref<8192x128xf32, #tpu.memory_space<vmem>>)
    %dma_wait3A_2374 = arith.constant 47 : i32
    %dma_wait3A_2375 = arith.constant 0 : i32
    %dma_wait3A_2376 = arith.constant 0 : i32
    %dma_wait3A_2377 = tpu.memref_slice %arg1[%dma_wait3A_2374, %dma_wait3A_2375, %dma_wait3A_2376] : memref<50x64x16384xf32, #tpu.memory_space<any>> -> memref<1x64x8192xf32, #tpu.memory_space<any>>
    %dma_wait3A_2378 = tpu.memref_squeeze %dma_wait3A_2377 : memref<1x64x8192xf32, #tpu.memory_space<any>> -> memref<64x8192xf32, #tpu.memory_space<any>>
    %dma_wait3A_2379 = arith.constant 0 : i32
    %dma_wait3A_2380 = arith.constant 0 : i32
    %dma_wait3A_2381 = tpu.memref_slice %arg5[%dma_wait3A_2379, %dma_wait3A_2380] : memref<128x8192xf32, #tpu.memory_space<vmem>> -> memref<64x8192xf32, #tpu.memory_space<vmem>>
    tpu.wait_dma2 semaphore(%arg10 : memref<!tpu.dma_semaphore, #tpu.memory_space<semaphore_mem>>) src(%dma_wait3A_2381 : memref<64x8192xf32, #tpu.memory_space<vmem>>) dst(%dma_wait3A_2378 : memref<64x8192xf32, #tpu.memory_space<any>>)
    %dma_wait3A_2382 = arith.constant 47 : i32
    %dma_wait3A_2383 = arith.constant 0 : i32
    %dma_wait3A_2384 = arith.constant 8192 : i32
    %dma_wait3A_2385 = tpu.memref_slice %arg1[%dma_wait3A_2382, %dma_wait3A_2383, %dma_wait3A_2384] : memref<50x64x16384xf32, #tpu.memory_space<any>> -> memref<1x64x8192xf32, #tpu.memory_space<any>>
    %dma_wait3A_2386 = tpu.memref_squeeze %dma_wait3A_2385 : memref<1x64x8192xf32, #tpu.memory_space<any>> -> memref<64x8192xf32, #tpu.memory_space<any>>
    %dma_wait3A_2387 = arith.constant 64 : i32
    %dma_wait3A_2388 = arith.constant 0 : i32
    %dma_wait3A_2389 = tpu.memref_slice %arg5[%dma_wait3A_2387, %dma_wait3A_2388] : memref<128x8192xf32, #tpu.memory_space<vmem>> -> memref<64x8192xf32, #tpu.memory_space<vmem>>
    tpu.wait_dma2 semaphore(%arg11 : memref<!tpu.dma_semaphore, #tpu.memory_space<semaphore_mem>>) src(%dma_wait3A_2389 : memref<64x8192xf32, #tpu.memory_space<vmem>>) dst(%dma_wait3A_2386 : memref<64x8192xf32, #tpu.memory_space<any>>)
    %get3A_2390 = arith.constant 0 : index
    %get3A_2391 = arith.constant 0 : index
    %get3A_2392 = vector.load %arg3[%get3A_2390, %get3A_2391] : memref<8192x128xf32, #tpu.memory_space<vmem>>, vector<8192x128xf32>
    %transpose3A_2393 = tpu.transpose %get3A_2392, [1, 0] : vector<8192x128xf32> -> vector<128x8192xf32>
    %swap3A_2394 = arith.constant 0 : index
    %swap3A_2395 = arith.constant 0 : index
    %swap3A_2396 = vector.load %arg5[%swap3A_2394, %swap3A_2395] : memref<128x8192xf32, #tpu.memory_space<vmem>>, vector<128x8192xf32>
    tpu.vector_store %arg5[%swap3A_2394, %swap3A_2395], %transpose3A_2393 {strides = array<i32>} : memref<128x8192xf32, #tpu.memory_space<vmem>>, vector<128x8192xf32>,
    %dma_start3A_2397 = arith.constant 49 : i32
    %dma_start3A_2398 = arith.constant 0 : i32
    %dma_start3A_2399 = arith.constant 0 : i32
    %dma_start3A_2400 = tpu.memref_slice %arg1[%dma_start3A_2397, %dma_start3A_2398, %dma_start3A_2399] : memref<50x64x16384xf32, #tpu.memory_space<any>> -> memref<1x64x8192xf32, #tpu.memory_space<any>>
    %dma_start3A_2401 = tpu.memref_squeeze %dma_start3A_2400 : memref<1x64x8192xf32, #tpu.memory_space<any>> -> memref<64x8192xf32, #tpu.memory_space<any>>
    %dma_start3A_2402 = arith.constant 0 : i32
    %dma_start3A_2403 = arith.constant 0 : i32
    %dma_start3A_2404 = tpu.memref_slice %arg5[%dma_start3A_2402, %dma_start3A_2403] : memref<128x8192xf32, #tpu.memory_space<vmem>> -> memref<64x8192xf32, #tpu.memory_space<vmem>>
    tpu.enqueue_dma source(%dma_start3A_2404 : memref<64x8192xf32, #tpu.memory_space<vmem>>) target(%dma_start3A_2401 : memref<64x8192xf32, #tpu.memory_space<any>>) target_semaphore(%arg10 : memref<!tpu.dma_semaphore, #tpu.memory_space<semaphore_mem>>)
    %dma_start3A_2405 = arith.constant 49 : i32
    %dma_start3A_2406 = arith.constant 0 : i32
    %dma_start3A_2407 = arith.constant 8192 : i32
    %dma_start3A_2408 = tpu.memref_slice %arg1[%dma_start3A_2405, %dma_start3A_2406, %dma_start3A_2407] : memref<50x64x16384xf32, #tpu.memory_space<any>> -> memref<1x64x8192xf32, #tpu.memory_space<any>>
    %dma_start3A_2409 = tpu.memref_squeeze %dma_start3A_2408 : memref<1x64x8192xf32, #tpu.memory_space<any>> -> memref<64x8192xf32, #tpu.memory_space<any>>
    %dma_start3A_2410 = arith.constant 64 : i32
    %dma_start3A_2411 = arith.constant 0 : i32
    %dma_start3A_2412 = tpu.memref_slice %arg5[%dma_start3A_2410, %dma_start3A_2411] : memref<128x8192xf32, #tpu.memory_space<vmem>> -> memref<64x8192xf32, #tpu.memory_space<vmem>>
    tpu.enqueue_dma source(%dma_start3A_2412 : memref<64x8192xf32, #tpu.memory_space<vmem>>) target(%dma_start3A_2409 : memref<64x8192xf32, #tpu.memory_space<any>>) target_semaphore(%arg11 : memref<!tpu.dma_semaphore, #tpu.memory_space<semaphore_mem>>)
    %dma_wait3A_2413 = arith.constant 48 : i32
    %dma_wait3A_2414 = arith.constant 0 : i32
    %dma_wait3A_2415 = arith.constant 0 : i32
    %dma_wait3A_2416 = tpu.memref_slice %arg1[%dma_wait3A_2413, %dma_wait3A_2414, %dma_wait3A_2415] : memref<50x64x16384xf32, #tpu.memory_space<any>> -> memref<1x64x8192xf32, #tpu.memory_space<any>>
    %dma_wait3A_2417 = tpu.memref_squeeze %dma_wait3A_2416 : memref<1x64x8192xf32, #tpu.memory_space<any>> -> memref<64x8192xf32, #tpu.memory_space<any>>
    %dma_wait3A_2418 = arith.constant 0 : i32
    %dma_wait3A_2419 = arith.constant 0 : i32
    %dma_wait3A_2420 = tpu.memref_slice %arg4[%dma_wait3A_2418, %dma_wait3A_2419] : memref<128x8192xf32, #tpu.memory_space<vmem>> -> memref<64x8192xf32, #tpu.memory_space<vmem>>
    tpu.wait_dma2 semaphore(%arg8 : memref<!tpu.dma_semaphore, #tpu.memory_space<semaphore_mem>>) src(%dma_wait3A_2420 : memref<64x8192xf32, #tpu.memory_space<vmem>>) dst(%dma_wait3A_2417 : memref<64x8192xf32, #tpu.memory_space<any>>)
    %dma_wait3A_2421 = arith.constant 48 : i32
    %dma_wait3A_2422 = arith.constant 0 : i32
    %dma_wait3A_2423 = arith.constant 8192 : i32
    %dma_wait3A_2424 = tpu.memref_slice %arg1[%dma_wait3A_2421, %dma_wait3A_2422, %dma_wait3A_2423] : memref<50x64x16384xf32, #tpu.memory_space<any>> -> memref<1x64x8192xf32, #tpu.memory_space<any>>
    %dma_wait3A_2425 = tpu.memref_squeeze %dma_wait3A_2424 : memref<1x64x8192xf32, #tpu.memory_space<any>> -> memref<64x8192xf32, #tpu.memory_space<any>>
    %dma_wait3A_2426 = arith.constant 64 : i32
    %dma_wait3A_2427 = arith.constant 0 : i32
    %dma_wait3A_2428 = tpu.memref_slice %arg4[%dma_wait3A_2426, %dma_wait3A_2427] : memref<128x8192xf32, #tpu.memory_space<vmem>> -> memref<64x8192xf32, #tpu.memory_space<vmem>>
    tpu.wait_dma2 semaphore(%arg9 : memref<!tpu.dma_semaphore, #tpu.memory_space<semaphore_mem>>) src(%dma_wait3A_2428 : memref<64x8192xf32, #tpu.memory_space<vmem>>) dst(%dma_wait3A_2425 : memref<64x8192xf32, #tpu.memory_space<any>>)
    %dma_wait3A_2429 = arith.constant 49 : i32
    %dma_wait3A_2430 = arith.constant 0 : i32
    %dma_wait3A_2431 = arith.constant 0 : i32
    %dma_wait3A_2432 = tpu.memref_slice %arg1[%dma_wait3A_2429, %dma_wait3A_2430, %dma_wait3A_2431] : memref<50x64x16384xf32, #tpu.memory_space<any>> -> memref<1x64x8192xf32, #tpu.memory_space<any>>
    %dma_wait3A_2433 = tpu.memref_squeeze %dma_wait3A_2432 : memref<1x64x8192xf32, #tpu.memory_space<any>> -> memref<64x8192xf32, #tpu.memory_space<any>>
    %dma_wait3A_2434 = arith.constant 0 : i32
    %dma_wait3A_2435 = arith.constant 0 : i32
    %dma_wait3A_2436 = tpu.memref_slice %arg5[%dma_wait3A_2434, %dma_wait3A_2435] : memref<128x8192xf32, #tpu.memory_space<vmem>> -> memref<64x8192xf32, #tpu.memory_space<vmem>>
    tpu.wait_dma2 semaphore(%arg10 : memref<!tpu.dma_semaphore, #tpu.memory_space<semaphore_mem>>) src(%dma_wait3A_2436 : memref<64x8192xf32, #tpu.memory_space<vmem>>) dst(%dma_wait3A_2433 : memref<64x8192xf32, #tpu.memory_space<any>>)
    %dma_wait3A_2437 = arith.constant 49 : i32
    %dma_wait3A_2438 = arith.constant 0 : i32
    %dma_wait3A_2439 = arith.constant 8192 : i32
    %dma_wait3A_2440 = tpu.memref_slice %arg1[%dma_wait3A_2437, %dma_wait3A_2438, %dma_wait3A_2439] : memref<50x64x16384xf32, #tpu.memory_space<any>> -> memref<1x64x8192xf32, #tpu.memory_space<any>>
    %dma_wait3A_2441 = tpu.memref_squeeze %dma_wait3A_2440 : memref<1x64x8192xf32, #tpu.memory_space<any>> -> memref<64x8192xf32, #tpu.memory_space<any>>
    %dma_wait3A_2442 = arith.constant 64 : i32
    %dma_wait3A_2443 = arith.constant 0 : i32
    %dma_wait3A_2444 = tpu.memref_slice %arg5[%dma_wait3A_2442, %dma_wait3A_2443] : memref<128x8192xf32, #tpu.memory_space<vmem>> -> memref<64x8192xf32, #tpu.memory_space<vmem>>
    tpu.wait_dma2 semaphore(%arg11 : memref<!tpu.dma_semaphore, #tpu.memory_space<semaphore_mem>>) src(%dma_wait3A_2444 : memref<64x8192xf32, #tpu.memory_space<vmem>>) dst(%dma_wait3A_2441 : memref<64x8192xf32, #tpu.memory_space<any>>)
    return
  }
}

</mosaic_0001>

<sc_bundles>
// kernel: kernel.4.cloned.1.call-start
scs
__scs_entry_jumppad:
0x0: {  	(pc) =	sbr.rel $0x88, $3  }
0x1: {  	(tag) =	ssettag $0x0;
	lr =	simm.s32 $0x1  }
0x2: {  	[smem:$0x3F9F] =	sst lr;
	_ =	strace $0xD0000000  }
0x3: {  	_ = 	snop  }
0x4: {  	_ = 	snop  }
0x5: {  	_ = 	snop  }
0x6: {  	_ = 	snop  }
0x7: {  	_ = 	snop  }
__scs_overlays_trampoline_lowered:
0x8: {  	[smem:$0x3FAE] =	sst s0  }
0x9: {  	[smem:$0x3FAF] =	sst s1  }
0xa: {  	[smem:$0x3FB0] =	sst s2  }
0xb: {  	[smem:$0x3FB1] =	sst s3  }
0xc: {  	[smem:$0x3FB2] =	sst s4  }
0xd: {  	[smem:$0x3FB3] =	sst s5  }
0xe: {  	[smem:$0x3FB4] =	sst s6  }
0xf: {  	[smem:$0x3FB5] =	sst s7  }
0x10: {  	[smem:$0x3FB6] =	sst s8  }
0x11: {  	[smem:$0x3FB7] =	sst s9;
	s0 =	simm.s32 @!p0 $0x0  }
0x12: {  	s1 =	sld [smem:$0x3F9D];
	s0 =	simm.s32 @p0 $0x1  }
0x13: {  	[smem:$0x3FB8] =	sst s0;
	s0 =	simm.s32 @!p1 $0x0  }
0x14: {  	s2 =	sld [smem:$0x3F9C];
	s0 =	simm.s32 @p1 $0x1  }
0x15: {  	[smem:$0x3FB9] =	sst s0;
	s0 =	simm.s32 @!p2 $0x0  }
0x16: {  	s3 =	sld [smem:$0x3FDB];
	s0 =	simm.s32 @p2 $0x1  }
0x17: {  	s4 =	simm.s32 $0x1BF5;
	[smem:$0x3FBB] =	sst s0  }
0x18: {  	s0 =	sld [smem:$0x3F9E];
	_ =	swait.ge [sflag:s4], $0x0  }
0x19: {  	s7 =	sld [smem:$0x3F9F]  }
0x1a: {  	s8 =	sadd.s32 $0xFFFFE003, lr  }
0x1b: {  	s9 =	sadd.s32 $0xFFFFFEF7, lr;
	s5 =	simm.s32 $0xFFFFFFFF;
	p2 =	slt.u32 s8, $0xFFFFF086  }
0x1c: {  	p1 =	slt.u32 s9, $0xF7A;
	s5 =	simm.s32 @!p2 $0x0  }
0x1d: {  	s5 =	simm.s32 @p1 $0x1;
	p0 =	seq.s32 s7, s2  }
0x1e: {  	s7 =	smul.u32 @!p0 $0xF7A, s2;
	p2 =	seq.s32 @!p0 s5, $0x0  }
0x1f: {  	s9 =	smul.u32 $0xF7A, s1;
	s8 =	simm.s32 @!p0 $0x1BF5;
	p2 =	por !p2, p0  }
0x20: {  	[sflag:s8] =	ssyncset.s32 @!p0 $0xFFFFF086;
	s6 =	sadd.s32 @!p0 s3, s7;
	s7 =	simm.s32 @!p0 $0x108  }
0x21: {  	s3 =	sadd.s32 s3, s9;
	s6 =	sadd.s32 @!p0 $0x88, s6;
	s7 =	simm.s32 @p2 $0x1082  }
0x22: {  	[simem:s7], [sflag:s8] =	dma.local @!p0 [hbm:s6], $0xF7A  }
0x23: {  	s9 =	sor.u32 $0xD0000000, s2;
	s6 =	simm.s32 $0x108;
	_ =	swait.ge @!p0 [sflag:s8], $0x0  }
0x24: {  	s3 =	sadd.s32 $0x88, s3;
	s6 =	simm.s32 @!p1 $0x1082;
	[sflag:s4] =	ssyncset.s32 $0xFFFFF086  }
0x25: {  	[simem:s6], [sflag:s4] =	dma.local [hbm:s3], $0xF7A  }
0x26: {  	[smem:$0x3F9F] =	sst s1;
	(tag) =	ssettag s2;
	_ =	strace s9  }
0x27: {  	s1 =	sld [smem:$0x3FAF]  }
0x28: {  	s2 =	sld [smem:$0x3FB0]  }
0x29: {  	s4 =	sld [smem:$0x3FB2]  }
0x2a: {  	p0 =	seq.s32 s5, $0x0;
	s5 =	sld [smem:$0x3FB3]  }
0x2b: {  	s6 =	sld [smem:$0x3FB4]  }
0x2c: {  	s7 =	sld [smem:$0x3FB5]  }
0x2d: {  	s3 =	simm.s32 $0x108;
	s8 =	sld [smem:$0x3FB6]  }
0x2e: {  	s3 =	simm.s32 @!p0 $0x1082;
	s9 =	sld [smem:$0x3FB7]  }
0x2f: {  	lr =	sadd.s32 s0, s3;
	s0 =	sld [smem:$0x3FAE]  }
0x30: {  	s3 =	sld [smem:$0x3FB1]  }
0x31: {  	[smem:$0x3FBA] =	sst s10  }
0x32: {  	s10 =	sld [smem:$0x3FB8];
	_ =	sdelay $0x3  }
0x33: {  	p0 =	seq.s32 s10, $0x1;
	s10 =	sld [smem:$0x3FBA];
	_ =	sdelay $0x3  }
0x34: {  	[smem:$0x3FBA] =	sst s10  }
0x35: {  	s10 =	sld [smem:$0x3FB9];
	_ =	sdelay $0x3  }
0x36: {  	p1 =	seq.s32 s10, $0x1;
	s10 =	sld [smem:$0x3FBA];
	_ =	sdelay $0x3  }
0x37: {  	[smem:$0x3FBA] =	sst s10  }
0x38: {  	s10 =	sld [smem:$0x3FBB]  }
0x39: {  	_ = 	snop;
	(pc) =	sbr.ind lr, $3  }
0x3a: {  	_ = 	snop  }
0x3b: {  	_ = 	snop  }
0x3c: {  	p2 =	seq.s32 s10, $0x1;
	s10 =	sld [smem:$0x3FBA]  }
0x3d: {  	_ =	shalt  }
0x3e: {  	_ =	shalt  }
0x3f: {  	_ =	shalt  }
0x40: {  	_ =	shalt  }
0x41: {  	_ =	shalt  }
0x42: {  	_ =	shalt  }
0x43: {  	_ =	shalt  }
0x44: {  	_ =	shalt  }
0x45: {  	_ =	shalt  }
0x46: {  	_ =	shalt  }
0x47: {  	_ =	shalt  }
0x48: {  	_ =	shalt  }
0x49: {  	_ =	shalt  }
0x4a: {  	_ =	shalt  }
0x4b: {  	_ =	shalt  }
0x4c: {  	_ =	shalt  }
0x4d: {  	_ =	shalt  }
0x4e: {  	_ =	shalt  }
0x4f: {  	_ =	shalt  }
0x50: {  	_ =	shalt  }
0x51: {  	_ =	shalt  }
0x52: {  	_ =	shalt  }
0x53: {  	_ =	shalt  }
0x54: {  	_ =	shalt  }
0x55: {  	_ =	shalt  }
0x56: {  	_ =	shalt  }
0x57: {  	_ =	shalt  }
0x58: {  	_ =	shalt  }
0x59: {  	_ =	shalt  }
0x5a: {  	_ =	shalt  }
0x5b: {  	_ =	shalt  }
0x5c: {  	_ =	shalt  }
0x5d: {  	_ =	shalt  }
0x5e: {  	_ =	shalt  }
0x5f: {  	_ =	shalt  }
0x60: {  	_ =	shalt  }
0x61: {  	_ =	shalt  }
0x62: {  	_ =	shalt  }
0x63: {  	_ =	shalt  }
0x64: {  	_ =	shalt  }
0x65: {  	_ =	shalt  }
0x66: {  	_ =	shalt  }
0x67: {  	_ =	shalt  }
0x68: {  	_ =	shalt  }
0x69: {  	_ =	shalt  }
0x6a: {  	_ =	shalt  }
0x6b: {  	_ =	shalt  }
0x6c: {  	_ =	shalt  }
0x6d: {  	_ =	shalt  }
0x6e: {  	_ =	shalt  }
0x6f: {  	_ =	shalt  }
0x70: {  	_ =	shalt  }
0x71: {  	_ =	shalt  }
0x72: {  	_ =	shalt  }
0x73: {  	_ =	shalt  }
0x74: {  	_ =	shalt  }
0x75: {  	_ =	shalt  }
0x76: {  	_ =	shalt  }
0x77: {  	_ =	shalt  }
0x78: {  	_ =	shalt  }
0x79: {  	_ =	shalt  }
0x7a: {  	_ =	shalt  }
0x7b: {  	_ =	shalt  }
0x7c: {  	_ =	shalt  }
0x7d: {  	_ =	shalt  }
0x7e: {  	_ =	shalt  }
0x7f: {  	_ =	shalt  }
0x80: {  	_ =	shalt  }
0x81: {  	_ =	shalt  }
0x82: {  	_ =	shalt  }
0x83: {  	_ =	shalt  }
0x84: {  	_ =	shalt  }
0x85: {  	_ =	shalt  }
0x86: {  	_ =	shalt  }
0x87: {  	_ =	shalt  }
.Lfunc_end0:
.L_simem_size_0:
called_computation_lowered:
.L_overlay_start_0:
0x88: {  	s2 =	sld [smem:$0x3FD9]  }
0x89: {  	s3 =	sld [smem:$0x3FFE];
	_ =	sdelay $0x1  }
0x8a: {  	s1 =	srdreg.scid  }
0x8b: {  	s0 =	sand.u32 $0x1, s1  }
0x8c: {  	s17 =	sshll.u32 s0, $0xA;
	s2 =	sadd.s32 s3, s2  }
0x8d: {  	s2 =	sadd.s32 s2, s17  }
0x8e: {  	[smem:$0x3FC6] =	sst s2  }
0x8f: {  	_ = 	snop  }
0x90: {  	s2 =	sld [smem:$0x3FD0];
	(tm) =	ssettm $0x1  }
0x91: {  	s18 =	sld [smem:$0x3FFB];
	_ =	sdelay $0x3  }
0x92: {  	_ =	strace s18  }
0x93: {  	s3 =	sld [smem:$0x3FFC];
	_ =	sdelay $0x3  }
0x94: {  	_ =	strace s3  }
0x95: {  	s3 =	sld [smem:$0x3FFD];
	_ =	sdelay $0x3  }
0x96: {  	_ =	strace s3  }
0x97: {  	_ =	strace $0x8FFFFFFF  }
0x98: {  	s19 =	sld [smem:$0x3FDB];
	_ =	sdelay $0x1  }
0x99: {  	s4 =	simm.s32 $_scs_section_size  }
0x9a: {  	s5 =	simm.s32 $_size__tile_overlayer_lowered;
	s6 =	simm.s32 $_tile_overlayer_lowered  }
0x9b: {  	s22 =	simm.s32 $0x1BFF;
	s21 =	sshll.u32 s6, $0x1;
	s3 =	sadd.s32 s4, s19  }
0x9c: {  	s7 =	simm.s32 $0x0;
	s20 =	sshll.u32 s5, $0x1;
	s5 =	sadd.s32 s21, s3  }
0x9d: {  	[timem:s7], [sflag:s22] =	dma.local [hbm:s5], s20  }
0x9e: {  	_ =	swait.ge [sflag:s22], s20  }
0x9f: {  	s4 =	ssub.s32 $0x0, s20;
	[sflag:s22] =	ssyncset.done $0x0  }
0xa0: {  	[sflag:s22] =	ssyncadd.s32 s4;
	_ =	sdelay $0x1  }
0xa1: {  	s23 =	simm.s32 $0x1B8B  }
0xa2: {  	_ =	swait.ge [sflag:s23], $0x1  }
0xa3: {  	[sflag:s23] =	ssyncset.done $0x0  }
0xa4: {  	s25 =	simm.s32 $0x1B8E;
	s24 =	sld [smem:$0x3FFE];
	[sflag:s23] =	ssyncadd.s32 $0xFFFFFFFF  }
0xa5: {  	s26 =	simm.s32 $execute0_lowered;
	[smem:$0x3FD2] =	sst s25  }
0xa6: {  	s5 =	sshll.u32 s26, $0x1;
	_ =	strace $0x80000046;
	[dreg:$0x1] =	wrdreg $0xFFFFFFFF  }
0xa7: {  	s28 =	simm.s32 $_size_execute0_lowered;
	s3 =	sadd.s32 s3, s5;
	[dreg:$0x0] =	wrdreg $0x0  }
0xa8: {  	s5 =	sshll.u32 s28, $0x1;
	[dreg:$0x2] =	wrdreg s3  }
0xa9: {  	[dreg:$0x3] =	wrdreg s5  }
0xaa: {  	[dreg:$0x4] =	wrdreg $0xC0  }
0xab: {  	_ =	task [dreg:s7], $0x5FFFF  }
0xac: {  	[dreg:$0x1] =	wrdreg $0xFFFFFFFF  }
0xad: {  	[dreg:$0x0] =	wrdreg $0x60  }
0xae: {  	[dreg:$0x2] =	wrdreg s2  }
0xaf: {  	[dreg:$0x3] =	wrdreg s24  }
0xb0: {  	[dreg:$0x4] =	wrdreg $0x9  }
0xb1: {  	_ =	task.clear_ibuf [dreg:s7], $0x5FFFF;
	_ =	strace $0x90000046  }
0xb2: {  	s29 =	simm.s32 $0x9;
	_ =	strace $0x80000048  }
0xb3: {  	_ =	swait.ge [sflag:s29], $0x1  }
0xb4: {  	[sflag:s29] =	ssyncadd.s32 $0xFFFFFFFF  }
0xb5: {  	_ =	strace $0x90000048  }
0xb6: {  	_ =	sfence  }
0xb7: {  	s30 =	sld [smem:$0x0];
	_ =	sdelay $0x2  }
0xb8: {  	s31 =	sshll.u32 s1, $0xD;
	s1 =	sshrl.u32 s1, $0x2  }
0xb9: {  	s3 =	sand.u32 $0x4000, s31;
	s1 =	sadd.s32 s1, s30  }
0xba: {  	s0 =	sor.u32 s3, s0;
	s1 =	sshll.u32 s1, $0x11  }
0xbb: {  	s0 =	sor.u32 s1, s0  }
0xbc: {  	s0 =	sadd.s32 $0x8F2B, s0  }
0xbd: {  	[sflag:s0] =	ssyncadd.remote.s32 $0x1  }
0xbe: {  	_ =	sfence.sel $0xFFFF  }
0xbf: {  	[dreg:$0x0] =	wrdreg $0xFFFFFFFF;
	(pc) =	sbr.abs _section_cstart, $3  }
0xc0: {  	[dreg:$0x1] =	wrdreg $0xFFFFFFFF  }
0xc1: {  	_ =	task.clear_ibuf [dreg:s7], $0x2FFFF;
	_ =	strace $0x9FFFFFFF  }
0xc2: {  	(tm) =	ssettm $0x7FFFFFFF  }
0xc3: {  	_ =	shalt  }
tec
execute0_lowered:
.L_overlay_start_1:
0x0: {  	(tag) =	ssettag $0x1  }
0x1: {  	s4 =	rddreg [dreg:$0x0]  }
0x2: {  	s5 =	rddreg [dreg:$0x1]  }
0x3: {  	s0 =	rddreg [dreg:$0x2];
	s2 =	simm.s32 $0x0;
	s3 =	srdreg.scid  }
0x4: {  	s1 =	stileid.u32;
	s13 =	simm.s32 $0xE400;
	s14 =	simm.s32 $0x1  }
0x5: {  	s15 =	simm.s32 $0x40;
	s16 =	simm.s32 $0x80;
	s17 =	simm.s32 $0x2  }
0x6: {  	s18 =	simm.s32 $0x3;
	s19 =	simm.s32 $0x4;
	s20 =	simm.s32 $0x0  }
0x7: {  	[smem:$0x7FF] =	sst s2;
	s6 =	sand.u32 $0x1, s3;
	s7 =	sshll.u32 s1, $0xA  }
0x8: {  	s3 =	sadd.s32 $0xF42A00, s5;
	s9 =	sadd.s32 $0x600, s5;
	s29 =	sshll.u32 s1, $0x3  }
0x9: {  	s11 =	sshll.u32 s1, $0x11;
	_ =	strace $0x80000047;
	s8 =	sshll.u32 s6, $0x9  }
0xa: {  	s28 =	ssub.s32 $0x2, s6;
	s6 =	sshll.u32 s6, $0x10;
	s26 =	sor.u32 s8, s7  }
0xb: {  	s12 =	sshrl.u32 s28, $0x1;
	s6 =	sor.u32 s6, s11;
	s11 =	simm.s32 $0x5  }
0xc: {  	s10 =	sshll.u32 s26, $0x7;
	s7 =	ssub.s32 s28, s12;
	s6 =	sor.u32 s29, s6  }
0xd: {  	s5 =	sshrl.u32 s26, $0x3;
	s12 =	simm.s32 $0x6400;
	s10 =	sor.u32 s29, s10  }
0xe: {  	s6 =	sand.u32 $0xF0040, s6;
	s4 =	sadd.s32 s4, s5;
	s10 =	sand.u32 $0xF0040, s10  }
0xf: {  	s7 =	smax.u32 s7, $0x1;
	s31 =	sshrl.u32 s6, $0x3;
	s10 =	sshrl.u32 s10, $0x3  }
0x10: {  	s8 =	sadd.s32 s31, s9;
	s30 =	sadd.s32 s10, s9;
	s9 =	simm.s32 $0x200  }
0x11: {  	s10 =	simm.s32 $0x4000;
	s5 =	sadd.s32 $0x600000, s30;
	s6 =	sadd.s32 $0x620000, s30  }
.LBB2_1:
0x12: {  	[tilespmem:s2], [sflag:$0x5] =	stream.strided.gather [hbm4b:s4+s9], $0x6400, s10, s9, $0x38;
	[tilespmem:$0x16400] =	vst v63  }
0x13: {  	_ =	swait.ge [sflag:s11], $0x6400  }
0x14: {  	[sflag:s11] =	ssyncset.done $0x0  }
0x15: {  	[sflag:s11] =	ssyncadd.s32 $0xFFFF9C00  }
0x16: {  	[tilespmem:s12], [sflag:$0x1] =	stream.indirect.gather [hbm4b:s3+s9], $0x40, s2, s9, $0xb8;
	[tilespmem:$0x16400] =	vst v63  }
0x17: {  	_ = 	snop  }
0x18: {  	[tilespmem:s13], [sflag:$0x2] =	stream.indirect.gather [hbm4b:s3+s9], $0x40, s9, s9, $0xb8;
	[tilespmem:$0x16400] =	vst v63  }
0x19: {  	_ =	swait.ge [sflag:s14], $0x8000  }
0x1a: {  	[sflag:s14] =	ssyncset.done $0x0  }
0x1b: {  	s21 =	sadd.s32 $0x0, s8;
	[sflag:s14] =	ssyncadd.s32 $0xFFFF8000  }
0x1c: {  	[hbm4b:s21+s15] =	stream.strided.scatter [tilespmem:s12], [sflag:$0x3], $0x8000, s16, s15, $0x38;
	[tilespmem:$0x16400] =	vst v63  }
0x1d: {  	_ =	swait.ge [sflag:s17], $0x8000  }
0x1e: {  	[sflag:s17] =	ssyncset.done $0x0  }
0x1f: {  	s21 =	sadd.s32 $0x20000, s21;
	[sflag:s17] =	ssyncadd.s32 $0xFFFF8000  }
0x20: {  	[hbm4b:s21+s15] =	stream.strided.scatter [tilespmem:s13], [sflag:$0x4], $0x8000, s16, s15, $0x38;
	[tilespmem:$0x16400] =	vst v63  }
0x21: {  	_ =	swait.ge [sflag:s18], $0x8000  }
0x22: {  	[sflag:s18] =	ssyncset.done $0x0  }
0x23: {  	s31 =	simm.s32 $0x400;
	[sflag:s18] =	ssyncadd.s32 $0xFFFF8000  }
0x24: {  	[tilespmem:s12], [sflag:$0x1] =	stream.indirect.gather [hbm4b:s3+s9], $0x40, s31, s9, $0xb8;
	[tilespmem:$0x16400] =	vst v63  }
0x25: {  	_ =	swait.ge [sflag:s19], $0x8000  }
0x26: {  	s22 =	simm.s32 $0x40000;
	[sflag:s19] =	ssyncset.done $0x0  }
0x27: {  	s23 =	simm.s32 $0xA00;
	s21 =	simm.s32 $0x600;
	[sflag:s19] =	ssyncadd.s32 $0xFFFF8000  }
.LBB2_2:
0x28: {  	[tilespmem:s13], [sflag:$0x2] =	stream.indirect.gather [hbm4b:s3+s9], $0x40, s21, s9, $0xb8;
	[tilespmem:$0x16400] =	vst v63  }
0x29: {  	s24 =	smov.u32 s22;
	s21 =	smov.u32 s23  }
0x2a: {  	p0 =	sne.s32 s22, $0x5C0000;
	s22 =	sadd.s32 $0x40000, s22;
	_ =	swait.ge [sflag:s14], $0x8000  }
0x2b: {  	[sflag:s14] =	ssyncset.done $0x0  }
0x2c: {  	s24 =	sadd.s32 s24, s8;
	[sflag:s14] =	ssyncadd.s32 $0xFFFF8000  }
0x2d: {  	[hbm4b:s24+s15] =	stream.strided.scatter [tilespmem:s12], [sflag:$0x3], $0x8000, s16, s15, $0x38;
	[tilespmem:$0x16400] =	vst v63  }
0x2e: {  	_ =	swait.ge [sflag:s17], $0x8000  }
0x2f: {  	[sflag:s17] =	ssyncset.done $0x0  }
0x30: {  	s24 =	sadd.s32 $0x20000, s24;
	[sflag:s17] =	ssyncadd.s32 $0xFFFF8000  }
0x31: {  	[hbm4b:s24+s15] =	stream.strided.scatter [tilespmem:s13], [sflag:$0x4], $0x8000, s16, s15, $0x38;
	[tilespmem:$0x16400] =	vst v63  }
0x32: {  	_ =	swait.ge [sflag:s18], $0x8000  }
0x33: {  	[sflag:s18] =	ssyncset.done $0x0  }
.Ltmp0:
0x34: {  	s24 =	sadd.s32 $0xFFFFFE00, s23;
	[sflag:s18] =	ssyncadd.s32 $0xFFFF8000;
	(pc) =	sbr.rel @p0 .LBB2_2-.Ltmp0, $4  }
0x35: {  	[tilespmem:s12], [sflag:$0x1] =	stream.indirect.gather [hbm4b:s3+s9], $0x40, s24, s9, $0xb8;
	[tilespmem:$0x16400] =	vst v63  }
0x36: {  	_ =	swait.ge [sflag:s19], $0x8000  }
0x37: {  	[sflag:s19] =	ssyncset.done $0x0  }
0x38: {  	s23 =	sadd.s32 $0x400, s23;
	[sflag:s19] =	ssyncadd.s32 $0xFFFF8000  }
0x39: {  	[tilespmem:s13], [sflag:$0x2] =	stream.indirect.gather [hbm4b:s3+s9], $0x40, s21, s9, $0xb8;
	[tilespmem:$0x16400] =	vst v63  }
0x3a: {  	_ =	swait.ge [sflag:s14], $0x8000  }
0x3b: {  	[sflag:s14] =	ssyncset.done $0x0  }
0x3c: {  	[sflag:s14] =	ssyncadd.s32 $0xFFFF8000  }
0x3d: {  	[hbm4b:s5+s15] =	stream.strided.scatter [tilespmem:s12], [sflag:$0x3], $0x8000, s16, s15, $0x38;
	[tilespmem:$0x16400] =	vst v63  }
0x3e: {  	_ =	swait.ge [sflag:s17], $0x8000  }
0x3f: {  	[sflag:s17] =	ssyncset.done $0x0  }
0x40: {  	s20 =	sadd.s32 $0x1, s20;
	[sflag:s17] =	ssyncadd.s32 $0xFFFF8000  }
0x41: {  	[hbm4b:s6+s15] =	stream.strided.scatter [tilespmem:s13], [sflag:$0x4], $0x8000, s16, s15, $0x38;
	[tilespmem:$0x16400] =	vst v63  }
0x42: {  	p0 =	sne.s32 s20, s7;
	_ =	swait.ge [sflag:s18], $0x8000  }
.Ltmp1:
0x43: {  	[sflag:s18] =	ssyncset.done $0x0;
	(pc) =	sbr.rel @p0 .LBB2_1-.Ltmp1, $4  }
0x44: {  	[sflag:s18] =	ssyncadd.s32 $0xFFFF8000  }
0x45: {  	_ =	swait.ge [sflag:s19], $0x8000  }
0x46: {  	[sflag:s19] =	ssyncset.done $0x0  }
0x47: {  	[sflag:s19] =	ssyncadd.s32 $0xFFFF8000  }
0x48: {  	_ =	sfence.sel $0x180000  }
0x49: {  	[bflag:$0x0] =	sbarrier.arrive $0xFFFF  }
0x4a: {  	p0 =	sne.s32 s1, $0x0;
	_ =	strace $0x90000047  }
0x4b: {  	s0 =	sadd.s32 @!p0 $0x100000, s0;
	[bflag:$0x2] =	sbarrier.arrive $0xFFFF  }
0x4c: {  	[sflag:s0] =	ssyncadd.tile.s32 @!p0 $0x1;
	_ =	shalt  }
.Lfunc_end2:
_tile_overlayer_lowered:
.L_overlay_start_2:
0x4d: {  	(tag) =	ssettag $0x2  }
0x4e: {  	s0 =	rddreg [dreg:$0x0];
	s2 =	stileid.u32  }
0x4f: {  	s1 =	rddreg [dreg:$0x1];
	p0 =	sne.s32 s2, $0x0  }
0x50: {  	s3 =	rddreg [dreg:$0x2];
	[bflag:$0x3] =	sbarrier.arrive $0xFFFF;
	s2 =	simm.s32 @!p0 $0x1C05  }
0x51: {  	[timem:s3], [sflag:s2] =	dma.local @!p0 [hbm:s0], s1  }
0x52: {  	s0 =	simm.s32 @!p0 $0x5  }
0x53: {  	_ =	swait.ge @!p0 [sflag:s0], s1  }
0x54: {  	s1 =	ssub.s32 @!p0 $0x0, s1;
	[sflag:s0] =	ssyncset.done @!p0 $0x0  }
0x55: {  	[sflag:s0] =	ssyncadd.s32 @!p0 s1  }
0x56: {  	[bflag:$0x3] =	sbarrier.arrive $0xFFFF  }
0x57: {  	_ =	shalt  }

</sc_bundles>
